<compile_context>
chip_gen: v7x
topology: tpu7x:2x2x1
jax: 0.10.2.dev20260603
libtpu: 0.0.44.dev20260713+nightly
codegen_flags: <defaults>
</compile_context>

<pallas_src>
import jax
import jax.numpy as jnp
import numpy as np
from jax import lax
from jax.experimental import pallas as pl
from jax.experimental.pallas import tpu as pltpu
from jax.experimental.pallas import tpu_sc as plsc

N = 10000
E = 160000
D = 128
NFB = 32

_NCORES = 2
_NSUB = 16
_NTILES = _NCORES * _NSUB
_CH = 128
_CPT = 40
_EP = _NTILES * _CPT * _CH
_NP = 10240
_RPS = _NP // _NSUB

_BE1 = 4096
_BE2 = 2048
_BN = 2048

_f32 = jnp.float32

_SC_LINEAR = pltpu.CompilerParams(use_tc_tiling_on_sc=False)


def _silu(v):
    return v * jax.nn.sigmoid(v)


def _mesh():
    return plsc.VectorSubcoreMesh(core_axis_name="c", subcore_axis_name="s")


_NB = 4
_SPLIT = 2
_CPT_H = _CPT // _SPLIT
_EH = _EP // _SPLIT


def _sc_gather_x(xp, row2d_h, col2d_h):
    cpt = _CPT_H
    nu = 2 * cpt
    cpt_pad = -(-cpt // 8) * 8
    rps = _NP // _NSUB

    def body(xp_h, row_h, col_h, os_h, ot_h,
             ridx, cidx, b0, b1, sh_tab, g0, g1, s0, s1):
        bufs = (b0, b1)
        gsems = (g0, g1)
        ssems = (s0, s1)
        c = lax.axis_index("c")
        s = lax.axis_index("s")
        wid = s * _NCORES + c
        base0 = wid * cpt
        pltpu.sync_copy(row_h.at[pl.ds(wid * cpt_pad, cpt_pad)], ridx)
        pltpu.sync_copy(col_h.at[pl.ds(wid * cpt_pad, cpt_pad)], cidx)
        pltpu.sync_copy(xp_h.at[pl.ds(s * rps, rps)],
                        sh_tab.at[pl.ds(s * rps, rps)])
        plsc.subcore_barrier()

        def issue_g(j, kind, b):
            idx = ridx if kind == 0 else cidx
            pltpu.async_copy(sh_tab.at[idx.at[j]], bufs[b], gsems[b])

        def wait_g(b):
            pltpu.make_async_copy(xp_h.at[pl.ds(0, _CH)], bufs[b],
                                  gsems[b]).wait()

        def issue_s(j, kind, b):
            out = os_h if kind == 0 else ot_h
            pltpu.async_copy(bufs[b], out.at[pl.ds((base0 + j) * _CH, _CH)],
                             ssems[b])

        def wait_s(b):
            pltpu.make_async_copy(bufs[b], os_h.at[pl.ds(0, _CH)],
                                  ssems[b]).wait()

        issue_g(0, 0, 0)

        def outer(g, carry):
            for ul in range(2):
                b = ul
                u = g * 2 + ul
                j = g
                wait_g(b)
                issue_s(j, ul, b)

                @pl.when(u >= 1)
                def _():
                    wait_s((b + 1) % 2)

                @pl.when(u + 1 < nu)
                def _():
                    kind1 = (ul + 1) % 2
                    j1 = g if ul == 0 else g + 1
                    issue_g(j1, kind1, (b + 1) % 2)
            return carry

        lax.fori_loop(0, cpt, outer, 0)
        wait_s((nu - 1) % 2)

    f = pl.kernel(
        body,
        out_type=[
            jax.ShapeDtypeStruct((_EH, D), _f32),
            jax.ShapeDtypeStruct((_EH, D), _f32),
        ],
        mesh=_mesh(),
        scratch_types=(
            [pltpu.VMEM((cpt_pad, _CH), jnp.int32)] * 2
            + [pltpu.VMEM((_CH, D), _f32)] * 2
            + [pltpu.VMEM_SHARED((_NP, D), _f32)]
            + [pltpu.SemaphoreType.DMA] * 4
        ),
    )
    return f(xp, row2d_h, col2d_h)


def _sc_gather_cd(coordp, row2d_h, col2d_h):
    cpt = _CPT_H
    cpt_pad = -(-cpt // 8) * 8

    rps = _NP // _NSUB

    def body(tab_h, row_h, col_h, cd_h,
             ridx, cidx, r0, r1, r2, r3, c0, c1, c2, c3, sh_tab,
             g0, g1, g2, g3, s0, s1, s2, s3):
        rbufs = (r0, r1, r2, r3)
        cbufs = (c0, c1, c2, c3)
        gsems = (g0, g1, g2, g3)
        ssems = (s0, s1, s2, s3)
        c = lax.axis_index("c")
        s = lax.axis_index("s")
        wid = s * _NCORES + c
        base0 = wid * cpt
        pltpu.sync_copy(row_h.at[pl.ds(wid * cpt_pad, cpt_pad)], ridx)
        pltpu.sync_copy(col_h.at[pl.ds(wid * cpt_pad, cpt_pad)], cidx)
        pltpu.sync_copy(tab_h.at[pl.ds(s * rps, rps)],
                        sh_tab.at[pl.ds(s * rps, rps)])
        plsc.subcore_barrier()

        def issue_g(j, b):
            pltpu.async_copy(sh_tab.at[ridx.at[j]], rbufs[b], gsems[b])
            pltpu.async_copy(sh_tab.at[cidx.at[j]], cbufs[b], gsems[b])

        def wait_g(b):
            pltpu.make_async_copy(tab_h.at[pl.ds(0, _CH)], rbufs[b],
                                  gsems[b]).wait()
            pltpu.make_async_copy(tab_h.at[pl.ds(0, _CH)], cbufs[b],
                                  gsems[b]).wait()

        def issue_s(j, b):
            pltpu.async_copy(rbufs[b], cd_h.at[pl.ds((base0 + j) * _CH, _CH)],
                             ssems[b])

        def wait_s(b):
            pltpu.make_async_copy(rbufs[b], cd_h.at[pl.ds(0, _CH)],
                                  ssems[b]).wait()

        issue_g(0, 0)
        issue_g(1, 1)
        issue_g(2, 2)

        def outer(g, carry):
            for b in range(_NB):
                j = g * _NB + b
                wait_g(b)
                rb = rbufs[b]
                cb = cbufs[b]

                def sub(i, carry2):
                    rb[i, :] = rb[i, :] - cb[i, :]
                    return carry2
                lax.fori_loop(0, _CH, sub, 0)
                issue_s(j, b)

                @pl.when(j >= 1)
                def _():
                    wait_s((b + _NB - 1) % _NB)

                @pl.when(j + 3 < cpt)
                def _():
                    issue_g(j + 3, (b + 3) % _NB)
            return carry

        lax.fori_loop(0, cpt // _NB, outer, 0)
        wait_s((cpt - 1) % _NB)

    f = pl.kernel(
        body,
        out_type=[jax.ShapeDtypeStruct((_EH, 16), _f32)],
        mesh=_mesh(),
        scratch_types=(
            [pltpu.VMEM((cpt_pad, _CH), jnp.int32)] * 2
            + [pltpu.VMEM((_CH, 16), _f32)] * (2 * _NB)
            + [pltpu.VMEM_SHARED((_NP, 16), _f32)]
            + [pltpu.SemaphoreType.DMA] * (2 * _NB)
        ),
        compiler_params=_SC_LINEAR,
    )
    return f(coordp, row2d_h, col2d_h)[0]


def _scatter_kernel(width, linear, nb, cpt):
    cpt_pad = -(-cpt // 8) * 8
    """Pipelined segment scatter-add into a per-SC Spmem accumulator.

    Unit u = edge chunk u; ring slot u%nb with per-slot load/add
    semaphores (DMA completion is relaxed-order). Loads are prefetched
    nb-1 ahead; the scatter-add of chunk u-1 is drained before its slot's
    buffer is re-filled. Note per-subcore VMEM scratch is carved from the
    shared 8MB Spmem budget alongside the accumulator, which caps nb for
    the 128-wide scatter at 2.
    """
    def body(v_h, row_h, p0_h, p1_h, ridx, *rest):
        bufs = rest[:nb]
        sh = rest[nb]
        lsems = rest[nb + 1:2 * nb + 1]
        asems = rest[2 * nb + 1:]
        c = lax.axis_index("c")
        s = lax.axis_index("s")
        wid = s * _NCORES + c
        base0 = wid * cpt

        pltpu.sync_copy(row_h.at[pl.ds(wid * cpt_pad, cpt_pad)], ridx)

        zb = bufs[0]
        def zrow(i, carry):
            def zcol(k, carry2):
                zb[i, pl.ds(k * 16, 16)] = jnp.zeros((16,), _f32)
                return carry2
            return lax.fori_loop(0, width // 16, zcol, carry)
        lax.fori_loop(0, _CH, zrow, 0)

        rows0 = s * _RPS
        def zspm(r, carry):
            pltpu.sync_copy(zb, sh.at[pl.ds(rows0 + r * _CH, _CH)])
            return carry
        lax.fori_loop(0, _RPS // _CH, zspm, 0)
        plsc.subcore_barrier()

        def issue_l(j, b):
            pltpu.async_copy(v_h.at[pl.ds((base0 + j) * _CH, _CH)],
                             bufs[b], lsems[b])

        def wait_l(b):
            pltpu.make_async_copy(v_h.at[pl.ds(0, _CH)], bufs[b],
                                  lsems[b]).wait()

        def issue_a(j, b):
            pltpu.async_copy(bufs[b], sh.at[ridx.at[j]], asems[b], add=True)

        def wait_a(b):
            pltpu.make_async_copy(bufs[b], sh.at[pl.ds(0, _CH)],
                                  asems[b]).wait()

        for p in range(nb - 1):
            issue_l(p, p)

        def outer(g, carry):
            for b in range(nb):
                j = g * nb + b
                wait_l(b)
                issue_a(j, b)

                @pl.when(j >= 1)
                def _():
                    wait_a((b + nb - 1) % nb)

                @pl.when(j + nb - 1 < cpt)
                def _():
                    issue_l(j + nb - 1, (b + nb - 1) % nb)
            return carry

        lax.fori_loop(0, cpt // nb, outer, 0)
        wait_a((cpt - 1) % nb)
        plsc.subcore_barrier()

        @pl.when(c == 0)
        def _():
            pltpu.sync_copy(sh.at[pl.ds(rows0, _RPS)],
                            p0_h.at[pl.ds(rows0, _RPS)])

        @pl.when(c == 1)
        def _():
            pltpu.sync_copy(sh.at[pl.ds(rows0, _RPS)],
                            p1_h.at[pl.ds(rows0, _RPS)])

    scratch = (
        [pltpu.VMEM((cpt_pad, _CH), jnp.int32)]
        + [pltpu.VMEM((_CH, width), _f32)] * nb
        + [pltpu.VMEM_SHARED((_NP, width), _f32)]
        + [pltpu.SemaphoreType.DMA] * (2 * nb)
    )
    kw = {}
    if linear:
        kw["compiler_params"] = _SC_LINEAR

    def run(vals, row2d):
        f = pl.kernel(
            body,
            out_type=[
                jax.ShapeDtypeStruct((_NP, width), _f32),
                jax.ShapeDtypeStruct((_NP, width), _f32),
            ],
            mesh=_mesh(),
            scratch_types=scratch,
            **kw,
        )
        return f(vals, row2d)

    return run


def _sc_scatter_m(m, row2d_h):
    return _scatter_kernel(D, False, 2, _CPT_H)(m, row2d_h)


def _sc_scatter_t(t16, row2d_h):
    return _scatter_kernel(16, True, 4, _CPT_H)(t16, row2d_h)


def _radial(cd, u, v):
    return (jnp.dot(cd, u[0], preferred_element_type=_f32)
            * jnp.dot(cd, v[0], preferred_element_type=_f32)
            + jnp.dot(cd, u[1], preferred_element_type=_f32)
            * jnp.dot(cd, v[1], preferred_element_type=_f32)
            + jnp.dot(cd, u[2], preferred_element_type=_f32)
            * jnp.dot(cd, v[2], preferred_element_type=_f32))


def _tc1(cd_arr, usel, vsel):
    erows = cd_arr.shape[0]
    grid = erows // _BE1

    def body(cd_ref, u_ref, v_ref, ss_ref):
        r = _radial(cd_ref[...], u_ref[...], v_ref[...])
        part = jnp.sum(r * r, axis=0, keepdims=True)

        @pl.when(pl.program_id(0) == 0)
        def _():
            ss_ref[...] = jnp.zeros_like(ss_ref)

        ss_ref[...] += jnp.broadcast_to(part, ss_ref.shape)

    return pl.pallas_call(
        body,
        grid=(grid,),
        in_specs=[
            pl.BlockSpec((_BE1, 16), lambda i: (i, 0)),
            pl.BlockSpec((3, 16, 16), lambda i: (0, 0, 0)),
            pl.BlockSpec((3, 16, 16), lambda i: (0, 0, 0)),
        ],
        out_specs=[
            pl.BlockSpec((8, 16), lambda i: (0, 0)),
        ],
        out_shape=[
            jax.ShapeDtypeStruct((8, 16), _f32),
        ],
        compiler_params=pltpu.CompilerParams(
            dimension_semantics=("arbitrary",)),
    )(cd_arr, usel, vsel)[0]


def _tc2(cd_arr, xs, xt, ea, ssa, ssb, usel, vsel, weights):
    erows = cd_arr.shape[0]
    grid = erows // _BE2

    def body(cd_ref, xs_ref, xt_ref, ea_ref, ss_ref, ssb_ref, u_ref, v_ref,
             pe_w1t_r, pe_b1_r, pe_w2t_r, pe_b2_r, sel_r,
             pw1_r, pb1_r, pw2_r, pb2_r,
             niA_r, niB_r, nib_r,
             mmWni_r, mmWpos_r, mmWea_r, mmb1_r, mmw2t_r, mmb2_r,
             cmw1t_r, cmb1_r, cmw2t_r, expand_r,
             m_ref, t_ref):
        ss = ss_ref[0:1, :] + ssb_ref[0:1, :]
        rinv = 1.0 / jnp.maximum(jnp.sqrt(ss), 1e-12)
        rad = _radial(cd_ref[...], u_ref[...], v_ref[...])
        rflat = rad * rinv
        h1 = _silu(jnp.dot(rflat, pe_w1t_r[...], preferred_element_type=_f32)
                   + pe_b1_r[...])
        cdiff = jnp.dot(h1, pe_w2t_r[...], preferred_element_type=_f32) + pe_b2_r[...]
        dist = jnp.sqrt(jnp.sum(cdiff * cdiff, axis=1, keepdims=True))
        dirv = cdiff / (dist + 1e-8)
        scaled = jnp.dot(cdiff, sel_r[...], preferred_element_type=_f32)
        dd = jnp.concatenate(
            [dist, dirv, jnp.zeros_like(dirv[:, :7])], axis=1)
        enc = jnp.concatenate([jnp.sin(scaled), jnp.cos(scaled), dd], axis=1)
        pos = (jnp.dot(_silu(jnp.dot(enc, pw1_r[...], preferred_element_type=_f32)
                             + pb1_r[...]),
                       pw2_r[...], preferred_element_type=_f32) + pb2_r[...])
        bf = jnp.bfloat16
        ni = _silu(jnp.dot(xs_ref[...].astype(bf), niA_r[...],
                           preferred_element_type=_f32)
                   + jnp.dot(xt_ref[...].astype(bf), niB_r[...],
                             preferred_element_type=_f32)
                   + nib_r[...])
        m1 = _silu(jnp.dot(ni.astype(bf), mmWni_r[...],
                           preferred_element_type=_f32)
                   + jnp.dot(pos.astype(bf), mmWpos_r[...],
                             preferred_element_type=_f32)
                   + jnp.dot(ea_ref[...].astype(bf), mmWea_r[...],
                             preferred_element_type=_f32)
                   + mmb1_r[...])
        m = _silu(jnp.dot(m1.astype(bf), mmw2t_r[...],
                          preferred_element_type=_f32)
                  + mmb2_r[...])
        m_ref[...] = m
        sc = jnp.dot(_silu(jnp.dot(m.astype(bf), cmw1t_r[...],
                                   preferred_element_type=_f32)
                           + cmb1_r[...]).astype(bf),
                     cmw2t_r[...], preferred_element_type=_f32)
        sexp = jnp.dot(sc, expand_r[...], preferred_element_type=_f32)
        cnt_lane = (lax.broadcasted_iota(jnp.int32, (1, 16), 1) == 12
                    ).astype(_f32)
        t_ref[...] = cd_ref[...] * sexp + cnt_lane

    full = lambda shp: pl.BlockSpec(shp, lambda i: tuple(0 for _ in shp))
    w_specs = [full(w.shape) for w in weights]
    return pl.pallas_call(
        body,
        grid=(grid,),
        in_specs=[
            pl.BlockSpec((_BE2, 16), lambda i: (i, 0)),
            pl.BlockSpec((_BE2, D), lambda i: (i, 0)),
            pl.BlockSpec((_BE2, D), lambda i: (i, 0)),
            pl.BlockSpec((_BE2, 16), lambda i: (i, 0)),
            pl.BlockSpec((8, 16), lambda i: (0, 0)),
            pl.BlockSpec((8, 16), lambda i: (0, 0)),
            pl.BlockSpec((3, 16, 16), lambda i: (0, 0, 0)),
            pl.BlockSpec((3, 16, 16), lambda i: (0, 0, 0)),
        ] + w_specs,
        out_specs=[
            pl.BlockSpec((_BE2, D), lambda i: (i, 0)),
            pl.BlockSpec((_BE2, 16), lambda i: (i, 0)),
        ],
        out_shape=[
            jax.ShapeDtypeStruct((erows, D), _f32),
            jax.ShapeDtypeStruct((erows, 16), _f32),
        ],
        compiler_params=pltpu.CompilerParams(
            dimension_semantics=("arbitrary",)),
    )(cd_arr, xs, xt, ea, ssa, ssb, usel, vsel, *weights)


def _tc3(pms, pts, xp, coordp, geo_wt, nmA, nmB, nmb1, nmw2t, nmb2):
    grid = _NP // _BN

    def body(pm0_r, pm1_r, pm2_r, pm3_r, pt0_r, pt1_r, pt2_r, pt3_r,
             x_r, cp_r,
             geo_r, nmA_r, nmB_r, nmb1_r, nmw2t_r, nmb2_r,
             h_ref, co_ref):
        aggm = (pm0_r[...] + pm1_r[...]) + (pm2_r[...] + pm3_r[...])
        aggt = (pt0_r[...] + pt1_r[...]) + (pt2_r[...] + pt3_r[...])
        agg = jnp.dot(aggm, geo_r[...], preferred_element_type=_f32)
        xv = x_r[...]
        h = (jnp.dot(_silu(jnp.dot(xv, nmA_r[...], preferred_element_type=_f32)
                           + jnp.dot(agg, nmB_r[...], preferred_element_type=_f32)
                           + nmb1_r[...]),
                     nmw2t_r[...], preferred_element_type=_f32)
             + nmb2_r[...] + xv)
        h_ref[...] = h
        cnt = jnp.maximum(aggt[:, 12:13], 1.0)
        co_ref[...] = cp_r[...] + aggt / cnt

    full = lambda shp: pl.BlockSpec(shp, lambda i: tuple(0 for _ in shp))
    return pl.pallas_call(
        body,
        grid=(grid,),
        in_specs=[
            pl.BlockSpec((_BN, D), lambda i: (i, 0)),
            pl.BlockSpec((_BN, D), lambda i: (i, 0)),
            pl.BlockSpec((_BN, D), lambda i: (i, 0)),
            pl.BlockSpec((_BN, D), lambda i: (i, 0)),
            pl.BlockSpec((_BN, 16), lambda i: (i, 0)),
            pl.BlockSpec((_BN, 16), lambda i: (i, 0)),
            pl.BlockSpec((_BN, 16), lambda i: (i, 0)),
            pl.BlockSpec((_BN, 16), lambda i: (i, 0)),
            pl.BlockSpec((_BN, D), lambda i: (i, 0)),
            pl.BlockSpec((_BN, 16), lambda i: (i, 0)),
            full((D, D)), full((D, D)), full((D, D)),
            full((1, D)), full((D, D)), full((1, D)),
        ],
        out_specs=[
            pl.BlockSpec((_BN, D), lambda i: (i, 0)),
            pl.BlockSpec((_BN, 16), lambda i: (i, 0)),
        ],
        out_shape=[
            jax.ShapeDtypeStruct((_NP, D), _f32),
            jax.ShapeDtypeStruct((_NP, 16), _f32),
        ],
        compiler_params=pltpu.CompilerParams(
            dimension_semantics=("arbitrary",)),
    )(*pms, *pts, xp, coordp, geo_wt, nmA, nmB, nmb1, nmw2t, nmb2)


def _radial_selectors():
    u = np.zeros((3, 16, 16), np.float32)
    v = np.zeros((3, 16, 16), np.float32)
    for j in range(3):
        for i in range(4):
            for k in range(4):
                u[j, 3 * i + j, 4 * i + k] = 1.0
                v[j, 3 * k + j, 4 * i + k] = 1.0
    return jnp.asarray(u), jnp.asarray(v)


def _expand_mat():
    ex = np.zeros((16, 16), np.float32)
    for i in range(4):
        for j in range(3):
            ex[i, 3 * i + j] = 1.0
    return jnp.asarray(ex)


def kernel(x, coord, edge_attr, edge_index, pe_w1, pe_b1, pe_w2, pe_b2,
           pe_p_w1, pe_p_b1, pe_p_w2, pe_p_b2, ni_w, ni_b, mm_w1, mm_b1,
           mm_w2, mm_b2, geo_w, nm_w1, nm_b1, nm_w2, nm_b2, cm_w1, cm_b1,
           cm_w2, frequencies):
    n = x.shape[0]
    e = edge_index.shape[1]

    xp = jnp.zeros((_NP, D), _f32).at[:n].set(x)
    coordp = jnp.zeros((_NP, 16), _f32).at[:n, :12].set(coord.reshape(n, 12))
    row = jnp.full((_EP,), n, jnp.int32).at[:e].set(edge_index[0])
    col = jnp.full((_EP,), n, jnp.int32).at[:e].set(edge_index[1])
    row2d = row.reshape(_EP // _CH, _CH)
    col2d = col.reshape(_EP // _CH, _CH)
    eap = jnp.zeros((_EP, 16), _f32).at[:e].set(edge_attr)

    usel, vsel = _radial_selectors()

    pe_w1t = pe_w1.T
    pe_b1r = pe_b1.reshape(1, D)
    pe_w2t = jnp.zeros((D, 8), _f32).at[:, :3].set(pe_w2.T)
    pe_b2r = jnp.zeros((1, 8), _f32).at[0, :3].set(pe_b2)
    sel = jnp.zeros((8, 128), _f32)
    for i in range(3):
        sel = sel.at[i, i * NFB:(i + 1) * NFB].set(frequencies)
    pw1 = jnp.zeros((272, 32), _f32)
    pw1 = pw1.at[0:96].set(pe_p_w1[:, 0:96].T)
    pw1 = pw1.at[128:224].set(pe_p_w1[:, 96:192].T)
    pw1 = pw1.at[256].set(pe_p_w1[:, 192])
    pw1 = pw1.at[257:260].set(pe_p_w1[:, 193:196].T)
    pb1 = pe_p_b1.reshape(1, 32)
    pw2 = pe_p_w2.T
    pb2 = pe_p_b2.reshape(1, 32)
    bf = jnp.bfloat16
    niA = ni_w[:, :D].T.astype(bf)
    niB = ni_w[:, D:].T.astype(bf)
    nib = ni_b.reshape(1, D)
    mmWni = mm_w1[:, :D].T.astype(bf)
    mmWpos = mm_w1[:, D:D + 32].T.astype(bf)
    mmWea = mm_w1[:, D + 32:].T.astype(bf)
    mmb1 = mm_b1.reshape(1, D)
    mmw2t = mm_w2.T.astype(bf)
    mmb2 = mm_b2.reshape(1, D)
    cmw1t = cm_w1.T.astype(bf)
    cmb1 = cm_b1.reshape(1, D)
    cmw2t = jnp.zeros((D, 16), _f32).at[:, :4].set(cm_w2.T).astype(bf)
    expand = _expand_mat()
    geo_wt = geo_w.T
    nmA = nm_w1[:, :D].T
    nmB = nm_w1[:, D:].T
    nmb1 = nm_b1.reshape(1, D)
    nmw2t = nm_w2.T
    nmb2 = nm_b2.reshape(1, D)

    weights = [pe_w1t, pe_b1r, pe_w2t, pe_b2r, sel,
               pw1, pb1, pw2, pb2,
               niA, niB, nib,
               mmWni, mmWpos, mmWea, mmb1, mmw2t, mmb2,
               cmw1t, cmb1, cmw2t, expand]

    cpt_pad = -(-_CPT_H // 8) * 8

    def _idx2d(v, h):
        vh = v[h * _EH:(h + 1) * _EH].reshape(_NTILES, _CPT_H, _CH)
        vh = jnp.pad(vh, ((0, 0), (0, cpt_pad - _CPT_H), (0, 0)),
                     constant_values=n)
        return vh.reshape(_NTILES * cpt_pad, _CH)

    halves = []
    for h in range(_SPLIT):
        r2 = _idx2d(row, h)
        c2 = _idx2d(col, h)
        ea_h = eap[h * _EH:(h + 1) * _EH]
        xs, xt = _sc_gather_x(xp, r2, c2)
        cd = _sc_gather_cd(coordp, r2, c2)
        ss = _tc1(cd, usel, vsel)
        halves.append(dict(r2=r2, ea=ea_h, xs=xs, xt=xt, cd=cd, ss=ss))

    pms, pts = [], []
    for h in range(_SPLIT):
        hh = halves[h]
        m, t16 = _tc2(hh["cd"], hh["xs"], hh["xt"], hh["ea"],
                      halves[0]["ss"], halves[1]["ss"], usel, vsel, weights)
        pm0, pm1 = _sc_scatter_m(m, hh["r2"])
        pt0, pt1 = _sc_scatter_t(t16, hh["r2"])
        pms += [pm0, pm1]
        pts += [pt0, pt1]

    h_out, co = _tc3(pms, pts, xp, coordp,
                     geo_wt, nmA, nmB, nmb1, nmw2t, nmb2)

    return h_out[:n], co[:n, :12].reshape(n, 4, 3)

# --- scband reference (transcript-rebuilt; emitter-appended) ---
"""Pipeline reference for scband-gampnn-17763984736415 (READ-ONLY COPY).

The authoritative reference and input builder live on the scoring server;
editing this copy changes nothing except your own understanding.
"""

import jax, jax.numpy as jnp
import numpy as np

N = 10000
E = 160000
D = 128
H = 128
NC = 4
ED = 16
NFB = 32

def _silu(x):
    return x * jax.nn.sigmoid(x)

def setup_inputs(seed: int = 0):
    key = jax.random.key(seed)
    ks = jax.random.split(key, 20)
    def w(i, shape, s=0.05):
        return jax.random.normal(ks[i], shape, dtype=jnp.float32) * s
    inp = {}
    inp['x'] = jax.random.normal(ks[0], (N, D), dtype=jnp.float32)
    inp['coord'] = jax.random.normal(ks[1], (N, NC, 3), dtype=jnp.float32)
    inp['edge_attr'] = jax.random.normal(ks[2], (E, ED), dtype=jnp.float32)
    inp['edge_index'] = jax.random.randint(ks[3], (2, E), 0, N, dtype=jnp.int32)
    inp['pe_w1'] = w(4, (128, 16)); inp['pe_b1'] = jnp.zeros((128,), jnp.float32)
    inp['pe_w2'] = w(5, (3, 128)); inp['pe_b2'] = jnp.zeros((3,), jnp.float32)
    inp['pe_p_w1'] = w(6, (32, 3 * NFB * 2 + 4)); inp['pe_p_b1'] = jnp.zeros((32,), jnp.float32)
    inp['pe_p_w2'] = w(7, (32, 32)); inp['pe_p_b2'] = jnp.zeros((32,), jnp.float32)
    inp['ni_w'] = w(8, (H, 2 * D)); inp['ni_b'] = jnp.zeros((H,), jnp.float32)
    inp['mm_w1'] = w(9, (H, H + 32 + ED)); inp['mm_b1'] = jnp.zeros((H,), jnp.float32)
    inp['mm_w2'] = w(10, (H, H)); inp['mm_b2'] = jnp.zeros((H,), jnp.float32)
    inp['geo_w'] = w(11, (D, D))
    inp['nm_w1'] = w(12, (H, H + D)); inp['nm_b1'] = jnp.zeros((H,), jnp.float32)
    inp['nm_w2'] = w(13, (D, H)); inp['nm_b2'] = jnp.zeros((D,), jnp.float32)
    inp['cm_w1'] = w(14, (H, H)); inp['cm_b1'] = jnp.zeros((H,), jnp.float32)
    inp['cm_w2'] = w(15, (NC, H), 0.001)
    inp['frequencies'] = jnp.logspace(-1.0, 2.0, NFB, dtype=jnp.float32)
    return inp

def reference(x, coord, edge_attr, edge_index, pe_w1, pe_b1, pe_w2, pe_b2, pe_p_w1, pe_p_b1, pe_p_w2, pe_p_b2, ni_w, ni_b, mm_w1, mm_b1, mm_w2, mm_b2, geo_w, nm_w1, nm_b1, nm_w2, nm_b2, cm_w1, cm_b1, cm_w2, frequencies):
    n = x.shape[0]
    row, col = edge_index[0], edge_index[1]
    # coord2radial
    coord_diff = coord[row] - coord[col]                      # [E, NC, 3]
    radial = jnp.einsum('eij,ekj->eik', coord_diff, coord_diff)  # bmm(cd, cd^T) [E, NC, NC]
    nrm = jnp.sqrt(jnp.sum(radial * radial, axis=0, keepdims=True))
    radial = radial / jnp.maximum(nrm, 1e-12)                 # F.normalize(dim=0)
    e = radial.shape[0]
    # PositionEncoder (autocast ignored: fp32 math)
    rflat = radial.reshape(e, -1)
    h1 = _silu(rflat @ pe_w1.T + pe_b1)
    cdiff = h1 @ pe_w2.T + pe_b2                              # [E, 3]
    dist = jnp.linalg.norm(cdiff, axis=1, keepdims=True)
    direction = cdiff / (dist + 1e-8)
    scaled = cdiff[:, :, None] * frequencies                  # [E, 3, NFB]
    enc = jnp.concatenate([jnp.sin(scaled).reshape(e, -1), jnp.cos(scaled).reshape(e, -1), dist, direction], axis=1)
    pos = _silu(enc @ pe_p_w1.T + pe_p_b1) @ pe_p_w2.T + pe_p_b2  # [E, 32]
    # message_model (dropout = identity in eval)
    source = x[row]
    target = x[col]
    ni = _silu(jnp.concatenate([source, target], axis=1) @ ni_w.T + ni_b)
    m = jnp.concatenate([ni, pos, edge_attr], axis=1)
    m = _silu(m @ mm_w1.T + mm_b1)
    m = _silu(m @ mm_w2.T + mm_b2)                            # edge features [E, H]
    # coord_model (single edge type -> coord_mlp[0])
    scale = _silu(m @ cm_w1.T + cm_b1) @ cm_w2.T              # [E, NC]
    trans = coord_diff * scale[:, :, None]                    # [E, NC, 3]
    agg_sum = jax.ops.segment_sum(trans, row, num_segments=n)
    cnt = jax.ops.segment_sum(jnp.ones_like(trans), row, num_segments=n)
    coord_out = coord + agg_sum / jnp.maximum(cnt, 1.0)       # unsorted_segment_mean
    # node_model (single edge type -> Geo_mlp[0], attention terms unused for i=0)
    agg = jax.ops.segment_sum(m, row, num_segments=n) @ geo_w.T
    h_out = _silu(jnp.concatenate([x, agg], axis=1) @ nm_w1.T + nm_b1) @ nm_w2.T + nm_b2
    h_out = x + h_out
    return (h_out, coord_out)

if __name__ == "__main__":
    import jax
    _d = setup_inputs()
    print(jax.jit(kernel)(*tuple(_d.values())))

</pallas_src>

<mosaic_0001>
#map = affine_map<(d0, d1) -> (0, 0)>
module attributes {stable_mosaic.version = 14 : i64} {
  func.func @body(%arg0: i32, %arg1: i32, %arg2: memref<10240x16xf32, #tpu.memory_space<hbm>>, %arg3: memref<768x128xi32, #tpu.memory_space<hbm>>, %arg4: memref<768x128xi32, #tpu.memory_space<hbm>>, %arg5: memref<81920x16xf32, #tpu.memory_space<hbm>>, %arg6: memref<24x128xi32, #tpu.memory_space<vmem>>, %arg7: memref<24x128xi32, #tpu.memory_space<vmem>>, %arg8: memref<128x16xf32, #tpu.memory_space<vmem>>, %arg9: memref<128x16xf32, #tpu.memory_space<vmem>>, %arg10: memref<128x16xf32, #tpu.memory_space<vmem>>, %arg11: memref<128x16xf32, #tpu.memory_space<vmem>>, %arg12: memref<128x16xf32, #tpu.memory_space<vmem>>, %arg13: memref<128x16xf32, #tpu.memory_space<vmem>>, %arg14: memref<128x16xf32, #tpu.memory_space<vmem>>, %arg15: memref<128x16xf32, #tpu.memory_space<vmem>>, %arg16: memref<10240x16xf32, #tpu.memory_space<vmem_shared>>, %arg17: memref<!tpu.dma_semaphore, #tpu.memory_space<semaphore_mem>>, %arg18: memref<!tpu.dma_semaphore, #tpu.memory_space<semaphore_mem>>, %arg19: memref<!tpu.dma_semaphore, #tpu.memory_space<semaphore_mem>>, %arg20: memref<!tpu.dma_semaphore, #tpu.memory_space<semaphore_mem>>, %arg21: memref<!tpu.dma_semaphore, #tpu.memory_space<semaphore_mem>>, %arg22: memref<!tpu.dma_semaphore, #tpu.memory_space<semaphore_mem>>, %arg23: memref<!tpu.dma_semaphore, #tpu.memory_space<semaphore_mem>>, %arg24: memref<!tpu.dma_semaphore, #tpu.memory_space<semaphore_mem>>) attributes {dimension_semantics = [#tpu.dimension_semantics<core_parallel>, #tpu.dimension_semantics<subcore_parallel>], iteration_bounds = array<i64: 2, 16>, scalar_prefetch = 0 : i64, scratch_operands = 19 : i64, tpu.core_type = #tpu.core_type<sc_vector_subcore>, window_params = [{transform_indices = #map}, {transform_indices = #map}, {transform_indices = #map}, {transform_indices = #map}]} {
    %mul3A = arith.constant 2 : i32
    %mul3A_0 = arith.muli %arg1, %mul3A : i32
    %add3A = arith.addi %mul3A_0, %arg0 : i32
    %mul3A_1 = arith.constant 20 : i32
    %mul3A_2 = arith.muli %add3A, %mul3A_1 : i32
    %mul3A_3 = arith.constant 24 : i32
    %mul3A_4 = arith.muli %add3A, %mul3A_3 : i32
    "tpu.region"() ({
      %run_scoped3A = tpu.sem_alloc : memref<!tpu.dma_semaphore, #tpu.memory_space<semaphore_mem>>
      %dma_start3A_62 = arith.constant 0 : i32
      %dma_start3A_63 = tpu.memref_slice %arg3[%mul3A_4, %dma_start3A_62] : memref<768x128xi32, #tpu.memory_space<hbm>> -> memref<24x128xi32, #tpu.memory_space<hbm>>
      %dma_start3A_64 = arith.constant 0 : i32
      %dma_start3A_65 = tpu.memref_slice %arg3[%mul3A_4, %dma_start3A_64] : memref<768x128xi32, #tpu.memory_space<hbm>> -> memref<24x128xi32, #tpu.memory_space<hbm>>
      tpu.enqueue_dma source(%dma_start3A_65 : memref<24x128xi32, #tpu.memory_space<hbm>>) target(%arg6 : memref<24x128xi32, #tpu.memory_space<vmem>>) target_semaphore(%run_scoped3A : memref<!tpu.dma_semaphore, #tpu.memory_space<semaphore_mem>>)
      %dma_wait3A_66 = arith.constant 0 : i32
      %dma_wait3A_67 = tpu.memref_slice %arg3[%mul3A_4, %dma_wait3A_66] : memref<768x128xi32, #tpu.memory_space<hbm>> -> memref<24x128xi32, #tpu.memory_space<hbm>>
      %dma_wait3A_68 = arith.constant 0 : i32
      %dma_wait3A_69 = tpu.memref_slice %arg3[%mul3A_4, %dma_wait3A_68] : memref<768x128xi32, #tpu.memory_space<hbm>> -> memref<24x128xi32, #tpu.memory_space<hbm>>
      tpu.wait_dma2 semaphore(%run_scoped3A : memref<!tpu.dma_semaphore, #tpu.memory_space<semaphore_mem>>) src(%dma_wait3A_69 : memref<24x128xi32, #tpu.memory_space<hbm>>) dst(%arg6 : memref<24x128xi32, #tpu.memory_space<vmem>>)
      tpu.yield
    }) : () -> ()
    %mul3A_5 = arith.constant 24 : i32
    %mul3A_6 = arith.muli %add3A, %mul3A_5 : i32
    "tpu.region"() ({
      %run_scoped3A = tpu.sem_alloc : memref<!tpu.dma_semaphore, #tpu.memory_space<semaphore_mem>>
      %dma_start3A_62 = arith.constant 0 : i32
      %dma_start3A_63 = tpu.memref_slice %arg4[%mul3A_6, %dma_start3A_62] : memref<768x128xi32, #tpu.memory_space<hbm>> -> memref<24x128xi32, #tpu.memory_space<hbm>>
      %dma_start3A_64 = arith.constant 0 : i32
      %dma_start3A_65 = tpu.memref_slice %arg4[%mul3A_6, %dma_start3A_64] : memref<768x128xi32, #tpu.memory_space<hbm>> -> memref<24x128xi32, #tpu.memory_space<hbm>>
      tpu.enqueue_dma source(%dma_start3A_65 : memref<24x128xi32, #tpu.memory_space<hbm>>) target(%arg7 : memref<24x128xi32, #tpu.memory_space<vmem>>) target_semaphore(%run_scoped3A : memref<!tpu.dma_semaphore, #tpu.memory_space<semaphore_mem>>)
      %dma_wait3A_66 = arith.constant 0 : i32
      %dma_wait3A_67 = tpu.memref_slice %arg4[%mul3A_6, %dma_wait3A_66] : memref<768x128xi32, #tpu.memory_space<hbm>> -> memref<24x128xi32, #tpu.memory_space<hbm>>
      %dma_wait3A_68 = arith.constant 0 : i32
      %dma_wait3A_69 = tpu.memref_slice %arg4[%mul3A_6, %dma_wait3A_68] : memref<768x128xi32, #tpu.memory_space<hbm>> -> memref<24x128xi32, #tpu.memory_space<hbm>>
      tpu.wait_dma2 semaphore(%run_scoped3A : memref<!tpu.dma_semaphore, #tpu.memory_space<semaphore_mem>>) src(%dma_wait3A_69 : memref<24x128xi32, #tpu.memory_space<hbm>>) dst(%arg7 : memref<24x128xi32, #tpu.memory_space<vmem>>)
      tpu.yield
    }) : () -> ()
    %mul3A_7 = arith.constant 640 : i32
    %mul3A_8 = arith.muli %arg1, %mul3A_7 : i32
    %mul3A_9 = arith.constant 640 : i32
    %mul3A_10 = arith.muli %arg1, %mul3A_9 : i32
    "tpu.region"() ({
      %run_scoped3A = tpu.sem_alloc : memref<!tpu.dma_semaphore, #tpu.memory_space<semaphore_mem>>
      %dma_start3A_62 = arith.constant 0 : i32
      %dma_start3A_63 = tpu.memref_slice %arg16[%mul3A_10, %dma_start3A_62] : memref<10240x16xf32, #tpu.memory_space<vmem_shared>> -> memref<640x16xf32, #tpu.memory_space<vmem_shared>>
      %dma_start3A_64 = arith.constant 0 : i32
      %dma_start3A_65 = tpu.memref_slice %arg2[%mul3A_8, %dma_start3A_64] : memref<10240x16xf32, #tpu.memory_space<hbm>> -> memref<640x16xf32, #tpu.memory_space<hbm>>
      tpu.enqueue_dma source(%dma_start3A_65 : memref<640x16xf32, #tpu.memory_space<hbm>>) target(%dma_start3A_63 : memref<640x16xf32, #tpu.memory_space<vmem_shared>>) target_semaphore(%run_scoped3A : memref<!tpu.dma_semaphore, #tpu.memory_space<semaphore_mem>>)
      %dma_wait3A_66 = arith.constant 0 : i32
      %dma_wait3A_67 = tpu.memref_slice %arg16[%mul3A_10, %dma_wait3A_66] : memref<10240x16xf32, #tpu.memory_space<vmem_shared>> -> memref<640x16xf32, #tpu.memory_space<vmem_shared>>
      %dma_wait3A_68 = arith.constant 0 : i32
      %dma_wait3A_69 = tpu.memref_slice %arg2[%mul3A_8, %dma_wait3A_68] : memref<10240x16xf32, #tpu.memory_space<hbm>> -> memref<640x16xf32, #tpu.memory_space<hbm>>
      tpu.wait_dma2 semaphore(%run_scoped3A : memref<!tpu.dma_semaphore, #tpu.memory_space<semaphore_mem>>) src(%dma_wait3A_69 : memref<640x16xf32, #tpu.memory_space<hbm>>) dst(%dma_wait3A_67 : memref<640x16xf32, #tpu.memory_space<vmem_shared>>)
      tpu.yield
    }) : () -> ()
    %barrier3A = arith.constant 0 : index
    tpu.barrier barrier_id(%barrier3A)
    %dma_start3A = arith.constant 0 : i32
    %dma_start3A_11 = arith.constant 0 : i32
    %dma_start3A_12 = tpu.memref_slice %arg6[%dma_start3A, %dma_start3A_11] : memref<24x128xi32, #tpu.memory_space<vmem>> -> memref<1x128xi32, #tpu.memory_space<vmem>>
    %dma_start3A_13 = tpu.memref_squeeze %dma_start3A_12 : memref<1x128xi32, #tpu.memory_space<vmem>> -> memref<128xi32, #tpu.memory_space<vmem>>
    %dma_start3A_14 = arith.constant 0 : i32
    %dma_start3A_15 = arith.constant 0 : i32
    %dma_start3A_16 = tpu.memref_slice %arg16[%dma_start3A_14, %dma_start3A_15] : memref<10240x16xf32, #tpu.memory_space<vmem_shared>> -> memref<10240x16xf32, #tpu.memory_space<vmem_shared>>
    tpu.enqueue_indirect_dma source(%dma_start3A_16 : memref<10240x16xf32, #tpu.memory_space<vmem_shared>>) target(%arg8 : memref<128x16xf32, #tpu.memory_space<vmem>>) offsets(%dma_start3A_13 : memref<128xi32, #tpu.memory_space<vmem>>) semaphore(%arg17 : memref<!tpu.dma_semaphore, #tpu.memory_space<semaphore_mem>>)
    %dma_start3A_17 = arith.constant 0 : i32
    %dma_start3A_18 = arith.constant 0 : i32
    %dma_start3A_19 = tpu.memref_slice %arg7[%dma_start3A_17, %dma_start3A_18] : memref<24x128xi32, #tpu.memory_space<vmem>> -> memref<1x128xi32, #tpu.memory_space<vmem>>
    %dma_start3A_20 = tpu.memref_squeeze %dma_start3A_19 : memref<1x128xi32, #tpu.memory_space<vmem>> -> memref<128xi32, #tpu.memory_space<vmem>>
    %dma_start3A_21 = arith.constant 0 : i32
    %dma_start3A_22 = arith.constant 0 : i32
    %dma_start3A_23 = tpu.memref_slice %arg16[%dma_start3A_21, %dma_start3A_22] : memref<10240x16xf32, #tpu.memory_space<vmem_shared>> -> memref<10240x16xf32, #tpu.memory_space<vmem_shared>>
    tpu.enqueue_indirect_dma source(%dma_start3A_23 : memref<10240x16xf32, #tpu.memory_space<vmem_shared>>) target(%arg12 : memref<128x16xf32, #tpu.memory_space<vmem>>) offsets(%dma_start3A_20 : memref<128xi32, #tpu.memory_space<vmem>>) semaphore(%arg17 : memref<!tpu.dma_semaphore, #tpu.memory_space<semaphore_mem>>)
    %dma_start3A_24 = arith.constant 1 : i32
    %dma_start3A_25 = arith.constant 0 : i32
    %dma_start3A_26 = tpu.memref_slice %arg6[%dma_start3A_24, %dma_start3A_25] : memref<24x128xi32, #tpu.memory_space<vmem>> -> memref<1x128xi32, #tpu.memory_space<vmem>>
    %dma_start3A_27 = tpu.memref_squeeze %dma_start3A_26 : memref<1x128xi32, #tpu.memory_space<vmem>> -> memref<128xi32, #tpu.memory_space<vmem>>
    %dma_start3A_28 = arith.constant 0 : i32
    %dma_start3A_29 = arith.constant 0 : i32
    %dma_start3A_30 = tpu.memref_slice %arg16[%dma_start3A_28, %dma_start3A_29] : memref<10240x16xf32, #tpu.memory_space<vmem_shared>> -> memref<10240x16xf32, #tpu.memory_space<vmem_shared>>
    tpu.enqueue_indirect_dma source(%dma_start3A_30 : memref<10240x16xf32, #tpu.memory_space<vmem_shared>>) target(%arg9 : memref<128x16xf32, #tpu.memory_space<vmem>>) offsets(%dma_start3A_27 : memref<128xi32, #tpu.memory_space<vmem>>) semaphore(%arg18 : memref<!tpu.dma_semaphore, #tpu.memory_space<semaphore_mem>>)
    %dma_start3A_31 = arith.constant 1 : i32
    %dma_start3A_32 = arith.constant 0 : i32
    %dma_start3A_33 = tpu.memref_slice %arg7[%dma_start3A_31, %dma_start3A_32] : memref<24x128xi32, #tpu.memory_space<vmem>> -> memref<1x128xi32, #tpu.memory_space<vmem>>
    %dma_start3A_34 = tpu.memref_squeeze %dma_start3A_33 : memref<1x128xi32, #tpu.memory_space<vmem>> -> memref<128xi32, #tpu.memory_space<vmem>>
    %dma_start3A_35 = arith.constant 0 : i32
    %dma_start3A_36 = arith.constant 0 : i32
    %dma_start3A_37 = tpu.memref_slice %arg16[%dma_start3A_35, %dma_start3A_36] : memref<10240x16xf32, #tpu.memory_space<vmem_shared>> -> memref<10240x16xf32, #tpu.memory_space<vmem_shared>>
    tpu.enqueue_indirect_dma source(%dma_start3A_37 : memref<10240x16xf32, #tpu.memory_space<vmem_shared>>) target(%arg13 : memref<128x16xf32, #tpu.memory_space<vmem>>) offsets(%dma_start3A_34 : memref<128xi32, #tpu.memory_space<vmem>>) semaphore(%arg18 : memref<!tpu.dma_semaphore, #tpu.memory_space<semaphore_mem>>)
    %dma_start3A_38 = arith.constant 2 : i32
    %dma_start3A_39 = arith.constant 0 : i32
    %dma_start3A_40 = tpu.memref_slice %arg6[%dma_start3A_38, %dma_start3A_39] : memref<24x128xi32, #tpu.memory_space<vmem>> -> memref<1x128xi32, #tpu.memory_space<vmem>>
    %dma_start3A_41 = tpu.memref_squeeze %dma_start3A_40 : memref<1x128xi32, #tpu.memory_space<vmem>> -> memref<128xi32, #tpu.memory_space<vmem>>
    %dma_start3A_42 = arith.constant 0 : i32
    %dma_start3A_43 = arith.constant 0 : i32
    %dma_start3A_44 = tpu.memref_slice %arg16[%dma_start3A_42, %dma_start3A_43] : memref<10240x16xf32, #tpu.memory_space<vmem_shared>> -> memref<10240x16xf32, #tpu.memory_space<vmem_shared>>
    tpu.enqueue_indirect_dma source(%dma_start3A_44 : memref<10240x16xf32, #tpu.memory_space<vmem_shared>>) target(%arg10 : memref<128x16xf32, #tpu.memory_space<vmem>>) offsets(%dma_start3A_41 : memref<128xi32, #tpu.memory_space<vmem>>) semaphore(%arg19 : memref<!tpu.dma_semaphore, #tpu.memory_space<semaphore_mem>>)
    %dma_start3A_45 = arith.constant 2 : i32
    %dma_start3A_46 = arith.constant 0 : i32
    %dma_start3A_47 = tpu.memref_slice %arg7[%dma_start3A_45, %dma_start3A_46] : memref<24x128xi32, #tpu.memory_space<vmem>> -> memref<1x128xi32, #tpu.memory_space<vmem>>
    %dma_start3A_48 = tpu.memref_squeeze %dma_start3A_47 : memref<1x128xi32, #tpu.memory_space<vmem>> -> memref<128xi32, #tpu.memory_space<vmem>>
    %dma_start3A_49 = arith.constant 0 : i32
    %dma_start3A_50 = arith.constant 0 : i32
    %dma_start3A_51 = tpu.memref_slice %arg16[%dma_start3A_49, %dma_start3A_50] : memref<10240x16xf32, #tpu.memory_space<vmem_shared>> -> memref<10240x16xf32, #tpu.memory_space<vmem_shared>>
    tpu.enqueue_indirect_dma source(%dma_start3A_51 : memref<10240x16xf32, #tpu.memory_space<vmem_shared>>) target(%arg14 : memref<128x16xf32, #tpu.memory_space<vmem>>) offsets(%dma_start3A_48 : memref<128xi32, #tpu.memory_space<vmem>>) semaphore(%arg19 : memref<!tpu.dma_semaphore, #tpu.memory_space<semaphore_mem>>)
    %scan3A = arith.constant 0 : i32
    %scan3A_52 = arith.constant 0 : i32
    %scan3A_53 = arith.constant 5 : i32
    %scan3A_54 = arith.addi %scan3A_52, %scan3A_53 : i32
    %scan3A_55 = arith.constant 1 : i32
    scf.for %scan3A_62 = %scan3A_52 to %scan3A_54 step %scan3A_55  : i32 {
      %mul3A_63 = arith.constant 4 : i32
      %mul3A_64 = arith.muli %scan3A_62, %mul3A_63 : i32
      %add3A_65 = arith.constant 0 : i32
      %add3A_66 = arith.addi %mul3A_64, %add3A_65 : i32
      %dma_wait3A_67 = arith.constant 0 : i32
      %dma_wait3A_68 = arith.constant 0 : i32
      %dma_wait3A_69 = tpu.memref_slice %arg2[%dma_wait3A_67, %dma_wait3A_68] : memref<10240x16xf32, #tpu.memory_space<hbm>> -> memref<128x16xf32, #tpu.memory_space<hbm>>
      %dma_wait3A_70 = arith.constant 0 : i32
      %dma_wait3A_71 = arith.constant 0 : i32
      %dma_wait3A_72 = tpu.memref_slice %arg2[%dma_wait3A_70, %dma_wait3A_71] : memref<10240x16xf32, #tpu.memory_space<hbm>> -> memref<128x16xf32, #tpu.memory_space<hbm>>
      tpu.wait_dma2 semaphore(%arg17 : memref<!tpu.dma_semaphore, #tpu.memory_space<semaphore_mem>>) src(%dma_wait3A_72 : memref<128x16xf32, #tpu.memory_space<hbm>>) dst(%arg8 : memref<128x16xf32, #tpu.memory_space<vmem>>)
      %dma_wait3A_73 = arith.constant 0 : i32
      %dma_wait3A_74 = arith.constant 0 : i32
      %dma_wait3A_75 = tpu.memref_slice %arg2[%dma_wait3A_73, %dma_wait3A_74] : memref<10240x16xf32, #tpu.memory_space<hbm>> -> memref<128x16xf32, #tpu.memory_space<hbm>>
      %dma_wait3A_76 = arith.constant 0 : i32
      %dma_wait3A_77 = arith.constant 0 : i32
      %dma_wait3A_78 = tpu.memref_slice %arg2[%dma_wait3A_76, %dma_wait3A_77] : memref<10240x16xf32, #tpu.memory_space<hbm>> -> memref<128x16xf32, #tpu.memory_space<hbm>>
      tpu.wait_dma2 semaphore(%arg17 : memref<!tpu.dma_semaphore, #tpu.memory_space<semaphore_mem>>) src(%dma_wait3A_78 : memref<128x16xf32, #tpu.memory_space<hbm>>) dst(%arg12 : memref<128x16xf32, #tpu.memory_space<vmem>>)
      %scan3A_79 = arith.constant 0 : i32
      %scan3A_80 = arith.constant 0 : i32
      %scan3A_81 = arith.constant 128 : i32
      %scan3A_82 = arith.addi %scan3A_80, %scan3A_81 : i32
      %scan3A_83 = arith.constant 1 : i32
      scf.for %scan3A_223 = %scan3A_80 to %scan3A_82 step %scan3A_83  : i32 {
        %get3A = arith.index_cast %scan3A_223 : i32 to index
        %get3A_224 = arith.constant 0 : index
        %get3A_225 = tpu.vector_load %arg8[%get3A, %get3A_224] {strides = array<i32>} : memref<128x16xf32, #tpu.memory_space<vmem>>, vector<1x16xf32>,
        %get3A_226 = vector.shape_cast %get3A_225 : vector<1x16xf32> to vector<16xf32>
        %get3A_227 = arith.index_cast %scan3A_223 : i32 to index
        %get3A_228 = arith.constant 0 : index
        %get3A_229 = tpu.vector_load %arg12[%get3A_227, %get3A_228] {strides = array<i32>} : memref<128x16xf32, #tpu.memory_space<vmem>>, vector<1x16xf32>,
        %get3A_230 = vector.shape_cast %get3A_229 : vector<1x16xf32> to vector<16xf32>
        %sub3A = arith.subf %get3A_226, %get3A_230 : vector<16xf32>
        %swap3A = arith.index_cast %scan3A_223 : i32 to index
        %swap3A_231 = arith.constant 0 : index
        %swap3A_232 = tpu.vector_load %arg8[%swap3A, %swap3A_231] {strides = array<i32>} : memref<128x16xf32, #tpu.memory_space<vmem>>, vector<1x16xf32>,
        %swap3A_233 = vector.shape_cast %swap3A_232 : vector<1x16xf32> to vector<16xf32>
        %swap3A_234 = vector.shape_cast %sub3A : vector<16xf32> to vector<1x16xf32>
        tpu.vector_store %arg8[%swap3A, %swap3A_231], %swap3A_234 {strides = array<i32>} : memref<128x16xf32, #tpu.memory_space<vmem>>, vector<1x16xf32>,
      }
      %scan3A_84 = arith.constant 128 : i32
      %add3A_85 = arith.addi %mul3A_2, %add3A_66 : i32
      %mul3A_86 = arith.constant 128 : i32
      %mul3A_87 = arith.muli %add3A_85, %mul3A_86 : i32
      %dma_start3A_88 = arith.constant 0 : i32
      %dma_start3A_89 = tpu.memref_slice %arg5[%mul3A_87, %dma_start3A_88] : memref<81920x16xf32, #tpu.memory_space<hbm>> -> memref<128x16xf32, #tpu.memory_space<hbm>>
      %dma_start3A_90 = arith.constant 0 : i32
      %dma_start3A_91 = tpu.memref_slice %arg5[%mul3A_87, %dma_start3A_90] : memref<81920x16xf32, #tpu.memory_space<hbm>> -> memref<128x16xf32, #tpu.memory_space<hbm>>
      tpu.enqueue_dma source(%arg8 : memref<128x16xf32, #tpu.memory_space<vmem>>) target(%dma_start3A_91 : memref<128x16xf32, #tpu.memory_space<hbm>>) target_semaphore(%arg21 : memref<!tpu.dma_semaphore, #tpu.memory_space<semaphore_mem>>)
      %ge3A = arith.constant 1 : i32
      %ge3A_92 = arith.cmpi sge, %add3A_66, %ge3A : i32
      %convert_element_type3A = arith.extui %ge3A_92 : i1 to i32
      %cond3A = arith.constant 0 : i32
      %cond3A_93 = arith.cmpi ne, %convert_element_type3A, %cond3A : i32
      scf.if %cond3A_93 {
        %dma_wait3A_223 = arith.constant 0 : i32
        %dma_wait3A_224 = arith.constant 0 : i32
        %dma_wait3A_225 = tpu.memref_slice %arg5[%dma_wait3A_223, %dma_wait3A_224] : memref<81920x16xf32, #tpu.memory_space<hbm>> -> memref<128x16xf32, #tpu.memory_space<hbm>>
        %dma_wait3A_226 = arith.constant 0 : i32
        %dma_wait3A_227 = arith.constant 0 : i32
        %dma_wait3A_228 = tpu.memref_slice %arg5[%dma_wait3A_226, %dma_wait3A_227] : memref<81920x16xf32, #tpu.memory_space<hbm>> -> memref<128x16xf32, #tpu.memory_space<hbm>>
        tpu.wait_dma2 semaphore(%arg24 : memref<!tpu.dma_semaphore, #tpu.memory_space<semaphore_mem>>) src(%arg11 : memref<128x16xf32, #tpu.memory_space<vmem>>) dst(%dma_wait3A_228 : memref<128x16xf32, #tpu.memory_space<hbm>>)
      } else {
      }
      %add3A_94 = arith.constant 3 : i32
      %add3A_95 = arith.addi %add3A_66, %add3A_94 : i32
      %lt3A = arith.constant 20 : i32
      %lt3A_96 = arith.cmpi slt, %add3A_95, %lt3A : i32
      %convert_element_type3A_97 = arith.extui %lt3A_96 : i1 to i32
      %cond3A_98 = arith.constant 0 : i32
      %cond3A_99 = arith.cmpi ne, %convert_element_type3A_97, %cond3A_98 : i32
      scf.if %cond3A_99 {
        %add3A_223 = arith.constant 3 : i32
        %add3A_224 = arith.addi %add3A_66, %add3A_223 : i32
        %dma_start3A_225 = arith.constant 0 : i32
        %dma_start3A_226 = tpu.memref_slice %arg6[%add3A_224, %dma_start3A_225] : memref<24x128xi32, #tpu.memory_space<vmem>> -> memref<1x128xi32, #tpu.memory_space<vmem>>
        %dma_start3A_227 = tpu.memref_squeeze %dma_start3A_226 : memref<1x128xi32, #tpu.memory_space<vmem>> -> memref<128xi32, #tpu.memory_space<vmem>>
        %dma_start3A_228 = arith.constant 0 : i32
        %dma_start3A_229 = arith.constant 0 : i32
        %dma_start3A_230 = tpu.memref_slice %arg16[%dma_start3A_228, %dma_start3A_229] : memref<10240x16xf32, #tpu.memory_space<vmem_shared>> -> memref<10240x16xf32, #tpu.memory_space<vmem_shared>>
        tpu.enqueue_indirect_dma source(%dma_start3A_230 : memref<10240x16xf32, #tpu.memory_space<vmem_shared>>) target(%arg11 : memref<128x16xf32, #tpu.memory_space<vmem>>) offsets(%dma_start3A_227 : memref<128xi32, #tpu.memory_space<vmem>>) semaphore(%arg20 : memref<!tpu.dma_semaphore, #tpu.memory_space<semaphore_mem>>)
        %dma_start3A_231 = arith.constant 0 : i32
        %dma_start3A_232 = tpu.memref_slice %arg7[%add3A_224, %dma_start3A_231] : memref<24x128xi32, #tpu.memory_space<vmem>> -> memref<1x128xi32, #tpu.memory_space<vmem>>
        %dma_start3A_233 = tpu.memref_squeeze %dma_start3A_232 : memref<1x128xi32, #tpu.memory_space<vmem>> -> memref<128xi32, #tpu.memory_space<vmem>>
        %dma_start3A_234 = arith.constant 0 : i32
        %dma_start3A_235 = arith.constant 0 : i32
        %dma_start3A_236 = tpu.memref_slice %arg16[%dma_start3A_234, %dma_start3A_235] : memref<10240x16xf32, #tpu.memory_space<vmem_shared>> -> memref<10240x16xf32, #tpu.memory_space<vmem_shared>>
        tpu.enqueue_indirect_dma source(%dma_start3A_236 : memref<10240x16xf32, #tpu.memory_space<vmem_shared>>) target(%arg15 : memref<128x16xf32, #tpu.memory_space<vmem>>) offsets(%dma_start3A_233 : memref<128xi32, #tpu.memory_space<vmem>>) semaphore(%arg20 : memref<!tpu.dma_semaphore, #tpu.memory_space<semaphore_mem>>)
      } else {
      }
      %mul3A_100 = arith.constant 4 : i32
      %mul3A_101 = arith.muli %scan3A_62, %mul3A_100 : i32
      %add3A_102 = arith.constant 1 : i32
      %add3A_103 = arith.addi %mul3A_101, %add3A_102 : i32
      %dma_wait3A_104 = arith.constant 0 : i32
      %dma_wait3A_105 = arith.constant 0 : i32
      %dma_wait3A_106 = tpu.memref_slice %arg2[%dma_wait3A_104, %dma_wait3A_105] : memref<10240x16xf32, #tpu.memory_space<hbm>> -> memref<128x16xf32, #tpu.memory_space<hbm>>
      %dma_wait3A_107 = arith.constant 0 : i32
      %dma_wait3A_108 = arith.constant 0 : i32
      %dma_wait3A_109 = tpu.memref_slice %arg2[%dma_wait3A_107, %dma_wait3A_108] : memref<10240x16xf32, #tpu.memory_space<hbm>> -> memref<128x16xf32, #tpu.memory_space<hbm>>
      tpu.wait_dma2 semaphore(%arg18 : memref<!tpu.dma_semaphore, #tpu.memory_space<semaphore_mem>>) src(%dma_wait3A_109 : memref<128x16xf32, #tpu.memory_space<hbm>>) dst(%arg9 : memref<128x16xf32, #tpu.memory_space<vmem>>)
      %dma_wait3A_110 = arith.constant 0 : i32
      %dma_wait3A_111 = arith.constant 0 : i32
      %dma_wait3A_112 = tpu.memref_slice %arg2[%dma_wait3A_110, %dma_wait3A_111] : memref<10240x16xf32, #tpu.memory_space<hbm>> -> memref<128x16xf32, #tpu.memory_space<hbm>>
      %dma_wait3A_113 = arith.constant 0 : i32
      %dma_wait3A_114 = arith.constant 0 : i32
      %dma_wait3A_115 = tpu.memref_slice %arg2[%dma_wait3A_113, %dma_wait3A_114] : memref<10240x16xf32, #tpu.memory_space<hbm>> -> memref<128x16xf32, #tpu.memory_space<hbm>>
      tpu.wait_dma2 semaphore(%arg18 : memref<!tpu.dma_semaphore, #tpu.memory_space<semaphore_mem>>) src(%dma_wait3A_115 : memref<128x16xf32, #tpu.memory_space<hbm>>) dst(%arg13 : memref<128x16xf32, #tpu.memory_space<vmem>>)
      %scan3A_116 = arith.constant 0 : i32
      %scan3A_117 = arith.constant 0 : i32
      %scan3A_118 = arith.constant 128 : i32
      %scan3A_119 = arith.addi %scan3A_117, %scan3A_118 : i32
      %scan3A_120 = arith.constant 1 : i32
      scf.for %scan3A_223 = %scan3A_117 to %scan3A_119 step %scan3A_120  : i32 {
        %get3A = arith.index_cast %scan3A_223 : i32 to index
        %get3A_224 = arith.constant 0 : index
        %get3A_225 = tpu.vector_load %arg9[%get3A, %get3A_224] {strides = array<i32>} : memref<128x16xf32, #tpu.memory_space<vmem>>, vector<1x16xf32>,
        %get3A_226 = vector.shape_cast %get3A_225 : vector<1x16xf32> to vector<16xf32>
        %get3A_227 = arith.index_cast %scan3A_223 : i32 to index
        %get3A_228 = arith.constant 0 : index
        %get3A_229 = tpu.vector_load %arg13[%get3A_227, %get3A_228] {strides = array<i32>} : memref<128x16xf32, #tpu.memory_space<vmem>>, vector<1x16xf32>,
        %get3A_230 = vector.shape_cast %get3A_229 : vector<1x16xf32> to vector<16xf32>
        %sub3A = arith.subf %get3A_226, %get3A_230 : vector<16xf32>
        %swap3A = arith.index_cast %scan3A_223 : i32 to index
        %swap3A_231 = arith.constant 0 : index
        %swap3A_232 = tpu.vector_load %arg9[%swap3A, %swap3A_231] {strides = array<i32>} : memref<128x16xf32, #tpu.memory_space<vmem>>, vector<1x16xf32>,
        %swap3A_233 = vector.shape_cast %swap3A_232 : vector<1x16xf32> to vector<16xf32>
        %swap3A_234 = vector.shape_cast %sub3A : vector<16xf32> to vector<1x16xf32>
        tpu.vector_store %arg9[%swap3A, %swap3A_231], %swap3A_234 {strides = array<i32>} : memref<128x16xf32, #tpu.memory_space<vmem>>, vector<1x16xf32>,
      }
      %scan3A_121 = arith.constant 128 : i32
      %add3A_122 = arith.addi %mul3A_2, %add3A_103 : i32
      %mul3A_123 = arith.constant 128 : i32
      %mul3A_124 = arith.muli %add3A_122, %mul3A_123 : i32
      %dma_start3A_125 = arith.constant 0 : i32
      %dma_start3A_126 = tpu.memref_slice %arg5[%mul3A_124, %dma_start3A_125] : memref<81920x16xf32, #tpu.memory_space<hbm>> -> memref<128x16xf32, #tpu.memory_space<hbm>>
      %dma_start3A_127 = arith.constant 0 : i32
      %dma_start3A_128 = tpu.memref_slice %arg5[%mul3A_124, %dma_start3A_127] : memref<81920x16xf32, #tpu.memory_space<hbm>> -> memref<128x16xf32, #tpu.memory_space<hbm>>
      tpu.enqueue_dma source(%arg9 : memref<128x16xf32, #tpu.memory_space<vmem>>) target(%dma_start3A_128 : memref<128x16xf32, #tpu.memory_space<hbm>>) target_semaphore(%arg22 : memref<!tpu.dma_semaphore, #tpu.memory_space<semaphore_mem>>)
      %ge3A_129 = arith.constant 1 : i32
      %ge3A_130 = arith.cmpi sge, %add3A_103, %ge3A_129 : i32
      %convert_element_type3A_131 = arith.extui %ge3A_130 : i1 to i32
      %cond3A_132 = arith.constant 0 : i32
      %cond3A_133 = arith.cmpi ne, %convert_element_type3A_131, %cond3A_132 : i32
      scf.if %cond3A_133 {
        %dma_wait3A_223 = arith.constant 0 : i32
        %dma_wait3A_224 = arith.constant 0 : i32
        %dma_wait3A_225 = tpu.memref_slice %arg5[%dma_wait3A_223, %dma_wait3A_224] : memref<81920x16xf32, #tpu.memory_space<hbm>> -> memref<128x16xf32, #tpu.memory_space<hbm>>
        %dma_wait3A_226 = arith.constant 0 : i32
        %dma_wait3A_227 = arith.constant 0 : i32
        %dma_wait3A_228 = tpu.memref_slice %arg5[%dma_wait3A_226, %dma_wait3A_227] : memref<81920x16xf32, #tpu.memory_space<hbm>> -> memref<128x16xf32, #tpu.memory_space<hbm>>
        tpu.wait_dma2 semaphore(%arg21 : memref<!tpu.dma_semaphore, #tpu.memory_space<semaphore_mem>>) src(%arg8 : memref<128x16xf32, #tpu.memory_space<vmem>>) dst(%dma_wait3A_228 : memref<128x16xf32, #tpu.memory_space<hbm>>)
      } else {
      }
      %add3A_134 = arith.constant 3 : i32
      %add3A_135 = arith.addi %add3A_103, %add3A_134 : i32
      %lt3A_136 = arith.constant 20 : i32
      %lt3A_137 = arith.cmpi slt, %add3A_135, %lt3A_136 : i32
      %convert_element_type3A_138 = arith.extui %lt3A_137 : i1 to i32
      %cond3A_139 = arith.constant 0 : i32
      %cond3A_140 = arith.cmpi ne, %convert_element_type3A_138, %cond3A_139 : i32
      scf.if %cond3A_140 {
        %add3A_223 = arith.constant 3 : i32
        %add3A_224 = arith.addi %add3A_103, %add3A_223 : i32
        %dma_start3A_225 = arith.constant 0 : i32
        %dma_start3A_226 = tpu.memref_slice %arg6[%add3A_224, %dma_start3A_225] : memref<24x128xi32, #tpu.memory_space<vmem>> -> memref<1x128xi32, #tpu.memory_space<vmem>>
        %dma_start3A_227 = tpu.memref_squeeze %dma_start3A_226 : memref<1x128xi32, #tpu.memory_space<vmem>> -> memref<128xi32, #tpu.memory_space<vmem>>
        %dma_start3A_228 = arith.constant 0 : i32
        %dma_start3A_229 = arith.constant 0 : i32
        %dma_start3A_230 = tpu.memref_slice %arg16[%dma_start3A_228, %dma_start3A_229] : memref<10240x16xf32, #tpu.memory_space<vmem_shared>> -> memref<10240x16xf32, #tpu.memory_space<vmem_shared>>
        tpu.enqueue_indirect_dma source(%dma_start3A_230 : memref<10240x16xf32, #tpu.memory_space<vmem_shared>>) target(%arg8 : memref<128x16xf32, #tpu.memory_space<vmem>>) offsets(%dma_start3A_227 : memref<128xi32, #tpu.memory_space<vmem>>) semaphore(%arg17 : memref<!tpu.dma_semaphore, #tpu.memory_space<semaphore_mem>>)
        %dma_start3A_231 = arith.constant 0 : i32
        %dma_start3A_232 = tpu.memref_slice %arg7[%add3A_224, %dma_start3A_231] : memref<24x128xi32, #tpu.memory_space<vmem>> -> memref<1x128xi32, #tpu.memory_space<vmem>>
        %dma_start3A_233 = tpu.memref_squeeze %dma_start3A_232 : memref<1x128xi32, #tpu.memory_space<vmem>> -> memref<128xi32, #tpu.memory_space<vmem>>
        %dma_start3A_234 = arith.constant 0 : i32
        %dma_start3A_235 = arith.constant 0 : i32
        %dma_start3A_236 = tpu.memref_slice %arg16[%dma_start3A_234, %dma_start3A_235] : memref<10240x16xf32, #tpu.memory_space<vmem_shared>> -> memref<10240x16xf32, #tpu.memory_space<vmem_shared>>
        tpu.enqueue_indirect_dma source(%dma_start3A_236 : memref<10240x16xf32, #tpu.memory_space<vmem_shared>>) target(%arg12 : memref<128x16xf32, #tpu.memory_space<vmem>>) offsets(%dma_start3A_233 : memref<128xi32, #tpu.memory_space<vmem>>) semaphore(%arg17 : memref<!tpu.dma_semaphore, #tpu.memory_space<semaphore_mem>>)
      } else {
      }
      %mul3A_141 = arith.constant 4 : i32
      %mul3A_142 = arith.muli %scan3A_62, %mul3A_141 : i32
      %add3A_143 = arith.constant 2 : i32
      %add3A_144 = arith.addi %mul3A_142, %add3A_143 : i32
      %dma_wait3A_145 = arith.constant 0 : i32
      %dma_wait3A_146 = arith.constant 0 : i32
      %dma_wait3A_147 = tpu.memref_slice %arg2[%dma_wait3A_145, %dma_wait3A_146] : memref<10240x16xf32, #tpu.memory_space<hbm>> -> memref<128x16xf32, #tpu.memory_space<hbm>>
      %dma_wait3A_148 = arith.constant 0 : i32
      %dma_wait3A_149 = arith.constant 0 : i32
      %dma_wait3A_150 = tpu.memref_slice %arg2[%dma_wait3A_148, %dma_wait3A_149] : memref<10240x16xf32, #tpu.memory_space<hbm>> -> memref<128x16xf32, #tpu.memory_space<hbm>>
      tpu.wait_dma2 semaphore(%arg19 : memref<!tpu.dma_semaphore, #tpu.memory_space<semaphore_mem>>) src(%dma_wait3A_150 : memref<128x16xf32, #tpu.memory_space<hbm>>) dst(%arg10 : memref<128x16xf32, #tpu.memory_space<vmem>>)
      %dma_wait3A_151 = arith.constant 0 : i32
      %dma_wait3A_152 = arith.constant 0 : i32
      %dma_wait3A_153 = tpu.memref_slice %arg2[%dma_wait3A_151, %dma_wait3A_152] : memref<10240x16xf32, #tpu.memory_space<hbm>> -> memref<128x16xf32, #tpu.memory_space<hbm>>
      %dma_wait3A_154 = arith.constant 0 : i32
      %dma_wait3A_155 = arith.constant 0 : i32
      %dma_wait3A_156 = tpu.memref_slice %arg2[%dma_wait3A_154, %dma_wait3A_155] : memref<10240x16xf32, #tpu.memory_space<hbm>> -> memref<128x16xf32, #tpu.memory_space<hbm>>
      tpu.wait_dma2 semaphore(%arg19 : memref<!tpu.dma_semaphore, #tpu.memory_space<semaphore_mem>>) src(%dma_wait3A_156 : memref<128x16xf32, #tpu.memory_space<hbm>>) dst(%arg14 : memref<128x16xf32, #tpu.memory_space<vmem>>)
      %scan3A_157 = arith.constant 0 : i32
      %scan3A_158 = arith.constant 0 : i32
      %scan3A_159 = arith.constant 128 : i32
      %scan3A_160 = arith.addi %scan3A_158, %scan3A_159 : i32
      %scan3A_161 = arith.constant 1 : i32
      scf.for %scan3A_223 = %scan3A_158 to %scan3A_160 step %scan3A_161  : i32 {
        %get3A = arith.index_cast %scan3A_223 : i32 to index
        %get3A_224 = arith.constant 0 : index
        %get3A_225 = tpu.vector_load %arg10[%get3A, %get3A_224] {strides = array<i32>} : memref<128x16xf32, #tpu.memory_space<vmem>>, vector<1x16xf32>,
        %get3A_226 = vector.shape_cast %get3A_225 : vector<1x16xf32> to vector<16xf32>
        %get3A_227 = arith.index_cast %scan3A_223 : i32 to index
        %get3A_228 = arith.constant 0 : index
        %get3A_229 = tpu.vector_load %arg14[%get3A_227, %get3A_228] {strides = array<i32>} : memref<128x16xf32, #tpu.memory_space<vmem>>, vector<1x16xf32>,
        %get3A_230 = vector.shape_cast %get3A_229 : vector<1x16xf32> to vector<16xf32>
        %sub3A = arith.subf %get3A_226, %get3A_230 : vector<16xf32>
        %swap3A = arith.index_cast %scan3A_223 : i32 to index
        %swap3A_231 = arith.constant 0 : index
        %swap3A_232 = tpu.vector_load %arg10[%swap3A, %swap3A_231] {strides = array<i32>} : memref<128x16xf32, #tpu.memory_space<vmem>>, vector<1x16xf32>,
        %swap3A_233 = vector.shape_cast %swap3A_232 : vector<1x16xf32> to vector<16xf32>
        %swap3A_234 = vector.shape_cast %sub3A : vector<16xf32> to vector<1x16xf32>
        tpu.vector_store %arg10[%swap3A, %swap3A_231], %swap3A_234 {strides = array<i32>} : memref<128x16xf32, #tpu.memory_space<vmem>>, vector<1x16xf32>,
      }
      %scan3A_162 = arith.constant 128 : i32
      %add3A_163 = arith.addi %mul3A_2, %add3A_144 : i32
      %mul3A_164 = arith.constant 128 : i32
      %mul3A_165 = arith.muli %add3A_163, %mul3A_164 : i32
      %dma_start3A_166 = arith.constant 0 : i32
      %dma_start3A_167 = tpu.memref_slice %arg5[%mul3A_165, %dma_start3A_166] : memref<81920x16xf32, #tpu.memory_space<hbm>> -> memref<128x16xf32, #tpu.memory_space<hbm>>
      %dma_start3A_168 = arith.constant 0 : i32
      %dma_start3A_169 = tpu.memref_slice %arg5[%mul3A_165, %dma_start3A_168] : memref<81920x16xf32, #tpu.memory_space<hbm>> -> memref<128x16xf32, #tpu.memory_space<hbm>>
      tpu.enqueue_dma source(%arg10 : memref<128x16xf32, #tpu.memory_space<vmem>>) target(%dma_start3A_169 : memref<128x16xf32, #tpu.memory_space<hbm>>) target_semaphore(%arg23 : memref<!tpu.dma_semaphore, #tpu.memory_space<semaphore_mem>>)
      %ge3A_170 = arith.constant 1 : i32
      %ge3A_171 = arith.cmpi sge, %add3A_144, %ge3A_170 : i32
      %convert_element_type3A_172 = arith.extui %ge3A_171 : i1 to i32
      %cond3A_173 = arith.constant 0 : i32
      %cond3A_174 = arith.cmpi ne, %convert_element_type3A_172, %cond3A_173 : i32
      scf.if %cond3A_174 {
        %dma_wait3A_223 = arith.constant 0 : i32
        %dma_wait3A_224 = arith.constant 0 : i32
        %dma_wait3A_225 = tpu.memref_slice %arg5[%dma_wait3A_223, %dma_wait3A_224] : memref<81920x16xf32, #tpu.memory_space<hbm>> -> memref<128x16xf32, #tpu.memory_space<hbm>>
        %dma_wait3A_226 = arith.constant 0 : i32
        %dma_wait3A_227 = arith.constant 0 : i32
        %dma_wait3A_228 = tpu.memref_slice %arg5[%dma_wait3A_226, %dma_wait3A_227] : memref<81920x16xf32, #tpu.memory_space<hbm>> -> memref<128x16xf32, #tpu.memory_space<hbm>>
        tpu.wait_dma2 semaphore(%arg22 : memref<!tpu.dma_semaphore, #tpu.memory_space<semaphore_mem>>) src(%arg9 : memref<128x16xf32, #tpu.memory_space<vmem>>) dst(%dma_wait3A_228 : memref<128x16xf32, #tpu.memory_space<hbm>>)
      } else {
      }
      %add3A_175 = arith.constant 3 : i32
      %add3A_176 = arith.addi %add3A_144, %add3A_175 : i32
      %lt3A_177 = arith.constant 20 : i32
      %lt3A_178 = arith.cmpi slt, %add3A_176, %lt3A_177 : i32
      %convert_element_type3A_179 = arith.extui %lt3A_178 : i1 to i32
      %cond3A_180 = arith.constant 0 : i32
      %cond3A_181 = arith.cmpi ne, %convert_element_type3A_179, %cond3A_180 : i32
      scf.if %cond3A_181 {
        %add3A_223 = arith.constant 3 : i32
        %add3A_224 = arith.addi %add3A_144, %add3A_223 : i32
        %dma_start3A_225 = arith.constant 0 : i32
        %dma_start3A_226 = tpu.memref_slice %arg6[%add3A_224, %dma_start3A_225] : memref<24x128xi32, #tpu.memory_space<vmem>> -> memref<1x128xi32, #tpu.memory_space<vmem>>
        %dma_start3A_227 = tpu.memref_squeeze %dma_start3A_226 : memref<1x128xi32, #tpu.memory_space<vmem>> -> memref<128xi32, #tpu.memory_space<vmem>>
        %dma_start3A_228 = arith.constant 0 : i32
        %dma_start3A_229 = arith.constant 0 : i32
        %dma_start3A_230 = tpu.memref_slice %arg16[%dma_start3A_228, %dma_start3A_229] : memref<10240x16xf32, #tpu.memory_space<vmem_shared>> -> memref<10240x16xf32, #tpu.memory_space<vmem_shared>>
        tpu.enqueue_indirect_dma source(%dma_start3A_230 : memref<10240x16xf32, #tpu.memory_space<vmem_shared>>) target(%arg9 : memref<128x16xf32, #tpu.memory_space<vmem>>) offsets(%dma_start3A_227 : memref<128xi32, #tpu.memory_space<vmem>>) semaphore(%arg18 : memref<!tpu.dma_semaphore, #tpu.memory_space<semaphore_mem>>)
        %dma_start3A_231 = arith.constant 0 : i32
        %dma_start3A_232 = tpu.memref_slice %arg7[%add3A_224, %dma_start3A_231] : memref<24x128xi32, #tpu.memory_space<vmem>> -> memref<1x128xi32, #tpu.memory_space<vmem>>
        %dma_start3A_233 = tpu.memref_squeeze %dma_start3A_232 : memref<1x128xi32, #tpu.memory_space<vmem>> -> memref<128xi32, #tpu.memory_space<vmem>>
        %dma_start3A_234 = arith.constant 0 : i32
        %dma_start3A_235 = arith.constant 0 : i32
        %dma_start3A_236 = tpu.memref_slice %arg16[%dma_start3A_234, %dma_start3A_235] : memref<10240x16xf32, #tpu.memory_space<vmem_shared>> -> memref<10240x16xf32, #tpu.memory_space<vmem_shared>>
        tpu.enqueue_indirect_dma source(%dma_start3A_236 : memref<10240x16xf32, #tpu.memory_space<vmem_shared>>) target(%arg13 : memref<128x16xf32, #tpu.memory_space<vmem>>) offsets(%dma_start3A_233 : memref<128xi32, #tpu.memory_space<vmem>>) semaphore(%arg18 : memref<!tpu.dma_semaphore, #tpu.memory_space<semaphore_mem>>)
      } else {
      }
      %mul3A_182 = arith.constant 4 : i32
      %mul3A_183 = arith.muli %scan3A_62, %mul3A_182 : i32
      %add3A_184 = arith.constant 3 : i32
      %add3A_185 = arith.addi %mul3A_183, %add3A_184 : i32
      %dma_wait3A_186 = arith.constant 0 : i32
      %dma_wait3A_187 = arith.constant 0 : i32
      %dma_wait3A_188 = tpu.memref_slice %arg2[%dma_wait3A_186, %dma_wait3A_187] : memref<10240x16xf32, #tpu.memory_space<hbm>> -> memref<128x16xf32, #tpu.memory_space<hbm>>
      %dma_wait3A_189 = arith.constant 0 : i32
      %dma_wait3A_190 = arith.constant 0 : i32
      %dma_wait3A_191 = tpu.memref_slice %arg2[%dma_wait3A_189, %dma_wait3A_190] : memref<10240x16xf32, #tpu.memory_space<hbm>> -> memref<128x16xf32, #tpu.memory_space<hbm>>
      tpu.wait_dma2 semaphore(%arg20 : memref<!tpu.dma_semaphore, #tpu.memory_space<semaphore_mem>>) src(%dma_wait3A_191 : memref<128x16xf32, #tpu.memory_space<hbm>>) dst(%arg11 : memref<128x16xf32, #tpu.memory_space<vmem>>)
      %dma_wait3A_192 = arith.constant 0 : i32
      %dma_wait3A_193 = arith.constant 0 : i32
      %dma_wait3A_194 = tpu.memref_slice %arg2[%dma_wait3A_192, %dma_wait3A_193] : memref<10240x16xf32, #tpu.memory_space<hbm>> -> memref<128x16xf32, #tpu.memory_space<hbm>>
      %dma_wait3A_195 = arith.constant 0 : i32
      %dma_wait3A_196 = arith.constant 0 : i32
      %dma_wait3A_197 = tpu.memref_slice %arg2[%dma_wait3A_195, %dma_wait3A_196] : memref<10240x16xf32, #tpu.memory_space<hbm>> -> memref<128x16xf32, #tpu.memory_space<hbm>>
      tpu.wait_dma2 semaphore(%arg20 : memref<!tpu.dma_semaphore, #tpu.memory_space<semaphore_mem>>) src(%dma_wait3A_197 : memref<128x16xf32, #tpu.memory_space<hbm>>) dst(%arg15 : memref<128x16xf32, #tpu.memory_space<vmem>>)
      %scan3A_198 = arith.constant 0 : i32
      %scan3A_199 = arith.constant 0 : i32
      %scan3A_200 = arith.constant 128 : i32
      %scan3A_201 = arith.addi %scan3A_199, %scan3A_200 : i32
      %scan3A_202 = arith.constant 1 : i32
      scf.for %scan3A_223 = %scan3A_199 to %scan3A_201 step %scan3A_202  : i32 {
        %get3A = arith.index_cast %scan3A_223 : i32 to index
        %get3A_224 = arith.constant 0 : index
        %get3A_225 = tpu.vector_load %arg11[%get3A, %get3A_224] {strides = array<i32>} : memref<128x16xf32, #tpu.memory_space<vmem>>, vector<1x16xf32>,
        %get3A_226 = vector.shape_cast %get3A_225 : vector<1x16xf32> to vector<16xf32>
        %get3A_227 = arith.index_cast %scan3A_223 : i32 to index
        %get3A_228 = arith.constant 0 : index
        %get3A_229 = tpu.vector_load %arg15[%get3A_227, %get3A_228] {strides = array<i32>} : memref<128x16xf32, #tpu.memory_space<vmem>>, vector<1x16xf32>,
        %get3A_230 = vector.shape_cast %get3A_229 : vector<1x16xf32> to vector<16xf32>
        %sub3A = arith.subf %get3A_226, %get3A_230 : vector<16xf32>
        %swap3A = arith.index_cast %scan3A_223 : i32 to index
        %swap3A_231 = arith.constant 0 : index
        %swap3A_232 = tpu.vector_load %arg11[%swap3A, %swap3A_231] {strides = array<i32>} : memref<128x16xf32, #tpu.memory_space<vmem>>, vector<1x16xf32>,
        %swap3A_233 = vector.shape_cast %swap3A_232 : vector<1x16xf32> to vector<16xf32>
        %swap3A_234 = vector.shape_cast %sub3A : vector<16xf32> to vector<1x16xf32>
        tpu.vector_store %arg11[%swap3A, %swap3A_231], %swap3A_234 {strides = array<i32>} : memref<128x16xf32, #tpu.memory_space<vmem>>, vector<1x16xf32>,
      }
      %scan3A_203 = arith.constant 128 : i32
      %add3A_204 = arith.addi %mul3A_2, %add3A_185 : i32
      %mul3A_205 = arith.constant 128 : i32
      %mul3A_206 = arith.muli %add3A_204, %mul3A_205 : i32
      %dma_start3A_207 = arith.constant 0 : i32
      %dma_start3A_208 = tpu.memref_slice %arg5[%mul3A_206, %dma_start3A_207] : memref<81920x16xf32, #tpu.memory_space<hbm>> -> memref<128x16xf32, #tpu.memory_space<hbm>>
      %dma_start3A_209 = arith.constant 0 : i32
      %dma_start3A_210 = tpu.memref_slice %arg5[%mul3A_206, %dma_start3A_209] : memref<81920x16xf32, #tpu.memory_space<hbm>> -> memref<128x16xf32, #tpu.memory_space<hbm>>
      tpu.enqueue_dma source(%arg11 : memref<128x16xf32, #tpu.memory_space<vmem>>) target(%dma_start3A_210 : memref<128x16xf32, #tpu.memory_space<hbm>>) target_semaphore(%arg24 : memref<!tpu.dma_semaphore, #tpu.memory_space<semaphore_mem>>)
      %ge3A_211 = arith.constant 1 : i32
      %ge3A_212 = arith.cmpi sge, %add3A_185, %ge3A_211 : i32
      %convert_element_type3A_213 = arith.extui %ge3A_212 : i1 to i32
      %cond3A_214 = arith.constant 0 : i32
      %cond3A_215 = arith.cmpi ne, %convert_element_type3A_213, %cond3A_214 : i32
      scf.if %cond3A_215 {
        %dma_wait3A_223 = arith.constant 0 : i32
        %dma_wait3A_224 = arith.constant 0 : i32
        %dma_wait3A_225 = tpu.memref_slice %arg5[%dma_wait3A_223, %dma_wait3A_224] : memref<81920x16xf32, #tpu.memory_space<hbm>> -> memref<128x16xf32, #tpu.memory_space<hbm>>
        %dma_wait3A_226 = arith.constant 0 : i32
        %dma_wait3A_227 = arith.constant 0 : i32
        %dma_wait3A_228 = tpu.memref_slice %arg5[%dma_wait3A_226, %dma_wait3A_227] : memref<81920x16xf32, #tpu.memory_space<hbm>> -> memref<128x16xf32, #tpu.memory_space<hbm>>
        tpu.wait_dma2 semaphore(%arg23 : memref<!tpu.dma_semaphore, #tpu.memory_space<semaphore_mem>>) src(%arg10 : memref<128x16xf32, #tpu.memory_space<vmem>>) dst(%dma_wait3A_228 : memref<128x16xf32, #tpu.memory_space<hbm>>)
      } else {
      }
      %add3A_216 = arith.constant 3 : i32
      %add3A_217 = arith.addi %add3A_185, %add3A_216 : i32
      %lt3A_218 = arith.constant 20 : i32
      %lt3A_219 = arith.cmpi slt, %add3A_217, %lt3A_218 : i32
      %convert_element_type3A_220 = arith.extui %lt3A_219 : i1 to i32
      %cond3A_221 = arith.constant 0 : i32
      %cond3A_222 = arith.cmpi ne, %convert_element_type3A_220, %cond3A_221 : i32
      scf.if %cond3A_222 {
        %add3A_223 = arith.constant 3 : i32
        %add3A_224 = arith.addi %add3A_185, %add3A_223 : i32
        %dma_start3A_225 = arith.constant 0 : i32
        %dma_start3A_226 = tpu.memref_slice %arg6[%add3A_224, %dma_start3A_225] : memref<24x128xi32, #tpu.memory_space<vmem>> -> memref<1x128xi32, #tpu.memory_space<vmem>>
        %dma_start3A_227 = tpu.memref_squeeze %dma_start3A_226 : memref<1x128xi32, #tpu.memory_space<vmem>> -> memref<128xi32, #tpu.memory_space<vmem>>
        %dma_start3A_228 = arith.constant 0 : i32
        %dma_start3A_229 = arith.constant 0 : i32
        %dma_start3A_230 = tpu.memref_slice %arg16[%dma_start3A_228, %dma_start3A_229] : memref<10240x16xf32, #tpu.memory_space<vmem_shared>> -> memref<10240x16xf32, #tpu.memory_space<vmem_shared>>
        tpu.enqueue_indirect_dma source(%dma_start3A_230 : memref<10240x16xf32, #tpu.memory_space<vmem_shared>>) target(%arg10 : memref<128x16xf32, #tpu.memory_space<vmem>>) offsets(%dma_start3A_227 : memref<128xi32, #tpu.memory_space<vmem>>) semaphore(%arg19 : memref<!tpu.dma_semaphore, #tpu.memory_space<semaphore_mem>>)
        %dma_start3A_231 = arith.constant 0 : i32
        %dma_start3A_232 = tpu.memref_slice %arg7[%add3A_224, %dma_start3A_231] : memref<24x128xi32, #tpu.memory_space<vmem>> -> memref<1x128xi32, #tpu.memory_space<vmem>>
        %dma_start3A_233 = tpu.memref_squeeze %dma_start3A_232 : memref<1x128xi32, #tpu.memory_space<vmem>> -> memref<128xi32, #tpu.memory_space<vmem>>
        %dma_start3A_234 = arith.constant 0 : i32
        %dma_start3A_235 = arith.constant 0 : i32
        %dma_start3A_236 = tpu.memref_slice %arg16[%dma_start3A_234, %dma_start3A_235] : memref<10240x16xf32, #tpu.memory_space<vmem_shared>> -> memref<10240x16xf32, #tpu.memory_space<vmem_shared>>
        tpu.enqueue_indirect_dma source(%dma_start3A_236 : memref<10240x16xf32, #tpu.memory_space<vmem_shared>>) target(%arg14 : memref<128x16xf32, #tpu.memory_space<vmem>>) offsets(%dma_start3A_233 : memref<128xi32, #tpu.memory_space<vmem>>) semaphore(%arg19 : memref<!tpu.dma_semaphore, #tpu.memory_space<semaphore_mem>>)
      } else {
      }
    }
    %scan3A_56 = arith.constant 5 : i32
    %dma_wait3A = arith.constant 0 : i32
    %dma_wait3A_57 = arith.constant 0 : i32
    %dma_wait3A_58 = tpu.memref_slice %arg5[%dma_wait3A, %dma_wait3A_57] : memref<81920x16xf32, #tpu.memory_space<hbm>> -> memref<128x16xf32, #tpu.memory_space<hbm>>
    %dma_wait3A_59 = arith.constant 0 : i32
    %dma_wait3A_60 = arith.constant 0 : i32
    %dma_wait3A_61 = tpu.memref_slice %arg5[%dma_wait3A_59, %dma_wait3A_60] : memref<81920x16xf32, #tpu.memory_space<hbm>> -> memref<128x16xf32, #tpu.memory_space<hbm>>
    tpu.wait_dma2 semaphore(%arg24 : memref<!tpu.dma_semaphore, #tpu.memory_space<semaphore_mem>>) src(%arg11 : memref<128x16xf32, #tpu.memory_space<vmem>>) dst(%dma_wait3A_61 : memref<128x16xf32, #tpu.memory_space<hbm>>)
    return
  }
}

#map = affine_map<(d0, d1) -> (0, 0)>
module attributes {stable_mosaic.version = 14 : i64} {
  func.func @body(%arg0: i32, %arg1: i32, %arg2: memref<10240x16xf32, #tpu.memory_space<hbm>>, %arg3: memref<768x128xi32, #tpu.memory_space<hbm>>, %arg4: memref<768x128xi32, #tpu.memory_space<hbm>>, %arg5: memref<81920x16xf32, #tpu.memory_space<hbm>>, %arg6: memref<24x128xi32, #tpu.memory_space<vmem>>, %arg7: memref<24x128xi32, #tpu.memory_space<vmem>>, %arg8: memref<128x16xf32, #tpu.memory_space<vmem>>, %arg9: memref<128x16xf32, #tpu.memory_space<vmem>>, %arg10: memref<128x16xf32, #tpu.memory_space<vmem>>, %arg11: memref<128x16xf32, #tpu.memory_space<vmem>>, %arg12: memref<128x16xf32, #tpu.memory_space<vmem>>, %arg13: memref<128x16xf32, #tpu.memory_space<vmem>>, %arg14: memref<128x16xf32, #tpu.memory_space<vmem>>, %arg15: memref<128x16xf32, #tpu.memory_space<vmem>>, %arg16: memref<10240x16xf32, #tpu.memory_space<vmem_shared>>, %arg17: memref<!tpu.dma_semaphore, #tpu.memory_space<semaphore_mem>>, %arg18: memref<!tpu.dma_semaphore, #tpu.memory_space<semaphore_mem>>, %arg19: memref<!tpu.dma_semaphore, #tpu.memory_space<semaphore_mem>>, %arg20: memref<!tpu.dma_semaphore, #tpu.memory_space<semaphore_mem>>, %arg21: memref<!tpu.dma_semaphore, #tpu.memory_space<semaphore_mem>>, %arg22: memref<!tpu.dma_semaphore, #tpu.memory_space<semaphore_mem>>, %arg23: memref<!tpu.dma_semaphore, #tpu.memory_space<semaphore_mem>>, %arg24: memref<!tpu.dma_semaphore, #tpu.memory_space<semaphore_mem>>) attributes {dimension_semantics = [#tpu.dimension_semantics<core_parallel>, #tpu.dimension_semantics<subcore_parallel>], iteration_bounds = array<i64: 2, 16>, scalar_prefetch = 0 : i64, scratch_operands = 19 : i64, tpu.core_type = #tpu.core_type<sc_vector_subcore>, window_params = [{transform_indices = #map}, {transform_indices = #map}, {transform_indices = #map}, {transform_indices = #map}]} {
    %mul3A = arith.constant 2 : i32
    %mul3A_0 = arith.muli %arg1, %mul3A : i32
    %add3A = arith.addi %mul3A_0, %arg0 : i32
    %mul3A_1 = arith.constant 20 : i32
    %mul3A_2 = arith.muli %add3A, %mul3A_1 : i32
    %mul3A_3 = arith.constant 24 : i32
    %mul3A_4 = arith.muli %add3A, %mul3A_3 : i32
    "tpu.region"() ({
      %run_scoped3A = tpu.sem_alloc : memref<!tpu.dma_semaphore, #tpu.memory_space<semaphore_mem>>
      %dma_start3A_62 = arith.constant 0 : i32
      %dma_start3A_63 = tpu.memref_slice %arg3[%mul3A_4, %dma_start3A_62] : memref<768x128xi32, #tpu.memory_space<hbm>> -> memref<24x128xi32, #tpu.memory_space<hbm>>
      %dma_start3A_64 = arith.constant 0 : i32
      %dma_start3A_65 = tpu.memref_slice %arg3[%mul3A_4, %dma_start3A_64] : memref<768x128xi32, #tpu.memory_space<hbm>> -> memref<24x128xi32, #tpu.memory_space<hbm>>
      tpu.enqueue_dma source(%dma_start3A_65 : memref<24x128xi32, #tpu.memory_space<hbm>>) target(%arg6 : memref<24x128xi32, #tpu.memory_space<vmem>>) target_semaphore(%run_scoped3A : memref<!tpu.dma_semaphore, #tpu.memory_space<semaphore_mem>>)
      %dma_wait3A_66 = arith.constant 0 : i32
      %dma_wait3A_67 = tpu.memref_slice %arg3[%mul3A_4, %dma_wait3A_66] : memref<768x128xi32, #tpu.memory_space<hbm>> -> memref<24x128xi32, #tpu.memory_space<hbm>>
      %dma_wait3A_68 = arith.constant 0 : i32
      %dma_wait3A_69 = tpu.memref_slice %arg3[%mul3A_4, %dma_wait3A_68] : memref<768x128xi32, #tpu.memory_space<hbm>> -> memref<24x128xi32, #tpu.memory_space<hbm>>
      tpu.wait_dma2 semaphore(%run_scoped3A : memref<!tpu.dma_semaphore, #tpu.memory_space<semaphore_mem>>) src(%dma_wait3A_69 : memref<24x128xi32, #tpu.memory_space<hbm>>) dst(%arg6 : memref<24x128xi32, #tpu.memory_space<vmem>>)
      tpu.yield
    }) : () -> ()
    %mul3A_5 = arith.constant 24 : i32
    %mul3A_6 = arith.muli %add3A, %mul3A_5 : i32
    "tpu.region"() ({
      %run_scoped3A = tpu.sem_alloc : memref<!tpu.dma_semaphore, #tpu.memory_space<semaphore_mem>>
      %dma_start3A_62 = arith.constant 0 : i32
      %dma_start3A_63 = tpu.memref_slice %arg4[%mul3A_6, %dma_start3A_62] : memref<768x128xi32, #tpu.memory_space<hbm>> -> memref<24x128xi32, #tpu.memory_space<hbm>>
      %dma_start3A_64 = arith.constant 0 : i32
      %dma_start3A_65 = tpu.memref_slice %arg4[%mul3A_6, %dma_start3A_64] : memref<768x128xi32, #tpu.memory_space<hbm>> -> memref<24x128xi32, #tpu.memory_space<hbm>>
      tpu.enqueue_dma source(%dma_start3A_65 : memref<24x128xi32, #tpu.memory_space<hbm>>) target(%arg7 : memref<24x128xi32, #tpu.memory_space<vmem>>) target_semaphore(%run_scoped3A : memref<!tpu.dma_semaphore, #tpu.memory_space<semaphore_mem>>)
      %dma_wait3A_66 = arith.constant 0 : i32
      %dma_wait3A_67 = tpu.memref_slice %arg4[%mul3A_6, %dma_wait3A_66] : memref<768x128xi32, #tpu.memory_space<hbm>> -> memref<24x128xi32, #tpu.memory_space<hbm>>
      %dma_wait3A_68 = arith.constant 0 : i32
      %dma_wait3A_69 = tpu.memref_slice %arg4[%mul3A_6, %dma_wait3A_68] : memref<768x128xi32, #tpu.memory_space<hbm>> -> memref<24x128xi32, #tpu.memory_space<hbm>>
      tpu.wait_dma2 semaphore(%run_scoped3A : memref<!tpu.dma_semaphore, #tpu.memory_space<semaphore_mem>>) src(%dma_wait3A_69 : memref<24x128xi32, #tpu.memory_space<hbm>>) dst(%arg7 : memref<24x128xi32, #tpu.memory_space<vmem>>)
      tpu.yield
    }) : () -> ()
    %mul3A_7 = arith.constant 640 : i32
    %mul3A_8 = arith.muli %arg1, %mul3A_7 : i32
    %mul3A_9 = arith.constant 640 : i32
    %mul3A_10 = arith.muli %arg1, %mul3A_9 : i32
    "tpu.region"() ({
      %run_scoped3A = tpu.sem_alloc : memref<!tpu.dma_semaphore, #tpu.memory_space<semaphore_mem>>
      %dma_start3A_62 = arith.constant 0 : i32
      %dma_start3A_63 = tpu.memref_slice %arg16[%mul3A_10, %dma_start3A_62] : memref<10240x16xf32, #tpu.memory_space<vmem_shared>> -> memref<640x16xf32, #tpu.memory_space<vmem_shared>>
      %dma_start3A_64 = arith.constant 0 : i32
      %dma_start3A_65 = tpu.memref_slice %arg2[%mul3A_8, %dma_start3A_64] : memref<10240x16xf32, #tpu.memory_space<hbm>> -> memref<640x16xf32, #tpu.memory_space<hbm>>
      tpu.enqueue_dma source(%dma_start3A_65 : memref<640x16xf32, #tpu.memory_space<hbm>>) target(%dma_start3A_63 : memref<640x16xf32, #tpu.memory_space<vmem_shared>>) target_semaphore(%run_scoped3A : memref<!tpu.dma_semaphore, #tpu.memory_space<semaphore_mem>>)
      %dma_wait3A_66 = arith.constant 0 : i32
      %dma_wait3A_67 = tpu.memref_slice %arg16[%mul3A_10, %dma_wait3A_66] : memref<10240x16xf32, #tpu.memory_space<vmem_shared>> -> memref<640x16xf32, #tpu.memory_space<vmem_shared>>
      %dma_wait3A_68 = arith.constant 0 : i32
      %dma_wait3A_69 = tpu.memref_slice %arg2[%mul3A_8, %dma_wait3A_68] : memref<10240x16xf32, #tpu.memory_space<hbm>> -> memref<640x16xf32, #tpu.memory_space<hbm>>
      tpu.wait_dma2 semaphore(%run_scoped3A : memref<!tpu.dma_semaphore, #tpu.memory_space<semaphore_mem>>) src(%dma_wait3A_69 : memref<640x16xf32, #tpu.memory_space<hbm>>) dst(%dma_wait3A_67 : memref<640x16xf32, #tpu.memory_space<vmem_shared>>)
      tpu.yield
    }) : () -> ()
    %barrier3A = arith.constant 0 : index
    tpu.barrier barrier_id(%barrier3A)
    %dma_start3A = arith.constant 0 : i32
    %dma_start3A_11 = arith.constant 0 : i32
    %dma_start3A_12 = tpu.memref_slice %arg6[%dma_start3A, %dma_start3A_11] : memref<24x128xi32, #tpu.memory_space<vmem>> -> memref<1x128xi32, #tpu.memory_space<vmem>>
    %dma_start3A_13 = tpu.memref_squeeze %dma_start3A_12 : memref<1x128xi32, #tpu.memory_space<vmem>> -> memref<128xi32, #tpu.memory_space<vmem>>
    %dma_start3A_14 = arith.constant 0 : i32
    %dma_start3A_15 = arith.constant 0 : i32
    %dma_start3A_16 = tpu.memref_slice %arg16[%dma_start3A_14, %dma_start3A_15] : memref<10240x16xf32, #tpu.memory_space<vmem_shared>> -> memref<10240x16xf32, #tpu.memory_space<vmem_shared>>
    tpu.enqueue_indirect_dma source(%dma_start3A_16 : memref<10240x16xf32, #tpu.memory_space<vmem_shared>>) target(%arg8 : memref<128x16xf32, #tpu.memory_space<vmem>>) offsets(%dma_start3A_13 : memref<128xi32, #tpu.memory_space<vmem>>) semaphore(%arg17 : memref<!tpu.dma_semaphore, #tpu.memory_space<semaphore_mem>>)
    %dma_start3A_17 = arith.constant 0 : i32
    %dma_start3A_18 = arith.constant 0 : i32
    %dma_start3A_19 = tpu.memref_slice %arg7[%dma_start3A_17, %dma_start3A_18] : memref<24x128xi32, #tpu.memory_space<vmem>> -> memref<1x128xi32, #tpu.memory_space<vmem>>
    %dma_start3A_20 = tpu.memref_squeeze %dma_start3A_19 : memref<1x128xi32, #tpu.memory_space<vmem>> -> memref<128xi32, #tpu.memory_space<vmem>>
    %dma_start3A_21 = arith.constant 0 : i32
    %dma_start3A_22 = arith.constant 0 : i32
    %dma_start3A_23 = tpu.memref_slice %arg16[%dma_start3A_21, %dma_start3A_22] : memref<10240x16xf32, #tpu.memory_space<vmem_shared>> -> memref<10240x16xf32, #tpu.memory_space<vmem_shared>>
    tpu.enqueue_indirect_dma source(%dma_start3A_23 : memref<10240x16xf32, #tpu.memory_space<vmem_shared>>) target(%arg12 : memref<128x16xf32, #tpu.memory_space<vmem>>) offsets(%dma_start3A_20 : memref<128xi32, #tpu.memory_space<vmem>>) semaphore(%arg17 : memref<!tpu.dma_semaphore, #tpu.memory_space<semaphore_mem>>)
    %dma_start3A_24 = arith.constant 1 : i32
    %dma_start3A_25 = arith.constant 0 : i32
    %dma_start3A_26 = tpu.memref_slice %arg6[%dma_start3A_24, %dma_start3A_25] : memref<24x128xi32, #tpu.memory_space<vmem>> -> memref<1x128xi32, #tpu.memory_space<vmem>>
    %dma_start3A_27 = tpu.memref_squeeze %dma_start3A_26 : memref<1x128xi32, #tpu.memory_space<vmem>> -> memref<128xi32, #tpu.memory_space<vmem>>
    %dma_start3A_28 = arith.constant 0 : i32
    %dma_start3A_29 = arith.constant 0 : i32
    %dma_start3A_30 = tpu.memref_slice %arg16[%dma_start3A_28, %dma_start3A_29] : memref<10240x16xf32, #tpu.memory_space<vmem_shared>> -> memref<10240x16xf32, #tpu.memory_space<vmem_shared>>
    tpu.enqueue_indirect_dma source(%dma_start3A_30 : memref<10240x16xf32, #tpu.memory_space<vmem_shared>>) target(%arg9 : memref<128x16xf32, #tpu.memory_space<vmem>>) offsets(%dma_start3A_27 : memref<128xi32, #tpu.memory_space<vmem>>) semaphore(%arg18 : memref<!tpu.dma_semaphore, #tpu.memory_space<semaphore_mem>>)
    %dma_start3A_31 = arith.constant 1 : i32
    %dma_start3A_32 = arith.constant 0 : i32
    %dma_start3A_33 = tpu.memref_slice %arg7[%dma_start3A_31, %dma_start3A_32] : memref<24x128xi32, #tpu.memory_space<vmem>> -> memref<1x128xi32, #tpu.memory_space<vmem>>
    %dma_start3A_34 = tpu.memref_squeeze %dma_start3A_33 : memref<1x128xi32, #tpu.memory_space<vmem>> -> memref<128xi32, #tpu.memory_space<vmem>>
    %dma_start3A_35 = arith.constant 0 : i32
    %dma_start3A_36 = arith.constant 0 : i32
    %dma_start3A_37 = tpu.memref_slice %arg16[%dma_start3A_35, %dma_start3A_36] : memref<10240x16xf32, #tpu.memory_space<vmem_shared>> -> memref<10240x16xf32, #tpu.memory_space<vmem_shared>>
    tpu.enqueue_indirect_dma source(%dma_start3A_37 : memref<10240x16xf32, #tpu.memory_space<vmem_shared>>) target(%arg13 : memref<128x16xf32, #tpu.memory_space<vmem>>) offsets(%dma_start3A_34 : memref<128xi32, #tpu.memory_space<vmem>>) semaphore(%arg18 : memref<!tpu.dma_semaphore, #tpu.memory_space<semaphore_mem>>)
    %dma_start3A_38 = arith.constant 2 : i32
    %dma_start3A_39 = arith.constant 0 : i32
    %dma_start3A_40 = tpu.memref_slice %arg6[%dma_start3A_38, %dma_start3A_39] : memref<24x128xi32, #tpu.memory_space<vmem>> -> memref<1x128xi32, #tpu.memory_space<vmem>>
    %dma_start3A_41 = tpu.memref_squeeze %dma_start3A_40 : memref<1x128xi32, #tpu.memory_space<vmem>> -> memref<128xi32, #tpu.memory_space<vmem>>
    %dma_start3A_42 = arith.constant 0 : i32
    %dma_start3A_43 = arith.constant 0 : i32
    %dma_start3A_44 = tpu.memref_slice %arg16[%dma_start3A_42, %dma_start3A_43] : memref<10240x16xf32, #tpu.memory_space<vmem_shared>> -> memref<10240x16xf32, #tpu.memory_space<vmem_shared>>
    tpu.enqueue_indirect_dma source(%dma_start3A_44 : memref<10240x16xf32, #tpu.memory_space<vmem_shared>>) target(%arg10 : memref<128x16xf32, #tpu.memory_space<vmem>>) offsets(%dma_start3A_41 : memref<128xi32, #tpu.memory_space<vmem>>) semaphore(%arg19 : memref<!tpu.dma_semaphore, #tpu.memory_space<semaphore_mem>>)
    %dma_start3A_45 = arith.constant 2 : i32
    %dma_start3A_46 = arith.constant 0 : i32
    %dma_start3A_47 = tpu.memref_slice %arg7[%dma_start3A_45, %dma_start3A_46] : memref<24x128xi32, #tpu.memory_space<vmem>> -> memref<1x128xi32, #tpu.memory_space<vmem>>
    %dma_start3A_48 = tpu.memref_squeeze %dma_start3A_47 : memref<1x128xi32, #tpu.memory_space<vmem>> -> memref<128xi32, #tpu.memory_space<vmem>>
    %dma_start3A_49 = arith.constant 0 : i32
    %dma_start3A_50 = arith.constant 0 : i32
    %dma_start3A_51 = tpu.memref_slice %arg16[%dma_start3A_49, %dma_start3A_50] : memref<10240x16xf32, #tpu.memory_space<vmem_shared>> -> memref<10240x16xf32, #tpu.memory_space<vmem_shared>>
    tpu.enqueue_indirect_dma source(%dma_start3A_51 : memref<10240x16xf32, #tpu.memory_space<vmem_shared>>) target(%arg14 : memref<128x16xf32, #tpu.memory_space<vmem>>) offsets(%dma_start3A_48 : memref<128xi32, #tpu.memory_space<vmem>>) semaphore(%arg19 : memref<!tpu.dma_semaphore, #tpu.memory_space<semaphore_mem>>)
    %scan3A = arith.constant 0 : i32
    %scan3A_52 = arith.constant 0 : i32
    %scan3A_53 = arith.constant 5 : i32
    %scan3A_54 = arith.addi %scan3A_52, %scan3A_53 : i32
    %scan3A_55 = arith.constant 1 : i32
    scf.for %scan3A_62 = %scan3A_52 to %scan3A_54 step %scan3A_55  : i32 {
      %mul3A_63 = arith.constant 4 : i32
      %mul3A_64 = arith.muli %scan3A_62, %mul3A_63 : i32
      %add3A_65 = arith.constant 0 : i32
      %add3A_66 = arith.addi %mul3A_64, %add3A_65 : i32
      %dma_wait3A_67 = arith.constant 0 : i32
      %dma_wait3A_68 = arith.constant 0 : i32
      %dma_wait3A_69 = tpu.memref_slice %arg2[%dma_wait3A_67, %dma_wait3A_68] : memref<10240x16xf32, #tpu.memory_space<hbm>> -> memref<128x16xf32, #tpu.memory_space<hbm>>
      %dma_wait3A_70 = arith.constant 0 : i32
      %dma_wait3A_71 = arith.constant 0 : i32
      %dma_wait3A_72 = tpu.memref_slice %arg2[%dma_wait3A_70, %dma_wait3A_71] : memref<10240x16xf32, #tpu.memory_space<hbm>> -> memref<128x16xf32, #tpu.memory_space<hbm>>
      tpu.wait_dma2 semaphore(%arg17 : memref<!tpu.dma_semaphore, #tpu.memory_space<semaphore_mem>>) src(%dma_wait3A_72 : memref<128x16xf32, #tpu.memory_space<hbm>>) dst(%arg8 : memref<128x16xf32, #tpu.memory_space<vmem>>)
      %dma_wait3A_73 = arith.constant 0 : i32
      %dma_wait3A_74 = arith.constant 0 : i32
      %dma_wait3A_75 = tpu.memref_slice %arg2[%dma_wait3A_73, %dma_wait3A_74] : memref<10240x16xf32, #tpu.memory_space<hbm>> -> memref<128x16xf32, #tpu.memory_space<hbm>>
      %dma_wait3A_76 = arith.constant 0 : i32
      %dma_wait3A_77 = arith.constant 0 : i32
      %dma_wait3A_78 = tpu.memref_slice %arg2[%dma_wait3A_76, %dma_wait3A_77] : memref<10240x16xf32, #tpu.memory_space<hbm>> -> memref<128x16xf32, #tpu.memory_space<hbm>>
      tpu.wait_dma2 semaphore(%arg17 : memref<!tpu.dma_semaphore, #tpu.memory_space<semaphore_mem>>) src(%dma_wait3A_78 : memref<128x16xf32, #tpu.memory_space<hbm>>) dst(%arg12 : memref<128x16xf32, #tpu.memory_space<vmem>>)
      %scan3A_79 = arith.constant 0 : i32
      %scan3A_80 = arith.constant 0 : i32
      %scan3A_81 = arith.constant 128 : i32
      %scan3A_82 = arith.addi %scan3A_80, %scan3A_81 : i32
      %scan3A_83 = arith.constant 1 : i32
      scf.for %scan3A_223 = %scan3A_80 to %scan3A_82 step %scan3A_83  : i32 {
        %get3A = arith.index_cast %scan3A_223 : i32 to index
        %get3A_224 = arith.constant 0 : index
        %get3A_225 = tpu.vector_load %arg8[%get3A, %get3A_224] {strides = array<i32>} : memref<128x16xf32, #tpu.memory_space<vmem>>, vector<1x16xf32>,
        %get3A_226 = vector.shape_cast %get3A_225 : vector<1x16xf32> to vector<16xf32>
        %get3A_227 = arith.index_cast %scan3A_223 : i32 to index
        %get3A_228 = arith.constant 0 : index
        %get3A_229 = tpu.vector_load %arg12[%get3A_227, %get3A_228] {strides = array<i32>} : memref<128x16xf32, #tpu.memory_space<vmem>>, vector<1x16xf32>,
        %get3A_230 = vector.shape_cast %get3A_229 : vector<1x16xf32> to vector<16xf32>
        %sub3A = arith.subf %get3A_226, %get3A_230 : vector<16xf32>
        %swap3A = arith.index_cast %scan3A_223 : i32 to index
        %swap3A_231 = arith.constant 0 : index
        %swap3A_232 = tpu.vector_load %arg8[%swap3A, %swap3A_231] {strides = array<i32>} : memref<128x16xf32, #tpu.memory_space<vmem>>, vector<1x16xf32>,
        %swap3A_233 = vector.shape_cast %swap3A_232 : vector<1x16xf32> to vector<16xf32>
        %swap3A_234 = vector.shape_cast %sub3A : vector<16xf32> to vector<1x16xf32>
        tpu.vector_store %arg8[%swap3A, %swap3A_231], %swap3A_234 {strides = array<i32>} : memref<128x16xf32, #tpu.memory_space<vmem>>, vector<1x16xf32>,
      }
      %scan3A_84 = arith.constant 128 : i32
      %add3A_85 = arith.addi %mul3A_2, %add3A_66 : i32
      %mul3A_86 = arith.constant 128 : i32
      %mul3A_87 = arith.muli %add3A_85, %mul3A_86 : i32
      %dma_start3A_88 = arith.constant 0 : i32
      %dma_start3A_89 = tpu.memref_slice %arg5[%mul3A_87, %dma_start3A_88] : memref<81920x16xf32, #tpu.memory_space<hbm>> -> memref<128x16xf32, #tpu.memory_space<hbm>>
      %dma_start3A_90 = arith.constant 0 : i32
      %dma_start3A_91 = tpu.memref_slice %arg5[%mul3A_87, %dma_start3A_90] : memref<81920x16xf32, #tpu.memory_space<hbm>> -> memref<128x16xf32, #tpu.memory_space<hbm>>
      tpu.enqueue_dma source(%arg8 : memref<128x16xf32, #tpu.memory_space<vmem>>) target(%dma_start3A_91 : memref<128x16xf32, #tpu.memory_space<hbm>>) target_semaphore(%arg21 : memref<!tpu.dma_semaphore, #tpu.memory_space<semaphore_mem>>)
      %ge3A = arith.constant 1 : i32
      %ge3A_92 = arith.cmpi sge, %add3A_66, %ge3A : i32
      %convert_element_type3A = arith.extui %ge3A_92 : i1 to i32
      %cond3A = arith.constant 0 : i32
      %cond3A_93 = arith.cmpi ne, %convert_element_type3A, %cond3A : i32
      scf.if %cond3A_93 {
        %dma_wait3A_223 = arith.constant 0 : i32
        %dma_wait3A_224 = arith.constant 0 : i32
        %dma_wait3A_225 = tpu.memref_slice %arg5[%dma_wait3A_223, %dma_wait3A_224] : memref<81920x16xf32, #tpu.memory_space<hbm>> -> memref<128x16xf32, #tpu.memory_space<hbm>>
        %dma_wait3A_226 = arith.constant 0 : i32
        %dma_wait3A_227 = arith.constant 0 : i32
        %dma_wait3A_228 = tpu.memref_slice %arg5[%dma_wait3A_226, %dma_wait3A_227] : memref<81920x16xf32, #tpu.memory_space<hbm>> -> memref<128x16xf32, #tpu.memory_space<hbm>>
        tpu.wait_dma2 semaphore(%arg24 : memref<!tpu.dma_semaphore, #tpu.memory_space<semaphore_mem>>) src(%arg11 : memref<128x16xf32, #tpu.memory_space<vmem>>) dst(%dma_wait3A_228 : memref<128x16xf32, #tpu.memory_space<hbm>>)
      } else {
      }
      %add3A_94 = arith.constant 3 : i32
      %add3A_95 = arith.addi %add3A_66, %add3A_94 : i32
      %lt3A = arith.constant 20 : i32
      %lt3A_96 = arith.cmpi slt, %add3A_95, %lt3A : i32
      %convert_element_type3A_97 = arith.extui %lt3A_96 : i1 to i32
      %cond3A_98 = arith.constant 0 : i32
      %cond3A_99 = arith.cmpi ne, %convert_element_type3A_97, %cond3A_98 : i32
      scf.if %cond3A_99 {
        %add3A_223 = arith.constant 3 : i32
        %add3A_224 = arith.addi %add3A_66, %add3A_223 : i32
        %dma_start3A_225 = arith.constant 0 : i32
        %dma_start3A_226 = tpu.memref_slice %arg6[%add3A_224, %dma_start3A_225] : memref<24x128xi32, #tpu.memory_space<vmem>> -> memref<1x128xi32, #tpu.memory_space<vmem>>
        %dma_start3A_227 = tpu.memref_squeeze %dma_start3A_226 : memref<1x128xi32, #tpu.memory_space<vmem>> -> memref<128xi32, #tpu.memory_space<vmem>>
        %dma_start3A_228 = arith.constant 0 : i32
        %dma_start3A_229 = arith.constant 0 : i32
        %dma_start3A_230 = tpu.memref_slice %arg16[%dma_start3A_228, %dma_start3A_229] : memref<10240x16xf32, #tpu.memory_space<vmem_shared>> -> memref<10240x16xf32, #tpu.memory_space<vmem_shared>>
        tpu.enqueue_indirect_dma source(%dma_start3A_230 : memref<10240x16xf32, #tpu.memory_space<vmem_shared>>) target(%arg11 : memref<128x16xf32, #tpu.memory_space<vmem>>) offsets(%dma_start3A_227 : memref<128xi32, #tpu.memory_space<vmem>>) semaphore(%arg20 : memref<!tpu.dma_semaphore, #tpu.memory_space<semaphore_mem>>)
        %dma_start3A_231 = arith.constant 0 : i32
        %dma_start3A_232 = tpu.memref_slice %arg7[%add3A_224, %dma_start3A_231] : memref<24x128xi32, #tpu.memory_space<vmem>> -> memref<1x128xi32, #tpu.memory_space<vmem>>
        %dma_start3A_233 = tpu.memref_squeeze %dma_start3A_232 : memref<1x128xi32, #tpu.memory_space<vmem>> -> memref<128xi32, #tpu.memory_space<vmem>>
        %dma_start3A_234 = arith.constant 0 : i32
        %dma_start3A_235 = arith.constant 0 : i32
        %dma_start3A_236 = tpu.memref_slice %arg16[%dma_start3A_234, %dma_start3A_235] : memref<10240x16xf32, #tpu.memory_space<vmem_shared>> -> memref<10240x16xf32, #tpu.memory_space<vmem_shared>>
        tpu.enqueue_indirect_dma source(%dma_start3A_236 : memref<10240x16xf32, #tpu.memory_space<vmem_shared>>) target(%arg15 : memref<128x16xf32, #tpu.memory_space<vmem>>) offsets(%dma_start3A_233 : memref<128xi32, #tpu.memory_space<vmem>>) semaphore(%arg20 : memref<!tpu.dma_semaphore, #tpu.memory_space<semaphore_mem>>)
      } else {
      }
      %mul3A_100 = arith.constant 4 : i32
      %mul3A_101 = arith.muli %scan3A_62, %mul3A_100 : i32
      %add3A_102 = arith.constant 1 : i32
      %add3A_103 = arith.addi %mul3A_101, %add3A_102 : i32
      %dma_wait3A_104 = arith.constant 0 : i32
      %dma_wait3A_105 = arith.constant 0 : i32
      %dma_wait3A_106 = tpu.memref_slice %arg2[%dma_wait3A_104, %dma_wait3A_105] : memref<10240x16xf32, #tpu.memory_space<hbm>> -> memref<128x16xf32, #tpu.memory_space<hbm>>
      %dma_wait3A_107 = arith.constant 0 : i32
      %dma_wait3A_108 = arith.constant 0 : i32
      %dma_wait3A_109 = tpu.memref_slice %arg2[%dma_wait3A_107, %dma_wait3A_108] : memref<10240x16xf32, #tpu.memory_space<hbm>> -> memref<128x16xf32, #tpu.memory_space<hbm>>
      tpu.wait_dma2 semaphore(%arg18 : memref<!tpu.dma_semaphore, #tpu.memory_space<semaphore_mem>>) src(%dma_wait3A_109 : memref<128x16xf32, #tpu.memory_space<hbm>>) dst(%arg9 : memref<128x16xf32, #tpu.memory_space<vmem>>)
      %dma_wait3A_110 = arith.constant 0 : i32
      %dma_wait3A_111 = arith.constant 0 : i32
      %dma_wait3A_112 = tpu.memref_slice %arg2[%dma_wait3A_110, %dma_wait3A_111] : memref<10240x16xf32, #tpu.memory_space<hbm>> -> memref<128x16xf32, #tpu.memory_space<hbm>>
      %dma_wait3A_113 = arith.constant 0 : i32
      %dma_wait3A_114 = arith.constant 0 : i32
      %dma_wait3A_115 = tpu.memref_slice %arg2[%dma_wait3A_113, %dma_wait3A_114] : memref<10240x16xf32, #tpu.memory_space<hbm>> -> memref<128x16xf32, #tpu.memory_space<hbm>>
      tpu.wait_dma2 semaphore(%arg18 : memref<!tpu.dma_semaphore, #tpu.memory_space<semaphore_mem>>) src(%dma_wait3A_115 : memref<128x16xf32, #tpu.memory_space<hbm>>) dst(%arg13 : memref<128x16xf32, #tpu.memory_space<vmem>>)
      %scan3A_116 = arith.constant 0 : i32
      %scan3A_117 = arith.constant 0 : i32
      %scan3A_118 = arith.constant 128 : i32
      %scan3A_119 = arith.addi %scan3A_117, %scan3A_118 : i32
      %scan3A_120 = arith.constant 1 : i32
      scf.for %scan3A_223 = %scan3A_117 to %scan3A_119 step %scan3A_120  : i32 {
        %get3A = arith.index_cast %scan3A_223 : i32 to index
        %get3A_224 = arith.constant 0 : index
        %get3A_225 = tpu.vector_load %arg9[%get3A, %get3A_224] {strides = array<i32>} : memref<128x16xf32, #tpu.memory_space<vmem>>, vector<1x16xf32>,
        %get3A_226 = vector.shape_cast %get3A_225 : vector<1x16xf32> to vector<16xf32>
        %get3A_227 = arith.index_cast %scan3A_223 : i32 to index
        %get3A_228 = arith.constant 0 : index
        %get3A_229 = tpu.vector_load %arg13[%get3A_227, %get3A_228] {strides = array<i32>} : memref<128x16xf32, #tpu.memory_space<vmem>>, vector<1x16xf32>,
        %get3A_230 = vector.shape_cast %get3A_229 : vector<1x16xf32> to vector<16xf32>
        %sub3A = arith.subf %get3A_226, %get3A_230 : vector<16xf32>
        %swap3A = arith.index_cast %scan3A_223 : i32 to index
        %swap3A_231 = arith.constant 0 : index
        %swap3A_232 = tpu.vector_load %arg9[%swap3A, %swap3A_231] {strides = array<i32>} : memref<128x16xf32, #tpu.memory_space<vmem>>, vector<1x16xf32>,
        %swap3A_233 = vector.shape_cast %swap3A_232 : vector<1x16xf32> to vector<16xf32>
        %swap3A_234 = vector.shape_cast %sub3A : vector<16xf32> to vector<1x16xf32>
        tpu.vector_store %arg9[%swap3A, %swap3A_231], %swap3A_234 {strides = array<i32>} : memref<128x16xf32, #tpu.memory_space<vmem>>, vector<1x16xf32>,
      }
      %scan3A_121 = arith.constant 128 : i32
      %add3A_122 = arith.addi %mul3A_2, %add3A_103 : i32
      %mul3A_123 = arith.constant 128 : i32
      %mul3A_124 = arith.muli %add3A_122, %mul3A_123 : i32
      %dma_start3A_125 = arith.constant 0 : i32
      %dma_start3A_126 = tpu.memref_slice %arg5[%mul3A_124, %dma_start3A_125] : memref<81920x16xf32, #tpu.memory_space<hbm>> -> memref<128x16xf32, #tpu.memory_space<hbm>>
      %dma_start3A_127 = arith.constant 0 : i32
      %dma_start3A_128 = tpu.memref_slice %arg5[%mul3A_124, %dma_start3A_127] : memref<81920x16xf32, #tpu.memory_space<hbm>> -> memref<128x16xf32, #tpu.memory_space<hbm>>
      tpu.enqueue_dma source(%arg9 : memref<128x16xf32, #tpu.memory_space<vmem>>) target(%dma_start3A_128 : memref<128x16xf32, #tpu.memory_space<hbm>>) target_semaphore(%arg22 : memref<!tpu.dma_semaphore, #tpu.memory_space<semaphore_mem>>)
      %ge3A_129 = arith.constant 1 : i32
      %ge3A_130 = arith.cmpi sge, %add3A_103, %ge3A_129 : i32
      %convert_element_type3A_131 = arith.extui %ge3A_130 : i1 to i32
      %cond3A_132 = arith.constant 0 : i32
      %cond3A_133 = arith.cmpi ne, %convert_element_type3A_131, %cond3A_132 : i32
      scf.if %cond3A_133 {
        %dma_wait3A_223 = arith.constant 0 : i32
        %dma_wait3A_224 = arith.constant 0 : i32
        %dma_wait3A_225 = tpu.memref_slice %arg5[%dma_wait3A_223, %dma_wait3A_224] : memref<81920x16xf32, #tpu.memory_space<hbm>> -> memref<128x16xf32, #tpu.memory_space<hbm>>
        %dma_wait3A_226 = arith.constant 0 : i32
        %dma_wait3A_227 = arith.constant 0 : i32
        %dma_wait3A_228 = tpu.memref_slice %arg5[%dma_wait3A_226, %dma_wait3A_227] : memref<81920x16xf32, #tpu.memory_space<hbm>> -> memref<128x16xf32, #tpu.memory_space<hbm>>
        tpu.wait_dma2 semaphore(%arg21 : memref<!tpu.dma_semaphore, #tpu.memory_space<semaphore_mem>>) src(%arg8 : memref<128x16xf32, #tpu.memory_space<vmem>>) dst(%dma_wait3A_228 : memref<128x16xf32, #tpu.memory_space<hbm>>)
      } else {
      }
      %add3A_134 = arith.constant 3 : i32
      %add3A_135 = arith.addi %add3A_103, %add3A_134 : i32
      %lt3A_136 = arith.constant 20 : i32
      %lt3A_137 = arith.cmpi slt, %add3A_135, %lt3A_136 : i32
      %convert_element_type3A_138 = arith.extui %lt3A_137 : i1 to i32
      %cond3A_139 = arith.constant 0 : i32
      %cond3A_140 = arith.cmpi ne, %convert_element_type3A_138, %cond3A_139 : i32
      scf.if %cond3A_140 {
        %add3A_223 = arith.constant 3 : i32
        %add3A_224 = arith.addi %add3A_103, %add3A_223 : i32
        %dma_start3A_225 = arith.constant 0 : i32
        %dma_start3A_226 = tpu.memref_slice %arg6[%add3A_224, %dma_start3A_225] : memref<24x128xi32, #tpu.memory_space<vmem>> -> memref<1x128xi32, #tpu.memory_space<vmem>>
        %dma_start3A_227 = tpu.memref_squeeze %dma_start3A_226 : memref<1x128xi32, #tpu.memory_space<vmem>> -> memref<128xi32, #tpu.memory_space<vmem>>
        %dma_start3A_228 = arith.constant 0 : i32
        %dma_start3A_229 = arith.constant 0 : i32
        %dma_start3A_230 = tpu.memref_slice %arg16[%dma_start3A_228, %dma_start3A_229] : memref<10240x16xf32, #tpu.memory_space<vmem_shared>> -> memref<10240x16xf32, #tpu.memory_space<vmem_shared>>
        tpu.enqueue_indirect_dma source(%dma_start3A_230 : memref<10240x16xf32, #tpu.memory_space<vmem_shared>>) target(%arg8 : memref<128x16xf32, #tpu.memory_space<vmem>>) offsets(%dma_start3A_227 : memref<128xi32, #tpu.memory_space<vmem>>) semaphore(%arg17 : memref<!tpu.dma_semaphore, #tpu.memory_space<semaphore_mem>>)
        %dma_start3A_231 = arith.constant 0 : i32
        %dma_start3A_232 = tpu.memref_slice %arg7[%add3A_224, %dma_start3A_231] : memref<24x128xi32, #tpu.memory_space<vmem>> -> memref<1x128xi32, #tpu.memory_space<vmem>>
        %dma_start3A_233 = tpu.memref_squeeze %dma_start3A_232 : memref<1x128xi32, #tpu.memory_space<vmem>> -> memref<128xi32, #tpu.memory_space<vmem>>
        %dma_start3A_234 = arith.constant 0 : i32
        %dma_start3A_235 = arith.constant 0 : i32
        %dma_start3A_236 = tpu.memref_slice %arg16[%dma_start3A_234, %dma_start3A_235] : memref<10240x16xf32, #tpu.memory_space<vmem_shared>> -> memref<10240x16xf32, #tpu.memory_space<vmem_shared>>
        tpu.enqueue_indirect_dma source(%dma_start3A_236 : memref<10240x16xf32, #tpu.memory_space<vmem_shared>>) target(%arg12 : memref<128x16xf32, #tpu.memory_space<vmem>>) offsets(%dma_start3A_233 : memref<128xi32, #tpu.memory_space<vmem>>) semaphore(%arg17 : memref<!tpu.dma_semaphore, #tpu.memory_space<semaphore_mem>>)
      } else {
      }
      %mul3A_141 = arith.constant 4 : i32
      %mul3A_142 = arith.muli %scan3A_62, %mul3A_141 : i32
      %add3A_143 = arith.constant 2 : i32
      %add3A_144 = arith.addi %mul3A_142, %add3A_143 : i32
      %dma_wait3A_145 = arith.constant 0 : i32
      %dma_wait3A_146 = arith.constant 0 : i32
      %dma_wait3A_147 = tpu.memref_slice %arg2[%dma_wait3A_145, %dma_wait3A_146] : memref<10240x16xf32, #tpu.memory_space<hbm>> -> memref<128x16xf32, #tpu.memory_space<hbm>>
      %dma_wait3A_148 = arith.constant 0 : i32
      %dma_wait3A_149 = arith.constant 0 : i32
      %dma_wait3A_150 = tpu.memref_slice %arg2[%dma_wait3A_148, %dma_wait3A_149] : memref<10240x16xf32, #tpu.memory_space<hbm>> -> memref<128x16xf32, #tpu.memory_space<hbm>>
      tpu.wait_dma2 semaphore(%arg19 : memref<!tpu.dma_semaphore, #tpu.memory_space<semaphore_mem>>) src(%dma_wait3A_150 : memref<128x16xf32, #tpu.memory_space<hbm>>) dst(%arg10 : memref<128x16xf32, #tpu.memory_space<vmem>>)
      %dma_wait3A_151 = arith.constant 0 : i32
      %dma_wait3A_152 = arith.constant 0 : i32
      %dma_wait3A_153 = tpu.memref_slice %arg2[%dma_wait3A_151, %dma_wait3A_152] : memref<10240x16xf32, #tpu.memory_space<hbm>> -> memref<128x16xf32, #tpu.memory_space<hbm>>
      %dma_wait3A_154 = arith.constant 0 : i32
      %dma_wait3A_155 = arith.constant 0 : i32
      %dma_wait3A_156 = tpu.memref_slice %arg2[%dma_wait3A_154, %dma_wait3A_155] : memref<10240x16xf32, #tpu.memory_space<hbm>> -> memref<128x16xf32, #tpu.memory_space<hbm>>
      tpu.wait_dma2 semaphore(%arg19 : memref<!tpu.dma_semaphore, #tpu.memory_space<semaphore_mem>>) src(%dma_wait3A_156 : memref<128x16xf32, #tpu.memory_space<hbm>>) dst(%arg14 : memref<128x16xf32, #tpu.memory_space<vmem>>)
      %scan3A_157 = arith.constant 0 : i32
      %scan3A_158 = arith.constant 0 : i32
      %scan3A_159 = arith.constant 128 : i32
      %scan3A_160 = arith.addi %scan3A_158, %scan3A_159 : i32
      %scan3A_161 = arith.constant 1 : i32
      scf.for %scan3A_223 = %scan3A_158 to %scan3A_160 step %scan3A_161  : i32 {
        %get3A = arith.index_cast %scan3A_223 : i32 to index
        %get3A_224 = arith.constant 0 : index
        %get3A_225 = tpu.vector_load %arg10[%get3A, %get3A_224] {strides = array<i32>} : memref<128x16xf32, #tpu.memory_space<vmem>>, vector<1x16xf32>,
        %get3A_226 = vector.shape_cast %get3A_225 : vector<1x16xf32> to vector<16xf32>
        %get3A_227 = arith.index_cast %scan3A_223 : i32 to index
        %get3A_228 = arith.constant 0 : index
        %get3A_229 = tpu.vector_load %arg14[%get3A_227, %get3A_228] {strides = array<i32>} : memref<128x16xf32, #tpu.memory_space<vmem>>, vector<1x16xf32>,
        %get3A_230 = vector.shape_cast %get3A_229 : vector<1x16xf32> to vector<16xf32>
        %sub3A = arith.subf %get3A_226, %get3A_230 : vector<16xf32>
        %swap3A = arith.index_cast %scan3A_223 : i32 to index
        %swap3A_231 = arith.constant 0 : index
        %swap3A_232 = tpu.vector_load %arg10[%swap3A, %swap3A_231] {strides = array<i32>} : memref<128x16xf32, #tpu.memory_space<vmem>>, vector<1x16xf32>,
        %swap3A_233 = vector.shape_cast %swap3A_232 : vector<1x16xf32> to vector<16xf32>
        %swap3A_234 = vector.shape_cast %sub3A : vector<16xf32> to vector<1x16xf32>
        tpu.vector_store %arg10[%swap3A, %swap3A_231], %swap3A_234 {strides = array<i32>} : memref<128x16xf32, #tpu.memory_space<vmem>>, vector<1x16xf32>,
      }
      %scan3A_162 = arith.constant 128 : i32
      %add3A_163 = arith.addi %mul3A_2, %add3A_144 : i32
      %mul3A_164 = arith.constant 128 : i32
      %mul3A_165 = arith.muli %add3A_163, %mul3A_164 : i32
      %dma_start3A_166 = arith.constant 0 : i32
      %dma_start3A_167 = tpu.memref_slice %arg5[%mul3A_165, %dma_start3A_166] : memref<81920x16xf32, #tpu.memory_space<hbm>> -> memref<128x16xf32, #tpu.memory_space<hbm>>
      %dma_start3A_168 = arith.constant 0 : i32
      %dma_start3A_169 = tpu.memref_slice %arg5[%mul3A_165, %dma_start3A_168] : memref<81920x16xf32, #tpu.memory_space<hbm>> -> memref<128x16xf32, #tpu.memory_space<hbm>>
      tpu.enqueue_dma source(%arg10 : memref<128x16xf32, #tpu.memory_space<vmem>>) target(%dma_start3A_169 : memref<128x16xf32, #tpu.memory_space<hbm>>) target_semaphore(%arg23 : memref<!tpu.dma_semaphore, #tpu.memory_space<semaphore_mem>>)
      %ge3A_170 = arith.constant 1 : i32
      %ge3A_171 = arith.cmpi sge, %add3A_144, %ge3A_170 : i32
      %convert_element_type3A_172 = arith.extui %ge3A_171 : i1 to i32
      %cond3A_173 = arith.constant 0 : i32
      %cond3A_174 = arith.cmpi ne, %convert_element_type3A_172, %cond3A_173 : i32
      scf.if %cond3A_174 {
        %dma_wait3A_223 = arith.constant 0 : i32
        %dma_wait3A_224 = arith.constant 0 : i32
        %dma_wait3A_225 = tpu.memref_slice %arg5[%dma_wait3A_223, %dma_wait3A_224] : memref<81920x16xf32, #tpu.memory_space<hbm>> -> memref<128x16xf32, #tpu.memory_space<hbm>>
        %dma_wait3A_226 = arith.constant 0 : i32
        %dma_wait3A_227 = arith.constant 0 : i32
        %dma_wait3A_228 = tpu.memref_slice %arg5[%dma_wait3A_226, %dma_wait3A_227] : memref<81920x16xf32, #tpu.memory_space<hbm>> -> memref<128x16xf32, #tpu.memory_space<hbm>>
        tpu.wait_dma2 semaphore(%arg22 : memref<!tpu.dma_semaphore, #tpu.memory_space<semaphore_mem>>) src(%arg9 : memref<128x16xf32, #tpu.memory_space<vmem>>) dst(%dma_wait3A_228 : memref<128x16xf32, #tpu.memory_space<hbm>>)
      } else {
      }
      %add3A_175 = arith.constant 3 : i32
      %add3A_176 = arith.addi %add3A_144, %add3A_175 : i32
      %lt3A_177 = arith.constant 20 : i32
      %lt3A_178 = arith.cmpi slt, %add3A_176, %lt3A_177 : i32
      %convert_element_type3A_179 = arith.extui %lt3A_178 : i1 to i32
      %cond3A_180 = arith.constant 0 : i32
      %cond3A_181 = arith.cmpi ne, %convert_element_type3A_179, %cond3A_180 : i32
      scf.if %cond3A_181 {
        %add3A_223 = arith.constant 3 : i32
        %add3A_224 = arith.addi %add3A_144, %add3A_223 : i32
        %dma_start3A_225 = arith.constant 0 : i32
        %dma_start3A_226 = tpu.memref_slice %arg6[%add3A_224, %dma_start3A_225] : memref<24x128xi32, #tpu.memory_space<vmem>> -> memref<1x128xi32, #tpu.memory_space<vmem>>
        %dma_start3A_227 = tpu.memref_squeeze %dma_start3A_226 : memref<1x128xi32, #tpu.memory_space<vmem>> -> memref<128xi32, #tpu.memory_space<vmem>>
        %dma_start3A_228 = arith.constant 0 : i32
        %dma_start3A_229 = arith.constant 0 : i32
        %dma_start3A_230 = tpu.memref_slice %arg16[%dma_start3A_228, %dma_start3A_229] : memref<10240x16xf32, #tpu.memory_space<vmem_shared>> -> memref<10240x16xf32, #tpu.memory_space<vmem_shared>>
        tpu.enqueue_indirect_dma source(%dma_start3A_230 : memref<10240x16xf32, #tpu.memory_space<vmem_shared>>) target(%arg9 : memref<128x16xf32, #tpu.memory_space<vmem>>) offsets(%dma_start3A_227 : memref<128xi32, #tpu.memory_space<vmem>>) semaphore(%arg18 : memref<!tpu.dma_semaphore, #tpu.memory_space<semaphore_mem>>)
        %dma_start3A_231 = arith.constant 0 : i32
        %dma_start3A_232 = tpu.memref_slice %arg7[%add3A_224, %dma_start3A_231] : memref<24x128xi32, #tpu.memory_space<vmem>> -> memref<1x128xi32, #tpu.memory_space<vmem>>
        %dma_start3A_233 = tpu.memref_squeeze %dma_start3A_232 : memref<1x128xi32, #tpu.memory_space<vmem>> -> memref<128xi32, #tpu.memory_space<vmem>>
        %dma_start3A_234 = arith.constant 0 : i32
        %dma_start3A_235 = arith.constant 0 : i32
        %dma_start3A_236 = tpu.memref_slice %arg16[%dma_start3A_234, %dma_start3A_235] : memref<10240x16xf32, #tpu.memory_space<vmem_shared>> -> memref<10240x16xf32, #tpu.memory_space<vmem_shared>>
        tpu.enqueue_indirect_dma source(%dma_start3A_236 : memref<10240x16xf32, #tpu.memory_space<vmem_shared>>) target(%arg13 : memref<128x16xf32, #tpu.memory_space<vmem>>) offsets(%dma_start3A_233 : memref<128xi32, #tpu.memory_space<vmem>>) semaphore(%arg18 : memref<!tpu.dma_semaphore, #tpu.memory_space<semaphore_mem>>)
      } else {
      }
      %mul3A_182 = arith.constant 4 : i32
      %mul3A_183 = arith.muli %scan3A_62, %mul3A_182 : i32
      %add3A_184 = arith.constant 3 : i32
      %add3A_185 = arith.addi %mul3A_183, %add3A_184 : i32
      %dma_wait3A_186 = arith.constant 0 : i32
      %dma_wait3A_187 = arith.constant 0 : i32
      %dma_wait3A_188 = tpu.memref_slice %arg2[%dma_wait3A_186, %dma_wait3A_187] : memref<10240x16xf32, #tpu.memory_space<hbm>> -> memref<128x16xf32, #tpu.memory_space<hbm>>
      %dma_wait3A_189 = arith.constant 0 : i32
      %dma_wait3A_190 = arith.constant 0 : i32
      %dma_wait3A_191 = tpu.memref_slice %arg2[%dma_wait3A_189, %dma_wait3A_190] : memref<10240x16xf32, #tpu.memory_space<hbm>> -> memref<128x16xf32, #tpu.memory_space<hbm>>
      tpu.wait_dma2 semaphore(%arg20 : memref<!tpu.dma_semaphore, #tpu.memory_space<semaphore_mem>>) src(%dma_wait3A_191 : memref<128x16xf32, #tpu.memory_space<hbm>>) dst(%arg11 : memref<128x16xf32, #tpu.memory_space<vmem>>)
      %dma_wait3A_192 = arith.constant 0 : i32
      %dma_wait3A_193 = arith.constant 0 : i32
      %dma_wait3A_194 = tpu.memref_slice %arg2[%dma_wait3A_192, %dma_wait3A_193] : memref<10240x16xf32, #tpu.memory_space<hbm>> -> memref<128x16xf32, #tpu.memory_space<hbm>>
      %dma_wait3A_195 = arith.constant 0 : i32
      %dma_wait3A_196 = arith.constant 0 : i32
      %dma_wait3A_197 = tpu.memref_slice %arg2[%dma_wait3A_195, %dma_wait3A_196] : memref<10240x16xf32, #tpu.memory_space<hbm>> -> memref<128x16xf32, #tpu.memory_space<hbm>>
      tpu.wait_dma2 semaphore(%arg20 : memref<!tpu.dma_semaphore, #tpu.memory_space<semaphore_mem>>) src(%dma_wait3A_197 : memref<128x16xf32, #tpu.memory_space<hbm>>) dst(%arg15 : memref<128x16xf32, #tpu.memory_space<vmem>>)
      %scan3A_198 = arith.constant 0 : i32
      %scan3A_199 = arith.constant 0 : i32
      %scan3A_200 = arith.constant 128 : i32
      %scan3A_201 = arith.addi %scan3A_199, %scan3A_200 : i32
      %scan3A_202 = arith.constant 1 : i32
      scf.for %scan3A_223 = %scan3A_199 to %scan3A_201 step %scan3A_202  : i32 {
        %get3A = arith.index_cast %scan3A_223 : i32 to index
        %get3A_224 = arith.constant 0 : index
        %get3A_225 = tpu.vector_load %arg11[%get3A, %get3A_224] {strides = array<i32>} : memref<128x16xf32, #tpu.memory_space<vmem>>, vector<1x16xf32>,
        %get3A_226 = vector.shape_cast %get3A_225 : vector<1x16xf32> to vector<16xf32>
        %get3A_227 = arith.index_cast %scan3A_223 : i32 to index
        %get3A_228 = arith.constant 0 : index
        %get3A_229 = tpu.vector_load %arg15[%get3A_227, %get3A_228] {strides = array<i32>} : memref<128x16xf32, #tpu.memory_space<vmem>>, vector<1x16xf32>,
        %get3A_230 = vector.shape_cast %get3A_229 : vector<1x16xf32> to vector<16xf32>
        %sub3A = arith.subf %get3A_226, %get3A_230 : vector<16xf32>
        %swap3A = arith.index_cast %scan3A_223 : i32 to index
        %swap3A_231 = arith.constant 0 : index
        %swap3A_232 = tpu.vector_load %arg11[%swap3A, %swap3A_231] {strides = array<i32>} : memref<128x16xf32, #tpu.memory_space<vmem>>, vector<1x16xf32>,
        %swap3A_233 = vector.shape_cast %swap3A_232 : vector<1x16xf32> to vector<16xf32>
        %swap3A_234 = vector.shape_cast %sub3A : vector<16xf32> to vector<1x16xf32>
        tpu.vector_store %arg11[%swap3A, %swap3A_231], %swap3A_234 {strides = array<i32>} : memref<128x16xf32, #tpu.memory_space<vmem>>, vector<1x16xf32>,
      }
      %scan3A_203 = arith.constant 128 : i32
      %add3A_204 = arith.addi %mul3A_2, %add3A_185 : i32
      %mul3A_205 = arith.constant 128 : i32
      %mul3A_206 = arith.muli %add3A_204, %mul3A_205 : i32
      %dma_start3A_207 = arith.constant 0 : i32
      %dma_start3A_208 = tpu.memref_slice %arg5[%mul3A_206, %dma_start3A_207] : memref<81920x16xf32, #tpu.memory_space<hbm>> -> memref<128x16xf32, #tpu.memory_space<hbm>>
      %dma_start3A_209 = arith.constant 0 : i32
      %dma_start3A_210 = tpu.memref_slice %arg5[%mul3A_206, %dma_start3A_209] : memref<81920x16xf32, #tpu.memory_space<hbm>> -> memref<128x16xf32, #tpu.memory_space<hbm>>
      tpu.enqueue_dma source(%arg11 : memref<128x16xf32, #tpu.memory_space<vmem>>) target(%dma_start3A_210 : memref<128x16xf32, #tpu.memory_space<hbm>>) target_semaphore(%arg24 : memref<!tpu.dma_semaphore, #tpu.memory_space<semaphore_mem>>)
      %ge3A_211 = arith.constant 1 : i32
      %ge3A_212 = arith.cmpi sge, %add3A_185, %ge3A_211 : i32
      %convert_element_type3A_213 = arith.extui %ge3A_212 : i1 to i32
      %cond3A_214 = arith.constant 0 : i32
      %cond3A_215 = arith.cmpi ne, %convert_element_type3A_213, %cond3A_214 : i32
      scf.if %cond3A_215 {
        %dma_wait3A_223 = arith.constant 0 : i32
        %dma_wait3A_224 = arith.constant 0 : i32
        %dma_wait3A_225 = tpu.memref_slice %arg5[%dma_wait3A_223, %dma_wait3A_224] : memref<81920x16xf32, #tpu.memory_space<hbm>> -> memref<128x16xf32, #tpu.memory_space<hbm>>
        %dma_wait3A_226 = arith.constant 0 : i32
        %dma_wait3A_227 = arith.constant 0 : i32
        %dma_wait3A_228 = tpu.memref_slice %arg5[%dma_wait3A_226, %dma_wait3A_227] : memref<81920x16xf32, #tpu.memory_space<hbm>> -> memref<128x16xf32, #tpu.memory_space<hbm>>
        tpu.wait_dma2 semaphore(%arg23 : memref<!tpu.dma_semaphore, #tpu.memory_space<semaphore_mem>>) src(%arg10 : memref<128x16xf32, #tpu.memory_space<vmem>>) dst(%dma_wait3A_228 : memref<128x16xf32, #tpu.memory_space<hbm>>)
      } else {
      }
      %add3A_216 = arith.constant 3 : i32
      %add3A_217 = arith.addi %add3A_185, %add3A_216 : i32
      %lt3A_218 = arith.constant 20 : i32
      %lt3A_219 = arith.cmpi slt, %add3A_217, %lt3A_218 : i32
      %convert_element_type3A_220 = arith.extui %lt3A_219 : i1 to i32
      %cond3A_221 = arith.constant 0 : i32
      %cond3A_222 = arith.cmpi ne, %convert_element_type3A_220, %cond3A_221 : i32
      scf.if %cond3A_222 {
        %add3A_223 = arith.constant 3 : i32
        %add3A_224 = arith.addi %add3A_185, %add3A_223 : i32
        %dma_start3A_225 = arith.constant 0 : i32
        %dma_start3A_226 = tpu.memref_slice %arg6[%add3A_224, %dma_start3A_225] : memref<24x128xi32, #tpu.memory_space<vmem>> -> memref<1x128xi32, #tpu.memory_space<vmem>>
        %dma_start3A_227 = tpu.memref_squeeze %dma_start3A_226 : memref<1x128xi32, #tpu.memory_space<vmem>> -> memref<128xi32, #tpu.memory_space<vmem>>
        %dma_start3A_228 = arith.constant 0 : i32
        %dma_start3A_229 = arith.constant 0 : i32
        %dma_start3A_230 = tpu.memref_slice %arg16[%dma_start3A_228, %dma_start3A_229] : memref<10240x16xf32, #tpu.memory_space<vmem_shared>> -> memref<10240x16xf32, #tpu.memory_space<vmem_shared>>
        tpu.enqueue_indirect_dma source(%dma_start3A_230 : memref<10240x16xf32, #tpu.memory_space<vmem_shared>>) target(%arg10 : memref<128x16xf32, #tpu.memory_space<vmem>>) offsets(%dma_start3A_227 : memref<128xi32, #tpu.memory_space<vmem>>) semaphore(%arg19 : memref<!tpu.dma_semaphore, #tpu.memory_space<semaphore_mem>>)
        %dma_start3A_231 = arith.constant 0 : i32
        %dma_start3A_232 = tpu.memref_slice %arg7[%add3A_224, %dma_start3A_231] : memref<24x128xi32, #tpu.memory_space<vmem>> -> memref<1x128xi32, #tpu.memory_space<vmem>>
        %dma_start3A_233 = tpu.memref_squeeze %dma_start3A_232 : memref<1x128xi32, #tpu.memory_space<vmem>> -> memref<128xi32, #tpu.memory_space<vmem>>
        %dma_start3A_234 = arith.constant 0 : i32
        %dma_start3A_235 = arith.constant 0 : i32
        %dma_start3A_236 = tpu.memref_slice %arg16[%dma_start3A_234, %dma_start3A_235] : memref<10240x16xf32, #tpu.memory_space<vmem_shared>> -> memref<10240x16xf32, #tpu.memory_space<vmem_shared>>
        tpu.enqueue_indirect_dma source(%dma_start3A_236 : memref<10240x16xf32, #tpu.memory_space<vmem_shared>>) target(%arg14 : memref<128x16xf32, #tpu.memory_space<vmem>>) offsets(%dma_start3A_233 : memref<128xi32, #tpu.memory_space<vmem>>) semaphore(%arg19 : memref<!tpu.dma_semaphore, #tpu.memory_space<semaphore_mem>>)
      } else {
      }
    }
    %scan3A_56 = arith.constant 5 : i32
    %dma_wait3A = arith.constant 0 : i32
    %dma_wait3A_57 = arith.constant 0 : i32
    %dma_wait3A_58 = tpu.memref_slice %arg5[%dma_wait3A, %dma_wait3A_57] : memref<81920x16xf32, #tpu.memory_space<hbm>> -> memref<128x16xf32, #tpu.memory_space<hbm>>
    %dma_wait3A_59 = arith.constant 0 : i32
    %dma_wait3A_60 = arith.constant 0 : i32
    %dma_wait3A_61 = tpu.memref_slice %arg5[%dma_wait3A_59, %dma_wait3A_60] : memref<81920x16xf32, #tpu.memory_space<hbm>> -> memref<128x16xf32, #tpu.memory_space<hbm>>
    tpu.wait_dma2 semaphore(%arg24 : memref<!tpu.dma_semaphore, #tpu.memory_space<semaphore_mem>>) src(%arg11 : memref<128x16xf32, #tpu.memory_space<vmem>>) dst(%dma_wait3A_61 : memref<128x16xf32, #tpu.memory_space<hbm>>)
    return
  }
}

#map = affine_map<(d0, d1) -> (0, 0)>
module attributes {stable_mosaic.version = 14 : i64} {
  func.func @body(%arg0: i32, %arg1: i32, %arg2: memref<10240x128xf32, #tpu.memory_space<hbm>>, %arg3: memref<768x128xi32, #tpu.memory_space<hbm>>, %arg4: memref<768x128xi32, #tpu.memory_space<hbm>>, %arg5: memref<81920x128xf32, #tpu.memory_space<hbm>>, %arg6: memref<81920x128xf32, #tpu.memory_space<hbm>>, %arg7: memref<24x128xi32, #tpu.memory_space<vmem>>, %arg8: memref<24x128xi32, #tpu.memory_space<vmem>>, %arg9: memref<128x128xf32, #tpu.memory_space<vmem>>, %arg10: memref<128x128xf32, #tpu.memory_space<vmem>>, %arg11: memref<10240x128xf32, #tpu.memory_space<vmem_shared>>, %arg12: memref<!tpu.dma_semaphore, #tpu.memory_space<semaphore_mem>>, %arg13: memref<!tpu.dma_semaphore, #tpu.memory_space<semaphore_mem>>, %arg14: memref<!tpu.dma_semaphore, #tpu.memory_space<semaphore_mem>>, %arg15: memref<!tpu.dma_semaphore, #tpu.memory_space<semaphore_mem>>) attributes {dimension_semantics = [#tpu.dimension_semantics<core_parallel>, #tpu.dimension_semantics<subcore_parallel>], iteration_bounds = array<i64: 2, 16>, scalar_prefetch = 0 : i64, scratch_operands = 9 : i64, tpu.core_type = #tpu.core_type<sc_vector_subcore>, window_params = [{transform_indices = #map}, {transform_indices = #map}, {transform_indices = #map}, {transform_indices = #map}, {transform_indices = #map}]} {
    %mul3A = arith.constant 2 : i32
    %mul3A_0 = arith.muli %arg1, %mul3A : i32
    %add3A = arith.addi %mul3A_0, %arg0 : i32
    %mul3A_1 = arith.constant 20 : i32
    %mul3A_2 = arith.muli %add3A, %mul3A_1 : i32
    %mul3A_3 = arith.constant 24 : i32
    %mul3A_4 = arith.muli %add3A, %mul3A_3 : i32
    "tpu.region"() ({
      %run_scoped3A = tpu.sem_alloc : memref<!tpu.dma_semaphore, #tpu.memory_space<semaphore_mem>>
      %dma_start3A_27 = arith.constant 0 : i32
      %dma_start3A_28 = tpu.memref_slice %arg3[%mul3A_4, %dma_start3A_27] : memref<768x128xi32, #tpu.memory_space<hbm>> -> memref<24x128xi32, #tpu.memory_space<hbm>>
      %dma_start3A_29 = arith.constant 0 : i32
      %dma_start3A_30 = tpu.memref_slice %arg3[%mul3A_4, %dma_start3A_29] : memref<768x128xi32, #tpu.memory_space<hbm>> -> memref<24x128xi32, #tpu.memory_space<hbm>>
      tpu.enqueue_dma source(%dma_start3A_30 : memref<24x128xi32, #tpu.memory_space<hbm>>) target(%arg7 : memref<24x128xi32, #tpu.memory_space<vmem>>) target_semaphore(%run_scoped3A : memref<!tpu.dma_semaphore, #tpu.memory_space<semaphore_mem>>)
      %dma_wait3A_31 = arith.constant 0 : i32
      %dma_wait3A_32 = tpu.memref_slice %arg3[%mul3A_4, %dma_wait3A_31] : memref<768x128xi32, #tpu.memory_space<hbm>> -> memref<24x128xi32, #tpu.memory_space<hbm>>
      %dma_wait3A_33 = arith.constant 0 : i32
      %dma_wait3A_34 = tpu.memref_slice %arg3[%mul3A_4, %dma_wait3A_33] : memref<768x128xi32, #tpu.memory_space<hbm>> -> memref<24x128xi32, #tpu.memory_space<hbm>>
      tpu.wait_dma2 semaphore(%run_scoped3A : memref<!tpu.dma_semaphore, #tpu.memory_space<semaphore_mem>>) src(%dma_wait3A_34 : memref<24x128xi32, #tpu.memory_space<hbm>>) dst(%arg7 : memref<24x128xi32, #tpu.memory_space<vmem>>)
      tpu.yield
    }) : () -> ()
    %mul3A_5 = arith.constant 24 : i32
    %mul3A_6 = arith.muli %add3A, %mul3A_5 : i32
    "tpu.region"() ({
      %run_scoped3A = tpu.sem_alloc : memref<!tpu.dma_semaphore, #tpu.memory_space<semaphore_mem>>
      %dma_start3A_27 = arith.constant 0 : i32
      %dma_start3A_28 = tpu.memref_slice %arg4[%mul3A_6, %dma_start3A_27] : memref<768x128xi32, #tpu.memory_space<hbm>> -> memref<24x128xi32, #tpu.memory_space<hbm>>
      %dma_start3A_29 = arith.constant 0 : i32
      %dma_start3A_30 = tpu.memref_slice %arg4[%mul3A_6, %dma_start3A_29] : memref<768x128xi32, #tpu.memory_space<hbm>> -> memref<24x128xi32, #tpu.memory_space<hbm>>
      tpu.enqueue_dma source(%dma_start3A_30 : memref<24x128xi32, #tpu.memory_space<hbm>>) target(%arg8 : memref<24x128xi32, #tpu.memory_space<vmem>>) target_semaphore(%run_scoped3A : memref<!tpu.dma_semaphore, #tpu.memory_space<semaphore_mem>>)
      %dma_wait3A_31 = arith.constant 0 : i32
      %dma_wait3A_32 = tpu.memref_slice %arg4[%mul3A_6, %dma_wait3A_31] : memref<768x128xi32, #tpu.memory_space<hbm>> -> memref<24x128xi32, #tpu.memory_space<hbm>>
      %dma_wait3A_33 = arith.constant 0 : i32
      %dma_wait3A_34 = tpu.memref_slice %arg4[%mul3A_6, %dma_wait3A_33] : memref<768x128xi32, #tpu.memory_space<hbm>> -> memref<24x128xi32, #tpu.memory_space<hbm>>
      tpu.wait_dma2 semaphore(%run_scoped3A : memref<!tpu.dma_semaphore, #tpu.memory_space<semaphore_mem>>) src(%dma_wait3A_34 : memref<24x128xi32, #tpu.memory_space<hbm>>) dst(%arg8 : memref<24x128xi32, #tpu.memory_space<vmem>>)
      tpu.yield
    }) : () -> ()
    %mul3A_7 = arith.constant 640 : i32
    %mul3A_8 = arith.muli %arg1, %mul3A_7 : i32
    %mul3A_9 = arith.constant 640 : i32
    %mul3A_10 = arith.muli %arg1, %mul3A_9 : i32
    "tpu.region"() ({
      %run_scoped3A = tpu.sem_alloc : memref<!tpu.dma_semaphore, #tpu.memory_space<semaphore_mem>>
      %dma_start3A_27 = arith.constant 0 : i32
      %dma_start3A_28 = tpu.memref_slice %arg11[%mul3A_10, %dma_start3A_27] : memref<10240x128xf32, #tpu.memory_space<vmem_shared>> -> memref<640x128xf32, #tpu.memory_space<vmem_shared>>
      %dma_start3A_29 = arith.constant 0 : i32
      %dma_start3A_30 = tpu.memref_slice %arg2[%mul3A_8, %dma_start3A_29] : memref<10240x128xf32, #tpu.memory_space<hbm>> -> memref<640x128xf32, #tpu.memory_space<hbm>>
      tpu.enqueue_dma source(%dma_start3A_30 : memref<640x128xf32, #tpu.memory_space<hbm>>) target(%dma_start3A_28 : memref<640x128xf32, #tpu.memory_space<vmem_shared>>) target_semaphore(%run_scoped3A : memref<!tpu.dma_semaphore, #tpu.memory_space<semaphore_mem>>)
      %dma_wait3A_31 = arith.constant 0 : i32
      %dma_wait3A_32 = tpu.memref_slice %arg11[%mul3A_10, %dma_wait3A_31] : memref<10240x128xf32, #tpu.memory_space<vmem_shared>> -> memref<640x128xf32, #tpu.memory_space<vmem_shared>>
      %dma_wait3A_33 = arith.constant 0 : i32
      %dma_wait3A_34 = tpu.memref_slice %arg2[%mul3A_8, %dma_wait3A_33] : memref<10240x128xf32, #tpu.memory_space<hbm>> -> memref<640x128xf32, #tpu.memory_space<hbm>>
      tpu.wait_dma2 semaphore(%run_scoped3A : memref<!tpu.dma_semaphore, #tpu.memory_space<semaphore_mem>>) src(%dma_wait3A_34 : memref<640x128xf32, #tpu.memory_space<hbm>>) dst(%dma_wait3A_32 : memref<640x128xf32, #tpu.memory_space<vmem_shared>>)
      tpu.yield
    }) : () -> ()
    %barrier3A = arith.constant 0 : index
    tpu.barrier barrier_id(%barrier3A)
    %dma_start3A = arith.constant 0 : i32
    %dma_start3A_11 = arith.constant 0 : i32
    %dma_start3A_12 = tpu.memref_slice %arg7[%dma_start3A, %dma_start3A_11] : memref<24x128xi32, #tpu.memory_space<vmem>> -> memref<1x128xi32, #tpu.memory_space<vmem>>
    %dma_start3A_13 = tpu.memref_squeeze %dma_start3A_12 : memref<1x128xi32, #tpu.memory_space<vmem>> -> memref<128xi32, #tpu.memory_space<vmem>>
    %dma_start3A_14 = arith.constant 0 : i32
    %dma_start3A_15 = arith.constant 0 : i32
    %dma_start3A_16 = tpu.memref_slice %arg11[%dma_start3A_14, %dma_start3A_15] : memref<10240x128xf32, #tpu.memory_space<vmem_shared>> -> memref<10240x128xf32, #tpu.memory_space<vmem_shared>>
    tpu.enqueue_indirect_dma source(%dma_start3A_16 : memref<10240x128xf32, #tpu.memory_space<vmem_shared>>) target(%arg9 : memref<128x128xf32, #tpu.memory_space<vmem>>) offsets(%dma_start3A_13 : memref<128xi32, #tpu.memory_space<vmem>>) semaphore(%arg12 : memref<!tpu.dma_semaphore, #tpu.memory_space<semaphore_mem>>)
    %scan3A = arith.constant 0 : i32
    %scan3A_17 = arith.constant 0 : i32
    %scan3A_18 = arith.constant 20 : i32
    %scan3A_19 = arith.addi %scan3A_17, %scan3A_18 : i32
    %scan3A_20 = arith.constant 1 : i32
    scf.for %scan3A_27 = %scan3A_17 to %scan3A_19 step %scan3A_20  : i32 {
      %mul3A_28 = arith.constant 2 : i32
      %mul3A_29 = arith.muli %scan3A_27, %mul3A_28 : i32
      %add3A_30 = arith.constant 0 : i32
      %add3A_31 = arith.addi %mul3A_29, %add3A_30 : i32
      %dma_wait3A_32 = arith.constant 0 : i32
      %dma_wait3A_33 = arith.constant 0 : i32
      %dma_wait3A_34 = tpu.memref_slice %arg2[%dma_wait3A_32, %dma_wait3A_33] : memref<10240x128xf32, #tpu.memory_space<hbm>> -> memref<128x128xf32, #tpu.memory_space<hbm>>
      %dma_wait3A_35 = arith.constant 0 : i32
      %dma_wait3A_36 = arith.constant 0 : i32
      %dma_wait3A_37 = tpu.memref_slice %arg2[%dma_wait3A_35, %dma_wait3A_36] : memref<10240x128xf32, #tpu.memory_space<hbm>> -> memref<128x128xf32, #tpu.memory_space<hbm>>
      tpu.wait_dma2 semaphore(%arg12 : memref<!tpu.dma_semaphore, #tpu.memory_space<semaphore_mem>>) src(%dma_wait3A_37 : memref<128x128xf32, #tpu.memory_space<hbm>>) dst(%arg9 : memref<128x128xf32, #tpu.memory_space<vmem>>)
      %add3A_38 = arith.addi %mul3A_2, %scan3A_27 : i32
      %mul3A_39 = arith.constant 128 : i32
      %mul3A_40 = arith.muli %add3A_38, %mul3A_39 : i32
      %dma_start3A_41 = arith.constant 0 : i32
      %dma_start3A_42 = tpu.memref_slice %arg5[%mul3A_40, %dma_start3A_41] : memref<81920x128xf32, #tpu.memory_space<hbm>> -> memref<128x128xf32, #tpu.memory_space<hbm>>
      %dma_start3A_43 = arith.constant 0 : i32
      %dma_start3A_44 = tpu.memref_slice %arg5[%mul3A_40, %dma_start3A_43] : memref<81920x128xf32, #tpu.memory_space<hbm>> -> memref<128x128xf32, #tpu.memory_space<hbm>>
      tpu.enqueue_dma source(%arg9 : memref<128x128xf32, #tpu.memory_space<vmem>>) target(%dma_start3A_44 : memref<128x128xf32, #tpu.memory_space<hbm>>) target_semaphore(%arg14 : memref<!tpu.dma_semaphore, #tpu.memory_space<semaphore_mem>>)
      %ge3A = arith.constant 1 : i32
      %ge3A_45 = arith.cmpi sge, %add3A_31, %ge3A : i32
      %convert_element_type3A = arith.extui %ge3A_45 : i1 to i32
      %cond3A = arith.constant 0 : i32
      %cond3A_46 = arith.cmpi ne, %convert_element_type3A, %cond3A : i32
      scf.if %cond3A_46 {
        %dma_wait3A_82 = arith.constant 0 : i32
        %dma_wait3A_83 = arith.constant 0 : i32
        %dma_wait3A_84 = tpu.memref_slice %arg5[%dma_wait3A_82, %dma_wait3A_83] : memref<81920x128xf32, #tpu.memory_space<hbm>> -> memref<128x128xf32, #tpu.memory_space<hbm>>
        %dma_wait3A_85 = arith.constant 0 : i32
        %dma_wait3A_86 = arith.constant 0 : i32
        %dma_wait3A_87 = tpu.memref_slice %arg5[%dma_wait3A_85, %dma_wait3A_86] : memref<81920x128xf32, #tpu.memory_space<hbm>> -> memref<128x128xf32, #tpu.memory_space<hbm>>
        tpu.wait_dma2 semaphore(%arg15 : memref<!tpu.dma_semaphore, #tpu.memory_space<semaphore_mem>>) src(%arg10 : memref<128x128xf32, #tpu.memory_space<vmem>>) dst(%dma_wait3A_87 : memref<128x128xf32, #tpu.memory_space<hbm>>)
      } else {
      }
      %add3A_47 = arith.constant 1 : i32
      %add3A_48 = arith.addi %add3A_31, %add3A_47 : i32
      %lt3A = arith.constant 40 : i32
      %lt3A_49 = arith.cmpi slt, %add3A_48, %lt3A : i32
      %convert_element_type3A_50 = arith.extui %lt3A_49 : i1 to i32
      %cond3A_51 = arith.constant 0 : i32
      %cond3A_52 = arith.cmpi ne, %convert_element_type3A_50, %cond3A_51 : i32
      scf.if %cond3A_52 {
        %dma_start3A_82 = arith.constant 0 : i32
        %dma_start3A_83 = tpu.memref_slice %arg8[%scan3A_27, %dma_start3A_82] : memref<24x128xi32, #tpu.memory_space<vmem>> -> memref<1x128xi32, #tpu.memory_space<vmem>>
        %dma_start3A_84 = tpu.memref_squeeze %dma_start3A_83 : memref<1x128xi32, #tpu.memory_space<vmem>> -> memref<128xi32, #tpu.memory_space<vmem>>
        %dma_start3A_85 = arith.constant 0 : i32
        %dma_start3A_86 = arith.constant 0 : i32
        %dma_start3A_87 = tpu.memref_slice %arg11[%dma_start3A_85, %dma_start3A_86] : memref<10240x128xf32, #tpu.memory_space<vmem_shared>> -> memref<10240x128xf32, #tpu.memory_space<vmem_shared>>
        tpu.enqueue_indirect_dma source(%dma_start3A_87 : memref<10240x128xf32, #tpu.memory_space<vmem_shared>>) target(%arg10 : memref<128x128xf32, #tpu.memory_space<vmem>>) offsets(%dma_start3A_84 : memref<128xi32, #tpu.memory_space<vmem>>) semaphore(%arg13 : memref<!tpu.dma_semaphore, #tpu.memory_space<semaphore_mem>>)
      } else {
      }
      %mul3A_53 = arith.constant 2 : i32
      %mul3A_54 = arith.muli %scan3A_27, %mul3A_53 : i32
      %add3A_55 = arith.constant 1 : i32
      %add3A_56 = arith.addi %mul3A_54, %add3A_55 : i32
      %dma_wait3A_57 = arith.constant 0 : i32
      %dma_wait3A_58 = arith.constant 0 : i32
      %dma_wait3A_59 = tpu.memref_slice %arg2[%dma_wait3A_57, %dma_wait3A_58] : memref<10240x128xf32, #tpu.memory_space<hbm>> -> memref<128x128xf32, #tpu.memory_space<hbm>>
      %dma_wait3A_60 = arith.constant 0 : i32
      %dma_wait3A_61 = arith.constant 0 : i32
      %dma_wait3A_62 = tpu.memref_slice %arg2[%dma_wait3A_60, %dma_wait3A_61] : memref<10240x128xf32, #tpu.memory_space<hbm>> -> memref<128x128xf32, #tpu.memory_space<hbm>>
      tpu.wait_dma2 semaphore(%arg13 : memref<!tpu.dma_semaphore, #tpu.memory_space<semaphore_mem>>) src(%dma_wait3A_62 : memref<128x128xf32, #tpu.memory_space<hbm>>) dst(%arg10 : memref<128x128xf32, #tpu.memory_space<vmem>>)
      %add3A_63 = arith.addi %mul3A_2, %scan3A_27 : i32
      %mul3A_64 = arith.constant 128 : i32
      %mul3A_65 = arith.muli %add3A_63, %mul3A_64 : i32
      %dma_start3A_66 = arith.constant 0 : i32
      %dma_start3A_67 = tpu.memref_slice %arg6[%mul3A_65, %dma_start3A_66] : memref<81920x128xf32, #tpu.memory_space<hbm>> -> memref<128x128xf32, #tpu.memory_space<hbm>>
      %dma_start3A_68 = arith.constant 0 : i32
      %dma_start3A_69 = tpu.memref_slice %arg6[%mul3A_65, %dma_start3A_68] : memref<81920x128xf32, #tpu.memory_space<hbm>> -> memref<128x128xf32, #tpu.memory_space<hbm>>
      tpu.enqueue_dma source(%arg10 : memref<128x128xf32, #tpu.memory_space<vmem>>) target(%dma_start3A_69 : memref<128x128xf32, #tpu.memory_space<hbm>>) target_semaphore(%arg15 : memref<!tpu.dma_semaphore, #tpu.memory_space<semaphore_mem>>)
      %ge3A_70 = arith.constant 1 : i32
      %ge3A_71 = arith.cmpi sge, %add3A_56, %ge3A_70 : i32
      %convert_element_type3A_72 = arith.extui %ge3A_71 : i1 to i32
      %cond3A_73 = arith.constant 0 : i32
      %cond3A_74 = arith.cmpi ne, %convert_element_type3A_72, %cond3A_73 : i32
      scf.if %cond3A_74 {
        %dma_wait3A_82 = arith.constant 0 : i32
        %dma_wait3A_83 = arith.constant 0 : i32
        %dma_wait3A_84 = tpu.memref_slice %arg5[%dma_wait3A_82, %dma_wait3A_83] : memref<81920x128xf32, #tpu.memory_space<hbm>> -> memref<128x128xf32, #tpu.memory_space<hbm>>
        %dma_wait3A_85 = arith.constant 0 : i32
        %dma_wait3A_86 = arith.constant 0 : i32
        %dma_wait3A_87 = tpu.memref_slice %arg5[%dma_wait3A_85, %dma_wait3A_86] : memref<81920x128xf32, #tpu.memory_space<hbm>> -> memref<128x128xf32, #tpu.memory_space<hbm>>
        tpu.wait_dma2 semaphore(%arg14 : memref<!tpu.dma_semaphore, #tpu.memory_space<semaphore_mem>>) src(%arg9 : memref<128x128xf32, #tpu.memory_space<vmem>>) dst(%dma_wait3A_87 : memref<128x128xf32, #tpu.memory_space<hbm>>)
      } else {
      }
      %add3A_75 = arith.constant 1 : i32
      %add3A_76 = arith.addi %add3A_56, %add3A_75 : i32
      %lt3A_77 = arith.constant 40 : i32
      %lt3A_78 = arith.cmpi slt, %add3A_76, %lt3A_77 : i32
      %convert_element_type3A_79 = arith.extui %lt3A_78 : i1 to i32
      %cond3A_80 = arith.constant 0 : i32
      %cond3A_81 = arith.cmpi ne, %convert_element_type3A_79, %cond3A_80 : i32
      scf.if %cond3A_81 {
        %add3A_82 = arith.constant 1 : i32
        %add3A_83 = arith.addi %scan3A_27, %add3A_82 : i32
        %dma_start3A_84 = arith.constant 0 : i32
        %dma_start3A_85 = tpu.memref_slice %arg7[%add3A_83, %dma_start3A_84] : memref<24x128xi32, #tpu.memory_space<vmem>> -> memref<1x128xi32, #tpu.memory_space<vmem>>
        %dma_start3A_86 = tpu.memref_squeeze %dma_start3A_85 : memref<1x128xi32, #tpu.memory_space<vmem>> -> memref<128xi32, #tpu.memory_space<vmem>>
        %dma_start3A_87 = arith.constant 0 : i32
        %dma_start3A_88 = arith.constant 0 : i32
        %dma_start3A_89 = tpu.memref_slice %arg11[%dma_start3A_87, %dma_start3A_88] : memref<10240x128xf32, #tpu.memory_space<vmem_shared>> -> memref<10240x128xf32, #tpu.memory_space<vmem_shared>>
        tpu.enqueue_indirect_dma source(%dma_start3A_89 : memref<10240x128xf32, #tpu.memory_space<vmem_shared>>) target(%arg9 : memref<128x128xf32, #tpu.memory_space<vmem>>) offsets(%dma_start3A_86 : memref<128xi32, #tpu.memory_space<vmem>>) semaphore(%arg12 : memref<!tpu.dma_semaphore, #tpu.memory_space<semaphore_mem>>)
      } else {
      }
    }
    %scan3A_21 = arith.constant 20 : i32
    %dma_wait3A = arith.constant 0 : i32
    %dma_wait3A_22 = arith.constant 0 : i32
    %dma_wait3A_23 = tpu.memref_slice %arg5[%dma_wait3A, %dma_wait3A_22] : memref<81920x128xf32, #tpu.memory_space<hbm>> -> memref<128x128xf32, #tpu.memory_space<hbm>>
    %dma_wait3A_24 = arith.constant 0 : i32
    %dma_wait3A_25 = arith.constant 0 : i32
    %dma_wait3A_26 = tpu.memref_slice %arg5[%dma_wait3A_24, %dma_wait3A_25] : memref<81920x128xf32, #tpu.memory_space<hbm>> -> memref<128x128xf32, #tpu.memory_space<hbm>>
    tpu.wait_dma2 semaphore(%arg15 : memref<!tpu.dma_semaphore, #tpu.memory_space<semaphore_mem>>) src(%arg10 : memref<128x128xf32, #tpu.memory_space<vmem>>) dst(%dma_wait3A_26 : memref<128x128xf32, #tpu.memory_space<hbm>>)
    return
  }
}

#map = affine_map<(d0, d1) -> (0, 0)>
module attributes {stable_mosaic.version = 14 : i64} {
  func.func @body(%arg0: i32, %arg1: i32, %arg2: memref<10240x128xf32, #tpu.memory_space<hbm>>, %arg3: memref<768x128xi32, #tpu.memory_space<hbm>>, %arg4: memref<768x128xi32, #tpu.memory_space<hbm>>, %arg5: memref<81920x128xf32, #tpu.memory_space<hbm>>, %arg6: memref<81920x128xf32, #tpu.memory_space<hbm>>, %arg7: memref<24x128xi32, #tpu.memory_space<vmem>>, %arg8: memref<24x128xi32, #tpu.memory_space<vmem>>, %arg9: memref<128x128xf32, #tpu.memory_space<vmem>>, %arg10: memref<128x128xf32, #tpu.memory_space<vmem>>, %arg11: memref<10240x128xf32, #tpu.memory_space<vmem_shared>>, %arg12: memref<!tpu.dma_semaphore, #tpu.memory_space<semaphore_mem>>, %arg13: memref<!tpu.dma_semaphore, #tpu.memory_space<semaphore_mem>>, %arg14: memref<!tpu.dma_semaphore, #tpu.memory_space<semaphore_mem>>, %arg15: memref<!tpu.dma_semaphore, #tpu.memory_space<semaphore_mem>>) attributes {dimension_semantics = [#tpu.dimension_semantics<core_parallel>, #tpu.dimension_semantics<subcore_parallel>], iteration_bounds = array<i64: 2, 16>, scalar_prefetch = 0 : i64, scratch_operands = 9 : i64, tpu.core_type = #tpu.core_type<sc_vector_subcore>, window_params = [{transform_indices = #map}, {transform_indices = #map}, {transform_indices = #map}, {transform_indices = #map}, {transform_indices = #map}]} {
    %mul3A = arith.constant 2 : i32
    %mul3A_0 = arith.muli %arg1, %mul3A : i32
    %add3A = arith.addi %mul3A_0, %arg0 : i32
    %mul3A_1 = arith.constant 20 : i32
    %mul3A_2 = arith.muli %add3A, %mul3A_1 : i32
    %mul3A_3 = arith.constant 24 : i32
    %mul3A_4 = arith.muli %add3A, %mul3A_3 : i32
    "tpu.region"() ({
      %run_scoped3A = tpu.sem_alloc : memref<!tpu.dma_semaphore, #tpu.memory_space<semaphore_mem>>
      %dma_start3A_27 = arith.constant 0 : i32
      %dma_start3A_28 = tpu.memref_slice %arg3[%mul3A_4, %dma_start3A_27] : memref<768x128xi32, #tpu.memory_space<hbm>> -> memref<24x128xi32, #tpu.memory_space<hbm>>
      %dma_start3A_29 = arith.constant 0 : i32
      %dma_start3A_30 = tpu.memref_slice %arg3[%mul3A_4, %dma_start3A_29] : memref<768x128xi32, #tpu.memory_space<hbm>> -> memref<24x128xi32, #tpu.memory_space<hbm>>
      tpu.enqueue_dma source(%dma_start3A_30 : memref<24x128xi32, #tpu.memory_space<hbm>>) target(%arg7 : memref<24x128xi32, #tpu.memory_space<vmem>>) target_semaphore(%run_scoped3A : memref<!tpu.dma_semaphore, #tpu.memory_space<semaphore_mem>>)
      %dma_wait3A_31 = arith.constant 0 : i32
      %dma_wait3A_32 = tpu.memref_slice %arg3[%mul3A_4, %dma_wait3A_31] : memref<768x128xi32, #tpu.memory_space<hbm>> -> memref<24x128xi32, #tpu.memory_space<hbm>>
      %dma_wait3A_33 = arith.constant 0 : i32
      %dma_wait3A_34 = tpu.memref_slice %arg3[%mul3A_4, %dma_wait3A_33] : memref<768x128xi32, #tpu.memory_space<hbm>> -> memref<24x128xi32, #tpu.memory_space<hbm>>
      tpu.wait_dma2 semaphore(%run_scoped3A : memref<!tpu.dma_semaphore, #tpu.memory_space<semaphore_mem>>) src(%dma_wait3A_34 : memref<24x128xi32, #tpu.memory_space<hbm>>) dst(%arg7 : memref<24x128xi32, #tpu.memory_space<vmem>>)
      tpu.yield
    }) : () -> ()
    %mul3A_5 = arith.constant 24 : i32
    %mul3A_6 = arith.muli %add3A, %mul3A_5 : i32
    "tpu.region"() ({
      %run_scoped3A = tpu.sem_alloc : memref<!tpu.dma_semaphore, #tpu.memory_space<semaphore_mem>>
      %dma_start3A_27 = arith.constant 0 : i32
      %dma_start3A_28 = tpu.memref_slice %arg4[%mul3A_6, %dma_start3A_27] : memref<768x128xi32, #tpu.memory_space<hbm>> -> memref<24x128xi32, #tpu.memory_space<hbm>>
      %dma_start3A_29 = arith.constant 0 : i32
      %dma_start3A_30 = tpu.memref_slice %arg4[%mul3A_6, %dma_start3A_29] : memref<768x128xi32, #tpu.memory_space<hbm>> -> memref<24x128xi32, #tpu.memory_space<hbm>>
      tpu.enqueue_dma source(%dma_start3A_30 : memref<24x128xi32, #tpu.memory_space<hbm>>) target(%arg8 : memref<24x128xi32, #tpu.memory_space<vmem>>) target_semaphore(%run_scoped3A : memref<!tpu.dma_semaphore, #tpu.memory_space<semaphore_mem>>)
      %dma_wait3A_31 = arith.constant 0 : i32
      %dma_wait3A_32 = tpu.memref_slice %arg4[%mul3A_6, %dma_wait3A_31] : memref<768x128xi32, #tpu.memory_space<hbm>> -> memref<24x128xi32, #tpu.memory_space<hbm>>
      %dma_wait3A_33 = arith.constant 0 : i32
      %dma_wait3A_34 = tpu.memref_slice %arg4[%mul3A_6, %dma_wait3A_33] : memref<768x128xi32, #tpu.memory_space<hbm>> -> memref<24x128xi32, #tpu.memory_space<hbm>>
      tpu.wait_dma2 semaphore(%run_scoped3A : memref<!tpu.dma_semaphore, #tpu.memory_space<semaphore_mem>>) src(%dma_wait3A_34 : memref<24x128xi32, #tpu.memory_space<hbm>>) dst(%arg8 : memref<24x128xi32, #tpu.memory_space<vmem>>)
      tpu.yield
    }) : () -> ()
    %mul3A_7 = arith.constant 640 : i32
    %mul3A_8 = arith.muli %arg1, %mul3A_7 : i32
    %mul3A_9 = arith.constant 640 : i32
    %mul3A_10 = arith.muli %arg1, %mul3A_9 : i32
    "tpu.region"() ({
      %run_scoped3A = tpu.sem_alloc : memref<!tpu.dma_semaphore, #tpu.memory_space<semaphore_mem>>
      %dma_start3A_27 = arith.constant 0 : i32
      %dma_start3A_28 = tpu.memref_slice %arg11[%mul3A_10, %dma_start3A_27] : memref<10240x128xf32, #tpu.memory_space<vmem_shared>> -> memref<640x128xf32, #tpu.memory_space<vmem_shared>>
      %dma_start3A_29 = arith.constant 0 : i32
      %dma_start3A_30 = tpu.memref_slice %arg2[%mul3A_8, %dma_start3A_29] : memref<10240x128xf32, #tpu.memory_space<hbm>> -> memref<640x128xf32, #tpu.memory_space<hbm>>
      tpu.enqueue_dma source(%dma_start3A_30 : memref<640x128xf32, #tpu.memory_space<hbm>>) target(%dma_start3A_28 : memref<640x128xf32, #tpu.memory_space<vmem_shared>>) target_semaphore(%run_scoped3A : memref<!tpu.dma_semaphore, #tpu.memory_space<semaphore_mem>>)
      %dma_wait3A_31 = arith.constant 0 : i32
      %dma_wait3A_32 = tpu.memref_slice %arg11[%mul3A_10, %dma_wait3A_31] : memref<10240x128xf32, #tpu.memory_space<vmem_shared>> -> memref<640x128xf32, #tpu.memory_space<vmem_shared>>
      %dma_wait3A_33 = arith.constant 0 : i32
      %dma_wait3A_34 = tpu.memref_slice %arg2[%mul3A_8, %dma_wait3A_33] : memref<10240x128xf32, #tpu.memory_space<hbm>> -> memref<640x128xf32, #tpu.memory_space<hbm>>
      tpu.wait_dma2 semaphore(%run_scoped3A : memref<!tpu.dma_semaphore, #tpu.memory_space<semaphore_mem>>) src(%dma_wait3A_34 : memref<640x128xf32, #tpu.memory_space<hbm>>) dst(%dma_wait3A_32 : memref<640x128xf32, #tpu.memory_space<vmem_shared>>)
      tpu.yield
    }) : () -> ()
    %barrier3A = arith.constant 0 : index
    tpu.barrier barrier_id(%barrier3A)
    %dma_start3A = arith.constant 0 : i32
    %dma_start3A_11 = arith.constant 0 : i32
    %dma_start3A_12 = tpu.memref_slice %arg7[%dma_start3A, %dma_start3A_11] : memref<24x128xi32, #tpu.memory_space<vmem>> -> memref<1x128xi32, #tpu.memory_space<vmem>>
    %dma_start3A_13 = tpu.memref_squeeze %dma_start3A_12 : memref<1x128xi32, #tpu.memory_space<vmem>> -> memref<128xi32, #tpu.memory_space<vmem>>
    %dma_start3A_14 = arith.constant 0 : i32
    %dma_start3A_15 = arith.constant 0 : i32
    %dma_start3A_16 = tpu.memref_slice %arg11[%dma_start3A_14, %dma_start3A_15] : memref<10240x128xf32, #tpu.memory_space<vmem_shared>> -> memref<10240x128xf32, #tpu.memory_space<vmem_shared>>
    tpu.enqueue_indirect_dma source(%dma_start3A_16 : memref<10240x128xf32, #tpu.memory_space<vmem_shared>>) target(%arg9 : memref<128x128xf32, #tpu.memory_space<vmem>>) offsets(%dma_start3A_13 : memref<128xi32, #tpu.memory_space<vmem>>) semaphore(%arg12 : memref<!tpu.dma_semaphore, #tpu.memory_space<semaphore_mem>>)
    %scan3A = arith.constant 0 : i32
    %scan3A_17 = arith.constant 0 : i32
    %scan3A_18 = arith.constant 20 : i32
    %scan3A_19 = arith.addi %scan3A_17, %scan3A_18 : i32
    %scan3A_20 = arith.constant 1 : i32
    scf.for %scan3A_27 = %scan3A_17 to %scan3A_19 step %scan3A_20  : i32 {
      %mul3A_28 = arith.constant 2 : i32
      %mul3A_29 = arith.muli %scan3A_27, %mul3A_28 : i32
      %add3A_30 = arith.constant 0 : i32
      %add3A_31 = arith.addi %mul3A_29, %add3A_30 : i32
      %dma_wait3A_32 = arith.constant 0 : i32
      %dma_wait3A_33 = arith.constant 0 : i32
      %dma_wait3A_34 = tpu.memref_slice %arg2[%dma_wait3A_32, %dma_wait3A_33] : memref<10240x128xf32, #tpu.memory_space<hbm>> -> memref<128x128xf32, #tpu.memory_space<hbm>>
      %dma_wait3A_35 = arith.constant 0 : i32
      %dma_wait3A_36 = arith.constant 0 : i32
      %dma_wait3A_37 = tpu.memref_slice %arg2[%dma_wait3A_35, %dma_wait3A_36] : memref<10240x128xf32, #tpu.memory_space<hbm>> -> memref<128x128xf32, #tpu.memory_space<hbm>>
      tpu.wait_dma2 semaphore(%arg12 : memref<!tpu.dma_semaphore, #tpu.memory_space<semaphore_mem>>) src(%dma_wait3A_37 : memref<128x128xf32, #tpu.memory_space<hbm>>) dst(%arg9 : memref<128x128xf32, #tpu.memory_space<vmem>>)
      %add3A_38 = arith.addi %mul3A_2, %scan3A_27 : i32
      %mul3A_39 = arith.constant 128 : i32
      %mul3A_40 = arith.muli %add3A_38, %mul3A_39 : i32
      %dma_start3A_41 = arith.constant 0 : i32
      %dma_start3A_42 = tpu.memref_slice %arg5[%mul3A_40, %dma_start3A_41] : memref<81920x128xf32, #tpu.memory_space<hbm>> -> memref<128x128xf32, #tpu.memory_space<hbm>>
      %dma_start3A_43 = arith.constant 0 : i32
      %dma_start3A_44 = tpu.memref_slice %arg5[%mul3A_40, %dma_start3A_43] : memref<81920x128xf32, #tpu.memory_space<hbm>> -> memref<128x128xf32, #tpu.memory_space<hbm>>
      tpu.enqueue_dma source(%arg9 : memref<128x128xf32, #tpu.memory_space<vmem>>) target(%dma_start3A_44 : memref<128x128xf32, #tpu.memory_space<hbm>>) target_semaphore(%arg14 : memref<!tpu.dma_semaphore, #tpu.memory_space<semaphore_mem>>)
      %ge3A = arith.constant 1 : i32
      %ge3A_45 = arith.cmpi sge, %add3A_31, %ge3A : i32
      %convert_element_type3A = arith.extui %ge3A_45 : i1 to i32
      %cond3A = arith.constant 0 : i32
      %cond3A_46 = arith.cmpi ne, %convert_element_type3A, %cond3A : i32
      scf.if %cond3A_46 {
        %dma_wait3A_82 = arith.constant 0 : i32
        %dma_wait3A_83 = arith.constant 0 : i32
        %dma_wait3A_84 = tpu.memref_slice %arg5[%dma_wait3A_82, %dma_wait3A_83] : memref<81920x128xf32, #tpu.memory_space<hbm>> -> memref<128x128xf32, #tpu.memory_space<hbm>>
        %dma_wait3A_85 = arith.constant 0 : i32
        %dma_wait3A_86 = arith.constant 0 : i32
        %dma_wait3A_87 = tpu.memref_slice %arg5[%dma_wait3A_85, %dma_wait3A_86] : memref<81920x128xf32, #tpu.memory_space<hbm>> -> memref<128x128xf32, #tpu.memory_space<hbm>>
        tpu.wait_dma2 semaphore(%arg15 : memref<!tpu.dma_semaphore, #tpu.memory_space<semaphore_mem>>) src(%arg10 : memref<128x128xf32, #tpu.memory_space<vmem>>) dst(%dma_wait3A_87 : memref<128x128xf32, #tpu.memory_space<hbm>>)
      } else {
      }
      %add3A_47 = arith.constant 1 : i32
      %add3A_48 = arith.addi %add3A_31, %add3A_47 : i32
      %lt3A = arith.constant 40 : i32
      %lt3A_49 = arith.cmpi slt, %add3A_48, %lt3A : i32
      %convert_element_type3A_50 = arith.extui %lt3A_49 : i1 to i32
      %cond3A_51 = arith.constant 0 : i32
      %cond3A_52 = arith.cmpi ne, %convert_element_type3A_50, %cond3A_51 : i32
      scf.if %cond3A_52 {
        %dma_start3A_82 = arith.constant 0 : i32
        %dma_start3A_83 = tpu.memref_slice %arg8[%scan3A_27, %dma_start3A_82] : memref<24x128xi32, #tpu.memory_space<vmem>> -> memref<1x128xi32, #tpu.memory_space<vmem>>
        %dma_start3A_84 = tpu.memref_squeeze %dma_start3A_83 : memref<1x128xi32, #tpu.memory_space<vmem>> -> memref<128xi32, #tpu.memory_space<vmem>>
        %dma_start3A_85 = arith.constant 0 : i32
        %dma_start3A_86 = arith.constant 0 : i32
        %dma_start3A_87 = tpu.memref_slice %arg11[%dma_start3A_85, %dma_start3A_86] : memref<10240x128xf32, #tpu.memory_space<vmem_shared>> -> memref<10240x128xf32, #tpu.memory_space<vmem_shared>>
        tpu.enqueue_indirect_dma source(%dma_start3A_87 : memref<10240x128xf32, #tpu.memory_space<vmem_shared>>) target(%arg10 : memref<128x128xf32, #tpu.memory_space<vmem>>) offsets(%dma_start3A_84 : memref<128xi32, #tpu.memory_space<vmem>>) semaphore(%arg13 : memref<!tpu.dma_semaphore, #tpu.memory_space<semaphore_mem>>)
      } else {
      }
      %mul3A_53 = arith.constant 2 : i32
      %mul3A_54 = arith.muli %scan3A_27, %mul3A_53 : i32
      %add3A_55 = arith.constant 1 : i32
      %add3A_56 = arith.addi %mul3A_54, %add3A_55 : i32
      %dma_wait3A_57 = arith.constant 0 : i32
      %dma_wait3A_58 = arith.constant 0 : i32
      %dma_wait3A_59 = tpu.memref_slice %arg2[%dma_wait3A_57, %dma_wait3A_58] : memref<10240x128xf32, #tpu.memory_space<hbm>> -> memref<128x128xf32, #tpu.memory_space<hbm>>
      %dma_wait3A_60 = arith.constant 0 : i32
      %dma_wait3A_61 = arith.constant 0 : i32
      %dma_wait3A_62 = tpu.memref_slice %arg2[%dma_wait3A_60, %dma_wait3A_61] : memref<10240x128xf32, #tpu.memory_space<hbm>> -> memref<128x128xf32, #tpu.memory_space<hbm>>
      tpu.wait_dma2 semaphore(%arg13 : memref<!tpu.dma_semaphore, #tpu.memory_space<semaphore_mem>>) src(%dma_wait3A_62 : memref<128x128xf32, #tpu.memory_space<hbm>>) dst(%arg10 : memref<128x128xf32, #tpu.memory_space<vmem>>)
      %add3A_63 = arith.addi %mul3A_2, %scan3A_27 : i32
      %mul3A_64 = arith.constant 128 : i32
      %mul3A_65 = arith.muli %add3A_63, %mul3A_64 : i32
      %dma_start3A_66 = arith.constant 0 : i32
      %dma_start3A_67 = tpu.memref_slice %arg6[%mul3A_65, %dma_start3A_66] : memref<81920x128xf32, #tpu.memory_space<hbm>> -> memref<128x128xf32, #tpu.memory_space<hbm>>
      %dma_start3A_68 = arith.constant 0 : i32
      %dma_start3A_69 = tpu.memref_slice %arg6[%mul3A_65, %dma_start3A_68] : memref<81920x128xf32, #tpu.memory_space<hbm>> -> memref<128x128xf32, #tpu.memory_space<hbm>>
      tpu.enqueue_dma source(%arg10 : memref<128x128xf32, #tpu.memory_space<vmem>>) target(%dma_start3A_69 : memref<128x128xf32, #tpu.memory_space<hbm>>) target_semaphore(%arg15 : memref<!tpu.dma_semaphore, #tpu.memory_space<semaphore_mem>>)
      %ge3A_70 = arith.constant 1 : i32
      %ge3A_71 = arith.cmpi sge, %add3A_56, %ge3A_70 : i32
      %convert_element_type3A_72 = arith.extui %ge3A_71 : i1 to i32
      %cond3A_73 = arith.constant 0 : i32
      %cond3A_74 = arith.cmpi ne, %convert_element_type3A_72, %cond3A_73 : i32
      scf.if %cond3A_74 {
        %dma_wait3A_82 = arith.constant 0 : i32
        %dma_wait3A_83 = arith.constant 0 : i32
        %dma_wait3A_84 = tpu.memref_slice %arg5[%dma_wait3A_82, %dma_wait3A_83] : memref<81920x128xf32, #tpu.memory_space<hbm>> -> memref<128x128xf32, #tpu.memory_space<hbm>>
        %dma_wait3A_85 = arith.constant 0 : i32
        %dma_wait3A_86 = arith.constant 0 : i32
        %dma_wait3A_87 = tpu.memref_slice %arg5[%dma_wait3A_85, %dma_wait3A_86] : memref<81920x128xf32, #tpu.memory_space<hbm>> -> memref<128x128xf32, #tpu.memory_space<hbm>>
        tpu.wait_dma2 semaphore(%arg14 : memref<!tpu.dma_semaphore, #tpu.memory_space<semaphore_mem>>) src(%arg9 : memref<128x128xf32, #tpu.memory_space<vmem>>) dst(%dma_wait3A_87 : memref<128x128xf32, #tpu.memory_space<hbm>>)
      } else {
      }
      %add3A_75 = arith.constant 1 : i32
      %add3A_76 = arith.addi %add3A_56, %add3A_75 : i32
      %lt3A_77 = arith.constant 40 : i32
      %lt3A_78 = arith.cmpi slt, %add3A_76, %lt3A_77 : i32
      %convert_element_type3A_79 = arith.extui %lt3A_78 : i1 to i32
      %cond3A_80 = arith.constant 0 : i32
      %cond3A_81 = arith.cmpi ne, %convert_element_type3A_79, %cond3A_80 : i32
      scf.if %cond3A_81 {
        %add3A_82 = arith.constant 1 : i32
        %add3A_83 = arith.addi %scan3A_27, %add3A_82 : i32
        %dma_start3A_84 = arith.constant 0 : i32
        %dma_start3A_85 = tpu.memref_slice %arg7[%add3A_83, %dma_start3A_84] : memref<24x128xi32, #tpu.memory_space<vmem>> -> memref<1x128xi32, #tpu.memory_space<vmem>>
        %dma_start3A_86 = tpu.memref_squeeze %dma_start3A_85 : memref<1x128xi32, #tpu.memory_space<vmem>> -> memref<128xi32, #tpu.memory_space<vmem>>
        %dma_start3A_87 = arith.constant 0 : i32
        %dma_start3A_88 = arith.constant 0 : i32
        %dma_start3A_89 = tpu.memref_slice %arg11[%dma_start3A_87, %dma_start3A_88] : memref<10240x128xf32, #tpu.memory_space<vmem_shared>> -> memref<10240x128xf32, #tpu.memory_space<vmem_shared>>
        tpu.enqueue_indirect_dma source(%dma_start3A_89 : memref<10240x128xf32, #tpu.memory_space<vmem_shared>>) target(%arg9 : memref<128x128xf32, #tpu.memory_space<vmem>>) offsets(%dma_start3A_86 : memref<128xi32, #tpu.memory_space<vmem>>) semaphore(%arg12 : memref<!tpu.dma_semaphore, #tpu.memory_space<semaphore_mem>>)
      } else {
      }
    }
    %scan3A_21 = arith.constant 20 : i32
    %dma_wait3A = arith.constant 0 : i32
    %dma_wait3A_22 = arith.constant 0 : i32
    %dma_wait3A_23 = tpu.memref_slice %arg5[%dma_wait3A, %dma_wait3A_22] : memref<81920x128xf32, #tpu.memory_space<hbm>> -> memref<128x128xf32, #tpu.memory_space<hbm>>
    %dma_wait3A_24 = arith.constant 0 : i32
    %dma_wait3A_25 = arith.constant 0 : i32
    %dma_wait3A_26 = tpu.memref_slice %arg5[%dma_wait3A_24, %dma_wait3A_25] : memref<81920x128xf32, #tpu.memory_space<hbm>> -> memref<128x128xf32, #tpu.memory_space<hbm>>
    tpu.wait_dma2 semaphore(%arg15 : memref<!tpu.dma_semaphore, #tpu.memory_space<semaphore_mem>>) src(%arg10 : memref<128x128xf32, #tpu.memory_space<vmem>>) dst(%dma_wait3A_26 : memref<128x128xf32, #tpu.memory_space<hbm>>)
    return
  }
}

#map = affine_map<(d0, d1) -> (0, 0)>
module attributes {stable_mosaic.version = 14 : i64} {
  func.func @body(%arg0: i32, %arg1: i32, %arg2: memref<81920x16xf32, #tpu.memory_space<hbm>>, %arg3: memref<768x128xi32, #tpu.memory_space<hbm>>, %arg4: memref<10240x16xf32, #tpu.memory_space<hbm>>, %arg5: memref<10240x16xf32, #tpu.memory_space<hbm>>, %arg6: memref<24x128xi32, #tpu.memory_space<vmem>>, %arg7: memref<128x16xf32, #tpu.memory_space<vmem>>, %arg8: memref<128x16xf32, #tpu.memory_space<vmem>>, %arg9: memref<128x16xf32, #tpu.memory_space<vmem>>, %arg10: memref<128x16xf32, #tpu.memory_space<vmem>>, %arg11: memref<10240x16xf32, #tpu.memory_space<vmem_shared>>, %arg12: memref<!tpu.dma_semaphore, #tpu.memory_space<semaphore_mem>>, %arg13: memref<!tpu.dma_semaphore, #tpu.memory_space<semaphore_mem>>, %arg14: memref<!tpu.dma_semaphore, #tpu.memory_space<semaphore_mem>>, %arg15: memref<!tpu.dma_semaphore, #tpu.memory_space<semaphore_mem>>, %arg16: memref<!tpu.dma_semaphore, #tpu.memory_space<semaphore_mem>>, %arg17: memref<!tpu.dma_semaphore, #tpu.memory_space<semaphore_mem>>, %arg18: memref<!tpu.dma_semaphore, #tpu.memory_space<semaphore_mem>>, %arg19: memref<!tpu.dma_semaphore, #tpu.memory_space<semaphore_mem>>) attributes {dimension_semantics = [#tpu.dimension_semantics<core_parallel>, #tpu.dimension_semantics<subcore_parallel>], iteration_bounds = array<i64: 2, 16>, scalar_prefetch = 0 : i64, scratch_operands = 14 : i64, tpu.core_type = #tpu.core_type<sc_vector_subcore>, window_params = [{transform_indices = #map}, {transform_indices = #map}, {transform_indices = #map}, {transform_indices = #map}]} {
    %mul3A = arith.constant 2 : i32
    %mul3A_0 = arith.muli %arg1, %mul3A : i32
    %add3A = arith.addi %mul3A_0, %arg0 : i32
    %mul3A_1 = arith.constant 20 : i32
    %mul3A_2 = arith.muli %add3A, %mul3A_1 : i32
    %mul3A_3 = arith.constant 24 : i32
    %mul3A_4 = arith.muli %add3A, %mul3A_3 : i32
    "tpu.region"() ({
      %run_scoped3A = tpu.sem_alloc : memref<!tpu.dma_semaphore, #tpu.memory_space<semaphore_mem>>
      %dma_start3A_60 = arith.constant 0 : i32
      %dma_start3A_61 = tpu.memref_slice %arg3[%mul3A_4, %dma_start3A_60] : memref<768x128xi32, #tpu.memory_space<hbm>> -> memref<24x128xi32, #tpu.memory_space<hbm>>
      %dma_start3A_62 = arith.constant 0 : i32
      %dma_start3A_63 = tpu.memref_slice %arg3[%mul3A_4, %dma_start3A_62] : memref<768x128xi32, #tpu.memory_space<hbm>> -> memref<24x128xi32, #tpu.memory_space<hbm>>
      tpu.enqueue_dma source(%dma_start3A_63 : memref<24x128xi32, #tpu.memory_space<hbm>>) target(%arg6 : memref<24x128xi32, #tpu.memory_space<vmem>>) target_semaphore(%run_scoped3A : memref<!tpu.dma_semaphore, #tpu.memory_space<semaphore_mem>>)
      %dma_wait3A_64 = arith.constant 0 : i32
      %dma_wait3A_65 = tpu.memref_slice %arg3[%mul3A_4, %dma_wait3A_64] : memref<768x128xi32, #tpu.memory_space<hbm>> -> memref<24x128xi32, #tpu.memory_space<hbm>>
      %dma_wait3A_66 = arith.constant 0 : i32
      %dma_wait3A_67 = tpu.memref_slice %arg3[%mul3A_4, %dma_wait3A_66] : memref<768x128xi32, #tpu.memory_space<hbm>> -> memref<24x128xi32, #tpu.memory_space<hbm>>
      tpu.wait_dma2 semaphore(%run_scoped3A : memref<!tpu.dma_semaphore, #tpu.memory_space<semaphore_mem>>) src(%dma_wait3A_67 : memref<24x128xi32, #tpu.memory_space<hbm>>) dst(%arg6 : memref<24x128xi32, #tpu.memory_space<vmem>>)
      tpu.yield
    }) : () -> ()
    %scan3A = arith.constant 0 : i32
    %scan3A_5 = arith.constant 0 : i32
    %scan3A_6 = arith.constant 128 : i32
    %scan3A_7 = arith.addi %scan3A_5, %scan3A_6 : i32
    %scan3A_8 = arith.constant 1 : i32
    scf.for %scan3A_60 = %scan3A_5 to %scan3A_7 step %scan3A_8  : i32 {
      %scan3A_61 = arith.constant 0 : i32
      %broadcast_in_dim3A = arith.constant 0.000000e+00 : f32
      %broadcast_in_dim3A_62 = vector.broadcast %broadcast_in_dim3A : f32 to vector<16xf32>
      %mul3A_63 = arith.constant 16 : i32
      %mul3A_64 = arith.muli %scan3A_61, %mul3A_63 : i32
      %swap3A = arith.index_cast %scan3A_60 : i32 to index
      %swap3A_65 = arith.index_cast %mul3A_64 : i32 to index
      %swap3A_66 = tpu.vector_load %arg7[%swap3A, %swap3A_65] {strides = array<i32>} : memref<128x16xf32, #tpu.memory_space<vmem>>, vector<1x16xf32>,
      %swap3A_67 = vector.shape_cast %swap3A_66 : vector<1x16xf32> to vector<16xf32>
      %swap3A_68 = vector.shape_cast %broadcast_in_dim3A_62 : vector<16xf32> to vector<1x16xf32>
      tpu.vector_store %arg7[%swap3A, %swap3A_65], %swap3A_68 {strides = array<i32>} : memref<128x16xf32, #tpu.memory_space<vmem>>, vector<1x16xf32>,
      %scan3A_69 = arith.constant 1 : i32
    }
    %scan3A_9 = arith.constant 128 : i32
    %mul3A_10 = arith.constant 640 : i32
    %mul3A_11 = arith.muli %arg1, %mul3A_10 : i32
    %scan3A_12 = arith.constant 0 : i32
    %scan3A_13 = arith.constant 0 : i32
    %scan3A_14 = arith.constant 5 : i32
    %scan3A_15 = arith.addi %scan3A_13, %scan3A_14 : i32
    %scan3A_16 = arith.constant 1 : i32
    scf.for %scan3A_60 = %scan3A_13 to %scan3A_15 step %scan3A_16  : i32 {
      %mul3A_61 = arith.constant 128 : i32
      %mul3A_62 = arith.muli %scan3A_60, %mul3A_61 : i32
      %add3A_63 = arith.addi %mul3A_11, %mul3A_62 : i32
      "tpu.region"() ({
        %run_scoped3A = tpu.sem_alloc : memref<!tpu.dma_semaphore, #tpu.memory_space<semaphore_mem>>
        %dma_start3A_64 = arith.constant 0 : i32
        %dma_start3A_65 = tpu.memref_slice %arg11[%add3A_63, %dma_start3A_64] : memref<10240x16xf32, #tpu.memory_space<vmem_shared>> -> memref<128x16xf32, #tpu.memory_space<vmem_shared>>
        %dma_start3A_66 = arith.constant 0 : i32
        %dma_start3A_67 = tpu.memref_slice %arg11[%add3A_63, %dma_start3A_66] : memref<10240x16xf32, #tpu.memory_space<vmem_shared>> -> memref<128x16xf32, #tpu.memory_space<vmem_shared>>
        tpu.enqueue_dma source(%arg7 : memref<128x16xf32, #tpu.memory_space<vmem>>) target(%dma_start3A_67 : memref<128x16xf32, #tpu.memory_space<vmem_shared>>) target_semaphore(%run_scoped3A : memref<!tpu.dma_semaphore, #tpu.memory_space<semaphore_mem>>)
        %dma_wait3A_68 = arith.constant 0 : i32
        %dma_wait3A_69 = tpu.memref_slice %arg11[%add3A_63, %dma_wait3A_68] : memref<10240x16xf32, #tpu.memory_space<vmem_shared>> -> memref<128x16xf32, #tpu.memory_space<vmem_shared>>
        %dma_wait3A_70 = arith.constant 0 : i32
        %dma_wait3A_71 = tpu.memref_slice %arg11[%add3A_63, %dma_wait3A_70] : memref<10240x16xf32, #tpu.memory_space<vmem_shared>> -> memref<128x16xf32, #tpu.memory_space<vmem_shared>>
        tpu.wait_dma2 semaphore(%run_scoped3A : memref<!tpu.dma_semaphore, #tpu.memory_space<semaphore_mem>>) src(%arg7 : memref<128x16xf32, #tpu.memory_space<vmem>>) dst(%dma_wait3A_71 : memref<128x16xf32, #tpu.memory_space<vmem_shared>>)
        tpu.yield
      }) : () -> ()
    }
    %scan3A_17 = arith.constant 5 : i32
    %barrier3A = arith.constant 0 : index
    tpu.barrier barrier_id(%barrier3A)
    %add3A_18 = arith.constant 0 : i32
    %add3A_19 = arith.addi %mul3A_2, %add3A_18 : i32
    %mul3A_20 = arith.constant 128 : i32
    %mul3A_21 = arith.muli %add3A_19, %mul3A_20 : i32
    %dma_start3A = arith.constant 0 : i32
    %dma_start3A_22 = tpu.memref_slice %arg2[%mul3A_21, %dma_start3A] : memref<81920x16xf32, #tpu.memory_space<hbm>> -> memref<128x16xf32, #tpu.memory_space<hbm>>
    %dma_start3A_23 = arith.constant 0 : i32
    %dma_start3A_24 = tpu.memref_slice %arg2[%mul3A_21, %dma_start3A_23] : memref<81920x16xf32, #tpu.memory_space<hbm>> -> memref<128x16xf32, #tpu.memory_space<hbm>>
    tpu.enqueue_dma source(%dma_start3A_24 : memref<128x16xf32, #tpu.memory_space<hbm>>) target(%arg7 : memref<128x16xf32, #tpu.memory_space<vmem>>) target_semaphore(%arg12 : memref<!tpu.dma_semaphore, #tpu.memory_space<semaphore_mem>>)
    %add3A_25 = arith.constant 1 : i32
    %add3A_26 = arith.addi %mul3A_2, %add3A_25 : i32
    %mul3A_27 = arith.constant 128 : i32
    %mul3A_28 = arith.muli %add3A_26, %mul3A_27 : i32
    %dma_start3A_29 = arith.constant 0 : i32
    %dma_start3A_30 = tpu.memref_slice %arg2[%mul3A_28, %dma_start3A_29] : memref<81920x16xf32, #tpu.memory_space<hbm>> -> memref<128x16xf32, #tpu.memory_space<hbm>>
    %dma_start3A_31 = arith.constant 0 : i32
    %dma_start3A_32 = tpu.memref_slice %arg2[%mul3A_28, %dma_start3A_31] : memref<81920x16xf32, #tpu.memory_space<hbm>> -> memref<128x16xf32, #tpu.memory_space<hbm>>
    tpu.enqueue_dma source(%dma_start3A_32 : memref<128x16xf32, #tpu.memory_space<hbm>>) target(%arg8 : memref<128x16xf32, #tpu.memory_space<vmem>>) target_semaphore(%arg13 : memref<!tpu.dma_semaphore, #tpu.memory_space<semaphore_mem>>)
    %add3A_33 = arith.constant 2 : i32
    %add3A_34 = arith.addi %mul3A_2, %add3A_33 : i32
    %mul3A_35 = arith.constant 128 : i32
    %mul3A_36 = arith.muli %add3A_34, %mul3A_35 : i32
    %dma_start3A_37 = arith.constant 0 : i32
    %dma_start3A_38 = tpu.memref_slice %arg2[%mul3A_36, %dma_start3A_37] : memref<81920x16xf32, #tpu.memory_space<hbm>> -> memref<128x16xf32, #tpu.memory_space<hbm>>
    %dma_start3A_39 = arith.constant 0 : i32
    %dma_start3A_40 = tpu.memref_slice %arg2[%mul3A_36, %dma_start3A_39] : memref<81920x16xf32, #tpu.memory_space<hbm>> -> memref<128x16xf32, #tpu.memory_space<hbm>>
    tpu.enqueue_dma source(%dma_start3A_40 : memref<128x16xf32, #tpu.memory_space<hbm>>) target(%arg9 : memref<128x16xf32, #tpu.memory_space<vmem>>) target_semaphore(%arg14 : memref<!tpu.dma_semaphore, #tpu.memory_space<semaphore_mem>>)
    %scan3A_41 = arith.constant 0 : i32
    %scan3A_42 = arith.constant 0 : i32
    %scan3A_43 = arith.constant 5 : i32
    %scan3A_44 = arith.addi %scan3A_42, %scan3A_43 : i32
    %scan3A_45 = arith.constant 1 : i32
    scf.for %scan3A_60 = %scan3A_42 to %scan3A_44 step %scan3A_45  : i32 {
      %mul3A_61 = arith.constant 4 : i32
      %mul3A_62 = arith.muli %scan3A_60, %mul3A_61 : i32
      %add3A_63 = arith.constant 0 : i32
      %add3A_64 = arith.addi %mul3A_62, %add3A_63 : i32
      %dma_wait3A_65 = arith.constant 0 : i32
      %dma_wait3A_66 = arith.constant 0 : i32
      %dma_wait3A_67 = tpu.memref_slice %arg2[%dma_wait3A_65, %dma_wait3A_66] : memref<81920x16xf32, #tpu.memory_space<hbm>> -> memref<128x16xf32, #tpu.memory_space<hbm>>
      %dma_wait3A_68 = arith.constant 0 : i32
      %dma_wait3A_69 = arith.constant 0 : i32
      %dma_wait3A_70 = tpu.memref_slice %arg2[%dma_wait3A_68, %dma_wait3A_69] : memref<81920x16xf32, #tpu.memory_space<hbm>> -> memref<128x16xf32, #tpu.memory_space<hbm>>
      tpu.wait_dma2 semaphore(%arg12 : memref<!tpu.dma_semaphore, #tpu.memory_space<semaphore_mem>>) src(%dma_wait3A_70 : memref<128x16xf32, #tpu.memory_space<hbm>>) dst(%arg7 : memref<128x16xf32, #tpu.memory_space<vmem>>)
      %dma_start3A_71 = arith.constant 0 : i32
      %dma_start3A_72 = tpu.memref_slice %arg6[%add3A_64, %dma_start3A_71] : memref<24x128xi32, #tpu.memory_space<vmem>> -> memref<1x128xi32, #tpu.memory_space<vmem>>
      %dma_start3A_73 = tpu.memref_squeeze %dma_start3A_72 : memref<1x128xi32, #tpu.memory_space<vmem>> -> memref<128xi32, #tpu.memory_space<vmem>>
      %dma_start3A_74 = arith.constant 0 : i32
      %dma_start3A_75 = arith.constant 0 : i32
      %dma_start3A_76 = tpu.memref_slice %arg11[%dma_start3A_74, %dma_start3A_75] : memref<10240x16xf32, #tpu.memory_space<vmem_shared>> -> memref<10240x16xf32, #tpu.memory_space<vmem_shared>>
      tpu.enqueue_indirect_dma source(%arg7 : memref<128x16xf32, #tpu.memory_space<vmem>>) target(%dma_start3A_76 : memref<10240x16xf32, #tpu.memory_space<vmem_shared>>) offsets(%dma_start3A_73 : memref<128xi32, #tpu.memory_space<vmem>>) semaphore(%arg16 : memref<!tpu.dma_semaphore, #tpu.memory_space<semaphore_mem>>) {add = true}
      %ge3A = arith.constant 1 : i32
      %ge3A_77 = arith.cmpi sge, %add3A_64, %ge3A : i32
      %convert_element_type3A_78 = arith.extui %ge3A_77 : i1 to i32
      %cond3A_79 = arith.constant 0 : i32
      %cond3A_80 = arith.cmpi ne, %convert_element_type3A_78, %cond3A_79 : i32
      scf.if %cond3A_80 {
        %dma_wait3A_178 = arith.constant 0 : i32
        %dma_wait3A_179 = arith.constant 0 : i32
        %dma_wait3A_180 = tpu.memref_slice %arg11[%dma_wait3A_178, %dma_wait3A_179] : memref<10240x16xf32, #tpu.memory_space<vmem_shared>> -> memref<128x16xf32, #tpu.memory_space<vmem_shared>>
        %dma_wait3A_181 = arith.constant 0 : i32
        %dma_wait3A_182 = arith.constant 0 : i32
        %dma_wait3A_183 = tpu.memref_slice %arg11[%dma_wait3A_181, %dma_wait3A_182] : memref<10240x16xf32, #tpu.memory_space<vmem_shared>> -> memref<128x16xf32, #tpu.memory_space<vmem_shared>>
        tpu.wait_dma2 semaphore(%arg19 : memref<!tpu.dma_semaphore, #tpu.memory_space<semaphore_mem>>) src(%arg10 : memref<128x16xf32, #tpu.memory_space<vmem>>) dst(%dma_wait3A_183 : memref<128x16xf32, #tpu.memory_space<vmem_shared>>)
      } else {
      }
      %add3A_81 = arith.constant 4 : i32
      %add3A_82 = arith.addi %add3A_64, %add3A_81 : i32
      %sub3A = arith.constant 1 : i32
      %sub3A_83 = arith.subi %add3A_82, %sub3A : i32
      %lt3A = arith.constant 20 : i32
      %lt3A_84 = arith.cmpi slt, %sub3A_83, %lt3A : i32
      %convert_element_type3A_85 = arith.extui %lt3A_84 : i1 to i32
      %cond3A_86 = arith.constant 0 : i32
      %cond3A_87 = arith.cmpi ne, %convert_element_type3A_85, %cond3A_86 : i32
      scf.if %cond3A_87 {
        %add3A_178 = arith.constant 4 : i32
        %add3A_179 = arith.addi %add3A_64, %add3A_178 : i32
        %sub3A_180 = arith.constant 1 : i32
        %sub3A_181 = arith.subi %add3A_179, %sub3A_180 : i32
        %add3A_182 = arith.addi %mul3A_2, %sub3A_181 : i32
        %mul3A_183 = arith.constant 128 : i32
        %mul3A_184 = arith.muli %add3A_182, %mul3A_183 : i32
        %dma_start3A_185 = arith.constant 0 : i32
        %dma_start3A_186 = tpu.memref_slice %arg2[%mul3A_184, %dma_start3A_185] : memref<81920x16xf32, #tpu.memory_space<hbm>> -> memref<128x16xf32, #tpu.memory_space<hbm>>
        %dma_start3A_187 = arith.constant 0 : i32
        %dma_start3A_188 = tpu.memref_slice %arg2[%mul3A_184, %dma_start3A_187] : memref<81920x16xf32, #tpu.memory_space<hbm>> -> memref<128x16xf32, #tpu.memory_space<hbm>>
        tpu.enqueue_dma source(%dma_start3A_188 : memref<128x16xf32, #tpu.memory_space<hbm>>) target(%arg10 : memref<128x16xf32, #tpu.memory_space<vmem>>) target_semaphore(%arg15 : memref<!tpu.dma_semaphore, #tpu.memory_space<semaphore_mem>>)
      } else {
      }
      %mul3A_88 = arith.constant 4 : i32
      %mul3A_89 = arith.muli %scan3A_60, %mul3A_88 : i32
      %add3A_90 = arith.constant 1 : i32
      %add3A_91 = arith.addi %mul3A_89, %add3A_90 : i32
      %dma_wait3A_92 = arith.constant 0 : i32
      %dma_wait3A_93 = arith.constant 0 : i32
      %dma_wait3A_94 = tpu.memref_slice %arg2[%dma_wait3A_92, %dma_wait3A_93] : memref<81920x16xf32, #tpu.memory_space<hbm>> -> memref<128x16xf32, #tpu.memory_space<hbm>>
      %dma_wait3A_95 = arith.constant 0 : i32
      %dma_wait3A_96 = arith.constant 0 : i32
      %dma_wait3A_97 = tpu.memref_slice %arg2[%dma_wait3A_95, %dma_wait3A_96] : memref<81920x16xf32, #tpu.memory_space<hbm>> -> memref<128x16xf32, #tpu.memory_space<hbm>>
      tpu.wait_dma2 semaphore(%arg13 : memref<!tpu.dma_semaphore, #tpu.memory_space<semaphore_mem>>) src(%dma_wait3A_97 : memref<128x16xf32, #tpu.memory_space<hbm>>) dst(%arg8 : memref<128x16xf32, #tpu.memory_space<vmem>>)
      %dma_start3A_98 = arith.constant 0 : i32
      %dma_start3A_99 = tpu.memref_slice %arg6[%add3A_91, %dma_start3A_98] : memref<24x128xi32, #tpu.memory_space<vmem>> -> memref<1x128xi32, #tpu.memory_space<vmem>>
      %dma_start3A_100 = tpu.memref_squeeze %dma_start3A_99 : memref<1x128xi32, #tpu.memory_space<vmem>> -> memref<128xi32, #tpu.memory_space<vmem>>
      %dma_start3A_101 = arith.constant 0 : i32
      %dma_start3A_102 = arith.constant 0 : i32
      %dma_start3A_103 = tpu.memref_slice %arg11[%dma_start3A_101, %dma_start3A_102] : memref<10240x16xf32, #tpu.memory_space<vmem_shared>> -> memref<10240x16xf32, #tpu.memory_space<vmem_shared>>
      tpu.enqueue_indirect_dma source(%arg8 : memref<128x16xf32, #tpu.memory_space<vmem>>) target(%dma_start3A_103 : memref<10240x16xf32, #tpu.memory_space<vmem_shared>>) offsets(%dma_start3A_100 : memref<128xi32, #tpu.memory_space<vmem>>) semaphore(%arg17 : memref<!tpu.dma_semaphore, #tpu.memory_space<semaphore_mem>>) {add = true}
      %ge3A_104 = arith.constant 1 : i32
      %ge3A_105 = arith.cmpi sge, %add3A_91, %ge3A_104 : i32
      %convert_element_type3A_106 = arith.extui %ge3A_105 : i1 to i32
      %cond3A_107 = arith.constant 0 : i32
      %cond3A_108 = arith.cmpi ne, %convert_element_type3A_106, %cond3A_107 : i32
      scf.if %cond3A_108 {
        %dma_wait3A_178 = arith.constant 0 : i32
        %dma_wait3A_179 = arith.constant 0 : i32
        %dma_wait3A_180 = tpu.memref_slice %arg11[%dma_wait3A_178, %dma_wait3A_179] : memref<10240x16xf32, #tpu.memory_space<vmem_shared>> -> memref<128x16xf32, #tpu.memory_space<vmem_shared>>
        %dma_wait3A_181 = arith.constant 0 : i32
        %dma_wait3A_182 = arith.constant 0 : i32
        %dma_wait3A_183 = tpu.memref_slice %arg11[%dma_wait3A_181, %dma_wait3A_182] : memref<10240x16xf32, #tpu.memory_space<vmem_shared>> -> memref<128x16xf32, #tpu.memory_space<vmem_shared>>
        tpu.wait_dma2 semaphore(%arg16 : memref<!tpu.dma_semaphore, #tpu.memory_space<semaphore_mem>>) src(%arg7 : memref<128x16xf32, #tpu.memory_space<vmem>>) dst(%dma_wait3A_183 : memref<128x16xf32, #tpu.memory_space<vmem_shared>>)
      } else {
      }
      %add3A_109 = arith.constant 4 : i32
      %add3A_110 = arith.addi %add3A_91, %add3A_109 : i32
      %sub3A_111 = arith.constant 1 : i32
      %sub3A_112 = arith.subi %add3A_110, %sub3A_111 : i32
      %lt3A_113 = arith.constant 20 : i32
      %lt3A_114 = arith.cmpi slt, %sub3A_112, %lt3A_113 : i32
      %convert_element_type3A_115 = arith.extui %lt3A_114 : i1 to i32
      %cond3A_116 = arith.constant 0 : i32
      %cond3A_117 = arith.cmpi ne, %convert_element_type3A_115, %cond3A_116 : i32
      scf.if %cond3A_117 {
        %add3A_178 = arith.constant 4 : i32
        %add3A_179 = arith.addi %add3A_91, %add3A_178 : i32
        %sub3A_180 = arith.constant 1 : i32
        %sub3A_181 = arith.subi %add3A_179, %sub3A_180 : i32
        %add3A_182 = arith.addi %mul3A_2, %sub3A_181 : i32
        %mul3A_183 = arith.constant 128 : i32
        %mul3A_184 = arith.muli %add3A_182, %mul3A_183 : i32
        %dma_start3A_185 = arith.constant 0 : i32
        %dma_start3A_186 = tpu.memref_slice %arg2[%mul3A_184, %dma_start3A_185] : memref<81920x16xf32, #tpu.memory_space<hbm>> -> memref<128x16xf32, #tpu.memory_space<hbm>>
        %dma_start3A_187 = arith.constant 0 : i32
        %dma_start3A_188 = tpu.memref_slice %arg2[%mul3A_184, %dma_start3A_187] : memref<81920x16xf32, #tpu.memory_space<hbm>> -> memref<128x16xf32, #tpu.memory_space<hbm>>
        tpu.enqueue_dma source(%dma_start3A_188 : memref<128x16xf32, #tpu.memory_space<hbm>>) target(%arg7 : memref<128x16xf32, #tpu.memory_space<vmem>>) target_semaphore(%arg12 : memref<!tpu.dma_semaphore, #tpu.memory_space<semaphore_mem>>)
      } else {
      }
      %mul3A_118 = arith.constant 4 : i32
      %mul3A_119 = arith.muli %scan3A_60, %mul3A_118 : i32
      %add3A_120 = arith.constant 2 : i32
      %add3A_121 = arith.addi %mul3A_119, %add3A_120 : i32
      %dma_wait3A_122 = arith.constant 0 : i32
      %dma_wait3A_123 = arith.constant 0 : i32
      %dma_wait3A_124 = tpu.memref_slice %arg2[%dma_wait3A_122, %dma_wait3A_123] : memref<81920x16xf32, #tpu.memory_space<hbm>> -> memref<128x16xf32, #tpu.memory_space<hbm>>
      %dma_wait3A_125 = arith.constant 0 : i32
      %dma_wait3A_126 = arith.constant 0 : i32
      %dma_wait3A_127 = tpu.memref_slice %arg2[%dma_wait3A_125, %dma_wait3A_126] : memref<81920x16xf32, #tpu.memory_space<hbm>> -> memref<128x16xf32, #tpu.memory_space<hbm>>
      tpu.wait_dma2 semaphore(%arg14 : memref<!tpu.dma_semaphore, #tpu.memory_space<semaphore_mem>>) src(%dma_wait3A_127 : memref<128x16xf32, #tpu.memory_space<hbm>>) dst(%arg9 : memref<128x16xf32, #tpu.memory_space<vmem>>)
      %dma_start3A_128 = arith.constant 0 : i32
      %dma_start3A_129 = tpu.memref_slice %arg6[%add3A_121, %dma_start3A_128] : memref<24x128xi32, #tpu.memory_space<vmem>> -> memref<1x128xi32, #tpu.memory_space<vmem>>
      %dma_start3A_130 = tpu.memref_squeeze %dma_start3A_129 : memref<1x128xi32, #tpu.memory_space<vmem>> -> memref<128xi32, #tpu.memory_space<vmem>>
      %dma_start3A_131 = arith.constant 0 : i32
      %dma_start3A_132 = arith.constant 0 : i32
      %dma_start3A_133 = tpu.memref_slice %arg11[%dma_start3A_131, %dma_start3A_132] : memref<10240x16xf32, #tpu.memory_space<vmem_shared>> -> memref<10240x16xf32, #tpu.memory_space<vmem_shared>>
      tpu.enqueue_indirect_dma source(%arg9 : memref<128x16xf32, #tpu.memory_space<vmem>>) target(%dma_start3A_133 : memref<10240x16xf32, #tpu.memory_space<vmem_shared>>) offsets(%dma_start3A_130 : memref<128xi32, #tpu.memory_space<vmem>>) semaphore(%arg18 : memref<!tpu.dma_semaphore, #tpu.memory_space<semaphore_mem>>) {add = true}
      %ge3A_134 = arith.constant 1 : i32
      %ge3A_135 = arith.cmpi sge, %add3A_121, %ge3A_134 : i32
      %convert_element_type3A_136 = arith.extui %ge3A_135 : i1 to i32
      %cond3A_137 = arith.constant 0 : i32
      %cond3A_138 = arith.cmpi ne, %convert_element_type3A_136, %cond3A_137 : i32
      scf.if %cond3A_138 {
        %dma_wait3A_178 = arith.constant 0 : i32
        %dma_wait3A_179 = arith.constant 0 : i32
        %dma_wait3A_180 = tpu.memref_slice %arg11[%dma_wait3A_178, %dma_wait3A_179] : memref<10240x16xf32, #tpu.memory_space<vmem_shared>> -> memref<128x16xf32, #tpu.memory_space<vmem_shared>>
        %dma_wait3A_181 = arith.constant 0 : i32
        %dma_wait3A_182 = arith.constant 0 : i32
        %dma_wait3A_183 = tpu.memref_slice %arg11[%dma_wait3A_181, %dma_wait3A_182] : memref<10240x16xf32, #tpu.memory_space<vmem_shared>> -> memref<128x16xf32, #tpu.memory_space<vmem_shared>>
        tpu.wait_dma2 semaphore(%arg17 : memref<!tpu.dma_semaphore, #tpu.memory_space<semaphore_mem>>) src(%arg8 : memref<128x16xf32, #tpu.memory_space<vmem>>) dst(%dma_wait3A_183 : memref<128x16xf32, #tpu.memory_space<vmem_shared>>)
      } else {
      }
      %add3A_139 = arith.constant 4 : i32
      %add3A_140 = arith.addi %add3A_121, %add3A_139 : i32
      %sub3A_141 = arith.constant 1 : i32
      %sub3A_142 = arith.subi %add3A_140, %sub3A_141 : i32
      %lt3A_143 = arith.constant 20 : i32
      %lt3A_144 = arith.cmpi slt, %sub3A_142, %lt3A_143 : i32
      %convert_element_type3A_145 = arith.extui %lt3A_144 : i1 to i32
      %cond3A_146 = arith.constant 0 : i32
      %cond3A_147 = arith.cmpi ne, %convert_element_type3A_145, %cond3A_146 : i32
      scf.if %cond3A_147 {
        %add3A_178 = arith.constant 4 : i32
        %add3A_179 = arith.addi %add3A_121, %add3A_178 : i32
        %sub3A_180 = arith.constant 1 : i32
        %sub3A_181 = arith.subi %add3A_179, %sub3A_180 : i32
        %add3A_182 = arith.addi %mul3A_2, %sub3A_181 : i32
        %mul3A_183 = arith.constant 128 : i32
        %mul3A_184 = arith.muli %add3A_182, %mul3A_183 : i32
        %dma_start3A_185 = arith.constant 0 : i32
        %dma_start3A_186 = tpu.memref_slice %arg2[%mul3A_184, %dma_start3A_185] : memref<81920x16xf32, #tpu.memory_space<hbm>> -> memref<128x16xf32, #tpu.memory_space<hbm>>
        %dma_start3A_187 = arith.constant 0 : i32
        %dma_start3A_188 = tpu.memref_slice %arg2[%mul3A_184, %dma_start3A_187] : memref<81920x16xf32, #tpu.memory_space<hbm>> -> memref<128x16xf32, #tpu.memory_space<hbm>>
        tpu.enqueue_dma source(%dma_start3A_188 : memref<128x16xf32, #tpu.memory_space<hbm>>) target(%arg8 : memref<128x16xf32, #tpu.memory_space<vmem>>) target_semaphore(%arg13 : memref<!tpu.dma_semaphore, #tpu.memory_space<semaphore_mem>>)
      } else {
      }
      %mul3A_148 = arith.constant 4 : i32
      %mul3A_149 = arith.muli %scan3A_60, %mul3A_148 : i32
      %add3A_150 = arith.constant 3 : i32
      %add3A_151 = arith.addi %mul3A_149, %add3A_150 : i32
      %dma_wait3A_152 = arith.constant 0 : i32
      %dma_wait3A_153 = arith.constant 0 : i32
      %dma_wait3A_154 = tpu.memref_slice %arg2[%dma_wait3A_152, %dma_wait3A_153] : memref<81920x16xf32, #tpu.memory_space<hbm>> -> memref<128x16xf32, #tpu.memory_space<hbm>>
      %dma_wait3A_155 = arith.constant 0 : i32
      %dma_wait3A_156 = arith.constant 0 : i32
      %dma_wait3A_157 = tpu.memref_slice %arg2[%dma_wait3A_155, %dma_wait3A_156] : memref<81920x16xf32, #tpu.memory_space<hbm>> -> memref<128x16xf32, #tpu.memory_space<hbm>>
      tpu.wait_dma2 semaphore(%arg15 : memref<!tpu.dma_semaphore, #tpu.memory_space<semaphore_mem>>) src(%dma_wait3A_157 : memref<128x16xf32, #tpu.memory_space<hbm>>) dst(%arg10 : memref<128x16xf32, #tpu.memory_space<vmem>>)
      %dma_start3A_158 = arith.constant 0 : i32
      %dma_start3A_159 = tpu.memref_slice %arg6[%add3A_151, %dma_start3A_158] : memref<24x128xi32, #tpu.memory_space<vmem>> -> memref<1x128xi32, #tpu.memory_space<vmem>>
      %dma_start3A_160 = tpu.memref_squeeze %dma_start3A_159 : memref<1x128xi32, #tpu.memory_space<vmem>> -> memref<128xi32, #tpu.memory_space<vmem>>
      %dma_start3A_161 = arith.constant 0 : i32
      %dma_start3A_162 = arith.constant 0 : i32
      %dma_start3A_163 = tpu.memref_slice %arg11[%dma_start3A_161, %dma_start3A_162] : memref<10240x16xf32, #tpu.memory_space<vmem_shared>> -> memref<10240x16xf32, #tpu.memory_space<vmem_shared>>
      tpu.enqueue_indirect_dma source(%arg10 : memref<128x16xf32, #tpu.memory_space<vmem>>) target(%dma_start3A_163 : memref<10240x16xf32, #tpu.memory_space<vmem_shared>>) offsets(%dma_start3A_160 : memref<128xi32, #tpu.memory_space<vmem>>) semaphore(%arg19 : memref<!tpu.dma_semaphore, #tpu.memory_space<semaphore_mem>>) {add = true}
      %ge3A_164 = arith.constant 1 : i32
      %ge3A_165 = arith.cmpi sge, %add3A_151, %ge3A_164 : i32
      %convert_element_type3A_166 = arith.extui %ge3A_165 : i1 to i32
      %cond3A_167 = arith.constant 0 : i32
      %cond3A_168 = arith.cmpi ne, %convert_element_type3A_166, %cond3A_167 : i32
      scf.if %cond3A_168 {
        %dma_wait3A_178 = arith.constant 0 : i32
        %dma_wait3A_179 = arith.constant 0 : i32
        %dma_wait3A_180 = tpu.memref_slice %arg11[%dma_wait3A_178, %dma_wait3A_179] : memref<10240x16xf32, #tpu.memory_space<vmem_shared>> -> memref<128x16xf32, #tpu.memory_space<vmem_shared>>
        %dma_wait3A_181 = arith.constant 0 : i32
        %dma_wait3A_182 = arith.constant 0 : i32
        %dma_wait3A_183 = tpu.memref_slice %arg11[%dma_wait3A_181, %dma_wait3A_182] : memref<10240x16xf32, #tpu.memory_space<vmem_shared>> -> memref<128x16xf32, #tpu.memory_space<vmem_shared>>
        tpu.wait_dma2 semaphore(%arg18 : memref<!tpu.dma_semaphore, #tpu.memory_space<semaphore_mem>>) src(%arg9 : memref<128x16xf32, #tpu.memory_space<vmem>>) dst(%dma_wait3A_183 : memref<128x16xf32, #tpu.memory_space<vmem_shared>>)
      } else {
      }
      %add3A_169 = arith.constant 4 : i32
      %add3A_170 = arith.addi %add3A_151, %add3A_169 : i32
      %sub3A_171 = arith.constant 1 : i32
      %sub3A_172 = arith.subi %add3A_170, %sub3A_171 : i32
      %lt3A_173 = arith.constant 20 : i32
      %lt3A_174 = arith.cmpi slt, %sub3A_172, %lt3A_173 : i32
      %convert_element_type3A_175 = arith.extui %lt3A_174 : i1 to i32
      %cond3A_176 = arith.constant 0 : i32
      %cond3A_177 = arith.cmpi ne, %convert_element_type3A_175, %cond3A_176 : i32
      scf.if %cond3A_177 {
        %add3A_178 = arith.constant 4 : i32
        %add3A_179 = arith.addi %add3A_151, %add3A_178 : i32
        %sub3A_180 = arith.constant 1 : i32
        %sub3A_181 = arith.subi %add3A_179, %sub3A_180 : i32
        %add3A_182 = arith.addi %mul3A_2, %sub3A_181 : i32
        %mul3A_183 = arith.constant 128 : i32
        %mul3A_184 = arith.muli %add3A_182, %mul3A_183 : i32
        %dma_start3A_185 = arith.constant 0 : i32
        %dma_start3A_186 = tpu.memref_slice %arg2[%mul3A_184, %dma_start3A_185] : memref<81920x16xf32, #tpu.memory_space<hbm>> -> memref<128x16xf32, #tpu.memory_space<hbm>>
        %dma_start3A_187 = arith.constant 0 : i32
        %dma_start3A_188 = tpu.memref_slice %arg2[%mul3A_184, %dma_start3A_187] : memref<81920x16xf32, #tpu.memory_space<hbm>> -> memref<128x16xf32, #tpu.memory_space<hbm>>
        tpu.enqueue_dma source(%dma_start3A_188 : memref<128x16xf32, #tpu.memory_space<hbm>>) target(%arg9 : memref<128x16xf32, #tpu.memory_space<vmem>>) target_semaphore(%arg14 : memref<!tpu.dma_semaphore, #tpu.memory_space<semaphore_mem>>)
      } else {
      }
    }
    %scan3A_46 = arith.constant 5 : i32
    %dma_wait3A = arith.constant 0 : i32
    %dma_wait3A_47 = arith.constant 0 : i32
    %dma_wait3A_48 = tpu.memref_slice %arg11[%dma_wait3A, %dma_wait3A_47] : memref<10240x16xf32, #tpu.memory_space<vmem_shared>> -> memref<128x16xf32, #tpu.memory_space<vmem_shared>>
    %dma_wait3A_49 = arith.constant 0 : i32
    %dma_wait3A_50 = arith.constant 0 : i32
    %dma_wait3A_51 = tpu.memref_slice %arg11[%dma_wait3A_49, %dma_wait3A_50] : memref<10240x16xf32, #tpu.memory_space<vmem_shared>> -> memref<128x16xf32, #tpu.memory_space<vmem_shared>>
    tpu.wait_dma2 semaphore(%arg19 : memref<!tpu.dma_semaphore, #tpu.memory_space<semaphore_mem>>) src(%arg10 : memref<128x16xf32, #tpu.memory_space<vmem>>) dst(%dma_wait3A_51 : memref<128x16xf32, #tpu.memory_space<vmem_shared>>)
    %barrier3A_52 = arith.constant 0 : index
    tpu.barrier barrier_id(%barrier3A_52)
    %eq3A = arith.constant 0 : i32
    %eq3A_53 = arith.cmpi eq, %arg0, %eq3A : i32
    %convert_element_type3A = arith.extui %eq3A_53 : i1 to i32
    %cond3A = arith.constant 0 : i32
    %cond3A_54 = arith.cmpi ne, %convert_element_type3A, %cond3A : i32
    scf.if %cond3A_54 {
      "tpu.region"() ({
        %run_scoped3A = tpu.sem_alloc : memref<!tpu.dma_semaphore, #tpu.memory_space<semaphore_mem>>
        %dma_start3A_60 = arith.constant 0 : i32
        %dma_start3A_61 = tpu.memref_slice %arg4[%mul3A_11, %dma_start3A_60] : memref<10240x16xf32, #tpu.memory_space<hbm>> -> memref<640x16xf32, #tpu.memory_space<hbm>>
        %dma_start3A_62 = arith.constant 0 : i32
        %dma_start3A_63 = tpu.memref_slice %arg11[%mul3A_11, %dma_start3A_62] : memref<10240x16xf32, #tpu.memory_space<vmem_shared>> -> memref<640x16xf32, #tpu.memory_space<vmem_shared>>
        tpu.enqueue_dma source(%dma_start3A_63 : memref<640x16xf32, #tpu.memory_space<vmem_shared>>) target(%dma_start3A_61 : memref<640x16xf32, #tpu.memory_space<hbm>>) target_semaphore(%run_scoped3A : memref<!tpu.dma_semaphore, #tpu.memory_space<semaphore_mem>>)
        %dma_wait3A_64 = arith.constant 0 : i32
        %dma_wait3A_65 = tpu.memref_slice %arg4[%mul3A_11, %dma_wait3A_64] : memref<10240x16xf32, #tpu.memory_space<hbm>> -> memref<640x16xf32, #tpu.memory_space<hbm>>
        %dma_wait3A_66 = arith.constant 0 : i32
        %dma_wait3A_67 = tpu.memref_slice %arg11[%mul3A_11, %dma_wait3A_66] : memref<10240x16xf32, #tpu.memory_space<vmem_shared>> -> memref<640x16xf32, #tpu.memory_space<vmem_shared>>
        tpu.wait_dma2 semaphore(%run_scoped3A : memref<!tpu.dma_semaphore, #tpu.memory_space<semaphore_mem>>) src(%dma_wait3A_67 : memref<640x16xf32, #tpu.memory_space<vmem_shared>>) dst(%dma_wait3A_65 : memref<640x16xf32, #tpu.memory_space<hbm>>)
        tpu.yield
      }) : () -> ()
    } else {
    }
    %eq3A_55 = arith.constant 1 : i32
    %eq3A_56 = arith.cmpi eq, %arg0, %eq3A_55 : i32
    %convert_element_type3A_57 = arith.extui %eq3A_56 : i1 to i32
    %cond3A_58 = arith.constant 0 : i32
    %cond3A_59 = arith.cmpi ne, %convert_element_type3A_57, %cond3A_58 : i32
    scf.if %cond3A_59 {
      "tpu.region"() ({
        %run_scoped3A = tpu.sem_alloc : memref<!tpu.dma_semaphore, #tpu.memory_space<semaphore_mem>>
        %dma_start3A_60 = arith.constant 0 : i32
        %dma_start3A_61 = tpu.memref_slice %arg5[%mul3A_11, %dma_start3A_60] : memref<10240x16xf32, #tpu.memory_space<hbm>> -> memref<640x16xf32, #tpu.memory_space<hbm>>
        %dma_start3A_62 = arith.constant 0 : i32
        %dma_start3A_63 = tpu.memref_slice %arg11[%mul3A_11, %dma_start3A_62] : memref<10240x16xf32, #tpu.memory_space<vmem_shared>> -> memref<640x16xf32, #tpu.memory_space<vmem_shared>>
        tpu.enqueue_dma source(%dma_start3A_63 : memref<640x16xf32, #tpu.memory_space<vmem_shared>>) target(%dma_start3A_61 : memref<640x16xf32, #tpu.memory_space<hbm>>) target_semaphore(%run_scoped3A : memref<!tpu.dma_semaphore, #tpu.memory_space<semaphore_mem>>)
        %dma_wait3A_64 = arith.constant 0 : i32
        %dma_wait3A_65 = tpu.memref_slice %arg5[%mul3A_11, %dma_wait3A_64] : memref<10240x16xf32, #tpu.memory_space<hbm>> -> memref<640x16xf32, #tpu.memory_space<hbm>>
        %dma_wait3A_66 = arith.constant 0 : i32
        %dma_wait3A_67 = tpu.memref_slice %arg11[%mul3A_11, %dma_wait3A_66] : memref<10240x16xf32, #tpu.memory_space<vmem_shared>> -> memref<640x16xf32, #tpu.memory_space<vmem_shared>>
        tpu.wait_dma2 semaphore(%run_scoped3A : memref<!tpu.dma_semaphore, #tpu.memory_space<semaphore_mem>>) src(%dma_wait3A_67 : memref<640x16xf32, #tpu.memory_space<vmem_shared>>) dst(%dma_wait3A_65 : memref<640x16xf32, #tpu.memory_space<hbm>>)
        tpu.yield
      }) : () -> ()
    } else {
    }
    return
  }
}

#map = affine_map<(d0, d1) -> (0, 0)>
module attributes {stable_mosaic.version = 14 : i64} {
  func.func @body(%arg0: i32, %arg1: i32, %arg2: memref<81920x16xf32, #tpu.memory_space<hbm>>, %arg3: memref<768x128xi32, #tpu.memory_space<hbm>>, %arg4: memref<10240x16xf32, #tpu.memory_space<hbm>>, %arg5: memref<10240x16xf32, #tpu.memory_space<hbm>>, %arg6: memref<24x128xi32, #tpu.memory_space<vmem>>, %arg7: memref<128x16xf32, #tpu.memory_space<vmem>>, %arg8: memref<128x16xf32, #tpu.memory_space<vmem>>, %arg9: memref<128x16xf32, #tpu.memory_space<vmem>>, %arg10: memref<128x16xf32, #tpu.memory_space<vmem>>, %arg11: memref<10240x16xf32, #tpu.memory_space<vmem_shared>>, %arg12: memref<!tpu.dma_semaphore, #tpu.memory_space<semaphore_mem>>, %arg13: memref<!tpu.dma_semaphore, #tpu.memory_space<semaphore_mem>>, %arg14: memref<!tpu.dma_semaphore, #tpu.memory_space<semaphore_mem>>, %arg15: memref<!tpu.dma_semaphore, #tpu.memory_space<semaphore_mem>>, %arg16: memref<!tpu.dma_semaphore, #tpu.memory_space<semaphore_mem>>, %arg17: memref<!tpu.dma_semaphore, #tpu.memory_space<semaphore_mem>>, %arg18: memref<!tpu.dma_semaphore, #tpu.memory_space<semaphore_mem>>, %arg19: memref<!tpu.dma_semaphore, #tpu.memory_space<semaphore_mem>>) attributes {dimension_semantics = [#tpu.dimension_semantics<core_parallel>, #tpu.dimension_semantics<subcore_parallel>], iteration_bounds = array<i64: 2, 16>, scalar_prefetch = 0 : i64, scratch_operands = 14 : i64, tpu.core_type = #tpu.core_type<sc_vector_subcore>, window_params = [{transform_indices = #map}, {transform_indices = #map}, {transform_indices = #map}, {transform_indices = #map}]} {
    %mul3A = arith.constant 2 : i32
    %mul3A_0 = arith.muli %arg1, %mul3A : i32
    %add3A = arith.addi %mul3A_0, %arg0 : i32
    %mul3A_1 = arith.constant 20 : i32
    %mul3A_2 = arith.muli %add3A, %mul3A_1 : i32
    %mul3A_3 = arith.constant 24 : i32
    %mul3A_4 = arith.muli %add3A, %mul3A_3 : i32
    "tpu.region"() ({
      %run_scoped3A = tpu.sem_alloc : memref<!tpu.dma_semaphore, #tpu.memory_space<semaphore_mem>>
      %dma_start3A_60 = arith.constant 0 : i32
      %dma_start3A_61 = tpu.memref_slice %arg3[%mul3A_4, %dma_start3A_60] : memref<768x128xi32, #tpu.memory_space<hbm>> -> memref<24x128xi32, #tpu.memory_space<hbm>>
      %dma_start3A_62 = arith.constant 0 : i32
      %dma_start3A_63 = tpu.memref_slice %arg3[%mul3A_4, %dma_start3A_62] : memref<768x128xi32, #tpu.memory_space<hbm>> -> memref<24x128xi32, #tpu.memory_space<hbm>>
      tpu.enqueue_dma source(%dma_start3A_63 : memref<24x128xi32, #tpu.memory_space<hbm>>) target(%arg6 : memref<24x128xi32, #tpu.memory_space<vmem>>) target_semaphore(%run_scoped3A : memref<!tpu.dma_semaphore, #tpu.memory_space<semaphore_mem>>)
      %dma_wait3A_64 = arith.constant 0 : i32
      %dma_wait3A_65 = tpu.memref_slice %arg3[%mul3A_4, %dma_wait3A_64] : memref<768x128xi32, #tpu.memory_space<hbm>> -> memref<24x128xi32, #tpu.memory_space<hbm>>
      %dma_wait3A_66 = arith.constant 0 : i32
      %dma_wait3A_67 = tpu.memref_slice %arg3[%mul3A_4, %dma_wait3A_66] : memref<768x128xi32, #tpu.memory_space<hbm>> -> memref<24x128xi32, #tpu.memory_space<hbm>>
      tpu.wait_dma2 semaphore(%run_scoped3A : memref<!tpu.dma_semaphore, #tpu.memory_space<semaphore_mem>>) src(%dma_wait3A_67 : memref<24x128xi32, #tpu.memory_space<hbm>>) dst(%arg6 : memref<24x128xi32, #tpu.memory_space<vmem>>)
      tpu.yield
    }) : () -> ()
    %scan3A = arith.constant 0 : i32
    %scan3A_5 = arith.constant 0 : i32
    %scan3A_6 = arith.constant 128 : i32
    %scan3A_7 = arith.addi %scan3A_5, %scan3A_6 : i32
    %scan3A_8 = arith.constant 1 : i32
    scf.for %scan3A_60 = %scan3A_5 to %scan3A_7 step %scan3A_8  : i32 {
      %scan3A_61 = arith.constant 0 : i32
      %broadcast_in_dim3A = arith.constant 0.000000e+00 : f32
      %broadcast_in_dim3A_62 = vector.broadcast %broadcast_in_dim3A : f32 to vector<16xf32>
      %mul3A_63 = arith.constant 16 : i32
      %mul3A_64 = arith.muli %scan3A_61, %mul3A_63 : i32
      %swap3A = arith.index_cast %scan3A_60 : i32 to index
      %swap3A_65 = arith.index_cast %mul3A_64 : i32 to index
      %swap3A_66 = tpu.vector_load %arg7[%swap3A, %swap3A_65] {strides = array<i32>} : memref<128x16xf32, #tpu.memory_space<vmem>>, vector<1x16xf32>,
      %swap3A_67 = vector.shape_cast %swap3A_66 : vector<1x16xf32> to vector<16xf32>
      %swap3A_68 = vector.shape_cast %broadcast_in_dim3A_62 : vector<16xf32> to vector<1x16xf32>
      tpu.vector_store %arg7[%swap3A, %swap3A_65], %swap3A_68 {strides = array<i32>} : memref<128x16xf32, #tpu.memory_space<vmem>>, vector<1x16xf32>,
      %scan3A_69 = arith.constant 1 : i32
    }
    %scan3A_9 = arith.constant 128 : i32
    %mul3A_10 = arith.constant 640 : i32
    %mul3A_11 = arith.muli %arg1, %mul3A_10 : i32
    %scan3A_12 = arith.constant 0 : i32
    %scan3A_13 = arith.constant 0 : i32
    %scan3A_14 = arith.constant 5 : i32
    %scan3A_15 = arith.addi %scan3A_13, %scan3A_14 : i32
    %scan3A_16 = arith.constant 1 : i32
    scf.for %scan3A_60 = %scan3A_13 to %scan3A_15 step %scan3A_16  : i32 {
      %mul3A_61 = arith.constant 128 : i32
      %mul3A_62 = arith.muli %scan3A_60, %mul3A_61 : i32
      %add3A_63 = arith.addi %mul3A_11, %mul3A_62 : i32
      "tpu.region"() ({
        %run_scoped3A = tpu.sem_alloc : memref<!tpu.dma_semaphore, #tpu.memory_space<semaphore_mem>>
        %dma_start3A_64 = arith.constant 0 : i32
        %dma_start3A_65 = tpu.memref_slice %arg11[%add3A_63, %dma_start3A_64] : memref<10240x16xf32, #tpu.memory_space<vmem_shared>> -> memref<128x16xf32, #tpu.memory_space<vmem_shared>>
        %dma_start3A_66 = arith.constant 0 : i32
        %dma_start3A_67 = tpu.memref_slice %arg11[%add3A_63, %dma_start3A_66] : memref<10240x16xf32, #tpu.memory_space<vmem_shared>> -> memref<128x16xf32, #tpu.memory_space<vmem_shared>>
        tpu.enqueue_dma source(%arg7 : memref<128x16xf32, #tpu.memory_space<vmem>>) target(%dma_start3A_67 : memref<128x16xf32, #tpu.memory_space<vmem_shared>>) target_semaphore(%run_scoped3A : memref<!tpu.dma_semaphore, #tpu.memory_space<semaphore_mem>>)
        %dma_wait3A_68 = arith.constant 0 : i32
        %dma_wait3A_69 = tpu.memref_slice %arg11[%add3A_63, %dma_wait3A_68] : memref<10240x16xf32, #tpu.memory_space<vmem_shared>> -> memref<128x16xf32, #tpu.memory_space<vmem_shared>>
        %dma_wait3A_70 = arith.constant 0 : i32
        %dma_wait3A_71 = tpu.memref_slice %arg11[%add3A_63, %dma_wait3A_70] : memref<10240x16xf32, #tpu.memory_space<vmem_shared>> -> memref<128x16xf32, #tpu.memory_space<vmem_shared>>
        tpu.wait_dma2 semaphore(%run_scoped3A : memref<!tpu.dma_semaphore, #tpu.memory_space<semaphore_mem>>) src(%arg7 : memref<128x16xf32, #tpu.memory_space<vmem>>) dst(%dma_wait3A_71 : memref<128x16xf32, #tpu.memory_space<vmem_shared>>)
        tpu.yield
      }) : () -> ()
    }
    %scan3A_17 = arith.constant 5 : i32
    %barrier3A = arith.constant 0 : index
    tpu.barrier barrier_id(%barrier3A)
    %add3A_18 = arith.constant 0 : i32
    %add3A_19 = arith.addi %mul3A_2, %add3A_18 : i32
    %mul3A_20 = arith.constant 128 : i32
    %mul3A_21 = arith.muli %add3A_19, %mul3A_20 : i32
    %dma_start3A = arith.constant 0 : i32
    %dma_start3A_22 = tpu.memref_slice %arg2[%mul3A_21, %dma_start3A] : memref<81920x16xf32, #tpu.memory_space<hbm>> -> memref<128x16xf32, #tpu.memory_space<hbm>>
    %dma_start3A_23 = arith.constant 0 : i32
    %dma_start3A_24 = tpu.memref_slice %arg2[%mul3A_21, %dma_start3A_23] : memref<81920x16xf32, #tpu.memory_space<hbm>> -> memref<128x16xf32, #tpu.memory_space<hbm>>
    tpu.enqueue_dma source(%dma_start3A_24 : memref<128x16xf32, #tpu.memory_space<hbm>>) target(%arg7 : memref<128x16xf32, #tpu.memory_space<vmem>>) target_semaphore(%arg12 : memref<!tpu.dma_semaphore, #tpu.memory_space<semaphore_mem>>)
    %add3A_25 = arith.constant 1 : i32
    %add3A_26 = arith.addi %mul3A_2, %add3A_25 : i32
    %mul3A_27 = arith.constant 128 : i32
    %mul3A_28 = arith.muli %add3A_26, %mul3A_27 : i32
    %dma_start3A_29 = arith.constant 0 : i32
    %dma_start3A_30 = tpu.memref_slice %arg2[%mul3A_28, %dma_start3A_29] : memref<81920x16xf32, #tpu.memory_space<hbm>> -> memref<128x16xf32, #tpu.memory_space<hbm>>
    %dma_start3A_31 = arith.constant 0 : i32
    %dma_start3A_32 = tpu.memref_slice %arg2[%mul3A_28, %dma_start3A_31] : memref<81920x16xf32, #tpu.memory_space<hbm>> -> memref<128x16xf32, #tpu.memory_space<hbm>>
    tpu.enqueue_dma source(%dma_start3A_32 : memref<128x16xf32, #tpu.memory_space<hbm>>) target(%arg8 : memref<128x16xf32, #tpu.memory_space<vmem>>) target_semaphore(%arg13 : memref<!tpu.dma_semaphore, #tpu.memory_space<semaphore_mem>>)
    %add3A_33 = arith.constant 2 : i32
    %add3A_34 = arith.addi %mul3A_2, %add3A_33 : i32
    %mul3A_35 = arith.constant 128 : i32
    %mul3A_36 = arith.muli %add3A_34, %mul3A_35 : i32
    %dma_start3A_37 = arith.constant 0 : i32
    %dma_start3A_38 = tpu.memref_slice %arg2[%mul3A_36, %dma_start3A_37] : memref<81920x16xf32, #tpu.memory_space<hbm>> -> memref<128x16xf32, #tpu.memory_space<hbm>>
    %dma_start3A_39 = arith.constant 0 : i32
    %dma_start3A_40 = tpu.memref_slice %arg2[%mul3A_36, %dma_start3A_39] : memref<81920x16xf32, #tpu.memory_space<hbm>> -> memref<128x16xf32, #tpu.memory_space<hbm>>
    tpu.enqueue_dma source(%dma_start3A_40 : memref<128x16xf32, #tpu.memory_space<hbm>>) target(%arg9 : memref<128x16xf32, #tpu.memory_space<vmem>>) target_semaphore(%arg14 : memref<!tpu.dma_semaphore, #tpu.memory_space<semaphore_mem>>)
    %scan3A_41 = arith.constant 0 : i32
    %scan3A_42 = arith.constant 0 : i32
    %scan3A_43 = arith.constant 5 : i32
    %scan3A_44 = arith.addi %scan3A_42, %scan3A_43 : i32
    %scan3A_45 = arith.constant 1 : i32
    scf.for %scan3A_60 = %scan3A_42 to %scan3A_44 step %scan3A_45  : i32 {
      %mul3A_61 = arith.constant 4 : i32
      %mul3A_62 = arith.muli %scan3A_60, %mul3A_61 : i32
      %add3A_63 = arith.constant 0 : i32
      %add3A_64 = arith.addi %mul3A_62, %add3A_63 : i32
      %dma_wait3A_65 = arith.constant 0 : i32
      %dma_wait3A_66 = arith.constant 0 : i32
      %dma_wait3A_67 = tpu.memref_slice %arg2[%dma_wait3A_65, %dma_wait3A_66] : memref<81920x16xf32, #tpu.memory_space<hbm>> -> memref<128x16xf32, #tpu.memory_space<hbm>>
      %dma_wait3A_68 = arith.constant 0 : i32
      %dma_wait3A_69 = arith.constant 0 : i32
      %dma_wait3A_70 = tpu.memref_slice %arg2[%dma_wait3A_68, %dma_wait3A_69] : memref<81920x16xf32, #tpu.memory_space<hbm>> -> memref<128x16xf32, #tpu.memory_space<hbm>>
      tpu.wait_dma2 semaphore(%arg12 : memref<!tpu.dma_semaphore, #tpu.memory_space<semaphore_mem>>) src(%dma_wait3A_70 : memref<128x16xf32, #tpu.memory_space<hbm>>) dst(%arg7 : memref<128x16xf32, #tpu.memory_space<vmem>>)
      %dma_start3A_71 = arith.constant 0 : i32
      %dma_start3A_72 = tpu.memref_slice %arg6[%add3A_64, %dma_start3A_71] : memref<24x128xi32, #tpu.memory_space<vmem>> -> memref<1x128xi32, #tpu.memory_space<vmem>>
      %dma_start3A_73 = tpu.memref_squeeze %dma_start3A_72 : memref<1x128xi32, #tpu.memory_space<vmem>> -> memref<128xi32, #tpu.memory_space<vmem>>
      %dma_start3A_74 = arith.constant 0 : i32
      %dma_start3A_75 = arith.constant 0 : i32
      %dma_start3A_76 = tpu.memref_slice %arg11[%dma_start3A_74, %dma_start3A_75] : memref<10240x16xf32, #tpu.memory_space<vmem_shared>> -> memref<10240x16xf32, #tpu.memory_space<vmem_shared>>
      tpu.enqueue_indirect_dma source(%arg7 : memref<128x16xf32, #tpu.memory_space<vmem>>) target(%dma_start3A_76 : memref<10240x16xf32, #tpu.memory_space<vmem_shared>>) offsets(%dma_start3A_73 : memref<128xi32, #tpu.memory_space<vmem>>) semaphore(%arg16 : memref<!tpu.dma_semaphore, #tpu.memory_space<semaphore_mem>>) {add = true}
      %ge3A = arith.constant 1 : i32
      %ge3A_77 = arith.cmpi sge, %add3A_64, %ge3A : i32
      %convert_element_type3A_78 = arith.extui %ge3A_77 : i1 to i32
      %cond3A_79 = arith.constant 0 : i32
      %cond3A_80 = arith.cmpi ne, %convert_element_type3A_78, %cond3A_79 : i32
      scf.if %cond3A_80 {
        %dma_wait3A_178 = arith.constant 0 : i32
        %dma_wait3A_179 = arith.constant 0 : i32
        %dma_wait3A_180 = tpu.memref_slice %arg11[%dma_wait3A_178, %dma_wait3A_179] : memref<10240x16xf32, #tpu.memory_space<vmem_shared>> -> memref<128x16xf32, #tpu.memory_space<vmem_shared>>
        %dma_wait3A_181 = arith.constant 0 : i32
        %dma_wait3A_182 = arith.constant 0 : i32
        %dma_wait3A_183 = tpu.memref_slice %arg11[%dma_wait3A_181, %dma_wait3A_182] : memref<10240x16xf32, #tpu.memory_space<vmem_shared>> -> memref<128x16xf32, #tpu.memory_space<vmem_shared>>
        tpu.wait_dma2 semaphore(%arg19 : memref<!tpu.dma_semaphore, #tpu.memory_space<semaphore_mem>>) src(%arg10 : memref<128x16xf32, #tpu.memory_space<vmem>>) dst(%dma_wait3A_183 : memref<128x16xf32, #tpu.memory_space<vmem_shared>>)
      } else {
      }
      %add3A_81 = arith.constant 4 : i32
      %add3A_82 = arith.addi %add3A_64, %add3A_81 : i32
      %sub3A = arith.constant 1 : i32
      %sub3A_83 = arith.subi %add3A_82, %sub3A : i32
      %lt3A = arith.constant 20 : i32
      %lt3A_84 = arith.cmpi slt, %sub3A_83, %lt3A : i32
      %convert_element_type3A_85 = arith.extui %lt3A_84 : i1 to i32
      %cond3A_86 = arith.constant 0 : i32
      %cond3A_87 = arith.cmpi ne, %convert_element_type3A_85, %cond3A_86 : i32
      scf.if %cond3A_87 {
        %add3A_178 = arith.constant 4 : i32
        %add3A_179 = arith.addi %add3A_64, %add3A_178 : i32
        %sub3A_180 = arith.constant 1 : i32
        %sub3A_181 = arith.subi %add3A_179, %sub3A_180 : i32
        %add3A_182 = arith.addi %mul3A_2, %sub3A_181 : i32
        %mul3A_183 = arith.constant 128 : i32
        %mul3A_184 = arith.muli %add3A_182, %mul3A_183 : i32
        %dma_start3A_185 = arith.constant 0 : i32
        %dma_start3A_186 = tpu.memref_slice %arg2[%mul3A_184, %dma_start3A_185] : memref<81920x16xf32, #tpu.memory_space<hbm>> -> memref<128x16xf32, #tpu.memory_space<hbm>>
        %dma_start3A_187 = arith.constant 0 : i32
        %dma_start3A_188 = tpu.memref_slice %arg2[%mul3A_184, %dma_start3A_187] : memref<81920x16xf32, #tpu.memory_space<hbm>> -> memref<128x16xf32, #tpu.memory_space<hbm>>
        tpu.enqueue_dma source(%dma_start3A_188 : memref<128x16xf32, #tpu.memory_space<hbm>>) target(%arg10 : memref<128x16xf32, #tpu.memory_space<vmem>>) target_semaphore(%arg15 : memref<!tpu.dma_semaphore, #tpu.memory_space<semaphore_mem>>)
      } else {
      }
      %mul3A_88 = arith.constant 4 : i32
      %mul3A_89 = arith.muli %scan3A_60, %mul3A_88 : i32
      %add3A_90 = arith.constant 1 : i32
      %add3A_91 = arith.addi %mul3A_89, %add3A_90 : i32
      %dma_wait3A_92 = arith.constant 0 : i32
      %dma_wait3A_93 = arith.constant 0 : i32
      %dma_wait3A_94 = tpu.memref_slice %arg2[%dma_wait3A_92, %dma_wait3A_93] : memref<81920x16xf32, #tpu.memory_space<hbm>> -> memref<128x16xf32, #tpu.memory_space<hbm>>
      %dma_wait3A_95 = arith.constant 0 : i32
      %dma_wait3A_96 = arith.constant 0 : i32
      %dma_wait3A_97 = tpu.memref_slice %arg2[%dma_wait3A_95, %dma_wait3A_96] : memref<81920x16xf32, #tpu.memory_space<hbm>> -> memref<128x16xf32, #tpu.memory_space<hbm>>
      tpu.wait_dma2 semaphore(%arg13 : memref<!tpu.dma_semaphore, #tpu.memory_space<semaphore_mem>>) src(%dma_wait3A_97 : memref<128x16xf32, #tpu.memory_space<hbm>>) dst(%arg8 : memref<128x16xf32, #tpu.memory_space<vmem>>)
      %dma_start3A_98 = arith.constant 0 : i32
      %dma_start3A_99 = tpu.memref_slice %arg6[%add3A_91, %dma_start3A_98] : memref<24x128xi32, #tpu.memory_space<vmem>> -> memref<1x128xi32, #tpu.memory_space<vmem>>
      %dma_start3A_100 = tpu.memref_squeeze %dma_start3A_99 : memref<1x128xi32, #tpu.memory_space<vmem>> -> memref<128xi32, #tpu.memory_space<vmem>>
      %dma_start3A_101 = arith.constant 0 : i32
      %dma_start3A_102 = arith.constant 0 : i32
      %dma_start3A_103 = tpu.memref_slice %arg11[%dma_start3A_101, %dma_start3A_102] : memref<10240x16xf32, #tpu.memory_space<vmem_shared>> -> memref<10240x16xf32, #tpu.memory_space<vmem_shared>>
      tpu.enqueue_indirect_dma source(%arg8 : memref<128x16xf32, #tpu.memory_space<vmem>>) target(%dma_start3A_103 : memref<10240x16xf32, #tpu.memory_space<vmem_shared>>) offsets(%dma_start3A_100 : memref<128xi32, #tpu.memory_space<vmem>>) semaphore(%arg17 : memref<!tpu.dma_semaphore, #tpu.memory_space<semaphore_mem>>) {add = true}
      %ge3A_104 = arith.constant 1 : i32
      %ge3A_105 = arith.cmpi sge, %add3A_91, %ge3A_104 : i32
      %convert_element_type3A_106 = arith.extui %ge3A_105 : i1 to i32
      %cond3A_107 = arith.constant 0 : i32
      %cond3A_108 = arith.cmpi ne, %convert_element_type3A_106, %cond3A_107 : i32
      scf.if %cond3A_108 {
        %dma_wait3A_178 = arith.constant 0 : i32
        %dma_wait3A_179 = arith.constant 0 : i32
        %dma_wait3A_180 = tpu.memref_slice %arg11[%dma_wait3A_178, %dma_wait3A_179] : memref<10240x16xf32, #tpu.memory_space<vmem_shared>> -> memref<128x16xf32, #tpu.memory_space<vmem_shared>>
        %dma_wait3A_181 = arith.constant 0 : i32
        %dma_wait3A_182 = arith.constant 0 : i32
        %dma_wait3A_183 = tpu.memref_slice %arg11[%dma_wait3A_181, %dma_wait3A_182] : memref<10240x16xf32, #tpu.memory_space<vmem_shared>> -> memref<128x16xf32, #tpu.memory_space<vmem_shared>>
        tpu.wait_dma2 semaphore(%arg16 : memref<!tpu.dma_semaphore, #tpu.memory_space<semaphore_mem>>) src(%arg7 : memref<128x16xf32, #tpu.memory_space<vmem>>) dst(%dma_wait3A_183 : memref<128x16xf32, #tpu.memory_space<vmem_shared>>)
      } else {
      }
      %add3A_109 = arith.constant 4 : i32
      %add3A_110 = arith.addi %add3A_91, %add3A_109 : i32
      %sub3A_111 = arith.constant 1 : i32
      %sub3A_112 = arith.subi %add3A_110, %sub3A_111 : i32
      %lt3A_113 = arith.constant 20 : i32
      %lt3A_114 = arith.cmpi slt, %sub3A_112, %lt3A_113 : i32
      %convert_element_type3A_115 = arith.extui %lt3A_114 : i1 to i32
      %cond3A_116 = arith.constant 0 : i32
      %cond3A_117 = arith.cmpi ne, %convert_element_type3A_115, %cond3A_116 : i32
      scf.if %cond3A_117 {
        %add3A_178 = arith.constant 4 : i32
        %add3A_179 = arith.addi %add3A_91, %add3A_178 : i32
        %sub3A_180 = arith.constant 1 : i32
        %sub3A_181 = arith.subi %add3A_179, %sub3A_180 : i32
        %add3A_182 = arith.addi %mul3A_2, %sub3A_181 : i32
        %mul3A_183 = arith.constant 128 : i32
        %mul3A_184 = arith.muli %add3A_182, %mul3A_183 : i32
        %dma_start3A_185 = arith.constant 0 : i32
        %dma_start3A_186 = tpu.memref_slice %arg2[%mul3A_184, %dma_start3A_185] : memref<81920x16xf32, #tpu.memory_space<hbm>> -> memref<128x16xf32, #tpu.memory_space<hbm>>
        %dma_start3A_187 = arith.constant 0 : i32
        %dma_start3A_188 = tpu.memref_slice %arg2[%mul3A_184, %dma_start3A_187] : memref<81920x16xf32, #tpu.memory_space<hbm>> -> memref<128x16xf32, #tpu.memory_space<hbm>>
        tpu.enqueue_dma source(%dma_start3A_188 : memref<128x16xf32, #tpu.memory_space<hbm>>) target(%arg7 : memref<128x16xf32, #tpu.memory_space<vmem>>) target_semaphore(%arg12 : memref<!tpu.dma_semaphore, #tpu.memory_space<semaphore_mem>>)
      } else {
      }
      %mul3A_118 = arith.constant 4 : i32
      %mul3A_119 = arith.muli %scan3A_60, %mul3A_118 : i32
      %add3A_120 = arith.constant 2 : i32
      %add3A_121 = arith.addi %mul3A_119, %add3A_120 : i32
      %dma_wait3A_122 = arith.constant 0 : i32
      %dma_wait3A_123 = arith.constant 0 : i32
      %dma_wait3A_124 = tpu.memref_slice %arg2[%dma_wait3A_122, %dma_wait3A_123] : memref<81920x16xf32, #tpu.memory_space<hbm>> -> memref<128x16xf32, #tpu.memory_space<hbm>>
      %dma_wait3A_125 = arith.constant 0 : i32
      %dma_wait3A_126 = arith.constant 0 : i32
      %dma_wait3A_127 = tpu.memref_slice %arg2[%dma_wait3A_125, %dma_wait3A_126] : memref<81920x16xf32, #tpu.memory_space<hbm>> -> memref<128x16xf32, #tpu.memory_space<hbm>>
      tpu.wait_dma2 semaphore(%arg14 : memref<!tpu.dma_semaphore, #tpu.memory_space<semaphore_mem>>) src(%dma_wait3A_127 : memref<128x16xf32, #tpu.memory_space<hbm>>) dst(%arg9 : memref<128x16xf32, #tpu.memory_space<vmem>>)
      %dma_start3A_128 = arith.constant 0 : i32
      %dma_start3A_129 = tpu.memref_slice %arg6[%add3A_121, %dma_start3A_128] : memref<24x128xi32, #tpu.memory_space<vmem>> -> memref<1x128xi32, #tpu.memory_space<vmem>>
      %dma_start3A_130 = tpu.memref_squeeze %dma_start3A_129 : memref<1x128xi32, #tpu.memory_space<vmem>> -> memref<128xi32, #tpu.memory_space<vmem>>
      %dma_start3A_131 = arith.constant 0 : i32
      %dma_start3A_132 = arith.constant 0 : i32
      %dma_start3A_133 = tpu.memref_slice %arg11[%dma_start3A_131, %dma_start3A_132] : memref<10240x16xf32, #tpu.memory_space<vmem_shared>> -> memref<10240x16xf32, #tpu.memory_space<vmem_shared>>
      tpu.enqueue_indirect_dma source(%arg9 : memref<128x16xf32, #tpu.memory_space<vmem>>) target(%dma_start3A_133 : memref<10240x16xf32, #tpu.memory_space<vmem_shared>>) offsets(%dma_start3A_130 : memref<128xi32, #tpu.memory_space<vmem>>) semaphore(%arg18 : memref<!tpu.dma_semaphore, #tpu.memory_space<semaphore_mem>>) {add = true}
      %ge3A_134 = arith.constant 1 : i32
      %ge3A_135 = arith.cmpi sge, %add3A_121, %ge3A_134 : i32
      %convert_element_type3A_136 = arith.extui %ge3A_135 : i1 to i32
      %cond3A_137 = arith.constant 0 : i32
      %cond3A_138 = arith.cmpi ne, %convert_element_type3A_136, %cond3A_137 : i32
      scf.if %cond3A_138 {
        %dma_wait3A_178 = arith.constant 0 : i32
        %dma_wait3A_179 = arith.constant 0 : i32
        %dma_wait3A_180 = tpu.memref_slice %arg11[%dma_wait3A_178, %dma_wait3A_179] : memref<10240x16xf32, #tpu.memory_space<vmem_shared>> -> memref<128x16xf32, #tpu.memory_space<vmem_shared>>
        %dma_wait3A_181 = arith.constant 0 : i32
        %dma_wait3A_182 = arith.constant 0 : i32
        %dma_wait3A_183 = tpu.memref_slice %arg11[%dma_wait3A_181, %dma_wait3A_182] : memref<10240x16xf32, #tpu.memory_space<vmem_shared>> -> memref<128x16xf32, #tpu.memory_space<vmem_shared>>
        tpu.wait_dma2 semaphore(%arg17 : memref<!tpu.dma_semaphore, #tpu.memory_space<semaphore_mem>>) src(%arg8 : memref<128x16xf32, #tpu.memory_space<vmem>>) dst(%dma_wait3A_183 : memref<128x16xf32, #tpu.memory_space<vmem_shared>>)
      } else {
      }
      %add3A_139 = arith.constant 4 : i32
      %add3A_140 = arith.addi %add3A_121, %add3A_139 : i32
      %sub3A_141 = arith.constant 1 : i32
      %sub3A_142 = arith.subi %add3A_140, %sub3A_141 : i32
      %lt3A_143 = arith.constant 20 : i32
      %lt3A_144 = arith.cmpi slt, %sub3A_142, %lt3A_143 : i32
      %convert_element_type3A_145 = arith.extui %lt3A_144 : i1 to i32
      %cond3A_146 = arith.constant 0 : i32
      %cond3A_147 = arith.cmpi ne, %convert_element_type3A_145, %cond3A_146 : i32
      scf.if %cond3A_147 {
        %add3A_178 = arith.constant 4 : i32
        %add3A_179 = arith.addi %add3A_121, %add3A_178 : i32
        %sub3A_180 = arith.constant 1 : i32
        %sub3A_181 = arith.subi %add3A_179, %sub3A_180 : i32
        %add3A_182 = arith.addi %mul3A_2, %sub3A_181 : i32
        %mul3A_183 = arith.constant 128 : i32
        %mul3A_184 = arith.muli %add3A_182, %mul3A_183 : i32
        %dma_start3A_185 = arith.constant 0 : i32
        %dma_start3A_186 = tpu.memref_slice %arg2[%mul3A_184, %dma_start3A_185] : memref<81920x16xf32, #tpu.memory_space<hbm>> -> memref<128x16xf32, #tpu.memory_space<hbm>>
        %dma_start3A_187 = arith.constant 0 : i32
        %dma_start3A_188 = tpu.memref_slice %arg2[%mul3A_184, %dma_start3A_187] : memref<81920x16xf32, #tpu.memory_space<hbm>> -> memref<128x16xf32, #tpu.memory_space<hbm>>
        tpu.enqueue_dma source(%dma_start3A_188 : memref<128x16xf32, #tpu.memory_space<hbm>>) target(%arg8 : memref<128x16xf32, #tpu.memory_space<vmem>>) target_semaphore(%arg13 : memref<!tpu.dma_semaphore, #tpu.memory_space<semaphore_mem>>)
      } else {
      }
      %mul3A_148 = arith.constant 4 : i32
      %mul3A_149 = arith.muli %scan3A_60, %mul3A_148 : i32
      %add3A_150 = arith.constant 3 : i32
      %add3A_151 = arith.addi %mul3A_149, %add3A_150 : i32
      %dma_wait3A_152 = arith.constant 0 : i32
      %dma_wait3A_153 = arith.constant 0 : i32
      %dma_wait3A_154 = tpu.memref_slice %arg2[%dma_wait3A_152, %dma_wait3A_153] : memref<81920x16xf32, #tpu.memory_space<hbm>> -> memref<128x16xf32, #tpu.memory_space<hbm>>
      %dma_wait3A_155 = arith.constant 0 : i32
      %dma_wait3A_156 = arith.constant 0 : i32
      %dma_wait3A_157 = tpu.memref_slice %arg2[%dma_wait3A_155, %dma_wait3A_156] : memref<81920x16xf32, #tpu.memory_space<hbm>> -> memref<128x16xf32, #tpu.memory_space<hbm>>
      tpu.wait_dma2 semaphore(%arg15 : memref<!tpu.dma_semaphore, #tpu.memory_space<semaphore_mem>>) src(%dma_wait3A_157 : memref<128x16xf32, #tpu.memory_space<hbm>>) dst(%arg10 : memref<128x16xf32, #tpu.memory_space<vmem>>)
      %dma_start3A_158 = arith.constant 0 : i32
      %dma_start3A_159 = tpu.memref_slice %arg6[%add3A_151, %dma_start3A_158] : memref<24x128xi32, #tpu.memory_space<vmem>> -> memref<1x128xi32, #tpu.memory_space<vmem>>
      %dma_start3A_160 = tpu.memref_squeeze %dma_start3A_159 : memref<1x128xi32, #tpu.memory_space<vmem>> -> memref<128xi32, #tpu.memory_space<vmem>>
      %dma_start3A_161 = arith.constant 0 : i32
      %dma_start3A_162 = arith.constant 0 : i32
      %dma_start3A_163 = tpu.memref_slice %arg11[%dma_start3A_161, %dma_start3A_162] : memref<10240x16xf32, #tpu.memory_space<vmem_shared>> -> memref<10240x16xf32, #tpu.memory_space<vmem_shared>>
      tpu.enqueue_indirect_dma source(%arg10 : memref<128x16xf32, #tpu.memory_space<vmem>>) target(%dma_start3A_163 : memref<10240x16xf32, #tpu.memory_space<vmem_shared>>) offsets(%dma_start3A_160 : memref<128xi32, #tpu.memory_space<vmem>>) semaphore(%arg19 : memref<!tpu.dma_semaphore, #tpu.memory_space<semaphore_mem>>) {add = true}
      %ge3A_164 = arith.constant 1 : i32
      %ge3A_165 = arith.cmpi sge, %add3A_151, %ge3A_164 : i32
      %convert_element_type3A_166 = arith.extui %ge3A_165 : i1 to i32
      %cond3A_167 = arith.constant 0 : i32
      %cond3A_168 = arith.cmpi ne, %convert_element_type3A_166, %cond3A_167 : i32
      scf.if %cond3A_168 {
        %dma_wait3A_178 = arith.constant 0 : i32
        %dma_wait3A_179 = arith.constant 0 : i32
        %dma_wait3A_180 = tpu.memref_slice %arg11[%dma_wait3A_178, %dma_wait3A_179] : memref<10240x16xf32, #tpu.memory_space<vmem_shared>> -> memref<128x16xf32, #tpu.memory_space<vmem_shared>>
        %dma_wait3A_181 = arith.constant 0 : i32
        %dma_wait3A_182 = arith.constant 0 : i32
        %dma_wait3A_183 = tpu.memref_slice %arg11[%dma_wait3A_181, %dma_wait3A_182] : memref<10240x16xf32, #tpu.memory_space<vmem_shared>> -> memref<128x16xf32, #tpu.memory_space<vmem_shared>>
        tpu.wait_dma2 semaphore(%arg18 : memref<!tpu.dma_semaphore, #tpu.memory_space<semaphore_mem>>) src(%arg9 : memref<128x16xf32, #tpu.memory_space<vmem>>) dst(%dma_wait3A_183 : memref<128x16xf32, #tpu.memory_space<vmem_shared>>)
      } else {
      }
      %add3A_169 = arith.constant 4 : i32
      %add3A_170 = arith.addi %add3A_151, %add3A_169 : i32
      %sub3A_171 = arith.constant 1 : i32
      %sub3A_172 = arith.subi %add3A_170, %sub3A_171 : i32
      %lt3A_173 = arith.constant 20 : i32
      %lt3A_174 = arith.cmpi slt, %sub3A_172, %lt3A_173 : i32
      %convert_element_type3A_175 = arith.extui %lt3A_174 : i1 to i32
      %cond3A_176 = arith.constant 0 : i32
      %cond3A_177 = arith.cmpi ne, %convert_element_type3A_175, %cond3A_176 : i32
      scf.if %cond3A_177 {
        %add3A_178 = arith.constant 4 : i32
        %add3A_179 = arith.addi %add3A_151, %add3A_178 : i32
        %sub3A_180 = arith.constant 1 : i32
        %sub3A_181 = arith.subi %add3A_179, %sub3A_180 : i32
        %add3A_182 = arith.addi %mul3A_2, %sub3A_181 : i32
        %mul3A_183 = arith.constant 128 : i32
        %mul3A_184 = arith.muli %add3A_182, %mul3A_183 : i32
        %dma_start3A_185 = arith.constant 0 : i32
        %dma_start3A_186 = tpu.memref_slice %arg2[%mul3A_184, %dma_start3A_185] : memref<81920x16xf32, #tpu.memory_space<hbm>> -> memref<128x16xf32, #tpu.memory_space<hbm>>
        %dma_start3A_187 = arith.constant 0 : i32
        %dma_start3A_188 = tpu.memref_slice %arg2[%mul3A_184, %dma_start3A_187] : memref<81920x16xf32, #tpu.memory_space<hbm>> -> memref<128x16xf32, #tpu.memory_space<hbm>>
        tpu.enqueue_dma source(%dma_start3A_188 : memref<128x16xf32, #tpu.memory_space<hbm>>) target(%arg9 : memref<128x16xf32, #tpu.memory_space<vmem>>) target_semaphore(%arg14 : memref<!tpu.dma_semaphore, #tpu.memory_space<semaphore_mem>>)
      } else {
      }
    }
    %scan3A_46 = arith.constant 5 : i32
    %dma_wait3A = arith.constant 0 : i32
    %dma_wait3A_47 = arith.constant 0 : i32
    %dma_wait3A_48 = tpu.memref_slice %arg11[%dma_wait3A, %dma_wait3A_47] : memref<10240x16xf32, #tpu.memory_space<vmem_shared>> -> memref<128x16xf32, #tpu.memory_space<vmem_shared>>
    %dma_wait3A_49 = arith.constant 0 : i32
    %dma_wait3A_50 = arith.constant 0 : i32
    %dma_wait3A_51 = tpu.memref_slice %arg11[%dma_wait3A_49, %dma_wait3A_50] : memref<10240x16xf32, #tpu.memory_space<vmem_shared>> -> memref<128x16xf32, #tpu.memory_space<vmem_shared>>
    tpu.wait_dma2 semaphore(%arg19 : memref<!tpu.dma_semaphore, #tpu.memory_space<semaphore_mem>>) src(%arg10 : memref<128x16xf32, #tpu.memory_space<vmem>>) dst(%dma_wait3A_51 : memref<128x16xf32, #tpu.memory_space<vmem_shared>>)
    %barrier3A_52 = arith.constant 0 : index
    tpu.barrier barrier_id(%barrier3A_52)
    %eq3A = arith.constant 0 : i32
    %eq3A_53 = arith.cmpi eq, %arg0, %eq3A : i32
    %convert_element_type3A = arith.extui %eq3A_53 : i1 to i32
    %cond3A = arith.constant 0 : i32
    %cond3A_54 = arith.cmpi ne, %convert_element_type3A, %cond3A : i32
    scf.if %cond3A_54 {
      "tpu.region"() ({
        %run_scoped3A = tpu.sem_alloc : memref<!tpu.dma_semaphore, #tpu.memory_space<semaphore_mem>>
        %dma_start3A_60 = arith.constant 0 : i32
        %dma_start3A_61 = tpu.memref_slice %arg4[%mul3A_11, %dma_start3A_60] : memref<10240x16xf32, #tpu.memory_space<hbm>> -> memref<640x16xf32, #tpu.memory_space<hbm>>
        %dma_start3A_62 = arith.constant 0 : i32
        %dma_start3A_63 = tpu.memref_slice %arg11[%mul3A_11, %dma_start3A_62] : memref<10240x16xf32, #tpu.memory_space<vmem_shared>> -> memref<640x16xf32, #tpu.memory_space<vmem_shared>>
        tpu.enqueue_dma source(%dma_start3A_63 : memref<640x16xf32, #tpu.memory_space<vmem_shared>>) target(%dma_start3A_61 : memref<640x16xf32, #tpu.memory_space<hbm>>) target_semaphore(%run_scoped3A : memref<!tpu.dma_semaphore, #tpu.memory_space<semaphore_mem>>)
        %dma_wait3A_64 = arith.constant 0 : i32
        %dma_wait3A_65 = tpu.memref_slice %arg4[%mul3A_11, %dma_wait3A_64] : memref<10240x16xf32, #tpu.memory_space<hbm>> -> memref<640x16xf32, #tpu.memory_space<hbm>>
        %dma_wait3A_66 = arith.constant 0 : i32
        %dma_wait3A_67 = tpu.memref_slice %arg11[%mul3A_11, %dma_wait3A_66] : memref<10240x16xf32, #tpu.memory_space<vmem_shared>> -> memref<640x16xf32, #tpu.memory_space<vmem_shared>>
        tpu.wait_dma2 semaphore(%run_scoped3A : memref<!tpu.dma_semaphore, #tpu.memory_space<semaphore_mem>>) src(%dma_wait3A_67 : memref<640x16xf32, #tpu.memory_space<vmem_shared>>) dst(%dma_wait3A_65 : memref<640x16xf32, #tpu.memory_space<hbm>>)
        tpu.yield
      }) : () -> ()
    } else {
    }
    %eq3A_55 = arith.constant 1 : i32
    %eq3A_56 = arith.cmpi eq, %arg0, %eq3A_55 : i32
    %convert_element_type3A_57 = arith.extui %eq3A_56 : i1 to i32
    %cond3A_58 = arith.constant 0 : i32
    %cond3A_59 = arith.cmpi ne, %convert_element_type3A_57, %cond3A_58 : i32
    scf.if %cond3A_59 {
      "tpu.region"() ({
        %run_scoped3A = tpu.sem_alloc : memref<!tpu.dma_semaphore, #tpu.memory_space<semaphore_mem>>
        %dma_start3A_60 = arith.constant 0 : i32
        %dma_start3A_61 = tpu.memref_slice %arg5[%mul3A_11, %dma_start3A_60] : memref<10240x16xf32, #tpu.memory_space<hbm>> -> memref<640x16xf32, #tpu.memory_space<hbm>>
        %dma_start3A_62 = arith.constant 0 : i32
        %dma_start3A_63 = tpu.memref_slice %arg11[%mul3A_11, %dma_start3A_62] : memref<10240x16xf32, #tpu.memory_space<vmem_shared>> -> memref<640x16xf32, #tpu.memory_space<vmem_shared>>
        tpu.enqueue_dma source(%dma_start3A_63 : memref<640x16xf32, #tpu.memory_space<vmem_shared>>) target(%dma_start3A_61 : memref<640x16xf32, #tpu.memory_space<hbm>>) target_semaphore(%run_scoped3A : memref<!tpu.dma_semaphore, #tpu.memory_space<semaphore_mem>>)
        %dma_wait3A_64 = arith.constant 0 : i32
        %dma_wait3A_65 = tpu.memref_slice %arg5[%mul3A_11, %dma_wait3A_64] : memref<10240x16xf32, #tpu.memory_space<hbm>> -> memref<640x16xf32, #tpu.memory_space<hbm>>
        %dma_wait3A_66 = arith.constant 0 : i32
        %dma_wait3A_67 = tpu.memref_slice %arg11[%mul3A_11, %dma_wait3A_66] : memref<10240x16xf32, #tpu.memory_space<vmem_shared>> -> memref<640x16xf32, #tpu.memory_space<vmem_shared>>
        tpu.wait_dma2 semaphore(%run_scoped3A : memref<!tpu.dma_semaphore, #tpu.memory_space<semaphore_mem>>) src(%dma_wait3A_67 : memref<640x16xf32, #tpu.memory_space<vmem_shared>>) dst(%dma_wait3A_65 : memref<640x16xf32, #tpu.memory_space<hbm>>)
        tpu.yield
      }) : () -> ()
    } else {
    }
    return
  }
}

#map = affine_map<(d0, d1) -> (0, 0)>
module attributes {stable_mosaic.version = 14 : i64} {
  func.func @body(%arg0: i32, %arg1: i32, %arg2: memref<81920x128xf32, #tpu.memory_space<hbm>>, %arg3: memref<768x128xi32, #tpu.memory_space<hbm>>, %arg4: memref<10240x128xf32, #tpu.memory_space<hbm>>, %arg5: memref<10240x128xf32, #tpu.memory_space<hbm>>, %arg6: memref<24x128xi32, #tpu.memory_space<vmem>>, %arg7: memref<128x128xf32, #tpu.memory_space<vmem>>, %arg8: memref<128x128xf32, #tpu.memory_space<vmem>>, %arg9: memref<10240x128xf32, #tpu.memory_space<vmem_shared>>, %arg10: memref<!tpu.dma_semaphore, #tpu.memory_space<semaphore_mem>>, %arg11: memref<!tpu.dma_semaphore, #tpu.memory_space<semaphore_mem>>, %arg12: memref<!tpu.dma_semaphore, #tpu.memory_space<semaphore_mem>>, %arg13: memref<!tpu.dma_semaphore, #tpu.memory_space<semaphore_mem>>) attributes {dimension_semantics = [#tpu.dimension_semantics<core_parallel>, #tpu.dimension_semantics<subcore_parallel>], iteration_bounds = array<i64: 2, 16>, scalar_prefetch = 0 : i64, scratch_operands = 8 : i64, tpu.core_type = #tpu.core_type<sc_vector_subcore>, window_params = [{transform_indices = #map}, {transform_indices = #map}, {transform_indices = #map}, {transform_indices = #map}]} {
    %mul3A = arith.constant 2 : i32
    %mul3A_0 = arith.muli %arg1, %mul3A : i32
    %add3A = arith.addi %mul3A_0, %arg0 : i32
    %mul3A_1 = arith.constant 20 : i32
    %mul3A_2 = arith.muli %add3A, %mul3A_1 : i32
    %mul3A_3 = arith.constant 24 : i32
    %mul3A_4 = arith.muli %add3A, %mul3A_3 : i32
    "tpu.region"() ({
      %run_scoped3A = tpu.sem_alloc : memref<!tpu.dma_semaphore, #tpu.memory_space<semaphore_mem>>
      %dma_start3A_44 = arith.constant 0 : i32
      %dma_start3A_45 = tpu.memref_slice %arg3[%mul3A_4, %dma_start3A_44] : memref<768x128xi32, #tpu.memory_space<hbm>> -> memref<24x128xi32, #tpu.memory_space<hbm>>
      %dma_start3A_46 = arith.constant 0 : i32
      %dma_start3A_47 = tpu.memref_slice %arg3[%mul3A_4, %dma_start3A_46] : memref<768x128xi32, #tpu.memory_space<hbm>> -> memref<24x128xi32, #tpu.memory_space<hbm>>
      tpu.enqueue_dma source(%dma_start3A_47 : memref<24x128xi32, #tpu.memory_space<hbm>>) target(%arg6 : memref<24x128xi32, #tpu.memory_space<vmem>>) target_semaphore(%run_scoped3A : memref<!tpu.dma_semaphore, #tpu.memory_space<semaphore_mem>>)
      %dma_wait3A_48 = arith.constant 0 : i32
      %dma_wait3A_49 = tpu.memref_slice %arg3[%mul3A_4, %dma_wait3A_48] : memref<768x128xi32, #tpu.memory_space<hbm>> -> memref<24x128xi32, #tpu.memory_space<hbm>>
      %dma_wait3A_50 = arith.constant 0 : i32
      %dma_wait3A_51 = tpu.memref_slice %arg3[%mul3A_4, %dma_wait3A_50] : memref<768x128xi32, #tpu.memory_space<hbm>> -> memref<24x128xi32, #tpu.memory_space<hbm>>
      tpu.wait_dma2 semaphore(%run_scoped3A : memref<!tpu.dma_semaphore, #tpu.memory_space<semaphore_mem>>) src(%dma_wait3A_51 : memref<24x128xi32, #tpu.memory_space<hbm>>) dst(%arg6 : memref<24x128xi32, #tpu.memory_space<vmem>>)
      tpu.yield
    }) : () -> ()
    %scan3A = arith.constant 0 : i32
    %scan3A_5 = arith.constant 0 : i32
    %scan3A_6 = arith.constant 128 : i32
    %scan3A_7 = arith.addi %scan3A_5, %scan3A_6 : i32
    %scan3A_8 = arith.constant 1 : i32
    scf.for %scan3A_44 = %scan3A_5 to %scan3A_7 step %scan3A_8  : i32 {
      %scan3A_45 = arith.constant 0 : i32
      %scan3A_46 = arith.constant 8 : i32
      %scan3A_47 = arith.addi %scan3A_45, %scan3A_46 : i32
      %scan3A_48 = arith.constant 1 : i32
      scf.for %scan3A_50 = %scan3A_45 to %scan3A_47 step %scan3A_48  : i32 {
        %broadcast_in_dim3A = arith.constant 0.000000e+00 : f32
        %broadcast_in_dim3A_51 = vector.broadcast %broadcast_in_dim3A : f32 to vector<16xf32>
        %mul3A_52 = arith.constant 16 : i32
        %mul3A_53 = arith.muli %scan3A_50, %mul3A_52 : i32
        %swap3A = arith.index_cast %scan3A_44 : i32 to index
        %swap3A_54 = arith.index_cast %mul3A_53 : i32 to index
        %swap3A_55 = tpu.vector_load %arg7[%swap3A, %swap3A_54] {strides = array<i32>} : memref<128x128xf32, #tpu.memory_space<vmem>>, vector<1x16xf32>,
        %swap3A_56 = vector.shape_cast %swap3A_55 : vector<1x16xf32> to vector<16xf32>
        %swap3A_57 = vector.shape_cast %broadcast_in_dim3A_51 : vector<16xf32> to vector<1x16xf32>
        tpu.vector_store %arg7[%swap3A, %swap3A_54], %swap3A_57 {strides = array<i32>} : memref<128x128xf32, #tpu.memory_space<vmem>>, vector<1x16xf32>,
      }
      %scan3A_49 = arith.constant 8 : i32
    }
    %scan3A_9 = arith.constant 128 : i32
    %mul3A_10 = arith.constant 640 : i32
    %mul3A_11 = arith.muli %arg1, %mul3A_10 : i32
    %scan3A_12 = arith.constant 0 : i32
    %scan3A_13 = arith.constant 0 : i32
    %scan3A_14 = arith.constant 5 : i32
    %scan3A_15 = arith.addi %scan3A_13, %scan3A_14 : i32
    %scan3A_16 = arith.constant 1 : i32
    scf.for %scan3A_44 = %scan3A_13 to %scan3A_15 step %scan3A_16  : i32 {
      %mul3A_45 = arith.constant 128 : i32
      %mul3A_46 = arith.muli %scan3A_44, %mul3A_45 : i32
      %add3A_47 = arith.addi %mul3A_11, %mul3A_46 : i32
      "tpu.region"() ({
        %run_scoped3A = tpu.sem_alloc : memref<!tpu.dma_semaphore, #tpu.memory_space<semaphore_mem>>
        %dma_start3A_48 = arith.constant 0 : i32
        %dma_start3A_49 = tpu.memref_slice %arg9[%add3A_47, %dma_start3A_48] : memref<10240x128xf32, #tpu.memory_space<vmem_shared>> -> memref<128x128xf32, #tpu.memory_space<vmem_shared>>
        %dma_start3A_50 = arith.constant 0 : i32
        %dma_start3A_51 = tpu.memref_slice %arg9[%add3A_47, %dma_start3A_50] : memref<10240x128xf32, #tpu.memory_space<vmem_shared>> -> memref<128x128xf32, #tpu.memory_space<vmem_shared>>
        tpu.enqueue_dma source(%arg7 : memref<128x128xf32, #tpu.memory_space<vmem>>) target(%dma_start3A_51 : memref<128x128xf32, #tpu.memory_space<vmem_shared>>) target_semaphore(%run_scoped3A : memref<!tpu.dma_semaphore, #tpu.memory_space<semaphore_mem>>)
        %dma_wait3A_52 = arith.constant 0 : i32
        %dma_wait3A_53 = tpu.memref_slice %arg9[%add3A_47, %dma_wait3A_52] : memref<10240x128xf32, #tpu.memory_space<vmem_shared>> -> memref<128x128xf32, #tpu.memory_space<vmem_shared>>
        %dma_wait3A_54 = arith.constant 0 : i32
        %dma_wait3A_55 = tpu.memref_slice %arg9[%add3A_47, %dma_wait3A_54] : memref<10240x128xf32, #tpu.memory_space<vmem_shared>> -> memref<128x128xf32, #tpu.memory_space<vmem_shared>>
        tpu.wait_dma2 semaphore(%run_scoped3A : memref<!tpu.dma_semaphore, #tpu.memory_space<semaphore_mem>>) src(%arg7 : memref<128x128xf32, #tpu.memory_space<vmem>>) dst(%dma_wait3A_55 : memref<128x128xf32, #tpu.memory_space<vmem_shared>>)
        tpu.yield
      }) : () -> ()
    }
    %scan3A_17 = arith.constant 5 : i32
    %barrier3A = arith.constant 0 : index
    tpu.barrier barrier_id(%barrier3A)
    %add3A_18 = arith.constant 0 : i32
    %add3A_19 = arith.addi %mul3A_2, %add3A_18 : i32
    %mul3A_20 = arith.constant 128 : i32
    %mul3A_21 = arith.muli %add3A_19, %mul3A_20 : i32
    %dma_start3A = arith.constant 0 : i32
    %dma_start3A_22 = tpu.memref_slice %arg2[%mul3A_21, %dma_start3A] : memref<81920x128xf32, #tpu.memory_space<hbm>> -> memref<128x128xf32, #tpu.memory_space<hbm>>
    %dma_start3A_23 = arith.constant 0 : i32
    %dma_start3A_24 = tpu.memref_slice %arg2[%mul3A_21, %dma_start3A_23] : memref<81920x128xf32, #tpu.memory_space<hbm>> -> memref<128x128xf32, #tpu.memory_space<hbm>>
    tpu.enqueue_dma source(%dma_start3A_24 : memref<128x128xf32, #tpu.memory_space<hbm>>) target(%arg7 : memref<128x128xf32, #tpu.memory_space<vmem>>) target_semaphore(%arg10 : memref<!tpu.dma_semaphore, #tpu.memory_space<semaphore_mem>>)
    %scan3A_25 = arith.constant 0 : i32
    %scan3A_26 = arith.constant 0 : i32
    %scan3A_27 = arith.constant 10 : i32
    %scan3A_28 = arith.addi %scan3A_26, %scan3A_27 : i32
    %scan3A_29 = arith.constant 1 : i32
    scf.for %scan3A_44 = %scan3A_26 to %scan3A_28 step %scan3A_29  : i32 {
      %mul3A_45 = arith.constant 2 : i32
      %mul3A_46 = arith.muli %scan3A_44, %mul3A_45 : i32
      %add3A_47 = arith.constant 0 : i32
      %add3A_48 = arith.addi %mul3A_46, %add3A_47 : i32
      %dma_wait3A_49 = arith.constant 0 : i32
      %dma_wait3A_50 = arith.constant 0 : i32
      %dma_wait3A_51 = tpu.memref_slice %arg2[%dma_wait3A_49, %dma_wait3A_50] : memref<81920x128xf32, #tpu.memory_space<hbm>> -> memref<128x128xf32, #tpu.memory_space<hbm>>
      %dma_wait3A_52 = arith.constant 0 : i32
      %dma_wait3A_53 = arith.constant 0 : i32
      %dma_wait3A_54 = tpu.memref_slice %arg2[%dma_wait3A_52, %dma_wait3A_53] : memref<81920x128xf32, #tpu.memory_space<hbm>> -> memref<128x128xf32, #tpu.memory_space<hbm>>
      tpu.wait_dma2 semaphore(%arg10 : memref<!tpu.dma_semaphore, #tpu.memory_space<semaphore_mem>>) src(%dma_wait3A_54 : memref<128x128xf32, #tpu.memory_space<hbm>>) dst(%arg7 : memref<128x128xf32, #tpu.memory_space<vmem>>)
      %dma_start3A_55 = arith.constant 0 : i32
      %dma_start3A_56 = tpu.memref_slice %arg6[%add3A_48, %dma_start3A_55] : memref<24x128xi32, #tpu.memory_space<vmem>> -> memref<1x128xi32, #tpu.memory_space<vmem>>
      %dma_start3A_57 = tpu.memref_squeeze %dma_start3A_56 : memref<1x128xi32, #tpu.memory_space<vmem>> -> memref<128xi32, #tpu.memory_space<vmem>>
      %dma_start3A_58 = arith.constant 0 : i32
      %dma_start3A_59 = arith.constant 0 : i32
      %dma_start3A_60 = tpu.memref_slice %arg9[%dma_start3A_58, %dma_start3A_59] : memref<10240x128xf32, #tpu.memory_space<vmem_shared>> -> memref<10240x128xf32, #tpu.memory_space<vmem_shared>>
      tpu.enqueue_indirect_dma source(%arg7 : memref<128x128xf32, #tpu.memory_space<vmem>>) target(%dma_start3A_60 : memref<10240x128xf32, #tpu.memory_space<vmem_shared>>) offsets(%dma_start3A_57 : memref<128xi32, #tpu.memory_space<vmem>>) semaphore(%arg12 : memref<!tpu.dma_semaphore, #tpu.memory_space<semaphore_mem>>) {add = true}
      %ge3A = arith.constant 1 : i32
      %ge3A_61 = arith.cmpi sge, %add3A_48, %ge3A : i32
      %convert_element_type3A_62 = arith.extui %ge3A_61 : i1 to i32
      %cond3A_63 = arith.constant 0 : i32
      %cond3A_64 = arith.cmpi ne, %convert_element_type3A_62, %cond3A_63 : i32
      scf.if %cond3A_64 {
        %dma_wait3A_102 = arith.constant 0 : i32
        %dma_wait3A_103 = arith.constant 0 : i32
        %dma_wait3A_104 = tpu.memref_slice %arg9[%dma_wait3A_102, %dma_wait3A_103] : memref<10240x128xf32, #tpu.memory_space<vmem_shared>> -> memref<128x128xf32, #tpu.memory_space<vmem_shared>>
        %dma_wait3A_105 = arith.constant 0 : i32
        %dma_wait3A_106 = arith.constant 0 : i32
        %dma_wait3A_107 = tpu.memref_slice %arg9[%dma_wait3A_105, %dma_wait3A_106] : memref<10240x128xf32, #tpu.memory_space<vmem_shared>> -> memref<128x128xf32, #tpu.memory_space<vmem_shared>>
        tpu.wait_dma2 semaphore(%arg13 : memref<!tpu.dma_semaphore, #tpu.memory_space<semaphore_mem>>) src(%arg8 : memref<128x128xf32, #tpu.memory_space<vmem>>) dst(%dma_wait3A_107 : memref<128x128xf32, #tpu.memory_space<vmem_shared>>)
      } else {
      }
      %add3A_65 = arith.constant 2 : i32
      %add3A_66 = arith.addi %add3A_48, %add3A_65 : i32
      %sub3A = arith.constant 1 : i32
      %sub3A_67 = arith.subi %add3A_66, %sub3A : i32
      %lt3A = arith.constant 20 : i32
      %lt3A_68 = arith.cmpi slt, %sub3A_67, %lt3A : i32
      %convert_element_type3A_69 = arith.extui %lt3A_68 : i1 to i32
      %cond3A_70 = arith.constant 0 : i32
      %cond3A_71 = arith.cmpi ne, %convert_element_type3A_69, %cond3A_70 : i32
      scf.if %cond3A_71 {
        %add3A_102 = arith.constant 2 : i32
        %add3A_103 = arith.addi %add3A_48, %add3A_102 : i32
        %sub3A_104 = arith.constant 1 : i32
        %sub3A_105 = arith.subi %add3A_103, %sub3A_104 : i32
        %add3A_106 = arith.addi %mul3A_2, %sub3A_105 : i32
        %mul3A_107 = arith.constant 128 : i32
        %mul3A_108 = arith.muli %add3A_106, %mul3A_107 : i32
        %dma_start3A_109 = arith.constant 0 : i32
        %dma_start3A_110 = tpu.memref_slice %arg2[%mul3A_108, %dma_start3A_109] : memref<81920x128xf32, #tpu.memory_space<hbm>> -> memref<128x128xf32, #tpu.memory_space<hbm>>
        %dma_start3A_111 = arith.constant 0 : i32
        %dma_start3A_112 = tpu.memref_slice %arg2[%mul3A_108, %dma_start3A_111] : memref<81920x128xf32, #tpu.memory_space<hbm>> -> memref<128x128xf32, #tpu.memory_space<hbm>>
        tpu.enqueue_dma source(%dma_start3A_112 : memref<128x128xf32, #tpu.memory_space<hbm>>) target(%arg8 : memref<128x128xf32, #tpu.memory_space<vmem>>) target_semaphore(%arg11 : memref<!tpu.dma_semaphore, #tpu.memory_space<semaphore_mem>>)
      } else {
      }
      %mul3A_72 = arith.constant 2 : i32
      %mul3A_73 = arith.muli %scan3A_44, %mul3A_72 : i32
      %add3A_74 = arith.constant 1 : i32
      %add3A_75 = arith.addi %mul3A_73, %add3A_74 : i32
      %dma_wait3A_76 = arith.constant 0 : i32
      %dma_wait3A_77 = arith.constant 0 : i32
      %dma_wait3A_78 = tpu.memref_slice %arg2[%dma_wait3A_76, %dma_wait3A_77] : memref<81920x128xf32, #tpu.memory_space<hbm>> -> memref<128x128xf32, #tpu.memory_space<hbm>>
      %dma_wait3A_79 = arith.constant 0 : i32
      %dma_wait3A_80 = arith.constant 0 : i32
      %dma_wait3A_81 = tpu.memref_slice %arg2[%dma_wait3A_79, %dma_wait3A_80] : memref<81920x128xf32, #tpu.memory_space<hbm>> -> memref<128x128xf32, #tpu.memory_space<hbm>>
      tpu.wait_dma2 semaphore(%arg11 : memref<!tpu.dma_semaphore, #tpu.memory_space<semaphore_mem>>) src(%dma_wait3A_81 : memref<128x128xf32, #tpu.memory_space<hbm>>) dst(%arg8 : memref<128x128xf32, #tpu.memory_space<vmem>>)
      %dma_start3A_82 = arith.constant 0 : i32
      %dma_start3A_83 = tpu.memref_slice %arg6[%add3A_75, %dma_start3A_82] : memref<24x128xi32, #tpu.memory_space<vmem>> -> memref<1x128xi32, #tpu.memory_space<vmem>>
      %dma_start3A_84 = tpu.memref_squeeze %dma_start3A_83 : memref<1x128xi32, #tpu.memory_space<vmem>> -> memref<128xi32, #tpu.memory_space<vmem>>
      %dma_start3A_85 = arith.constant 0 : i32
      %dma_start3A_86 = arith.constant 0 : i32
      %dma_start3A_87 = tpu.memref_slice %arg9[%dma_start3A_85, %dma_start3A_86] : memref<10240x128xf32, #tpu.memory_space<vmem_shared>> -> memref<10240x128xf32, #tpu.memory_space<vmem_shared>>
      tpu.enqueue_indirect_dma source(%arg8 : memref<128x128xf32, #tpu.memory_space<vmem>>) target(%dma_start3A_87 : memref<10240x128xf32, #tpu.memory_space<vmem_shared>>) offsets(%dma_start3A_84 : memref<128xi32, #tpu.memory_space<vmem>>) semaphore(%arg13 : memref<!tpu.dma_semaphore, #tpu.memory_space<semaphore_mem>>) {add = true}
      %ge3A_88 = arith.constant 1 : i32
      %ge3A_89 = arith.cmpi sge, %add3A_75, %ge3A_88 : i32
      %convert_element_type3A_90 = arith.extui %ge3A_89 : i1 to i32
      %cond3A_91 = arith.constant 0 : i32
      %cond3A_92 = arith.cmpi ne, %convert_element_type3A_90, %cond3A_91 : i32
      scf.if %cond3A_92 {
        %dma_wait3A_102 = arith.constant 0 : i32
        %dma_wait3A_103 = arith.constant 0 : i32
        %dma_wait3A_104 = tpu.memref_slice %arg9[%dma_wait3A_102, %dma_wait3A_103] : memref<10240x128xf32, #tpu.memory_space<vmem_shared>> -> memref<128x128xf32, #tpu.memory_space<vmem_shared>>
        %dma_wait3A_105 = arith.constant 0 : i32
        %dma_wait3A_106 = arith.constant 0 : i32
        %dma_wait3A_107 = tpu.memref_slice %arg9[%dma_wait3A_105, %dma_wait3A_106] : memref<10240x128xf32, #tpu.memory_space<vmem_shared>> -> memref<128x128xf32, #tpu.memory_space<vmem_shared>>
        tpu.wait_dma2 semaphore(%arg12 : memref<!tpu.dma_semaphore, #tpu.memory_space<semaphore_mem>>) src(%arg7 : memref<128x128xf32, #tpu.memory_space<vmem>>) dst(%dma_wait3A_107 : memref<128x128xf32, #tpu.memory_space<vmem_shared>>)
      } else {
      }
      %add3A_93 = arith.constant 2 : i32
      %add3A_94 = arith.addi %add3A_75, %add3A_93 : i32
      %sub3A_95 = arith.constant 1 : i32
      %sub3A_96 = arith.subi %add3A_94, %sub3A_95 : i32
      %lt3A_97 = arith.constant 20 : i32
      %lt3A_98 = arith.cmpi slt, %sub3A_96, %lt3A_97 : i32
      %convert_element_type3A_99 = arith.extui %lt3A_98 : i1 to i32
      %cond3A_100 = arith.constant 0 : i32
      %cond3A_101 = arith.cmpi ne, %convert_element_type3A_99, %cond3A_100 : i32
      scf.if %cond3A_101 {
        %add3A_102 = arith.constant 2 : i32
        %add3A_103 = arith.addi %add3A_75, %add3A_102 : i32
        %sub3A_104 = arith.constant 1 : i32
        %sub3A_105 = arith.subi %add3A_103, %sub3A_104 : i32
        %add3A_106 = arith.addi %mul3A_2, %sub3A_105 : i32
        %mul3A_107 = arith.constant 128 : i32
        %mul3A_108 = arith.muli %add3A_106, %mul3A_107 : i32
        %dma_start3A_109 = arith.constant 0 : i32
        %dma_start3A_110 = tpu.memref_slice %arg2[%mul3A_108, %dma_start3A_109] : memref<81920x128xf32, #tpu.memory_space<hbm>> -> memref<128x128xf32, #tpu.memory_space<hbm>>
        %dma_start3A_111 = arith.constant 0 : i32
        %dma_start3A_112 = tpu.memref_slice %arg2[%mul3A_108, %dma_start3A_111] : memref<81920x128xf32, #tpu.memory_space<hbm>> -> memref<128x128xf32, #tpu.memory_space<hbm>>
        tpu.enqueue_dma source(%dma_start3A_112 : memref<128x128xf32, #tpu.memory_space<hbm>>) target(%arg7 : memref<128x128xf32, #tpu.memory_space<vmem>>) target_semaphore(%arg10 : memref<!tpu.dma_semaphore, #tpu.memory_space<semaphore_mem>>)
      } else {
      }
    }
    %scan3A_30 = arith.constant 10 : i32
    %dma_wait3A = arith.constant 0 : i32
    %dma_wait3A_31 = arith.constant 0 : i32
    %dma_wait3A_32 = tpu.memref_slice %arg9[%dma_wait3A, %dma_wait3A_31] : memref<10240x128xf32, #tpu.memory_space<vmem_shared>> -> memref<128x128xf32, #tpu.memory_space<vmem_shared>>
    %dma_wait3A_33 = arith.constant 0 : i32
    %dma_wait3A_34 = arith.constant 0 : i32
    %dma_wait3A_35 = tpu.memref_slice %arg9[%dma_wait3A_33, %dma_wait3A_34] : memref<10240x128xf32, #tpu.memory_space<vmem_shared>> -> memref<128x128xf32, #tpu.memory_space<vmem_shared>>
    tpu.wait_dma2 semaphore(%arg13 : memref<!tpu.dma_semaphore, #tpu.memory_space<semaphore_mem>>) src(%arg8 : memref<128x128xf32, #tpu.memory_space<vmem>>) dst(%dma_wait3A_35 : memref<128x128xf32, #tpu.memory_space<vmem_shared>>)
    %barrier3A_36 = arith.constant 0 : index
    tpu.barrier barrier_id(%barrier3A_36)
    %eq3A = arith.constant 0 : i32
    %eq3A_37 = arith.cmpi eq, %arg0, %eq3A : i32
    %convert_element_type3A = arith.extui %eq3A_37 : i1 to i32
    %cond3A = arith.constant 0 : i32
    %cond3A_38 = arith.cmpi ne, %convert_element_type3A, %cond3A : i32
    scf.if %cond3A_38 {
      "tpu.region"() ({
        %run_scoped3A = tpu.sem_alloc : memref<!tpu.dma_semaphore, #tpu.memory_space<semaphore_mem>>
        %dma_start3A_44 = arith.constant 0 : i32
        %dma_start3A_45 = tpu.memref_slice %arg4[%mul3A_11, %dma_start3A_44] : memref<10240x128xf32, #tpu.memory_space<hbm>> -> memref<640x128xf32, #tpu.memory_space<hbm>>
        %dma_start3A_46 = arith.constant 0 : i32
        %dma_start3A_47 = tpu.memref_slice %arg9[%mul3A_11, %dma_start3A_46] : memref<10240x128xf32, #tpu.memory_space<vmem_shared>> -> memref<640x128xf32, #tpu.memory_space<vmem_shared>>
        tpu.enqueue_dma source(%dma_start3A_47 : memref<640x128xf32, #tpu.memory_space<vmem_shared>>) target(%dma_start3A_45 : memref<640x128xf32, #tpu.memory_space<hbm>>) target_semaphore(%run_scoped3A : memref<!tpu.dma_semaphore, #tpu.memory_space<semaphore_mem>>)
        %dma_wait3A_48 = arith.constant 0 : i32
        %dma_wait3A_49 = tpu.memref_slice %arg4[%mul3A_11, %dma_wait3A_48] : memref<10240x128xf32, #tpu.memory_space<hbm>> -> memref<640x128xf32, #tpu.memory_space<hbm>>
        %dma_wait3A_50 = arith.constant 0 : i32
        %dma_wait3A_51 = tpu.memref_slice %arg9[%mul3A_11, %dma_wait3A_50] : memref<10240x128xf32, #tpu.memory_space<vmem_shared>> -> memref<640x128xf32, #tpu.memory_space<vmem_shared>>
        tpu.wait_dma2 semaphore(%run_scoped3A : memref<!tpu.dma_semaphore, #tpu.memory_space<semaphore_mem>>) src(%dma_wait3A_51 : memref<640x128xf32, #tpu.memory_space<vmem_shared>>) dst(%dma_wait3A_49 : memref<640x128xf32, #tpu.memory_space<hbm>>)
        tpu.yield
      }) : () -> ()
    } else {
    }
    %eq3A_39 = arith.constant 1 : i32
    %eq3A_40 = arith.cmpi eq, %arg0, %eq3A_39 : i32
    %convert_element_type3A_41 = arith.extui %eq3A_40 : i1 to i32
    %cond3A_42 = arith.constant 0 : i32
    %cond3A_43 = arith.cmpi ne, %convert_element_type3A_41, %cond3A_42 : i32
    scf.if %cond3A_43 {
      "tpu.region"() ({
        %run_scoped3A = tpu.sem_alloc : memref<!tpu.dma_semaphore, #tpu.memory_space<semaphore_mem>>
        %dma_start3A_44 = arith.constant 0 : i32
        %dma_start3A_45 = tpu.memref_slice %arg5[%mul3A_11, %dma_start3A_44] : memref<10240x128xf32, #tpu.memory_space<hbm>> -> memref<640x128xf32, #tpu.memory_space<hbm>>
        %dma_start3A_46 = arith.constant 0 : i32
        %dma_start3A_47 = tpu.memref_slice %arg9[%mul3A_11, %dma_start3A_46] : memref<10240x128xf32, #tpu.memory_space<vmem_shared>> -> memref<640x128xf32, #tpu.memory_space<vmem_shared>>
        tpu.enqueue_dma source(%dma_start3A_47 : memref<640x128xf32, #tpu.memory_space<vmem_shared>>) target(%dma_start3A_45 : memref<640x128xf32, #tpu.memory_space<hbm>>) target_semaphore(%run_scoped3A : memref<!tpu.dma_semaphore, #tpu.memory_space<semaphore_mem>>)
        %dma_wait3A_48 = arith.constant 0 : i32
        %dma_wait3A_49 = tpu.memref_slice %arg5[%mul3A_11, %dma_wait3A_48] : memref<10240x128xf32, #tpu.memory_space<hbm>> -> memref<640x128xf32, #tpu.memory_space<hbm>>
        %dma_wait3A_50 = arith.constant 0 : i32
        %dma_wait3A_51 = tpu.memref_slice %arg9[%mul3A_11, %dma_wait3A_50] : memref<10240x128xf32, #tpu.memory_space<vmem_shared>> -> memref<640x128xf32, #tpu.memory_space<vmem_shared>>
        tpu.wait_dma2 semaphore(%run_scoped3A : memref<!tpu.dma_semaphore, #tpu.memory_space<semaphore_mem>>) src(%dma_wait3A_51 : memref<640x128xf32, #tpu.memory_space<vmem_shared>>) dst(%dma_wait3A_49 : memref<640x128xf32, #tpu.memory_space<hbm>>)
        tpu.yield
      }) : () -> ()
    } else {
    }
    return
  }
}

#map = affine_map<(d0, d1) -> (0, 0)>
module attributes {stable_mosaic.version = 14 : i64} {
  func.func @body(%arg0: i32, %arg1: i32, %arg2: memref<81920x128xf32, #tpu.memory_space<hbm>>, %arg3: memref<768x128xi32, #tpu.memory_space<hbm>>, %arg4: memref<10240x128xf32, #tpu.memory_space<hbm>>, %arg5: memref<10240x128xf32, #tpu.memory_space<hbm>>, %arg6: memref<24x128xi32, #tpu.memory_space<vmem>>, %arg7: memref<128x128xf32, #tpu.memory_space<vmem>>, %arg8: memref<128x128xf32, #tpu.memory_space<vmem>>, %arg9: memref<10240x128xf32, #tpu.memory_space<vmem_shared>>, %arg10: memref<!tpu.dma_semaphore, #tpu.memory_space<semaphore_mem>>, %arg11: memref<!tpu.dma_semaphore, #tpu.memory_space<semaphore_mem>>, %arg12: memref<!tpu.dma_semaphore, #tpu.memory_space<semaphore_mem>>, %arg13: memref<!tpu.dma_semaphore, #tpu.memory_space<semaphore_mem>>) attributes {dimension_semantics = [#tpu.dimension_semantics<core_parallel>, #tpu.dimension_semantics<subcore_parallel>], iteration_bounds = array<i64: 2, 16>, scalar_prefetch = 0 : i64, scratch_operands = 8 : i64, tpu.core_type = #tpu.core_type<sc_vector_subcore>, window_params = [{transform_indices = #map}, {transform_indices = #map}, {transform_indices = #map}, {transform_indices = #map}]} {
    %mul3A = arith.constant 2 : i32
    %mul3A_0 = arith.muli %arg1, %mul3A : i32
    %add3A = arith.addi %mul3A_0, %arg0 : i32
    %mul3A_1 = arith.constant 20 : i32
    %mul3A_2 = arith.muli %add3A, %mul3A_1 : i32
    %mul3A_3 = arith.constant 24 : i32
    %mul3A_4 = arith.muli %add3A, %mul3A_3 : i32
    "tpu.region"() ({
      %run_scoped3A = tpu.sem_alloc : memref<!tpu.dma_semaphore, #tpu.memory_space<semaphore_mem>>
      %dma_start3A_44 = arith.constant 0 : i32
      %dma_start3A_45 = tpu.memref_slice %arg3[%mul3A_4, %dma_start3A_44] : memref<768x128xi32, #tpu.memory_space<hbm>> -> memref<24x128xi32, #tpu.memory_space<hbm>>
      %dma_start3A_46 = arith.constant 0 : i32
      %dma_start3A_47 = tpu.memref_slice %arg3[%mul3A_4, %dma_start3A_46] : memref<768x128xi32, #tpu.memory_space<hbm>> -> memref<24x128xi32, #tpu.memory_space<hbm>>
      tpu.enqueue_dma source(%dma_start3A_47 : memref<24x128xi32, #tpu.memory_space<hbm>>) target(%arg6 : memref<24x128xi32, #tpu.memory_space<vmem>>) target_semaphore(%run_scoped3A : memref<!tpu.dma_semaphore, #tpu.memory_space<semaphore_mem>>)
      %dma_wait3A_48 = arith.constant 0 : i32
      %dma_wait3A_49 = tpu.memref_slice %arg3[%mul3A_4, %dma_wait3A_48] : memref<768x128xi32, #tpu.memory_space<hbm>> -> memref<24x128xi32, #tpu.memory_space<hbm>>
      %dma_wait3A_50 = arith.constant 0 : i32
      %dma_wait3A_51 = tpu.memref_slice %arg3[%mul3A_4, %dma_wait3A_50] : memref<768x128xi32, #tpu.memory_space<hbm>> -> memref<24x128xi32, #tpu.memory_space<hbm>>
      tpu.wait_dma2 semaphore(%run_scoped3A : memref<!tpu.dma_semaphore, #tpu.memory_space<semaphore_mem>>) src(%dma_wait3A_51 : memref<24x128xi32, #tpu.memory_space<hbm>>) dst(%arg6 : memref<24x128xi32, #tpu.memory_space<vmem>>)
      tpu.yield
    }) : () -> ()
    %scan3A = arith.constant 0 : i32
    %scan3A_5 = arith.constant 0 : i32
    %scan3A_6 = arith.constant 128 : i32
    %scan3A_7 = arith.addi %scan3A_5, %scan3A_6 : i32
    %scan3A_8 = arith.constant 1 : i32
    scf.for %scan3A_44 = %scan3A_5 to %scan3A_7 step %scan3A_8  : i32 {
      %scan3A_45 = arith.constant 0 : i32
      %scan3A_46 = arith.constant 8 : i32
      %scan3A_47 = arith.addi %scan3A_45, %scan3A_46 : i32
      %scan3A_48 = arith.constant 1 : i32
      scf.for %scan3A_50 = %scan3A_45 to %scan3A_47 step %scan3A_48  : i32 {
        %broadcast_in_dim3A = arith.constant 0.000000e+00 : f32
        %broadcast_in_dim3A_51 = vector.broadcast %broadcast_in_dim3A : f32 to vector<16xf32>
        %mul3A_52 = arith.constant 16 : i32
        %mul3A_53 = arith.muli %scan3A_50, %mul3A_52 : i32
        %swap3A = arith.index_cast %scan3A_44 : i32 to index
        %swap3A_54 = arith.index_cast %mul3A_53 : i32 to index
        %swap3A_55 = tpu.vector_load %arg7[%swap3A, %swap3A_54] {strides = array<i32>} : memref<128x128xf32, #tpu.memory_space<vmem>>, vector<1x16xf32>,
        %swap3A_56 = vector.shape_cast %swap3A_55 : vector<1x16xf32> to vector<16xf32>
        %swap3A_57 = vector.shape_cast %broadcast_in_dim3A_51 : vector<16xf32> to vector<1x16xf32>
        tpu.vector_store %arg7[%swap3A, %swap3A_54], %swap3A_57 {strides = array<i32>} : memref<128x128xf32, #tpu.memory_space<vmem>>, vector<1x16xf32>,
      }
      %scan3A_49 = arith.constant 8 : i32
    }
    %scan3A_9 = arith.constant 128 : i32
    %mul3A_10 = arith.constant 640 : i32
    %mul3A_11 = arith.muli %arg1, %mul3A_10 : i32
    %scan3A_12 = arith.constant 0 : i32
    %scan3A_13 = arith.constant 0 : i32
    %scan3A_14 = arith.constant 5 : i32
    %scan3A_15 = arith.addi %scan3A_13, %scan3A_14 : i32
    %scan3A_16 = arith.constant 1 : i32
    scf.for %scan3A_44 = %scan3A_13 to %scan3A_15 step %scan3A_16  : i32 {
      %mul3A_45 = arith.constant 128 : i32
      %mul3A_46 = arith.muli %scan3A_44, %mul3A_45 : i32
      %add3A_47 = arith.addi %mul3A_11, %mul3A_46 : i32
      "tpu.region"() ({
        %run_scoped3A = tpu.sem_alloc : memref<!tpu.dma_semaphore, #tpu.memory_space<semaphore_mem>>
        %dma_start3A_48 = arith.constant 0 : i32
        %dma_start3A_49 = tpu.memref_slice %arg9[%add3A_47, %dma_start3A_48] : memref<10240x128xf32, #tpu.memory_space<vmem_shared>> -> memref<128x128xf32, #tpu.memory_space<vmem_shared>>
        %dma_start3A_50 = arith.constant 0 : i32
        %dma_start3A_51 = tpu.memref_slice %arg9[%add3A_47, %dma_start3A_50] : memref<10240x128xf32, #tpu.memory_space<vmem_shared>> -> memref<128x128xf32, #tpu.memory_space<vmem_shared>>
        tpu.enqueue_dma source(%arg7 : memref<128x128xf32, #tpu.memory_space<vmem>>) target(%dma_start3A_51 : memref<128x128xf32, #tpu.memory_space<vmem_shared>>) target_semaphore(%run_scoped3A : memref<!tpu.dma_semaphore, #tpu.memory_space<semaphore_mem>>)
        %dma_wait3A_52 = arith.constant 0 : i32
        %dma_wait3A_53 = tpu.memref_slice %arg9[%add3A_47, %dma_wait3A_52] : memref<10240x128xf32, #tpu.memory_space<vmem_shared>> -> memref<128x128xf32, #tpu.memory_space<vmem_shared>>
        %dma_wait3A_54 = arith.constant 0 : i32
        %dma_wait3A_55 = tpu.memref_slice %arg9[%add3A_47, %dma_wait3A_54] : memref<10240x128xf32, #tpu.memory_space<vmem_shared>> -> memref<128x128xf32, #tpu.memory_space<vmem_shared>>
        tpu.wait_dma2 semaphore(%run_scoped3A : memref<!tpu.dma_semaphore, #tpu.memory_space<semaphore_mem>>) src(%arg7 : memref<128x128xf32, #tpu.memory_space<vmem>>) dst(%dma_wait3A_55 : memref<128x128xf32, #tpu.memory_space<vmem_shared>>)
        tpu.yield
      }) : () -> ()
    }
    %scan3A_17 = arith.constant 5 : i32
    %barrier3A = arith.constant 0 : index
    tpu.barrier barrier_id(%barrier3A)
    %add3A_18 = arith.constant 0 : i32
    %add3A_19 = arith.addi %mul3A_2, %add3A_18 : i32
    %mul3A_20 = arith.constant 128 : i32
    %mul3A_21 = arith.muli %add3A_19, %mul3A_20 : i32
    %dma_start3A = arith.constant 0 : i32
    %dma_start3A_22 = tpu.memref_slice %arg2[%mul3A_21, %dma_start3A] : memref<81920x128xf32, #tpu.memory_space<hbm>> -> memref<128x128xf32, #tpu.memory_space<hbm>>
    %dma_start3A_23 = arith.constant 0 : i32
    %dma_start3A_24 = tpu.memref_slice %arg2[%mul3A_21, %dma_start3A_23] : memref<81920x128xf32, #tpu.memory_space<hbm>> -> memref<128x128xf32, #tpu.memory_space<hbm>>
    tpu.enqueue_dma source(%dma_start3A_24 : memref<128x128xf32, #tpu.memory_space<hbm>>) target(%arg7 : memref<128x128xf32, #tpu.memory_space<vmem>>) target_semaphore(%arg10 : memref<!tpu.dma_semaphore, #tpu.memory_space<semaphore_mem>>)
    %scan3A_25 = arith.constant 0 : i32
    %scan3A_26 = arith.constant 0 : i32
    %scan3A_27 = arith.constant 10 : i32
    %scan3A_28 = arith.addi %scan3A_26, %scan3A_27 : i32
    %scan3A_29 = arith.constant 1 : i32
    scf.for %scan3A_44 = %scan3A_26 to %scan3A_28 step %scan3A_29  : i32 {
      %mul3A_45 = arith.constant 2 : i32
      %mul3A_46 = arith.muli %scan3A_44, %mul3A_45 : i32
      %add3A_47 = arith.constant 0 : i32
      %add3A_48 = arith.addi %mul3A_46, %add3A_47 : i32
      %dma_wait3A_49 = arith.constant 0 : i32
      %dma_wait3A_50 = arith.constant 0 : i32
      %dma_wait3A_51 = tpu.memref_slice %arg2[%dma_wait3A_49, %dma_wait3A_50] : memref<81920x128xf32, #tpu.memory_space<hbm>> -> memref<128x128xf32, #tpu.memory_space<hbm>>
      %dma_wait3A_52 = arith.constant 0 : i32
      %dma_wait3A_53 = arith.constant 0 : i32
      %dma_wait3A_54 = tpu.memref_slice %arg2[%dma_wait3A_52, %dma_wait3A_53] : memref<81920x128xf32, #tpu.memory_space<hbm>> -> memref<128x128xf32, #tpu.memory_space<hbm>>
      tpu.wait_dma2 semaphore(%arg10 : memref<!tpu.dma_semaphore, #tpu.memory_space<semaphore_mem>>) src(%dma_wait3A_54 : memref<128x128xf32, #tpu.memory_space<hbm>>) dst(%arg7 : memref<128x128xf32, #tpu.memory_space<vmem>>)
      %dma_start3A_55 = arith.constant 0 : i32
      %dma_start3A_56 = tpu.memref_slice %arg6[%add3A_48, %dma_start3A_55] : memref<24x128xi32, #tpu.memory_space<vmem>> -> memref<1x128xi32, #tpu.memory_space<vmem>>
      %dma_start3A_57 = tpu.memref_squeeze %dma_start3A_56 : memref<1x128xi32, #tpu.memory_space<vmem>> -> memref<128xi32, #tpu.memory_space<vmem>>
      %dma_start3A_58 = arith.constant 0 : i32
      %dma_start3A_59 = arith.constant 0 : i32
      %dma_start3A_60 = tpu.memref_slice %arg9[%dma_start3A_58, %dma_start3A_59] : memref<10240x128xf32, #tpu.memory_space<vmem_shared>> -> memref<10240x128xf32, #tpu.memory_space<vmem_shared>>
      tpu.enqueue_indirect_dma source(%arg7 : memref<128x128xf32, #tpu.memory_space<vmem>>) target(%dma_start3A_60 : memref<10240x128xf32, #tpu.memory_space<vmem_shared>>) offsets(%dma_start3A_57 : memref<128xi32, #tpu.memory_space<vmem>>) semaphore(%arg12 : memref<!tpu.dma_semaphore, #tpu.memory_space<semaphore_mem>>) {add = true}
      %ge3A = arith.constant 1 : i32
      %ge3A_61 = arith.cmpi sge, %add3A_48, %ge3A : i32
      %convert_element_type3A_62 = arith.extui %ge3A_61 : i1 to i32
      %cond3A_63 = arith.constant 0 : i32
      %cond3A_64 = arith.cmpi ne, %convert_element_type3A_62, %cond3A_63 : i32
      scf.if %cond3A_64 {
        %dma_wait3A_102 = arith.constant 0 : i32
        %dma_wait3A_103 = arith.constant 0 : i32
        %dma_wait3A_104 = tpu.memref_slice %arg9[%dma_wait3A_102, %dma_wait3A_103] : memref<10240x128xf32, #tpu.memory_space<vmem_shared>> -> memref<128x128xf32, #tpu.memory_space<vmem_shared>>
        %dma_wait3A_105 = arith.constant 0 : i32
        %dma_wait3A_106 = arith.constant 0 : i32
        %dma_wait3A_107 = tpu.memref_slice %arg9[%dma_wait3A_105, %dma_wait3A_106] : memref<10240x128xf32, #tpu.memory_space<vmem_shared>> -> memref<128x128xf32, #tpu.memory_space<vmem_shared>>
        tpu.wait_dma2 semaphore(%arg13 : memref<!tpu.dma_semaphore, #tpu.memory_space<semaphore_mem>>) src(%arg8 : memref<128x128xf32, #tpu.memory_space<vmem>>) dst(%dma_wait3A_107 : memref<128x128xf32, #tpu.memory_space<vmem_shared>>)
      } else {
      }
      %add3A_65 = arith.constant 2 : i32
      %add3A_66 = arith.addi %add3A_48, %add3A_65 : i32
      %sub3A = arith.constant 1 : i32
      %sub3A_67 = arith.subi %add3A_66, %sub3A : i32
      %lt3A = arith.constant 20 : i32
      %lt3A_68 = arith.cmpi slt, %sub3A_67, %lt3A : i32
      %convert_element_type3A_69 = arith.extui %lt3A_68 : i1 to i32
      %cond3A_70 = arith.constant 0 : i32
      %cond3A_71 = arith.cmpi ne, %convert_element_type3A_69, %cond3A_70 : i32
      scf.if %cond3A_71 {
        %add3A_102 = arith.constant 2 : i32
        %add3A_103 = arith.addi %add3A_48, %add3A_102 : i32
        %sub3A_104 = arith.constant 1 : i32
        %sub3A_105 = arith.subi %add3A_103, %sub3A_104 : i32
        %add3A_106 = arith.addi %mul3A_2, %sub3A_105 : i32
        %mul3A_107 = arith.constant 128 : i32
        %mul3A_108 = arith.muli %add3A_106, %mul3A_107 : i32
        %dma_start3A_109 = arith.constant 0 : i32
        %dma_start3A_110 = tpu.memref_slice %arg2[%mul3A_108, %dma_start3A_109] : memref<81920x128xf32, #tpu.memory_space<hbm>> -> memref<128x128xf32, #tpu.memory_space<hbm>>
        %dma_start3A_111 = arith.constant 0 : i32
        %dma_start3A_112 = tpu.memref_slice %arg2[%mul3A_108, %dma_start3A_111] : memref<81920x128xf32, #tpu.memory_space<hbm>> -> memref<128x128xf32, #tpu.memory_space<hbm>>
        tpu.enqueue_dma source(%dma_start3A_112 : memref<128x128xf32, #tpu.memory_space<hbm>>) target(%arg8 : memref<128x128xf32, #tpu.memory_space<vmem>>) target_semaphore(%arg11 : memref<!tpu.dma_semaphore, #tpu.memory_space<semaphore_mem>>)
      } else {
      }
      %mul3A_72 = arith.constant 2 : i32
      %mul3A_73 = arith.muli %scan3A_44, %mul3A_72 : i32
      %add3A_74 = arith.constant 1 : i32
      %add3A_75 = arith.addi %mul3A_73, %add3A_74 : i32
      %dma_wait3A_76 = arith.constant 0 : i32
      %dma_wait3A_77 = arith.constant 0 : i32
      %dma_wait3A_78 = tpu.memref_slice %arg2[%dma_wait3A_76, %dma_wait3A_77] : memref<81920x128xf32, #tpu.memory_space<hbm>> -> memref<128x128xf32, #tpu.memory_space<hbm>>
      %dma_wait3A_79 = arith.constant 0 : i32
      %dma_wait3A_80 = arith.constant 0 : i32
      %dma_wait3A_81 = tpu.memref_slice %arg2[%dma_wait3A_79, %dma_wait3A_80] : memref<81920x128xf32, #tpu.memory_space<hbm>> -> memref<128x128xf32, #tpu.memory_space<hbm>>
      tpu.wait_dma2 semaphore(%arg11 : memref<!tpu.dma_semaphore, #tpu.memory_space<semaphore_mem>>) src(%dma_wait3A_81 : memref<128x128xf32, #tpu.memory_space<hbm>>) dst(%arg8 : memref<128x128xf32, #tpu.memory_space<vmem>>)
      %dma_start3A_82 = arith.constant 0 : i32
      %dma_start3A_83 = tpu.memref_slice %arg6[%add3A_75, %dma_start3A_82] : memref<24x128xi32, #tpu.memory_space<vmem>> -> memref<1x128xi32, #tpu.memory_space<vmem>>
      %dma_start3A_84 = tpu.memref_squeeze %dma_start3A_83 : memref<1x128xi32, #tpu.memory_space<vmem>> -> memref<128xi32, #tpu.memory_space<vmem>>
      %dma_start3A_85 = arith.constant 0 : i32
      %dma_start3A_86 = arith.constant 0 : i32
      %dma_start3A_87 = tpu.memref_slice %arg9[%dma_start3A_85, %dma_start3A_86] : memref<10240x128xf32, #tpu.memory_space<vmem_shared>> -> memref<10240x128xf32, #tpu.memory_space<vmem_shared>>
      tpu.enqueue_indirect_dma source(%arg8 : memref<128x128xf32, #tpu.memory_space<vmem>>) target(%dma_start3A_87 : memref<10240x128xf32, #tpu.memory_space<vmem_shared>>) offsets(%dma_start3A_84 : memref<128xi32, #tpu.memory_space<vmem>>) semaphore(%arg13 : memref<!tpu.dma_semaphore, #tpu.memory_space<semaphore_mem>>) {add = true}
      %ge3A_88 = arith.constant 1 : i32
      %ge3A_89 = arith.cmpi sge, %add3A_75, %ge3A_88 : i32
      %convert_element_type3A_90 = arith.extui %ge3A_89 : i1 to i32
      %cond3A_91 = arith.constant 0 : i32
      %cond3A_92 = arith.cmpi ne, %convert_element_type3A_90, %cond3A_91 : i32
      scf.if %cond3A_92 {
        %dma_wait3A_102 = arith.constant 0 : i32
        %dma_wait3A_103 = arith.constant 0 : i32
        %dma_wait3A_104 = tpu.memref_slice %arg9[%dma_wait3A_102, %dma_wait3A_103] : memref<10240x128xf32, #tpu.memory_space<vmem_shared>> -> memref<128x128xf32, #tpu.memory_space<vmem_shared>>
        %dma_wait3A_105 = arith.constant 0 : i32
        %dma_wait3A_106 = arith.constant 0 : i32
        %dma_wait3A_107 = tpu.memref_slice %arg9[%dma_wait3A_105, %dma_wait3A_106] : memref<10240x128xf32, #tpu.memory_space<vmem_shared>> -> memref<128x128xf32, #tpu.memory_space<vmem_shared>>
        tpu.wait_dma2 semaphore(%arg12 : memref<!tpu.dma_semaphore, #tpu.memory_space<semaphore_mem>>) src(%arg7 : memref<128x128xf32, #tpu.memory_space<vmem>>) dst(%dma_wait3A_107 : memref<128x128xf32, #tpu.memory_space<vmem_shared>>)
      } else {
      }
      %add3A_93 = arith.constant 2 : i32
      %add3A_94 = arith.addi %add3A_75, %add3A_93 : i32
      %sub3A_95 = arith.constant 1 : i32
      %sub3A_96 = arith.subi %add3A_94, %sub3A_95 : i32
      %lt3A_97 = arith.constant 20 : i32
      %lt3A_98 = arith.cmpi slt, %sub3A_96, %lt3A_97 : i32
      %convert_element_type3A_99 = arith.extui %lt3A_98 : i1 to i32
      %cond3A_100 = arith.constant 0 : i32
      %cond3A_101 = arith.cmpi ne, %convert_element_type3A_99, %cond3A_100 : i32
      scf.if %cond3A_101 {
        %add3A_102 = arith.constant 2 : i32
        %add3A_103 = arith.addi %add3A_75, %add3A_102 : i32
        %sub3A_104 = arith.constant 1 : i32
        %sub3A_105 = arith.subi %add3A_103, %sub3A_104 : i32
        %add3A_106 = arith.addi %mul3A_2, %sub3A_105 : i32
        %mul3A_107 = arith.constant 128 : i32
        %mul3A_108 = arith.muli %add3A_106, %mul3A_107 : i32
        %dma_start3A_109 = arith.constant 0 : i32
        %dma_start3A_110 = tpu.memref_slice %arg2[%mul3A_108, %dma_start3A_109] : memref<81920x128xf32, #tpu.memory_space<hbm>> -> memref<128x128xf32, #tpu.memory_space<hbm>>
        %dma_start3A_111 = arith.constant 0 : i32
        %dma_start3A_112 = tpu.memref_slice %arg2[%mul3A_108, %dma_start3A_111] : memref<81920x128xf32, #tpu.memory_space<hbm>> -> memref<128x128xf32, #tpu.memory_space<hbm>>
        tpu.enqueue_dma source(%dma_start3A_112 : memref<128x128xf32, #tpu.memory_space<hbm>>) target(%arg7 : memref<128x128xf32, #tpu.memory_space<vmem>>) target_semaphore(%arg10 : memref<!tpu.dma_semaphore, #tpu.memory_space<semaphore_mem>>)
      } else {
      }
    }
    %scan3A_30 = arith.constant 10 : i32
    %dma_wait3A = arith.constant 0 : i32
    %dma_wait3A_31 = arith.constant 0 : i32
    %dma_wait3A_32 = tpu.memref_slice %arg9[%dma_wait3A, %dma_wait3A_31] : memref<10240x128xf32, #tpu.memory_space<vmem_shared>> -> memref<128x128xf32, #tpu.memory_space<vmem_shared>>
    %dma_wait3A_33 = arith.constant 0 : i32
    %dma_wait3A_34 = arith.constant 0 : i32
    %dma_wait3A_35 = tpu.memref_slice %arg9[%dma_wait3A_33, %dma_wait3A_34] : memref<10240x128xf32, #tpu.memory_space<vmem_shared>> -> memref<128x128xf32, #tpu.memory_space<vmem_shared>>
    tpu.wait_dma2 semaphore(%arg13 : memref<!tpu.dma_semaphore, #tpu.memory_space<semaphore_mem>>) src(%arg8 : memref<128x128xf32, #tpu.memory_space<vmem>>) dst(%dma_wait3A_35 : memref<128x128xf32, #tpu.memory_space<vmem_shared>>)
    %barrier3A_36 = arith.constant 0 : index
    tpu.barrier barrier_id(%barrier3A_36)
    %eq3A = arith.constant 0 : i32
    %eq3A_37 = arith.cmpi eq, %arg0, %eq3A : i32
    %convert_element_type3A = arith.extui %eq3A_37 : i1 to i32
    %cond3A = arith.constant 0 : i32
    %cond3A_38 = arith.cmpi ne, %convert_element_type3A, %cond3A : i32
    scf.if %cond3A_38 {
      "tpu.region"() ({
        %run_scoped3A = tpu.sem_alloc : memref<!tpu.dma_semaphore, #tpu.memory_space<semaphore_mem>>
        %dma_start3A_44 = arith.constant 0 : i32
        %dma_start3A_45 = tpu.memref_slice %arg4[%mul3A_11, %dma_start3A_44] : memref<10240x128xf32, #tpu.memory_space<hbm>> -> memref<640x128xf32, #tpu.memory_space<hbm>>
        %dma_start3A_46 = arith.constant 0 : i32
        %dma_start3A_47 = tpu.memref_slice %arg9[%mul3A_11, %dma_start3A_46] : memref<10240x128xf32, #tpu.memory_space<vmem_shared>> -> memref<640x128xf32, #tpu.memory_space<vmem_shared>>
        tpu.enqueue_dma source(%dma_start3A_47 : memref<640x128xf32, #tpu.memory_space<vmem_shared>>) target(%dma_start3A_45 : memref<640x128xf32, #tpu.memory_space<hbm>>) target_semaphore(%run_scoped3A : memref<!tpu.dma_semaphore, #tpu.memory_space<semaphore_mem>>)
        %dma_wait3A_48 = arith.constant 0 : i32
        %dma_wait3A_49 = tpu.memref_slice %arg4[%mul3A_11, %dma_wait3A_48] : memref<10240x128xf32, #tpu.memory_space<hbm>> -> memref<640x128xf32, #tpu.memory_space<hbm>>
        %dma_wait3A_50 = arith.constant 0 : i32
        %dma_wait3A_51 = tpu.memref_slice %arg9[%mul3A_11, %dma_wait3A_50] : memref<10240x128xf32, #tpu.memory_space<vmem_shared>> -> memref<640x128xf32, #tpu.memory_space<vmem_shared>>
        tpu.wait_dma2 semaphore(%run_scoped3A : memref<!tpu.dma_semaphore, #tpu.memory_space<semaphore_mem>>) src(%dma_wait3A_51 : memref<640x128xf32, #tpu.memory_space<vmem_shared>>) dst(%dma_wait3A_49 : memref<640x128xf32, #tpu.memory_space<hbm>>)
        tpu.yield
      }) : () -> ()
    } else {
    }
    %eq3A_39 = arith.constant 1 : i32
    %eq3A_40 = arith.cmpi eq, %arg0, %eq3A_39 : i32
    %convert_element_type3A_41 = arith.extui %eq3A_40 : i1 to i32
    %cond3A_42 = arith.constant 0 : i32
    %cond3A_43 = arith.cmpi ne, %convert_element_type3A_41, %cond3A_42 : i32
    scf.if %cond3A_43 {
      "tpu.region"() ({
        %run_scoped3A = tpu.sem_alloc : memref<!tpu.dma_semaphore, #tpu.memory_space<semaphore_mem>>
        %dma_start3A_44 = arith.constant 0 : i32
        %dma_start3A_45 = tpu.memref_slice %arg5[%mul3A_11, %dma_start3A_44] : memref<10240x128xf32, #tpu.memory_space<hbm>> -> memref<640x128xf32, #tpu.memory_space<hbm>>
        %dma_start3A_46 = arith.constant 0 : i32
        %dma_start3A_47 = tpu.memref_slice %arg9[%mul3A_11, %dma_start3A_46] : memref<10240x128xf32, #tpu.memory_space<vmem_shared>> -> memref<640x128xf32, #tpu.memory_space<vmem_shared>>
        tpu.enqueue_dma source(%dma_start3A_47 : memref<640x128xf32, #tpu.memory_space<vmem_shared>>) target(%dma_start3A_45 : memref<640x128xf32, #tpu.memory_space<hbm>>) target_semaphore(%run_scoped3A : memref<!tpu.dma_semaphore, #tpu.memory_space<semaphore_mem>>)
        %dma_wait3A_48 = arith.constant 0 : i32
        %dma_wait3A_49 = tpu.memref_slice %arg5[%mul3A_11, %dma_wait3A_48] : memref<10240x128xf32, #tpu.memory_space<hbm>> -> memref<640x128xf32, #tpu.memory_space<hbm>>
        %dma_wait3A_50 = arith.constant 0 : i32
        %dma_wait3A_51 = tpu.memref_slice %arg9[%mul3A_11, %dma_wait3A_50] : memref<10240x128xf32, #tpu.memory_space<vmem_shared>> -> memref<640x128xf32, #tpu.memory_space<vmem_shared>>
        tpu.wait_dma2 semaphore(%run_scoped3A : memref<!tpu.dma_semaphore, #tpu.memory_space<semaphore_mem>>) src(%dma_wait3A_51 : memref<640x128xf32, #tpu.memory_space<vmem_shared>>) dst(%dma_wait3A_49 : memref<640x128xf32, #tpu.memory_space<hbm>>)
        tpu.yield
      }) : () -> ()
    } else {
    }
    return
  }
}

module attributes {stable_mosaic.version = 14 : i64} {
  func.func @body(%arg0: i32, %arg1: memref<4096x16xf32, #tpu.memory_space<vmem>>, %arg2: memref<3x16x16xf32, #tpu.memory_space<vmem>>, %arg3: memref<3x16x16xf32, #tpu.memory_space<vmem>>, %arg4: memref<8x16xf32, #tpu.memory_space<vmem>>) attributes {dimension_semantics = [#tpu.dimension_semantics<arbitrary>], iteration_bounds = array<i64: 20>, scalar_prefetch = 0 : i64, scratch_operands = 0 : i64, tpu.core_type = #tpu.core_type<tc>, window_params = [{transform_indices = @transform_0, window_bounds = array<i64: 4096, 16>}, {pipeline_mode = #tpu.pipeline_mode<synchronous>, transform_indices = @transform_1, window_bounds = array<i64: 3, 16, 16>}, {pipeline_mode = #tpu.pipeline_mode<synchronous>, transform_indices = @transform_2, window_bounds = array<i64: 3, 16, 16>}, {pipeline_mode = #tpu.pipeline_mode<synchronous>, transform_indices = @transform_3, window_bounds = array<i64: 8, 16>}]} {
    %get3A = arith.constant 0 : index
    %get3A_0 = arith.constant 0 : index
    %get3A_1 = vector.load %arg1[%get3A, %get3A_0] : memref<4096x16xf32, #tpu.memory_space<vmem>>, vector<4096x16xf32>
    %get3A_2 = arith.constant 0 : index
    %get3A_3 = arith.constant 0 : index
    %get3A_4 = arith.constant 0 : index
    %get3A_5 = vector.load %arg2[%get3A_2, %get3A_3, %get3A_4] : memref<3x16x16xf32, #tpu.memory_space<vmem>>, vector<3x16x16xf32>
    %get3A_6 = arith.constant 0 : index
    %get3A_7 = arith.constant 0 : index
    %get3A_8 = arith.constant 0 : index
    %get3A_9 = vector.load %arg3[%get3A_6, %get3A_7, %get3A_8] : memref<3x16x16xf32, #tpu.memory_space<vmem>>, vector<3x16x16xf32>
    %slice3A = vector.extract_strided_slice %get3A_5 {offsets = [0, 0, 0], sizes = [1, 16, 16], strides = [1, 1, 1]} : vector<3x16x16xf32> to vector<1x16x16xf32>
    %squeeze3A = vector.shape_cast %slice3A : vector<1x16x16xf32> to vector<16x16xf32>
    %dot_general3A = arith.constant dense<0.000000e+00> : vector<4096x16xf32>
    %dot_general3A_10 = tpu.matmul %get3A_1, %squeeze3A, %dot_general3A {dimension_numbers = #tpu.dot_dimension_numbers<[1], [0], [0], [1], [0, 0, 1, 1], [], []>, transpose_lhs_hint = false} : vector<4096x16xf32>, vector<16x16xf32>, vector<4096x16xf32> -> vector<4096x16xf32>
    %slice3A_11 = vector.extract_strided_slice %get3A_9 {offsets = [0, 0, 0], sizes = [1, 16, 16], strides = [1, 1, 1]} : vector<3x16x16xf32> to vector<1x16x16xf32>
    %squeeze3A_12 = vector.shape_cast %slice3A_11 : vector<1x16x16xf32> to vector<16x16xf32>
    %dot_general3A_13 = arith.constant dense<0.000000e+00> : vector<4096x16xf32>
    %dot_general3A_14 = tpu.matmul %get3A_1, %squeeze3A_12, %dot_general3A_13 {dimension_numbers = #tpu.dot_dimension_numbers<[1], [0], [0], [1], [0, 0, 1, 1], [], []>, transpose_lhs_hint = false} : vector<4096x16xf32>, vector<16x16xf32>, vector<4096x16xf32> -> vector<4096x16xf32>
    %mul3A = arith.mulf %dot_general3A_10, %dot_general3A_14 : vector<4096x16xf32>
    %slice3A_15 = vector.extract_strided_slice %get3A_5 {offsets = [1, 0, 0], sizes = [1, 16, 16], strides = [1, 1, 1]} : vector<3x16x16xf32> to vector<1x16x16xf32>
    %squeeze3A_16 = vector.shape_cast %slice3A_15 : vector<1x16x16xf32> to vector<16x16xf32>
    %dot_general3A_17 = arith.constant dense<0.000000e+00> : vector<4096x16xf32>
    %dot_general3A_18 = tpu.matmul %get3A_1, %squeeze3A_16, %dot_general3A_17 {dimension_numbers = #tpu.dot_dimension_numbers<[1], [0], [0], [1], [0, 0, 1, 1], [], []>, transpose_lhs_hint = false} : vector<4096x16xf32>, vector<16x16xf32>, vector<4096x16xf32> -> vector<4096x16xf32>
    %slice3A_19 = vector.extract_strided_slice %get3A_9 {offsets = [1, 0, 0], sizes = [1, 16, 16], strides = [1, 1, 1]} : vector<3x16x16xf32> to vector<1x16x16xf32>
    %squeeze3A_20 = vector.shape_cast %slice3A_19 : vector<1x16x16xf32> to vector<16x16xf32>
    %dot_general3A_21 = arith.constant dense<0.000000e+00> : vector<4096x16xf32>
    %dot_general3A_22 = tpu.matmul %get3A_1, %squeeze3A_20, %dot_general3A_21 {dimension_numbers = #tpu.dot_dimension_numbers<[1], [0], [0], [1], [0, 0, 1, 1], [], []>, transpose_lhs_hint = false} : vector<4096x16xf32>, vector<16x16xf32>, vector<4096x16xf32> -> vector<4096x16xf32>
    %mul3A_23 = arith.mulf %dot_general3A_18, %dot_general3A_22 : vector<4096x16xf32>
    %add3A = arith.addf %mul3A, %mul3A_23 : vector<4096x16xf32>
    %slice3A_24 = vector.extract_strided_slice %get3A_5 {offsets = [2, 0, 0], sizes = [1, 16, 16], strides = [1, 1, 1]} : vector<3x16x16xf32> to vector<1x16x16xf32>
    %squeeze3A_25 = vector.shape_cast %slice3A_24 : vector<1x16x16xf32> to vector<16x16xf32>
    %dot_general3A_26 = arith.constant dense<0.000000e+00> : vector<4096x16xf32>
    %dot_general3A_27 = tpu.matmul %get3A_1, %squeeze3A_25, %dot_general3A_26 {dimension_numbers = #tpu.dot_dimension_numbers<[1], [0], [0], [1], [0, 0, 1, 1], [], []>, transpose_lhs_hint = false} : vector<4096x16xf32>, vector<16x16xf32>, vector<4096x16xf32> -> vector<4096x16xf32>
    %slice3A_28 = vector.extract_strided_slice %get3A_9 {offsets = [2, 0, 0], sizes = [1, 16, 16], strides = [1, 1, 1]} : vector<3x16x16xf32> to vector<1x16x16xf32>
    %squeeze3A_29 = vector.shape_cast %slice3A_28 : vector<1x16x16xf32> to vector<16x16xf32>
    %dot_general3A_30 = arith.constant dense<0.000000e+00> : vector<4096x16xf32>
    %dot_general3A_31 = tpu.matmul %get3A_1, %squeeze3A_29, %dot_general3A_30 {dimension_numbers = #tpu.dot_dimension_numbers<[1], [0], [0], [1], [0, 0, 1, 1], [], []>, transpose_lhs_hint = false} : vector<4096x16xf32>, vector<16x16xf32>, vector<4096x16xf32> -> vector<4096x16xf32>
    %mul3A_32 = arith.mulf %dot_general3A_27, %dot_general3A_31 : vector<4096x16xf32>
    %add3A_33 = arith.addf %add3A, %mul3A_32 : vector<4096x16xf32>
    %mul3A_34 = arith.mulf %add3A_33, %add3A_33 : vector<4096x16xf32>
    %reduce_sum3A = arith.constant dense<0.000000e+00> : vector<16xf32>
    %reduce_sum3A_35 = vector.multi_reduction <add>, %mul3A_34, %reduce_sum3A [0] : vector<4096x16xf32> to vector<16xf32>
    %broadcast_in_dim3A = vector.shape_cast %reduce_sum3A_35 : vector<16xf32> to vector<1x16xf32>
    %eq3A = arith.constant 0 : i32
    %eq3A_36 = arith.cmpi eq, %arg0, %eq3A : i32
    %convert_element_type3A = arith.extui %eq3A_36 : i1 to i32
    %cond3A = arith.constant 0 : i32
    %cond3A_37 = arith.cmpi ne, %convert_element_type3A, %cond3A : i32
    scf.if %cond3A_37 {
      %broadcast_in_dim3A_46 = arith.constant 0.000000e+00 : f32
      %broadcast_in_dim3A_47 = vector.broadcast %broadcast_in_dim3A_46 : f32 to vector<8x16xf32>
      %swap3A_48 = arith.constant 0 : index
      %swap3A_49 = arith.constant 0 : index
      %swap3A_50 = vector.load %arg4[%swap3A_48, %swap3A_49] : memref<8x16xf32, #tpu.memory_space<vmem>>, vector<8x16xf32>
      tpu.vector_store %arg4[%swap3A_48, %swap3A_49], %broadcast_in_dim3A_47 {strides = array<i32>} : memref<8x16xf32, #tpu.memory_space<vmem>>, vector<8x16xf32>,
    } else {
    }
    %get3A_38 = arith.constant 0 : index
    %get3A_39 = arith.constant 0 : index
    %get3A_40 = vector.load %arg4[%get3A_38, %get3A_39] : memref<8x16xf32, #tpu.memory_space<vmem>>, vector<8x16xf32>
    %broadcast_in_dim3A_41 = vector.shape_cast %broadcast_in_dim3A : vector<1x16xf32> to vector<1x16xf32>
    %broadcast_in_dim3A_42 = vector.broadcast %broadcast_in_dim3A_41 : vector<1x16xf32> to vector<8x16xf32>
    %add3A_43 = arith.addf %get3A_40, %broadcast_in_dim3A_42 : vector<8x16xf32>
    %swap3A = arith.constant 0 : index
    %swap3A_44 = arith.constant 0 : index
    %swap3A_45 = vector.load %arg4[%swap3A, %swap3A_44] : memref<8x16xf32, #tpu.memory_space<vmem>>, vector<8x16xf32>
    tpu.vector_store %arg4[%swap3A, %swap3A_44], %add3A_43 {strides = array<i32>} : memref<8x16xf32, #tpu.memory_space<vmem>>, vector<8x16xf32>,
    return
  }
  func.func @transform_0(%arg0: i32) -> (i32, i32) {
    %c0_i32 = arith.constant 0 : i32
    %c0_i32_0 = arith.constant 0 : i32
    return %arg0, %c0_i32 : i32, i32
  }
  func.func @transform_1(%arg0: i32) -> (i32, i32, i32) {
    %c0_i32 = arith.constant 0 : i32
    %c0_i32_0 = arith.constant 0 : i32
    %c0_i32_1 = arith.constant 0 : i32
    %c0_i32_2 = arith.constant 0 : i32
    return %c0_i32, %c0_i32_0, %c0_i32_1 : i32, i32, i32
  }
  func.func @transform_2(%arg0: i32) -> (i32, i32, i32) {
    %c0_i32 = arith.constant 0 : i32
    %c0_i32_0 = arith.constant 0 : i32
    %c0_i32_1 = arith.constant 0 : i32
    %c0_i32_2 = arith.constant 0 : i32
    return %c0_i32, %c0_i32_0, %c0_i32_1 : i32, i32, i32
  }
  func.func @transform_3(%arg0: i32) -> (i32, i32) {
    %c0_i32 = arith.constant 0 : i32
    %c0_i32_0 = arith.constant 0 : i32
    %c0_i32_1 = arith.constant 0 : i32
    return %c0_i32, %c0_i32_0 : i32, i32
  }
}

module attributes {stable_mosaic.version = 14 : i64} {
  func.func @body(%arg0: i32, %arg1: memref<2048x16xf32, #tpu.memory_space<vmem>>, %arg2: memref<2048x128xf32, #tpu.memory_space<vmem>>, %arg3: memref<2048x128xf32, #tpu.memory_space<vmem>>, %arg4: memref<2048x16xf32, #tpu.memory_space<vmem>>, %arg5: memref<8x16xf32, #tpu.memory_space<vmem>>, %arg6: memref<8x16xf32, #tpu.memory_space<vmem>>, %arg7: memref<3x16x16xf32, #tpu.memory_space<vmem>>, %arg8: memref<3x16x16xf32, #tpu.memory_space<vmem>>, %arg9: memref<16x128xf32, #tpu.memory_space<vmem>>, %arg10: memref<1x128xf32, #tpu.memory_space<vmem>>, %arg11: memref<128x8xf32, #tpu.memory_space<vmem>>, %arg12: memref<1x8xf32, #tpu.memory_space<vmem>>, %arg13: memref<8x128xf32, #tpu.memory_space<vmem>>, %arg14: memref<272x32xf32, #tpu.memory_space<vmem>>, %arg15: memref<1x32xf32, #tpu.memory_space<vmem>>, %arg16: memref<32x32xf32, #tpu.memory_space<vmem>>, %arg17: memref<1x32xf32, #tpu.memory_space<vmem>>, %arg18: memref<128x128xbf16, #tpu.memory_space<vmem>>, %arg19: memref<128x128xbf16, #tpu.memory_space<vmem>>, %arg20: memref<1x128xf32, #tpu.memory_space<vmem>>, %arg21: memref<128x128xbf16, #tpu.memory_space<vmem>>, %arg22: memref<32x128xbf16, #tpu.memory_space<vmem>>, %arg23: memref<16x128xbf16, #tpu.memory_space<vmem>>, %arg24: memref<1x128xf32, #tpu.memory_space<vmem>>, %arg25: memref<128x128xbf16, #tpu.memory_space<vmem>>, %arg26: memref<1x128xf32, #tpu.memory_space<vmem>>, %arg27: memref<128x128xbf16, #tpu.memory_space<vmem>>, %arg28: memref<1x128xf32, #tpu.memory_space<vmem>>, %arg29: memref<128x16xbf16, #tpu.memory_space<vmem>>, %arg30: memref<16x16xf32, #tpu.memory_space<vmem>>, %arg31: memref<2048x128xf32, #tpu.memory_space<vmem>>, %arg32: memref<2048x16xf32, #tpu.memory_space<vmem>>) attributes {dimension_semantics = [#tpu.dimension_semantics<arbitrary>], iteration_bounds = array<i64: 40>, scalar_prefetch = 0 : i64, scratch_operands = 0 : i64, tpu.core_type = #tpu.core_type<tc>, window_params = [{transform_indices = @transform_0, window_bounds = array<i64: 2048, 16>}, {transform_indices = @transform_1, window_bounds = array<i64: 2048, 128>}, {transform_indices = @transform_2, window_bounds = array<i64: 2048, 128>}, {transform_indices = @transform_3, window_bounds = array<i64: 2048, 16>}, {pipeline_mode = #tpu.pipeline_mode<synchronous>, transform_indices = @transform_4, window_bounds = array<i64: 8, 16>}, {pipeline_mode = #tpu.pipeline_mode<synchronous>, transform_indices = @transform_5, window_bounds = array<i64: 8, 16>}, {pipeline_mode = #tpu.pipeline_mode<synchronous>, transform_indices = @transform_6, window_bounds = array<i64: 3, 16, 16>}, {pipeline_mode = #tpu.pipeline_mode<synchronous>, transform_indices = @transform_7, window_bounds = array<i64: 3, 16, 16>}, {pipeline_mode = #tpu.pipeline_mode<synchronous>, transform_indices = @transform_8, window_bounds = array<i64: 16, 128>}, {pipeline_mode = #tpu.pipeline_mode<synchronous>, transform_indices = @transform_9, window_bounds = array<i64: 1, 128>}, {pipeline_mode = #tpu.pipeline_mode<synchronous>, transform_indices = @transform_10, window_bounds = array<i64: 128, 8>}, {pipeline_mode = #tpu.pipeline_mode<synchronous>, transform_indices = @transform_11, window_bounds = array<i64: 1, 8>}, {pipeline_mode = #tpu.pipeline_mode<synchronous>, transform_indices = @transform_12, window_bounds = array<i64: 8, 128>}, {pipeline_mode = #tpu.pipeline_mode<synchronous>, transform_indices = @transform_13, window_bounds = array<i64: 272, 32>}, {pipeline_mode = #tpu.pipeline_mode<synchronous>, transform_indices = @transform_14, window_bounds = array<i64: 1, 32>}, {pipeline_mode = #tpu.pipeline_mode<synchronous>, transform_indices = @transform_15, window_bounds = array<i64: 32, 32>}, {pipeline_mode = #tpu.pipeline_mode<synchronous>, transform_indices = @transform_16, window_bounds = array<i64: 1, 32>}, {pipeline_mode = #tpu.pipeline_mode<synchronous>, transform_indices = @transform_17, window_bounds = array<i64: 128, 128>}, {pipeline_mode = #tpu.pipeline_mode<synchronous>, transform_indices = @transform_18, window_bounds = array<i64: 128, 128>}, {pipeline_mode = #tpu.pipeline_mode<synchronous>, transform_indices = @transform_19, window_bounds = array<i64: 1, 128>}, {pipeline_mode = #tpu.pipeline_mode<synchronous>, transform_indices = @transform_20, window_bounds = array<i64: 128, 128>}, {pipeline_mode = #tpu.pipeline_mode<synchronous>, transform_indices = @transform_21, window_bounds = array<i64: 32, 128>}, {pipeline_mode = #tpu.pipeline_mode<synchronous>, transform_indices = @transform_22, window_bounds = array<i64: 16, 128>}, {pipeline_mode = #tpu.pipeline_mode<synchronous>, transform_indices = @transform_23, window_bounds = array<i64: 1, 128>}, {pipeline_mode = #tpu.pipeline_mode<synchronous>, transform_indices = @transform_24, window_bounds = array<i64: 128, 128>}, {pipeline_mode = #tpu.pipeline_mode<synchronous>, transform_indices = @transform_25, window_bounds = array<i64: 1, 128>}, {pipeline_mode = #tpu.pipeline_mode<synchronous>, transform_indices = @transform_26, window_bounds = array<i64: 128, 128>}, {pipeline_mode = #tpu.pipeline_mode<synchronous>, transform_indices = @transform_27, window_bounds = array<i64: 1, 128>}, {pipeline_mode = #tpu.pipeline_mode<synchronous>, transform_indices = @transform_28, window_bounds = array<i64: 128, 16>}, {pipeline_mode = #tpu.pipeline_mode<synchronous>, transform_indices = @transform_29, window_bounds = array<i64: 16, 16>}, {transform_indices = @transform_30, window_bounds = array<i64: 2048, 128>}, {transform_indices = @transform_31, window_bounds = array<i64: 2048, 16>}]} {
    %get3A = arith.constant 0 : index
    %get3A_0 = arith.constant 0 : index
    %get3A_1 = vector.load %arg5[%get3A, %get3A_0] : memref<8x16xf32, #tpu.memory_space<vmem>>, vector<1x16xf32>
    %get3A_2 = arith.constant 0 : index
    %get3A_3 = arith.constant 0 : index
    %get3A_4 = vector.load %arg6[%get3A_2, %get3A_3] : memref<8x16xf32, #tpu.memory_space<vmem>>, vector<1x16xf32>
    %add3A = arith.addf %get3A_1, %get3A_4 : vector<1x16xf32>
    %sqrt3A = math.sqrt %add3A : vector<1x16xf32>
    %max3A = arith.constant 9.99999996E-13 : f32
    %max3A_5 = vector.broadcast %max3A : f32 to vector<1x16xf32>
    %max3A_6 = arith.maximumf %sqrt3A, %max3A_5 : vector<1x16xf32>
    %div3A = arith.constant 1.000000e+00 : f32
    %div3A_7 = vector.broadcast %div3A : f32 to vector<1x16xf32>
    %div3A_8 = arith.divf %div3A_7, %max3A_6 : vector<1x16xf32>
    %get3A_9 = arith.constant 0 : index
    %get3A_10 = arith.constant 0 : index
    %get3A_11 = vector.load %arg1[%get3A_9, %get3A_10] : memref<2048x16xf32, #tpu.memory_space<vmem>>, vector<2048x16xf32>
    %get3A_12 = arith.constant 0 : index
    %get3A_13 = arith.constant 0 : index
    %get3A_14 = arith.constant 0 : index
    %get3A_15 = vector.load %arg7[%get3A_12, %get3A_13, %get3A_14] : memref<3x16x16xf32, #tpu.memory_space<vmem>>, vector<3x16x16xf32>
    %get3A_16 = arith.constant 0 : index
    %get3A_17 = arith.constant 0 : index
    %get3A_18 = arith.constant 0 : index
    %get3A_19 = vector.load %arg8[%get3A_16, %get3A_17, %get3A_18] : memref<3x16x16xf32, #tpu.memory_space<vmem>>, vector<3x16x16xf32>
    %slice3A = vector.extract_strided_slice %get3A_15 {offsets = [0, 0, 0], sizes = [1, 16, 16], strides = [1, 1, 1]} : vector<3x16x16xf32> to vector<1x16x16xf32>
    %squeeze3A = vector.shape_cast %slice3A : vector<1x16x16xf32> to vector<16x16xf32>
    %dot_general3A = arith.constant dense<0.000000e+00> : vector<2048x16xf32>
    %dot_general3A_20 = tpu.matmul %get3A_11, %squeeze3A, %dot_general3A {dimension_numbers = #tpu.dot_dimension_numbers<[1], [0], [0], [1], [0, 0, 1, 1], [], []>, transpose_lhs_hint = false} : vector<2048x16xf32>, vector<16x16xf32>, vector<2048x16xf32> -> vector<2048x16xf32>
    %slice3A_21 = vector.extract_strided_slice %get3A_19 {offsets = [0, 0, 0], sizes = [1, 16, 16], strides = [1, 1, 1]} : vector<3x16x16xf32> to vector<1x16x16xf32>
    %squeeze3A_22 = vector.shape_cast %slice3A_21 : vector<1x16x16xf32> to vector<16x16xf32>
    %dot_general3A_23 = arith.constant dense<0.000000e+00> : vector<2048x16xf32>
    %dot_general3A_24 = tpu.matmul %get3A_11, %squeeze3A_22, %dot_general3A_23 {dimension_numbers = #tpu.dot_dimension_numbers<[1], [0], [0], [1], [0, 0, 1, 1], [], []>, transpose_lhs_hint = false} : vector<2048x16xf32>, vector<16x16xf32>, vector<2048x16xf32> -> vector<2048x16xf32>
    %mul3A = arith.mulf %dot_general3A_20, %dot_general3A_24 : vector<2048x16xf32>
    %slice3A_25 = vector.extract_strided_slice %get3A_15 {offsets = [1, 0, 0], sizes = [1, 16, 16], strides = [1, 1, 1]} : vector<3x16x16xf32> to vector<1x16x16xf32>
    %squeeze3A_26 = vector.shape_cast %slice3A_25 : vector<1x16x16xf32> to vector<16x16xf32>
    %dot_general3A_27 = arith.constant dense<0.000000e+00> : vector<2048x16xf32>
    %dot_general3A_28 = tpu.matmul %get3A_11, %squeeze3A_26, %dot_general3A_27 {dimension_numbers = #tpu.dot_dimension_numbers<[1], [0], [0], [1], [0, 0, 1, 1], [], []>, transpose_lhs_hint = false} : vector<2048x16xf32>, vector<16x16xf32>, vector<2048x16xf32> -> vector<2048x16xf32>
    %slice3A_29 = vector.extract_strided_slice %get3A_19 {offsets = [1, 0, 0], sizes = [1, 16, 16], strides = [1, 1, 1]} : vector<3x16x16xf32> to vector<1x16x16xf32>
    %squeeze3A_30 = vector.shape_cast %slice3A_29 : vector<1x16x16xf32> to vector<16x16xf32>
    %dot_general3A_31 = arith.constant dense<0.000000e+00> : vector<2048x16xf32>
    %dot_general3A_32 = tpu.matmul %get3A_11, %squeeze3A_30, %dot_general3A_31 {dimension_numbers = #tpu.dot_dimension_numbers<[1], [0], [0], [1], [0, 0, 1, 1], [], []>, transpose_lhs_hint = false} : vector<2048x16xf32>, vector<16x16xf32>, vector<2048x16xf32> -> vector<2048x16xf32>
    %mul3A_33 = arith.mulf %dot_general3A_28, %dot_general3A_32 : vector<2048x16xf32>
    %add3A_34 = arith.addf %mul3A, %mul3A_33 : vector<2048x16xf32>
    %slice3A_35 = vector.extract_strided_slice %get3A_15 {offsets = [2, 0, 0], sizes = [1, 16, 16], strides = [1, 1, 1]} : vector<3x16x16xf32> to vector<1x16x16xf32>
    %squeeze3A_36 = vector.shape_cast %slice3A_35 : vector<1x16x16xf32> to vector<16x16xf32>
    %dot_general3A_37 = arith.constant dense<0.000000e+00> : vector<2048x16xf32>
    %dot_general3A_38 = tpu.matmul %get3A_11, %squeeze3A_36, %dot_general3A_37 {dimension_numbers = #tpu.dot_dimension_numbers<[1], [0], [0], [1], [0, 0, 1, 1], [], []>, transpose_lhs_hint = false} : vector<2048x16xf32>, vector<16x16xf32>, vector<2048x16xf32> -> vector<2048x16xf32>
    %slice3A_39 = vector.extract_strided_slice %get3A_19 {offsets = [2, 0, 0], sizes = [1, 16, 16], strides = [1, 1, 1]} : vector<3x16x16xf32> to vector<1x16x16xf32>
    %squeeze3A_40 = vector.shape_cast %slice3A_39 : vector<1x16x16xf32> to vector<16x16xf32>
    %dot_general3A_41 = arith.constant dense<0.000000e+00> : vector<2048x16xf32>
    %dot_general3A_42 = tpu.matmul %get3A_11, %squeeze3A_40, %dot_general3A_41 {dimension_numbers = #tpu.dot_dimension_numbers<[1], [0], [0], [1], [0, 0, 1, 1], [], []>, transpose_lhs_hint = false} : vector<2048x16xf32>, vector<16x16xf32>, vector<2048x16xf32> -> vector<2048x16xf32>
    %mul3A_43 = arith.mulf %dot_general3A_38, %dot_general3A_42 : vector<2048x16xf32>
    %add3A_44 = arith.addf %add3A_34, %mul3A_43 : vector<2048x16xf32>
    %mul3A_45 = vector.broadcast %div3A_8 : vector<1x16xf32> to vector<2048x16xf32>
    %mul3A_46 = arith.mulf %add3A_44, %mul3A_45 : vector<2048x16xf32>
    %get3A_47 = arith.constant 0 : index
    %get3A_48 = arith.constant 0 : index
    %get3A_49 = vector.load %arg9[%get3A_47, %get3A_48] : memref<16x128xf32, #tpu.memory_space<vmem>>, vector<16x128xf32>
    %dot_general3A_50 = arith.constant dense<0.000000e+00> : vector<2048x128xf32>
    %dot_general3A_51 = tpu.matmul %mul3A_46, %get3A_49, %dot_general3A_50 {dimension_numbers = #tpu.dot_dimension_numbers<[1], [0], [0], [1], [0, 0, 1, 1], [], []>, transpose_lhs_hint = false} : vector<2048x16xf32>, vector<16x128xf32>, vector<2048x128xf32> -> vector<2048x128xf32>
    %get3A_52 = arith.constant 0 : index
    %get3A_53 = arith.constant 0 : index
    %get3A_54 = vector.load %arg10[%get3A_52, %get3A_53] : memref<1x128xf32, #tpu.memory_space<vmem>>, vector<1x128xf32>
    %add3A_55 = vector.broadcast %get3A_54 : vector<1x128xf32> to vector<2048x128xf32>
    %add3A_56 = arith.addf %dot_general3A_51, %add3A_55 : vector<2048x128xf32>
    %logistic3A = arith.negf %add3A_56 : vector<2048x128xf32>
    %logistic3A_57 = math.exp %logistic3A : vector<2048x128xf32>
    %logistic3A_58 = arith.constant 1.000000e+00 : f32
    %logistic3A_59 = vector.broadcast %logistic3A_58 : f32 to vector<2048x128xf32>
    %logistic3A_60 = arith.addf %logistic3A_59, %logistic3A_57 : vector<2048x128xf32>
    %logistic3A_61 = arith.divf %logistic3A_59, %logistic3A_60 : vector<2048x128xf32>
    %mul3A_62 = arith.mulf %add3A_56, %logistic3A_61 : vector<2048x128xf32>
    %get3A_63 = arith.constant 0 : index
    %get3A_64 = arith.constant 0 : index
    %get3A_65 = vector.load %arg11[%get3A_63, %get3A_64] : memref<128x8xf32, #tpu.memory_space<vmem>>, vector<128x8xf32>
    %dot_general3A_66 = arith.constant dense<0.000000e+00> : vector<2048x8xf32>
    %dot_general3A_67 = tpu.matmul %mul3A_62, %get3A_65, %dot_general3A_66 {dimension_numbers = #tpu.dot_dimension_numbers<[1], [0], [0], [1], [0, 0, 1, 1], [], []>, transpose_lhs_hint = false} : vector<2048x128xf32>, vector<128x8xf32>, vector<2048x8xf32> -> vector<2048x8xf32>
    %get3A_68 = arith.constant 0 : index
    %get3A_69 = arith.constant 0 : index
    %get3A_70 = vector.load %arg12[%get3A_68, %get3A_69] : memref<1x8xf32, #tpu.memory_space<vmem>>, vector<1x8xf32>
    %add3A_71 = vector.broadcast %get3A_70 : vector<1x8xf32> to vector<2048x8xf32>
    %add3A_72 = arith.addf %dot_general3A_67, %add3A_71 : vector<2048x8xf32>
    %mul3A_73 = arith.mulf %add3A_72, %add3A_72 : vector<2048x8xf32>
    %reduce_sum3A = arith.constant dense<0.000000e+00> : vector<2048xf32>
    %reduce_sum3A_74 = vector.multi_reduction <add>, %mul3A_73, %reduce_sum3A [1] : vector<2048x8xf32> to vector<2048xf32>
    %broadcast_in_dim3A = vector.shape_cast %reduce_sum3A_74 : vector<2048xf32> to vector<2048x1xf32>
    %sqrt3A_75 = math.sqrt %broadcast_in_dim3A : vector<2048x1xf32>
    %add3A_76 = arith.constant 9.99999993E-9 : f32
    %add3A_77 = vector.broadcast %add3A_76 : f32 to vector<2048x1xf32>
    %add3A_78 = arith.addf %sqrt3A_75, %add3A_77 : vector<2048x1xf32>
    %div3A_79 = vector.broadcast %add3A_78 : vector<2048x1xf32> to vector<2048x8xf32>
    %div3A_80 = arith.divf %add3A_72, %div3A_79 : vector<2048x8xf32>
    %get3A_81 = arith.constant 0 : index
    %get3A_82 = arith.constant 0 : index
    %get3A_83 = vector.load %arg13[%get3A_81, %get3A_82] : memref<8x128xf32, #tpu.memory_space<vmem>>, vector<8x128xf32>
    %dot_general3A_84 = arith.constant dense<0.000000e+00> : vector<2048x128xf32>
    %dot_general3A_85 = tpu.matmul %add3A_72, %get3A_83, %dot_general3A_84 {dimension_numbers = #tpu.dot_dimension_numbers<[1], [0], [0], [1], [0, 0, 1, 1], [], []>, transpose_lhs_hint = false} : vector<2048x8xf32>, vector<8x128xf32>, vector<2048x128xf32> -> vector<2048x128xf32>
    %broadcast_in_dim3A_86 = arith.constant 0.000000e+00 : f32
    %broadcast_in_dim3A_87 = vector.broadcast %broadcast_in_dim3A_86 : f32 to vector<2048x7xf32>
    %concatenate3A = tpu.concatenate %sqrt3A_75, %div3A_80, %broadcast_in_dim3A_87 in 1 : vector<2048x1xf32>, vector<2048x8xf32>, vector<2048x7xf32> -> vector<2048x16xf32>
    %sin3A = math.sin %dot_general3A_85 : vector<2048x128xf32>
    %cos3A = math.cos %dot_general3A_85 : vector<2048x128xf32>
    %concatenate3A_88 = tpu.concatenate %sin3A, %cos3A, %concatenate3A in 1 : vector<2048x128xf32>, vector<2048x128xf32>, vector<2048x16xf32> -> vector<2048x272xf32>
    %get3A_89 = arith.constant 0 : index
    %get3A_90 = arith.constant 0 : index
    %get3A_91 = vector.load %arg14[%get3A_89, %get3A_90] : memref<272x32xf32, #tpu.memory_space<vmem>>, vector<272x32xf32>
    %dot_general3A_92 = arith.constant dense<0.000000e+00> : vector<2048x32xf32>
    %dot_general3A_93 = tpu.matmul %concatenate3A_88, %get3A_91, %dot_general3A_92 {dimension_numbers = #tpu.dot_dimension_numbers<[1], [0], [0], [1], [0, 0, 1, 1], [], []>, transpose_lhs_hint = false} : vector<2048x272xf32>, vector<272x32xf32>, vector<2048x32xf32> -> vector<2048x32xf32>
    %get3A_94 = arith.constant 0 : index
    %get3A_95 = arith.constant 0 : index
    %get3A_96 = vector.load %arg15[%get3A_94, %get3A_95] : memref<1x32xf32, #tpu.memory_space<vmem>>, vector<1x32xf32>
    %add3A_97 = vector.broadcast %get3A_96 : vector<1x32xf32> to vector<2048x32xf32>
    %add3A_98 = arith.addf %dot_general3A_93, %add3A_97 : vector<2048x32xf32>
    %logistic3A_99 = arith.negf %add3A_98 : vector<2048x32xf32>
    %logistic3A_100 = math.exp %logistic3A_99 : vector<2048x32xf32>
    %logistic3A_101 = arith.constant 1.000000e+00 : f32
    %logistic3A_102 = vector.broadcast %logistic3A_101 : f32 to vector<2048x32xf32>
    %logistic3A_103 = arith.addf %logistic3A_102, %logistic3A_100 : vector<2048x32xf32>
    %logistic3A_104 = arith.divf %logistic3A_102, %logistic3A_103 : vector<2048x32xf32>
    %mul3A_105 = arith.mulf %add3A_98, %logistic3A_104 : vector<2048x32xf32>
    %get3A_106 = arith.constant 0 : index
    %get3A_107 = arith.constant 0 : index
    %get3A_108 = vector.load %arg16[%get3A_106, %get3A_107] : memref<32x32xf32, #tpu.memory_space<vmem>>, vector<32x32xf32>
    %dot_general3A_109 = arith.constant dense<0.000000e+00> : vector<2048x32xf32>
    %dot_general3A_110 = tpu.matmul %mul3A_105, %get3A_108, %dot_general3A_109 {dimension_numbers = #tpu.dot_dimension_numbers<[1], [0], [0], [1], [0, 0, 1, 1], [], []>, transpose_lhs_hint = false} : vector<2048x32xf32>, vector<32x32xf32>, vector<2048x32xf32> -> vector<2048x32xf32>
    %get3A_111 = arith.constant 0 : index
    %get3A_112 = arith.constant 0 : index
    %get3A_113 = vector.load %arg17[%get3A_111, %get3A_112] : memref<1x32xf32, #tpu.memory_space<vmem>>, vector<1x32xf32>
    %add3A_114 = vector.broadcast %get3A_113 : vector<1x32xf32> to vector<2048x32xf32>
    %add3A_115 = arith.addf %dot_general3A_110, %add3A_114 : vector<2048x32xf32>
    %get3A_116 = arith.constant 0 : index
    %get3A_117 = arith.constant 0 : index
    %get3A_118 = vector.load %arg2[%get3A_116, %get3A_117] : memref<2048x128xf32, #tpu.memory_space<vmem>>, vector<2048x128xf32>
    %convert_element_type3A = arith.truncf %get3A_118 : vector<2048x128xf32> to vector<2048x128xbf16>
    %get3A_119 = arith.constant 0 : index
    %get3A_120 = arith.constant 0 : index
    %get3A_121 = vector.load %arg18[%get3A_119, %get3A_120] : memref<128x128xbf16, #tpu.memory_space<vmem>>, vector<128x128xbf16>
    %dot_general3A_122 = arith.constant dense<0.000000e+00> : vector<2048x128xf32>
    %dot_general3A_123 = tpu.matmul %convert_element_type3A, %get3A_121, %dot_general3A_122 {dimension_numbers = #tpu.dot_dimension_numbers<[1], [0], [0], [1], [0, 0, 1, 1], [], []>, transpose_lhs_hint = false} : vector<2048x128xbf16>, vector<128x128xbf16>, vector<2048x128xf32> -> vector<2048x128xf32>
    %get3A_124 = arith.constant 0 : index
    %get3A_125 = arith.constant 0 : index
    %get3A_126 = vector.load %arg3[%get3A_124, %get3A_125] : memref<2048x128xf32, #tpu.memory_space<vmem>>, vector<2048x128xf32>
    %convert_element_type3A_127 = arith.truncf %get3A_126 : vector<2048x128xf32> to vector<2048x128xbf16>
    %get3A_128 = arith.constant 0 : index
    %get3A_129 = arith.constant 0 : index
    %get3A_130 = vector.load %arg19[%get3A_128, %get3A_129] : memref<128x128xbf16, #tpu.memory_space<vmem>>, vector<128x128xbf16>
    %dot_general3A_131 = arith.constant dense<0.000000e+00> : vector<2048x128xf32>
    %dot_general3A_132 = tpu.matmul %convert_element_type3A_127, %get3A_130, %dot_general3A_131 {dimension_numbers = #tpu.dot_dimension_numbers<[1], [0], [0], [1], [0, 0, 1, 1], [], []>, transpose_lhs_hint = false} : vector<2048x128xbf16>, vector<128x128xbf16>, vector<2048x128xf32> -> vector<2048x128xf32>
    %add3A_133 = arith.addf %dot_general3A_123, %dot_general3A_132 : vector<2048x128xf32>
    %get3A_134 = arith.constant 0 : index
    %get3A_135 = arith.constant 0 : index
    %get3A_136 = vector.load %arg20[%get3A_134, %get3A_135] : memref<1x128xf32, #tpu.memory_space<vmem>>, vector<1x128xf32>
    %add3A_137 = vector.broadcast %get3A_136 : vector<1x128xf32> to vector<2048x128xf32>
    %add3A_138 = arith.addf %add3A_133, %add3A_137 : vector<2048x128xf32>
    %logistic3A_139 = arith.negf %add3A_138 : vector<2048x128xf32>
    %logistic3A_140 = math.exp %logistic3A_139 : vector<2048x128xf32>
    %logistic3A_141 = arith.constant 1.000000e+00 : f32
    %logistic3A_142 = vector.broadcast %logistic3A_141 : f32 to vector<2048x128xf32>
    %logistic3A_143 = arith.addf %logistic3A_142, %logistic3A_140 : vector<2048x128xf32>
    %logistic3A_144 = arith.divf %logistic3A_142, %logistic3A_143 : vector<2048x128xf32>
    %mul3A_145 = arith.mulf %add3A_138, %logistic3A_144 : vector<2048x128xf32>
    %convert_element_type3A_146 = arith.truncf %mul3A_145 : vector<2048x128xf32> to vector<2048x128xbf16>
    %get3A_147 = arith.constant 0 : index
    %get3A_148 = arith.constant 0 : index
    %get3A_149 = vector.load %arg21[%get3A_147, %get3A_148] : memref<128x128xbf16, #tpu.memory_space<vmem>>, vector<128x128xbf16>
    %dot_general3A_150 = arith.constant dense<0.000000e+00> : vector<2048x128xf32>
    %dot_general3A_151 = tpu.matmul %convert_element_type3A_146, %get3A_149, %dot_general3A_150 {dimension_numbers = #tpu.dot_dimension_numbers<[1], [0], [0], [1], [0, 0, 1, 1], [], []>, transpose_lhs_hint = false} : vector<2048x128xbf16>, vector<128x128xbf16>, vector<2048x128xf32> -> vector<2048x128xf32>
    %convert_element_type3A_152 = arith.truncf %add3A_115 : vector<2048x32xf32> to vector<2048x32xbf16>
    %get3A_153 = arith.constant 0 : index
    %get3A_154 = arith.constant 0 : index
    %get3A_155 = vector.load %arg22[%get3A_153, %get3A_154] : memref<32x128xbf16, #tpu.memory_space<vmem>>, vector<32x128xbf16>
    %dot_general3A_156 = arith.constant dense<0.000000e+00> : vector<2048x128xf32>
    %dot_general3A_157 = tpu.matmul %convert_element_type3A_152, %get3A_155, %dot_general3A_156 {dimension_numbers = #tpu.dot_dimension_numbers<[1], [0], [0], [1], [0, 0, 1, 1], [], []>, transpose_lhs_hint = false} : vector<2048x32xbf16>, vector<32x128xbf16>, vector<2048x128xf32> -> vector<2048x128xf32>
    %add3A_158 = arith.addf %dot_general3A_151, %dot_general3A_157 : vector<2048x128xf32>
    %get3A_159 = arith.constant 0 : index
    %get3A_160 = arith.constant 0 : index
    %get3A_161 = vector.load %arg4[%get3A_159, %get3A_160] : memref<2048x16xf32, #tpu.memory_space<vmem>>, vector<2048x16xf32>
    %convert_element_type3A_162 = arith.truncf %get3A_161 : vector<2048x16xf32> to vector<2048x16xbf16>
    %get3A_163 = arith.constant 0 : index
    %get3A_164 = arith.constant 0 : index
    %get3A_165 = vector.load %arg23[%get3A_163, %get3A_164] : memref<16x128xbf16, #tpu.memory_space<vmem>>, vector<16x128xbf16>
    %dot_general3A_166 = arith.constant dense<0.000000e+00> : vector<2048x128xf32>
    %dot_general3A_167 = tpu.matmul %convert_element_type3A_162, %get3A_165, %dot_general3A_166 {dimension_numbers = #tpu.dot_dimension_numbers<[1], [0], [0], [1], [0, 0, 1, 1], [], []>, transpose_lhs_hint = false} : vector<2048x16xbf16>, vector<16x128xbf16>, vector<2048x128xf32> -> vector<2048x128xf32>
    %add3A_168 = arith.addf %add3A_158, %dot_general3A_167 : vector<2048x128xf32>
    %get3A_169 = arith.constant 0 : index
    %get3A_170 = arith.constant 0 : index
    %get3A_171 = vector.load %arg24[%get3A_169, %get3A_170] : memref<1x128xf32, #tpu.memory_space<vmem>>, vector<1x128xf32>
    %add3A_172 = vector.broadcast %get3A_171 : vector<1x128xf32> to vector<2048x128xf32>
    %add3A_173 = arith.addf %add3A_168, %add3A_172 : vector<2048x128xf32>
    %logistic3A_174 = arith.negf %add3A_173 : vector<2048x128xf32>
    %logistic3A_175 = math.exp %logistic3A_174 : vector<2048x128xf32>
    %logistic3A_176 = arith.constant 1.000000e+00 : f32
    %logistic3A_177 = vector.broadcast %logistic3A_176 : f32 to vector<2048x128xf32>
    %logistic3A_178 = arith.addf %logistic3A_177, %logistic3A_175 : vector<2048x128xf32>
    %logistic3A_179 = arith.divf %logistic3A_177, %logistic3A_178 : vector<2048x128xf32>
    %mul3A_180 = arith.mulf %add3A_173, %logistic3A_179 : vector<2048x128xf32>
    %convert_element_type3A_181 = arith.truncf %mul3A_180 : vector<2048x128xf32> to vector<2048x128xbf16>
    %get3A_182 = arith.constant 0 : index
    %get3A_183 = arith.constant 0 : index
    %get3A_184 = vector.load %arg25[%get3A_182, %get3A_183] : memref<128x128xbf16, #tpu.memory_space<vmem>>, vector<128x128xbf16>
    %dot_general3A_185 = arith.constant dense<0.000000e+00> : vector<2048x128xf32>
    %dot_general3A_186 = tpu.matmul %convert_element_type3A_181, %get3A_184, %dot_general3A_185 {dimension_numbers = #tpu.dot_dimension_numbers<[1], [0], [0], [1], [0, 0, 1, 1], [], []>, transpose_lhs_hint = false} : vector<2048x128xbf16>, vector<128x128xbf16>, vector<2048x128xf32> -> vector<2048x128xf32>
    %get3A_187 = arith.constant 0 : index
    %get3A_188 = arith.constant 0 : index
    %get3A_189 = vector.load %arg26[%get3A_187, %get3A_188] : memref<1x128xf32, #tpu.memory_space<vmem>>, vector<1x128xf32>
    %add3A_190 = vector.broadcast %get3A_189 : vector<1x128xf32> to vector<2048x128xf32>
    %add3A_191 = arith.addf %dot_general3A_186, %add3A_190 : vector<2048x128xf32>
    %logistic3A_192 = arith.negf %add3A_191 : vector<2048x128xf32>
    %logistic3A_193 = math.exp %logistic3A_192 : vector<2048x128xf32>
    %logistic3A_194 = arith.constant 1.000000e+00 : f32
    %logistic3A_195 = vector.broadcast %logistic3A_194 : f32 to vector<2048x128xf32>
    %logistic3A_196 = arith.addf %logistic3A_195, %logistic3A_193 : vector<2048x128xf32>
    %logistic3A_197 = arith.divf %logistic3A_195, %logistic3A_196 : vector<2048x128xf32>
    %mul3A_198 = arith.mulf %add3A_191, %logistic3A_197 : vector<2048x128xf32>
    %swap3A = arith.constant 0 : index
    %swap3A_199 = arith.constant 0 : index
    %swap3A_200 = vector.load %arg31[%swap3A, %swap3A_199] : memref<2048x128xf32, #tpu.memory_space<vmem>>, vector<2048x128xf32>
    tpu.vector_store %arg31[%swap3A, %swap3A_199], %mul3A_198 {strides = array<i32>} : memref<2048x128xf32, #tpu.memory_space<vmem>>, vector<2048x128xf32>,
    %convert_element_type3A_201 = arith.truncf %mul3A_198 : vector<2048x128xf32> to vector<2048x128xbf16>
    %get3A_202 = arith.constant 0 : index
    %get3A_203 = arith.constant 0 : index
    %get3A_204 = vector.load %arg27[%get3A_202, %get3A_203] : memref<128x128xbf16, #tpu.memory_space<vmem>>, vector<128x128xbf16>
    %dot_general3A_205 = arith.constant dense<0.000000e+00> : vector<2048x128xf32>
    %dot_general3A_206 = tpu.matmul %convert_element_type3A_201, %get3A_204, %dot_general3A_205 {dimension_numbers = #tpu.dot_dimension_numbers<[1], [0], [0], [1], [0, 0, 1, 1], [], []>, transpose_lhs_hint = false} : vector<2048x128xbf16>, vector<128x128xbf16>, vector<2048x128xf32> -> vector<2048x128xf32>
    %get3A_207 = arith.constant 0 : index
    %get3A_208 = arith.constant 0 : index
    %get3A_209 = vector.load %arg28[%get3A_207, %get3A_208] : memref<1x128xf32, #tpu.memory_space<vmem>>, vector<1x128xf32>
    %add3A_210 = vector.broadcast %get3A_209 : vector<1x128xf32> to vector<2048x128xf32>
    %add3A_211 = arith.addf %dot_general3A_206, %add3A_210 : vector<2048x128xf32>
    %logistic3A_212 = arith.negf %add3A_211 : vector<2048x128xf32>
    %logistic3A_213 = math.exp %logistic3A_212 : vector<2048x128xf32>
    %logistic3A_214 = arith.constant 1.000000e+00 : f32
    %logistic3A_215 = vector.broadcast %logistic3A_214 : f32 to vector<2048x128xf32>
    %logistic3A_216 = arith.addf %logistic3A_215, %logistic3A_213 : vector<2048x128xf32>
    %logistic3A_217 = arith.divf %logistic3A_215, %logistic3A_216 : vector<2048x128xf32>
    %mul3A_218 = arith.mulf %add3A_211, %logistic3A_217 : vector<2048x128xf32>
    %convert_element_type3A_219 = arith.truncf %mul3A_218 : vector<2048x128xf32> to vector<2048x128xbf16>
    %get3A_220 = arith.constant 0 : index
    %get3A_221 = arith.constant 0 : index
    %get3A_222 = vector.load %arg29[%get3A_220, %get3A_221] : memref<128x16xbf16, #tpu.memory_space<vmem>>, vector<128x16xbf16>
    %dot_general3A_223 = arith.constant dense<0.000000e+00> : vector<2048x16xf32>
    %dot_general3A_224 = tpu.matmul %convert_element_type3A_219, %get3A_222, %dot_general3A_223 {dimension_numbers = #tpu.dot_dimension_numbers<[1], [0], [0], [1], [0, 0, 1, 1], [], []>, transpose_lhs_hint = false} : vector<2048x128xbf16>, vector<128x16xbf16>, vector<2048x16xf32> -> vector<2048x16xf32>
    %get3A_225 = arith.constant 0 : index
    %get3A_226 = arith.constant 0 : index
    %get3A_227 = vector.load %arg30[%get3A_225, %get3A_226] : memref<16x16xf32, #tpu.memory_space<vmem>>, vector<16x16xf32>
    %dot_general3A_228 = arith.constant dense<0.000000e+00> : vector<2048x16xf32>
    %dot_general3A_229 = tpu.matmul %dot_general3A_224, %get3A_227, %dot_general3A_228 {dimension_numbers = #tpu.dot_dimension_numbers<[1], [0], [0], [1], [0, 0, 1, 1], [], []>, transpose_lhs_hint = false} : vector<2048x16xf32>, vector<16x16xf32>, vector<2048x16xf32> -> vector<2048x16xf32>
    %iota3A = tpu.iota {dimensions = array<i32: 1>} : vector<1x16xi32>
    %eq3A = arith.constant 12 : i32
    %eq3A_230 = vector.broadcast %eq3A : i32 to vector<1x16xi32>
    %eq3A_231 = arith.cmpi eq, %iota3A, %eq3A_230 : vector<1x16xi32>
    %convert_element_type3A_232 = arith.extui %eq3A_231 : vector<1x16xi1> to vector<1x16xi32>
    %convert_element_type3A_233 = arith.sitofp %convert_element_type3A_232 : vector<1x16xi32> to vector<1x16xf32>
    %get3A_234 = arith.constant 0 : index
    %get3A_235 = arith.constant 0 : index
    %get3A_236 = vector.load %arg1[%get3A_234, %get3A_235] : memref<2048x16xf32, #tpu.memory_space<vmem>>, vector<2048x16xf32>
    %mul3A_237 = arith.mulf %get3A_236, %dot_general3A_229 : vector<2048x16xf32>
    %add3A_238 = vector.broadcast %convert_element_type3A_233 : vector<1x16xf32> to vector<2048x16xf32>
    %add3A_239 = arith.addf %mul3A_237, %add3A_238 : vector<2048x16xf32>
    %swap3A_240 = arith.constant 0 : index
    %swap3A_241 = arith.constant 0 : index
    %swap3A_242 = vector.load %arg32[%swap3A_240, %swap3A_241] : memref<2048x16xf32, #tpu.memory_space<vmem>>, vector<2048x16xf32>
    tpu.vector_store %arg32[%swap3A_240, %swap3A_241], %add3A_239 {strides = array<i32>} : memref<2048x16xf32, #tpu.memory_space<vmem>>, vector<2048x16xf32>,
    return
  }
  func.func @transform_0(%arg0: i32) -> (i32, i32) {
    %c0_i32 = arith.constant 0 : i32
    %c0_i32_0 = arith.constant 0 : i32
    return %arg0, %c0_i32 : i32, i32
  }
  func.func @transform_1(%arg0: i32) -> (i32, i32) {
    %c0_i32 = arith.constant 0 : i32
    %c0_i32_0 = arith.constant 0 : i32
    return %arg0, %c0_i32 : i32, i32
  }
  func.func @transform_2(%arg0: i32) -> (i32, i32) {
    %c0_i32 = arith.constant 0 : i32
    %c0_i32_0 = arith.constant 0 : i32
    return %arg0, %c0_i32 : i32, i32
  }
  func.func @transform_3(%arg0: i32) -> (i32, i32) {
    %c0_i32 = arith.constant 0 : i32
    %c0_i32_0 = arith.constant 0 : i32
    return %arg0, %c0_i32 : i32, i32
  }
  func.func @transform_4(%arg0: i32) -> (i32, i32) {
    %c0_i32 = arith.constant 0 : i32
    %c0_i32_0 = arith.constant 0 : i32
    %c0_i32_1 = arith.constant 0 : i32
    return %c0_i32, %c0_i32_0 : i32, i32
  }
  func.func @transform_5(%arg0: i32) -> (i32, i32) {
    %c0_i32 = arith.constant 0 : i32
    %c0_i32_0 = arith.constant 0 : i32
    %c0_i32_1 = arith.constant 0 : i32
    return %c0_i32, %c0_i32_0 : i32, i32
  }
  func.func @transform_6(%arg0: i32) -> (i32, i32, i32) {
    %c0_i32 = arith.constant 0 : i32
    %c0_i32_0 = arith.constant 0 : i32
    %c0_i32_1 = arith.constant 0 : i32
    %c0_i32_2 = arith.constant 0 : i32
    return %c0_i32, %c0_i32_0, %c0_i32_1 : i32, i32, i32
  }
  func.func @transform_7(%arg0: i32) -> (i32, i32, i32) {
    %c0_i32 = arith.constant 0 : i32
    %c0_i32_0 = arith.constant 0 : i32
    %c0_i32_1 = arith.constant 0 : i32
    %c0_i32_2 = arith.constant 0 : i32
    return %c0_i32, %c0_i32_0, %c0_i32_1 : i32, i32, i32
  }
  func.func @transform_8(%arg0: i32) -> (i32, i32) {
    %c0_i32 = arith.constant 0 : i32
    %c0_i32_0 = arith.constant 0 : i32
    %c0_i32_1 = arith.constant 0 : i32
    return %c0_i32, %c0_i32_0 : i32, i32
  }
  func.func @transform_9(%arg0: i32) -> (i32, i32) {
    %c0_i32 = arith.constant 0 : i32
    %c0_i32_0 = arith.constant 0 : i32
    %c0_i32_1 = arith.constant 0 : i32
    return %c0_i32, %c0_i32_0 : i32, i32
  }
  func.func @transform_10(%arg0: i32) -> (i32, i32) {
    %c0_i32 = arith.constant 0 : i32
    %c0_i32_0 = arith.constant 0 : i32
    %c0_i32_1 = arith.constant 0 : i32
    return %c0_i32, %c0_i32_0 : i32, i32
  }
  func.func @transform_11(%arg0: i32) -> (i32, i32) {
    %c0_i32 = arith.constant 0 : i32
    %c0_i32_0 = arith.constant 0 : i32
    %c0_i32_1 = arith.constant 0 : i32
    return %c0_i32, %c0_i32_0 : i32, i32
  }
  func.func @transform_12(%arg0: i32) -> (i32, i32) {
    %c0_i32 = arith.constant 0 : i32
    %c0_i32_0 = arith.constant 0 : i32
    %c0_i32_1 = arith.constant 0 : i32
    return %c0_i32, %c0_i32_0 : i32, i32
  }
  func.func @transform_13(%arg0: i32) -> (i32, i32) {
    %c0_i32 = arith.constant 0 : i32
    %c0_i32_0 = arith.constant 0 : i32
    %c0_i32_1 = arith.constant 0 : i32
    return %c0_i32, %c0_i32_0 : i32, i32
  }
  func.func @transform_14(%arg0: i32) -> (i32, i32) {
    %c0_i32 = arith.constant 0 : i32
    %c0_i32_0 = arith.constant 0 : i32
    %c0_i32_1 = arith.constant 0 : i32
    return %c0_i32, %c0_i32_0 : i32, i32
  }
  func.func @transform_15(%arg0: i32) -> (i32, i32) {
    %c0_i32 = arith.constant 0 : i32
    %c0_i32_0 = arith.constant 0 : i32
    %c0_i32_1 = arith.constant 0 : i32
    return %c0_i32, %c0_i32_0 : i32, i32
  }
  func.func @transform_16(%arg0: i32) -> (i32, i32) {
    %c0_i32 = arith.constant 0 : i32
    %c0_i32_0 = arith.constant 0 : i32
    %c0_i32_1 = arith.constant 0 : i32
    return %c0_i32, %c0_i32_0 : i32, i32
  }
  func.func @transform_17(%arg0: i32) -> (i32, i32) {
    %c0_i32 = arith.constant 0 : i32
    %c0_i32_0 = arith.constant 0 : i32
    %c0_i32_1 = arith.constant 0 : i32
    return %c0_i32, %c0_i32_0 : i32, i32
  }
  func.func @transform_18(%arg0: i32) -> (i32, i32) {
    %c0_i32 = arith.constant 0 : i32
    %c0_i32_0 = arith.constant 0 : i32
    %c0_i32_1 = arith.constant 0 : i32
    return %c0_i32, %c0_i32_0 : i32, i32
  }
  func.func @transform_19(%arg0: i32) -> (i32, i32) {
    %c0_i32 = arith.constant 0 : i32
    %c0_i32_0 = arith.constant 0 : i32
    %c0_i32_1 = arith.constant 0 : i32
    return %c0_i32, %c0_i32_0 : i32, i32
  }
  func.func @transform_20(%arg0: i32) -> (i32, i32) {
    %c0_i32 = arith.constant 0 : i32
    %c0_i32_0 = arith.constant 0 : i32
    %c0_i32_1 = arith.constant 0 : i32
    return %c0_i32, %c0_i32_0 : i32, i32
  }
  func.func @transform_21(%arg0: i32) -> (i32, i32) {
    %c0_i32 = arith.constant 0 : i32
    %c0_i32_0 = arith.constant 0 : i32
    %c0_i32_1 = arith.constant 0 : i32
    return %c0_i32, %c0_i32_0 : i32, i32
  }
  func.func @transform_22(%arg0: i32) -> (i32, i32) {
    %c0_i32 = arith.constant 0 : i32
    %c0_i32_0 = arith.constant 0 : i32
    %c0_i32_1 = arith.constant 0 : i32
    return %c0_i32, %c0_i32_0 : i32, i32
  }
  func.func @transform_23(%arg0: i32) -> (i32, i32) {
    %c0_i32 = arith.constant 0 : i32
    %c0_i32_0 = arith.constant 0 : i32
    %c0_i32_1 = arith.constant 0 : i32
    return %c0_i32, %c0_i32_0 : i32, i32
  }
  func.func @transform_24(%arg0: i32) -> (i32, i32) {
    %c0_i32 = arith.constant 0 : i32
    %c0_i32_0 = arith.constant 0 : i32
    %c0_i32_1 = arith.constant 0 : i32
    return %c0_i32, %c0_i32_0 : i32, i32
  }
  func.func @transform_25(%arg0: i32) -> (i32, i32) {
    %c0_i32 = arith.constant 0 : i32
    %c0_i32_0 = arith.constant 0 : i32
    %c0_i32_1 = arith.constant 0 : i32
    return %c0_i32, %c0_i32_0 : i32, i32
  }
  func.func @transform_26(%arg0: i32) -> (i32, i32) {
    %c0_i32 = arith.constant 0 : i32
    %c0_i32_0 = arith.constant 0 : i32
    %c0_i32_1 = arith.constant 0 : i32
    return %c0_i32, %c0_i32_0 : i32, i32
  }
  func.func @transform_27(%arg0: i32) -> (i32, i32) {
    %c0_i32 = arith.constant 0 : i32
    %c0_i32_0 = arith.constant 0 : i32
    %c0_i32_1 = arith.constant 0 : i32
    return %c0_i32, %c0_i32_0 : i32, i32
  }
  func.func @transform_28(%arg0: i32) -> (i32, i32) {
    %c0_i32 = arith.constant 0 : i32
    %c0_i32_0 = arith.constant 0 : i32
    %c0_i32_1 = arith.constant 0 : i32
    return %c0_i32, %c0_i32_0 : i32, i32
  }
  func.func @transform_29(%arg0: i32) -> (i32, i32) {
    %c0_i32 = arith.constant 0 : i32
    %c0_i32_0 = arith.constant 0 : i32
    %c0_i32_1 = arith.constant 0 : i32
    return %c0_i32, %c0_i32_0 : i32, i32
  }
  func.func @transform_30(%arg0: i32) -> (i32, i32) {
    %c0_i32 = arith.constant 0 : i32
    %c0_i32_0 = arith.constant 0 : i32
    return %arg0, %c0_i32 : i32, i32
  }
  func.func @transform_31(%arg0: i32) -> (i32, i32) {
    %c0_i32 = arith.constant 0 : i32
    %c0_i32_0 = arith.constant 0 : i32
    return %arg0, %c0_i32 : i32, i32
  }
}

module attributes {stable_mosaic.version = 14 : i64} {
  func.func @body(%arg0: i32, %arg1: memref<2048x128xf32, #tpu.memory_space<vmem>>, %arg2: memref<2048x128xf32, #tpu.memory_space<vmem>>, %arg3: memref<2048x128xf32, #tpu.memory_space<vmem>>, %arg4: memref<2048x128xf32, #tpu.memory_space<vmem>>, %arg5: memref<2048x16xf32, #tpu.memory_space<vmem>>, %arg6: memref<2048x16xf32, #tpu.memory_space<vmem>>, %arg7: memref<2048x16xf32, #tpu.memory_space<vmem>>, %arg8: memref<2048x16xf32, #tpu.memory_space<vmem>>, %arg9: memref<2048x128xf32, #tpu.memory_space<vmem>>, %arg10: memref<2048x16xf32, #tpu.memory_space<vmem>>, %arg11: memref<128x128xf32, #tpu.memory_space<vmem>>, %arg12: memref<128x128xf32, #tpu.memory_space<vmem>>, %arg13: memref<128x128xf32, #tpu.memory_space<vmem>>, %arg14: memref<1x128xf32, #tpu.memory_space<vmem>>, %arg15: memref<128x128xf32, #tpu.memory_space<vmem>>, %arg16: memref<1x128xf32, #tpu.memory_space<vmem>>, %arg17: memref<2048x128xf32, #tpu.memory_space<vmem>>, %arg18: memref<2048x16xf32, #tpu.memory_space<vmem>>) attributes {dimension_semantics = [#tpu.dimension_semantics<arbitrary>], iteration_bounds = array<i64: 5>, scalar_prefetch = 0 : i64, scratch_operands = 0 : i64, tpu.core_type = #tpu.core_type<tc>, window_params = [{transform_indices = @transform_0, window_bounds = array<i64: 2048, 128>}, {transform_indices = @transform_1, window_bounds = array<i64: 2048, 128>}, {transform_indices = @transform_2, window_bounds = array<i64: 2048, 128>}, {transform_indices = @transform_3, window_bounds = array<i64: 2048, 128>}, {transform_indices = @transform_4, window_bounds = array<i64: 2048, 16>}, {transform_indices = @transform_5, window_bounds = array<i64: 2048, 16>}, {transform_indices = @transform_6, window_bounds = array<i64: 2048, 16>}, {transform_indices = @transform_7, window_bounds = array<i64: 2048, 16>}, {transform_indices = @transform_8, window_bounds = array<i64: 2048, 128>}, {transform_indices = @transform_9, window_bounds = array<i64: 2048, 16>}, {pipeline_mode = #tpu.pipeline_mode<synchronous>, transform_indices = @transform_10, window_bounds = array<i64: 128, 128>}, {pipeline_mode = #tpu.pipeline_mode<synchronous>, transform_indices = @transform_11, window_bounds = array<i64: 128, 128>}, {pipeline_mode = #tpu.pipeline_mode<synchronous>, transform_indices = @transform_12, window_bounds = array<i64: 128, 128>}, {pipeline_mode = #tpu.pipeline_mode<synchronous>, transform_indices = @transform_13, window_bounds = array<i64: 1, 128>}, {pipeline_mode = #tpu.pipeline_mode<synchronous>, transform_indices = @transform_14, window_bounds = array<i64: 128, 128>}, {pipeline_mode = #tpu.pipeline_mode<synchronous>, transform_indices = @transform_15, window_bounds = array<i64: 1, 128>}, {transform_indices = @transform_16, window_bounds = array<i64: 2048, 128>}, {transform_indices = @transform_17, window_bounds = array<i64: 2048, 16>}]} {
    %get3A = arith.constant 0 : index
    %get3A_0 = arith.constant 0 : index
    %get3A_1 = vector.load %arg1[%get3A, %get3A_0] : memref<2048x128xf32, #tpu.memory_space<vmem>>, vector<2048x128xf32>
    %get3A_2 = arith.constant 0 : index
    %get3A_3 = arith.constant 0 : index
    %get3A_4 = vector.load %arg2[%get3A_2, %get3A_3] : memref<2048x128xf32, #tpu.memory_space<vmem>>, vector<2048x128xf32>
    %add3A = arith.addf %get3A_1, %get3A_4 : vector<2048x128xf32>
    %get3A_5 = arith.constant 0 : index
    %get3A_6 = arith.constant 0 : index
    %get3A_7 = vector.load %arg3[%get3A_5, %get3A_6] : memref<2048x128xf32, #tpu.memory_space<vmem>>, vector<2048x128xf32>
    %get3A_8 = arith.constant 0 : index
    %get3A_9 = arith.constant 0 : index
    %get3A_10 = vector.load %arg4[%get3A_8, %get3A_9] : memref<2048x128xf32, #tpu.memory_space<vmem>>, vector<2048x128xf32>
    %add3A_11 = arith.addf %get3A_7, %get3A_10 : vector<2048x128xf32>
    %add3A_12 = arith.addf %add3A, %add3A_11 : vector<2048x128xf32>
    %get3A_13 = arith.constant 0 : index
    %get3A_14 = arith.constant 0 : index
    %get3A_15 = vector.load %arg5[%get3A_13, %get3A_14] : memref<2048x16xf32, #tpu.memory_space<vmem>>, vector<2048x16xf32>
    %get3A_16 = arith.constant 0 : index
    %get3A_17 = arith.constant 0 : index
    %get3A_18 = vector.load %arg6[%get3A_16, %get3A_17] : memref<2048x16xf32, #tpu.memory_space<vmem>>, vector<2048x16xf32>
    %add3A_19 = arith.addf %get3A_15, %get3A_18 : vector<2048x16xf32>
    %get3A_20 = arith.constant 0 : index
    %get3A_21 = arith.constant 0 : index
    %get3A_22 = vector.load %arg7[%get3A_20, %get3A_21] : memref<2048x16xf32, #tpu.memory_space<vmem>>, vector<2048x16xf32>
    %get3A_23 = arith.constant 0 : index
    %get3A_24 = arith.constant 0 : index
    %get3A_25 = vector.load %arg8[%get3A_23, %get3A_24] : memref<2048x16xf32, #tpu.memory_space<vmem>>, vector<2048x16xf32>
    %add3A_26 = arith.addf %get3A_22, %get3A_25 : vector<2048x16xf32>
    %add3A_27 = arith.addf %add3A_19, %add3A_26 : vector<2048x16xf32>
    %get3A_28 = arith.constant 0 : index
    %get3A_29 = arith.constant 0 : index
    %get3A_30 = vector.load %arg11[%get3A_28, %get3A_29] : memref<128x128xf32, #tpu.memory_space<vmem>>, vector<128x128xf32>
    %dot_general3A = arith.constant dense<0.000000e+00> : vector<2048x128xf32>
    %dot_general3A_31 = tpu.matmul %add3A_12, %get3A_30, %dot_general3A {dimension_numbers = #tpu.dot_dimension_numbers<[1], [0], [0], [1], [0, 0, 1, 1], [], []>, transpose_lhs_hint = false} : vector<2048x128xf32>, vector<128x128xf32>, vector<2048x128xf32> -> vector<2048x128xf32>
    %get3A_32 = arith.constant 0 : index
    %get3A_33 = arith.constant 0 : index
    %get3A_34 = vector.load %arg9[%get3A_32, %get3A_33] : memref<2048x128xf32, #tpu.memory_space<vmem>>, vector<2048x128xf32>
    %get3A_35 = arith.constant 0 : index
    %get3A_36 = arith.constant 0 : index
    %get3A_37 = vector.load %arg12[%get3A_35, %get3A_36] : memref<128x128xf32, #tpu.memory_space<vmem>>, vector<128x128xf32>
    %dot_general3A_38 = arith.constant dense<0.000000e+00> : vector<2048x128xf32>
    %dot_general3A_39 = tpu.matmul %get3A_34, %get3A_37, %dot_general3A_38 {dimension_numbers = #tpu.dot_dimension_numbers<[1], [0], [0], [1], [0, 0, 1, 1], [], []>, transpose_lhs_hint = false} : vector<2048x128xf32>, vector<128x128xf32>, vector<2048x128xf32> -> vector<2048x128xf32>
    %get3A_40 = arith.constant 0 : index
    %get3A_41 = arith.constant 0 : index
    %get3A_42 = vector.load %arg13[%get3A_40, %get3A_41] : memref<128x128xf32, #tpu.memory_space<vmem>>, vector<128x128xf32>
    %dot_general3A_43 = arith.constant dense<0.000000e+00> : vector<2048x128xf32>
    %dot_general3A_44 = tpu.matmul %dot_general3A_31, %get3A_42, %dot_general3A_43 {dimension_numbers = #tpu.dot_dimension_numbers<[1], [0], [0], [1], [0, 0, 1, 1], [], []>, transpose_lhs_hint = false} : vector<2048x128xf32>, vector<128x128xf32>, vector<2048x128xf32> -> vector<2048x128xf32>
    %add3A_45 = arith.addf %dot_general3A_39, %dot_general3A_44 : vector<2048x128xf32>
    %get3A_46 = arith.constant 0 : index
    %get3A_47 = arith.constant 0 : index
    %get3A_48 = vector.load %arg14[%get3A_46, %get3A_47] : memref<1x128xf32, #tpu.memory_space<vmem>>, vector<1x128xf32>
    %add3A_49 = vector.broadcast %get3A_48 : vector<1x128xf32> to vector<2048x128xf32>
    %add3A_50 = arith.addf %add3A_45, %add3A_49 : vector<2048x128xf32>
    %logistic3A = arith.negf %add3A_50 : vector<2048x128xf32>
    %logistic3A_51 = math.exp %logistic3A : vector<2048x128xf32>
    %logistic3A_52 = arith.constant 1.000000e+00 : f32
    %logistic3A_53 = vector.broadcast %logistic3A_52 : f32 to vector<2048x128xf32>
    %logistic3A_54 = arith.addf %logistic3A_53, %logistic3A_51 : vector<2048x128xf32>
    %logistic3A_55 = arith.divf %logistic3A_53, %logistic3A_54 : vector<2048x128xf32>
    %mul3A = arith.mulf %add3A_50, %logistic3A_55 : vector<2048x128xf32>
    %get3A_56 = arith.constant 0 : index
    %get3A_57 = arith.constant 0 : index
    %get3A_58 = vector.load %arg15[%get3A_56, %get3A_57] : memref<128x128xf32, #tpu.memory_space<vmem>>, vector<128x128xf32>
    %dot_general3A_59 = arith.constant dense<0.000000e+00> : vector<2048x128xf32>
    %dot_general3A_60 = tpu.matmul %mul3A, %get3A_58, %dot_general3A_59 {dimension_numbers = #tpu.dot_dimension_numbers<[1], [0], [0], [1], [0, 0, 1, 1], [], []>, transpose_lhs_hint = false} : vector<2048x128xf32>, vector<128x128xf32>, vector<2048x128xf32> -> vector<2048x128xf32>
    %get3A_61 = arith.constant 0 : index
    %get3A_62 = arith.constant 0 : index
    %get3A_63 = vector.load %arg16[%get3A_61, %get3A_62] : memref<1x128xf32, #tpu.memory_space<vmem>>, vector<1x128xf32>
    %add3A_64 = vector.broadcast %get3A_63 : vector<1x128xf32> to vector<2048x128xf32>
    %add3A_65 = arith.addf %dot_general3A_60, %add3A_64 : vector<2048x128xf32>
    %add3A_66 = arith.addf %add3A_65, %get3A_34 : vector<2048x128xf32>
    %swap3A = arith.constant 0 : index
    %swap3A_67 = arith.constant 0 : index
    %swap3A_68 = vector.load %arg17[%swap3A, %swap3A_67] : memref<2048x128xf32, #tpu.memory_space<vmem>>, vector<2048x128xf32>
    tpu.vector_store %arg17[%swap3A, %swap3A_67], %add3A_66 {strides = array<i32>} : memref<2048x128xf32, #tpu.memory_space<vmem>>, vector<2048x128xf32>,
    %slice3A = vector.extract_strided_slice %add3A_27 {offsets = [0, 12], sizes = [2048, 1], strides = [1, 1]} : vector<2048x16xf32> to vector<2048x1xf32>
    %max3A = arith.constant 1.000000e+00 : f32
    %max3A_69 = vector.broadcast %max3A : f32 to vector<2048x1xf32>
    %max3A_70 = arith.maximumf %slice3A, %max3A_69 : vector<2048x1xf32>
    %get3A_71 = arith.constant 0 : index
    %get3A_72 = arith.constant 0 : index
    %get3A_73 = vector.load %arg10[%get3A_71, %get3A_72] : memref<2048x16xf32, #tpu.memory_space<vmem>>, vector<2048x16xf32>
    %div3A = vector.broadcast %max3A_70 : vector<2048x1xf32> to vector<2048x16xf32>
    %div3A_74 = arith.divf %add3A_27, %div3A : vector<2048x16xf32>
    %add3A_75 = arith.addf %get3A_73, %div3A_74 : vector<2048x16xf32>
    %swap3A_76 = arith.constant 0 : index
    %swap3A_77 = arith.constant 0 : index
    %swap3A_78 = vector.load %arg18[%swap3A_76, %swap3A_77] : memref<2048x16xf32, #tpu.memory_space<vmem>>, vector<2048x16xf32>
    tpu.vector_store %arg18[%swap3A_76, %swap3A_77], %add3A_75 {strides = array<i32>} : memref<2048x16xf32, #tpu.memory_space<vmem>>, vector<2048x16xf32>,
    return
  }
  func.func @transform_0(%arg0: i32) -> (i32, i32) {
    %c0_i32 = arith.constant 0 : i32
    %c0_i32_0 = arith.constant 0 : i32
    return %arg0, %c0_i32 : i32, i32
  }
  func.func @transform_1(%arg0: i32) -> (i32, i32) {
    %c0_i32 = arith.constant 0 : i32
    %c0_i32_0 = arith.constant 0 : i32
    return %arg0, %c0_i32 : i32, i32
  }
  func.func @transform_2(%arg0: i32) -> (i32, i32) {
    %c0_i32 = arith.constant 0 : i32
    %c0_i32_0 = arith.constant 0 : i32
    return %arg0, %c0_i32 : i32, i32
  }
  func.func @transform_3(%arg0: i32) -> (i32, i32) {
    %c0_i32 = arith.constant 0 : i32
    %c0_i32_0 = arith.constant 0 : i32
    return %arg0, %c0_i32 : i32, i32
  }
  func.func @transform_4(%arg0: i32) -> (i32, i32) {
    %c0_i32 = arith.constant 0 : i32
    %c0_i32_0 = arith.constant 0 : i32
    return %arg0, %c0_i32 : i32, i32
  }
  func.func @transform_5(%arg0: i32) -> (i32, i32) {
    %c0_i32 = arith.constant 0 : i32
    %c0_i32_0 = arith.constant 0 : i32
    return %arg0, %c0_i32 : i32, i32
  }
  func.func @transform_6(%arg0: i32) -> (i32, i32) {
    %c0_i32 = arith.constant 0 : i32
    %c0_i32_0 = arith.constant 0 : i32
    return %arg0, %c0_i32 : i32, i32
  }
  func.func @transform_7(%arg0: i32) -> (i32, i32) {
    %c0_i32 = arith.constant 0 : i32
    %c0_i32_0 = arith.constant 0 : i32
    return %arg0, %c0_i32 : i32, i32
  }
  func.func @transform_8(%arg0: i32) -> (i32, i32) {
    %c0_i32 = arith.constant 0 : i32
    %c0_i32_0 = arith.constant 0 : i32
    return %arg0, %c0_i32 : i32, i32
  }
  func.func @transform_9(%arg0: i32) -> (i32, i32) {
    %c0_i32 = arith.constant 0 : i32
    %c0_i32_0 = arith.constant 0 : i32
    return %arg0, %c0_i32 : i32, i32
  }
  func.func @transform_10(%arg0: i32) -> (i32, i32) {
    %c0_i32 = arith.constant 0 : i32
    %c0_i32_0 = arith.constant 0 : i32
    %c0_i32_1 = arith.constant 0 : i32
    return %c0_i32, %c0_i32_0 : i32, i32
  }
  func.func @transform_11(%arg0: i32) -> (i32, i32) {
    %c0_i32 = arith.constant 0 : i32
    %c0_i32_0 = arith.constant 0 : i32
    %c0_i32_1 = arith.constant 0 : i32
    return %c0_i32, %c0_i32_0 : i32, i32
  }
  func.func @transform_12(%arg0: i32) -> (i32, i32) {
    %c0_i32 = arith.constant 0 : i32
    %c0_i32_0 = arith.constant 0 : i32
    %c0_i32_1 = arith.constant 0 : i32
    return %c0_i32, %c0_i32_0 : i32, i32
  }
  func.func @transform_13(%arg0: i32) -> (i32, i32) {
    %c0_i32 = arith.constant 0 : i32
    %c0_i32_0 = arith.constant 0 : i32
    %c0_i32_1 = arith.constant 0 : i32
    return %c0_i32, %c0_i32_0 : i32, i32
  }
  func.func @transform_14(%arg0: i32) -> (i32, i32) {
    %c0_i32 = arith.constant 0 : i32
    %c0_i32_0 = arith.constant 0 : i32
    %c0_i32_1 = arith.constant 0 : i32
    return %c0_i32, %c0_i32_0 : i32, i32
  }
  func.func @transform_15(%arg0: i32) -> (i32, i32) {
    %c0_i32 = arith.constant 0 : i32
    %c0_i32_0 = arith.constant 0 : i32
    %c0_i32_1 = arith.constant 0 : i32
    return %c0_i32, %c0_i32_0 : i32, i32
  }
  func.func @transform_16(%arg0: i32) -> (i32, i32) {
    %c0_i32 = arith.constant 0 : i32
    %c0_i32_0 = arith.constant 0 : i32
    return %arg0, %c0_i32 : i32, i32
  }
  func.func @transform_17(%arg0: i32) -> (i32, i32) {
    %c0_i32 = arith.constant 0 : i32
    %c0_i32_0 = arith.constant 0 : i32
    return %arg0, %c0_i32 : i32, i32
  }
}

</mosaic_0001>

<sc_bundles>
// kernel: kernel.15.cloned.1.call-start
scs
__scs_entry_jumppad:
0x0: {  	(pc) =	sbr.rel $0x88, $3  }
0x1: {  	(tag) =	ssettag $0x0;
	lr =	simm.s32 $0x1  }
0x2: {  	[smem:$0x3F86] =	sst lr;
	_ =	strace $0xD0000000  }
0x3: {  	_ = 	snop  }
0x4: {  	_ = 	snop  }
0x5: {  	_ = 	snop  }
0x6: {  	_ = 	snop  }
0x7: {  	_ = 	snop  }
__scs_overlays_trampoline_lowered:
0x8: {  	[smem:$0x3F95] =	sst s0  }
0x9: {  	[smem:$0x3F96] =	sst s1  }
0xa: {  	[smem:$0x3F97] =	sst s2  }
0xb: {  	[smem:$0x3F98] =	sst s3  }
0xc: {  	[smem:$0x3F99] =	sst s4  }
0xd: {  	[smem:$0x3F9A] =	sst s5  }
0xe: {  	[smem:$0x3F9B] =	sst s6  }
0xf: {  	[smem:$0x3F9C] =	sst s7  }
0x10: {  	[smem:$0x3F9D] =	sst s8  }
0x11: {  	[smem:$0x3F9E] =	sst s9;
	s0 =	simm.s32 @!p0 $0x0  }
0x12: {  	s1 =	sld [smem:$0x3F84];
	s0 =	simm.s32 @p0 $0x1  }
0x13: {  	[smem:$0x3F9F] =	sst s0;
	s0 =	simm.s32 @!p1 $0x0  }
0x14: {  	s2 =	sld [smem:$0x3F83];
	s0 =	simm.s32 @p1 $0x1  }
0x15: {  	[smem:$0x3FA0] =	sst s0;
	s0 =	simm.s32 @!p2 $0x0  }
0x16: {  	s3 =	sld [smem:$0x3FDB];
	s0 =	simm.s32 @p2 $0x1  }
0x17: {  	s4 =	simm.s32 $0x1BF5;
	[smem:$0x3FA2] =	sst s0  }
0x18: {  	s0 =	sld [smem:$0x3F85];
	_ =	swait.ge [sflag:s4], $0x0  }
0x19: {  	s7 =	sld [smem:$0x3F86]  }
0x1a: {  	s8 =	sadd.s32 $0xFFFFE003, lr  }
0x1b: {  	s9 =	sadd.s32 $0xFFFFFEF7, lr;
	s5 =	simm.s32 $0xFFFFFFFF;
	p2 =	slt.u32 s8, $0xFFFFF086  }
0x1c: {  	p1 =	slt.u32 s9, $0xF7A;
	s5 =	simm.s32 @!p2 $0x0  }
0x1d: {  	s5 =	simm.s32 @p1 $0x1;
	p0 =	seq.s32 s7, s2  }
0x1e: {  	s7 =	smul.u32 @!p0 $0xF7A, s2;
	p2 =	seq.s32 @!p0 s5, $0x0  }
0x1f: {  	s9 =	smul.u32 $0xF7A, s1;
	s8 =	simm.s32 @!p0 $0x1BF5;
	p2 =	por !p2, p0  }
0x20: {  	[sflag:s8] =	ssyncset.s32 @!p0 $0xFFFFF086;
	s6 =	sadd.s32 @!p0 s3, s7;
	s7 =	simm.s32 @!p0 $0x108  }
0x21: {  	s3 =	sadd.s32 s3, s9;
	s6 =	sadd.s32 @!p0 $0x88, s6;
	s7 =	simm.s32 @p2 $0x1082  }
0x22: {  	[simem:s7], [sflag:s8] =	dma.local @!p0 [hbm:s6], $0xF7A  }
0x23: {  	s9 =	sor.u32 $0xD0000000, s2;
	s6 =	simm.s32 $0x108;
	_ =	swait.ge @!p0 [sflag:s8], $0x0  }
0x24: {  	s3 =	sadd.s32 $0x88, s3;
	s6 =	simm.s32 @!p1 $0x1082;
	[sflag:s4] =	ssyncset.s32 $0xFFFFF086  }
0x25: {  	[simem:s6], [sflag:s4] =	dma.local [hbm:s3], $0xF7A  }
0x26: {  	[smem:$0x3F86] =	sst s1;
	(tag) =	ssettag s2;
	_ =	strace s9  }
0x27: {  	s1 =	sld [smem:$0x3F96]  }
0x28: {  	s2 =	sld [smem:$0x3F97]  }
0x29: {  	s4 =	sld [smem:$0x3F99]  }
0x2a: {  	p0 =	seq.s32 s5, $0x0;
	s5 =	sld [smem:$0x3F9A]  }
0x2b: {  	s6 =	sld [smem:$0x3F9B]  }
0x2c: {  	s7 =	sld [smem:$0x3F9C]  }
0x2d: {  	s3 =	simm.s32 $0x108;
	s8 =	sld [smem:$0x3F9D]  }
0x2e: {  	s3 =	simm.s32 @!p0 $0x1082;
	s9 =	sld [smem:$0x3F9E]  }
0x2f: {  	lr =	sadd.s32 s0, s3;
	s0 =	sld [smem:$0x3F95]  }
0x30: {  	s3 =	sld [smem:$0x3F98]  }
0x31: {  	[smem:$0x3FA1] =	sst s10  }
0x32: {  	s10 =	sld [smem:$0x3F9F];
	_ =	sdelay $0x3  }
0x33: {  	p0 =	seq.s32 s10, $0x1;
	s10 =	sld [smem:$0x3FA1];
	_ =	sdelay $0x3  }
0x34: {  	[smem:$0x3FA1] =	sst s10  }
0x35: {  	s10 =	sld [smem:$0x3FA0];
	_ =	sdelay $0x3  }
0x36: {  	p1 =	seq.s32 s10, $0x1;
	s10 =	sld [smem:$0x3FA1];
	_ =	sdelay $0x3  }
0x37: {  	[smem:$0x3FA1] =	sst s10  }
0x38: {  	s10 =	sld [smem:$0x3FA2]  }
0x39: {  	_ = 	snop;
	(pc) =	sbr.ind lr, $3  }
0x3a: {  	_ = 	snop  }
0x3b: {  	_ = 	snop  }
0x3c: {  	p2 =	seq.s32 s10, $0x1;
	s10 =	sld [smem:$0x3FA1]  }
0x3d: {  	_ =	shalt  }
0x3e: {  	_ =	shalt  }
0x3f: {  	_ =	shalt  }
0x40: {  	_ =	shalt  }
0x41: {  	_ =	shalt  }
0x42: {  	_ =	shalt  }
0x43: {  	_ =	shalt  }
0x44: {  	_ =	shalt  }
0x45: {  	_ =	shalt  }
0x46: {  	_ =	shalt  }
0x47: {  	_ =	shalt  }
0x48: {  	_ =	shalt  }
0x49: {  	_ =	shalt  }
0x4a: {  	_ =	shalt  }
0x4b: {  	_ =	shalt  }
0x4c: {  	_ =	shalt  }
0x4d: {  	_ =	shalt  }
0x4e: {  	_ =	shalt  }
0x4f: {  	_ =	shalt  }
0x50: {  	_ =	shalt  }
0x51: {  	_ =	shalt  }
0x52: {  	_ =	shalt  }
0x53: {  	_ =	shalt  }
0x54: {  	_ =	shalt  }
0x55: {  	_ =	shalt  }
0x56: {  	_ =	shalt  }
0x57: {  	_ =	shalt  }
0x58: {  	_ =	shalt  }
0x59: {  	_ =	shalt  }
0x5a: {  	_ =	shalt  }
0x5b: {  	_ =	shalt  }
0x5c: {  	_ =	shalt  }
0x5d: {  	_ =	shalt  }
0x5e: {  	_ =	shalt  }
0x5f: {  	_ =	shalt  }
0x60: {  	_ =	shalt  }
0x61: {  	_ =	shalt  }
0x62: {  	_ =	shalt  }
0x63: {  	_ =	shalt  }
0x64: {  	_ =	shalt  }
0x65: {  	_ =	shalt  }
0x66: {  	_ =	shalt  }
0x67: {  	_ =	shalt  }
0x68: {  	_ =	shalt  }
0x69: {  	_ =	shalt  }
0x6a: {  	_ =	shalt  }
0x6b: {  	_ =	shalt  }
0x6c: {  	_ =	shalt  }
0x6d: {  	_ =	shalt  }
0x6e: {  	_ =	shalt  }
0x6f: {  	_ =	shalt  }
0x70: {  	_ =	shalt  }
0x71: {  	_ =	shalt  }
0x72: {  	_ =	shalt  }
0x73: {  	_ =	shalt  }
0x74: {  	_ =	shalt  }
0x75: {  	_ =	shalt  }
0x76: {  	_ =	shalt  }
0x77: {  	_ =	shalt  }
0x78: {  	_ =	shalt  }
0x79: {  	_ =	shalt  }
0x7a: {  	_ =	shalt  }
0x7b: {  	_ =	shalt  }
0x7c: {  	_ =	shalt  }
0x7d: {  	_ =	shalt  }
0x7e: {  	_ =	shalt  }
0x7f: {  	_ =	shalt  }
0x80: {  	_ =	shalt  }
0x81: {  	_ =	shalt  }
0x82: {  	_ =	shalt  }
0x83: {  	_ =	shalt  }
0x84: {  	_ =	shalt  }
0x85: {  	_ =	shalt  }
0x86: {  	_ =	shalt  }
0x87: {  	_ =	shalt  }
.Lfunc_end0:
.L_simem_size_0:
called_computation_lowered:
.L_overlay_start_0:
0x88: {  	s2 =	sld [smem:$0x3FD9]  }
0x89: {  	s3 =	sld [smem:$0x3FFE];
	_ =	sdelay $0x1  }
0x8a: {  	s1 =	srdreg.scid  }
0x8b: {  	s0 =	sand.u32 $0x1, s1  }
0x8c: {  	s15 =	sshll.u32 s0, $0xA;
	s2 =	sadd.s32 s3, s2  }
0x8d: {  	s2 =	sadd.s32 s2, s15  }
0x8e: {  	[smem:$0x3FAD] =	sst s2  }
0x8f: {  	_ = 	snop  }
0x90: {  	s2 =	sld [smem:$0x3FD0];
	_ =	sdelay $0x2  }
0x91: {  	s16 =	simm.s32 $0xD;
	s4 =	simm.s32 $0x10  }
0x92: {  	[smem:s4], [sflag:s16] =	dma.local [hbm:s2], $0x1  }
0x93: {  	_ =	swait.eq [sflag:s16], $0x1  }
0x94: {  	[sflag:s16] =	ssyncset.done $0x0  }
0x95: {  	[sflag:s16] =	ssyncadd.s32 $0xFFFFFFFF  }
0x96: {  	s17 =	sld [smem:$0x11];
	(tm) =	ssettm $0x1  }
0x97: {  	s18 =	sld [smem:$0x3FFB];
	_ =	sdelay $0x3  }
0x98: {  	_ =	strace s18  }
0x99: {  	s2 =	sld [smem:$0x3FFC];
	_ =	sdelay $0x3  }
0x9a: {  	_ =	strace s2  }
0x9b: {  	s2 =	sld [smem:$0x3FFD];
	_ =	sdelay $0x3  }
0x9c: {  	_ =	strace s2  }
0x9d: {  	_ =	strace $0x8FFFFFFF  }
0x9e: {  	s19 =	sld [smem:$0x3FDB];
	_ =	sdelay $0x1  }
0x9f: {  	s20 =	simm.s32 $_scs_section_size  }
0xa0: {  	s5 =	simm.s32 $_size__tile_overlayer_lowered;
	s6 =	simm.s32 $_tile_overlayer_lowered  }
0xa1: {  	s7 =	simm.s32 $0x1BFF;
	s21 =	sshll.u32 s6, $0x1;
	s4 =	sadd.s32 s20, s19  }
0xa2: {  	s22 =	simm.s32 $0x0;
	s5 =	sshll.u32 s5, $0x1;
	s6 =	sadd.s32 s21, s4  }
0xa3: {  	[timem:s22], [sflag:s7] =	dma.local [hbm:s6], s5  }
0xa4: {  	_ =	swait.ge [sflag:s7], s5  }
0xa5: {  	s5 =	ssub.s32 $0x0, s5;
	[sflag:s7] =	ssyncset.done $0x0  }
0xa6: {  	[sflag:s7] =	ssyncadd.s32 s5;
	_ =	sdelay $0x1  }
0xa7: {  	s23 =	simm.s32 $0x1B8B  }
0xa8: {  	_ =	swait.ge [sflag:s23], $0x1  }
0xa9: {  	[sflag:s23] =	ssyncset.done $0x0  }
0xaa: {  	[sflag:s23] =	ssyncadd.s32 $0xFFFFFFFF  }
0xab: {  	s5 =	sld [smem:$0x0]  }
0xac: {  	s6 =	sand.u32 $0xFFFFFFFE, s1  }
0xad: {  	p0 =	sne.s32 s1, s6  }
0xae: {  	s6 =	sshll.u32 @p0 s6, $0xE  }
0xaf: {  	s6 =	sadd.s32 @p0 $0x11B8D, s6;
	s7 =	sshll.u32 @p0 s5, $0x11  }
0xb0: {  	s6 =	sor.u32 @p0 s7, s6  }
0xb1: {  	[sflag:s6] =	ssyncadd.remote.s32 @p0 $0x1;
	_ =	sdelay $0x1  }
0xb2: {  	s6 =	simm.s32 @p0 $0x1B8D  }
0xb3: {  	_ =	swait.eq @p0 [sflag:s6], $0x1  }
0xb4: {  	[sflag:s6] =	ssyncadd.s32 @p0 $0xFFFFFFFF  }
0xb5: {  	s7 =	sshll.u32 @!p0 s1, $0xE  }
0xb6: {  	s7 =	sor.u32 @!p0 $0x4000, s7;
	s6 =	simm.s32 @!p0 $0x1B8D  }
0xb7: {  	s5 =	sshll.u32 @!p0 s5, $0x11;
	s7 =	sadd.s32 @!p0 $0x11B8D, s7;
	_ =	swait.eq @!p0 [sflag:s6], $0x1  }
0xb8: {  	s5 =	sor.u32 @!p0 s5, s7;
	[sflag:s6] =	ssyncadd.s32 @!p0 $0xFFFFFFFF  }
0xb9: {  	s25 =	simm.s32 $0x1B8E;
	s24 =	sld [smem:$0x3FFE];
	[sflag:s5] =	ssyncadd.remote.s32 @!p0 $0x1  }
0xba: {  	s26 =	simm.s32 $execute0_lowered;
	[smem:$0x3FD2] =	sst s25  }
0xbb: {  	s6 =	sshll.u32 s26, $0x1;
	_ =	strace $0x8000004F;
	[dreg:$0x1] =	wrdreg $0xFFFFFFFF  }
0xbc: {  	s28 =	simm.s32 $_size_execute0_lowered;
	s4 =	sadd.s32 s4, s6;
	[dreg:$0x0] =	wrdreg $0x0  }
0xbd: {  	s6 =	sshll.u32 s28, $0x1;
	[dreg:$0x2] =	wrdreg s4  }
0xbe: {  	[dreg:$0x3] =	wrdreg s6  }
0xbf: {  	[dreg:$0x4] =	wrdreg $0xC0  }
0xc0: {  	_ =	task [dreg:s22], $0x5FFFF  }
0xc1: {  	[dreg:$0x1] =	wrdreg $0xFFFFFFFF  }
0xc2: {  	[dreg:$0x0] =	wrdreg $0x60  }
0xc3: {  	[dreg:$0x2] =	wrdreg s24  }
0xc4: {  	[dreg:$0x3] =	wrdreg s17  }
0xc5: {  	[dreg:$0x4] =	wrdreg $0x98000  }
0xc6: {  	[dreg:$0x5] =	wrdreg $0x9  }
0xc7: {  	_ =	task.clear_ibuf [dreg:s22], $0x6FFFF;
	_ =	strace $0x9000004F  }
0xc8: {  	s29 =	simm.s32 $0x9;
	_ =	strace $0x80000051  }
0xc9: {  	_ =	swait.ge [sflag:s29], $0x1  }
0xca: {  	[sflag:s29] =	ssyncadd.s32 $0xFFFFFFFF  }
0xcb: {  	_ =	strace $0x90000051  }
0xcc: {  	_ =	sfence  }
0xcd: {  	s30 =	sld [smem:$0x0];
	_ =	sdelay $0x2  }
0xce: {  	s31 =	sshll.u32 s1, $0xD;
	s1 =	sshrl.u32 s1, $0x2  }
0xcf: {  	s4 =	sand.u32 $0x4000, s31;
	s1 =	sadd.s32 s1, s30  }
0xd0: {  	s0 =	sor.u32 s4, s0;
	s1 =	sshll.u32 s1, $0x11  }
0xd1: {  	s0 =	sor.u32 s1, s0  }
0xd2: {  	s0 =	sadd.s32 $0x8F2B, s0  }
0xd3: {  	[sflag:s0] =	ssyncadd.remote.s32 $0x1  }
0xd4: {  	_ =	sfence.sel $0xFFFF  }
0xd5: {  	[dreg:$0x0] =	wrdreg $0xFFFFFFFF;
	(pc) =	sbr.abs _section_cstart, $3  }
0xd6: {  	[dreg:$0x1] =	wrdreg $0xFFFFFFFF  }
0xd7: {  	_ =	task.clear_ibuf [dreg:s22], $0x2FFFF;
	_ =	strace $0x9FFFFFFF  }
0xd8: {  	(tm) =	ssettm $0x7FFFFFFF  }
0xd9: {  	_ =	shalt  }
tec
execute0_lowered:
.L_overlay_start_1:
0x0: {  	(tag) =	ssettag $0x1  }
0x1: {  	s4 =	rddreg [dreg:$0x0]  }
0x2: {  	s5 =	rddreg [dreg:$0x1]  }
0x3: {  	s2 =	rddreg [dreg:$0x2]  }
0x4: {  	s1 =	stileid.u32;
	s3 =	srdreg.scid  }
0x5: {  	s0 =	rddreg [dreg:$0x3];
	s17 =	simm.s32 $0x1800;
	s18 =	simm.s32 $0x1  }
0x6: {  	s19 =	simm.s32 $0x5800;
	s20 =	simm.s32 $0x2;
	s21 =	simm.s32 $0x3  }
0x7: {  	s22 =	simm.s32 $0x4;
	s8 =	sand.u32 $0x1, s3;
	s7 =	smul.u32 $0x2800, s1  }
0x8: {  	s6 =	sshll.u32 s1, $0x1;
	s13 =	smul.u32 $0x50000, s1;
	s14 =	sadd.s32 $0x330800, s4  }
0x9: {  	s3 =	simm.s32 $0x0;
	s15 =	sadd.s32 $0x470800, s4;
	s25 =	smul.u32 $0x14000, s1  }
0xa: {  	s31 =	sshll.u32 s1, $0x6;
	s6 =	sor.u32 s8, s6;
	s26 =	smul.u32 $0xA000, s8  }
0xb: {  	[smem:$0x7FF] =	sst s3;
	s10 =	ssub.s32 $0x2, s8;
	s9 =	smul.u32 $0x180, s6  }
0xc: {  	_ =	strace $0x80000050;
	s7 =	sadd.s32 s7, s4;
	s12 =	sshrl.u32 s10, $0x1  }
0xd: {  	s23 =	sshrl.u32 s13, $0x2;
	s24 =	smul.u32 $0xA000, s6;
	s28 =	sadd.s32 s25, s15  }
0xe: {  	s29 =	sadd.s32 s25, s14;
	s13 =	simm.s32 $0xC00;
	s10 =	ssub.s32 s10, s12  }
0xf: {  	s16 =	sadd.s32 s23, s2;
	s6 =	sadd.s32 $0x88800, s7;
	s30 =	sadd.s32 s26, s29  }
.Ltmp0:
0x10: {  	s12 =	simm.s32 $0x5;
	s23 =	simm.s32 $0x0;
	(pc) =	sbr.rel .LBB2_1-.Ltmp0, $4  }
0x11: {  	s11 =	sadd.s32 s9, s4;
	s4 =	sadd.s32 s5, s9;
	s7 =	smax.u32 s10, $0x1  }
0x12: {  	s8 =	sadd.s32 s14, s24;
	s9 =	sadd.s32 s15, s24;
	s14 =	sor.u32 $0x1C05, s31  }
0x13: {  	s15 =	sshrl.u32 s16, $0x3;
	s5 =	sadd.s32 $0x5D800, s11;
	s11 =	sadd.s32 s26, s28  }
0x14: {  	s16 =	simm.s32 $0x80;
	s10 =	sadd.s32 $0x800, s11;
	s11 =	sadd.s32 $0x800, s30  }
.LBB2_4:
0x15: {  	s23 =	sadd.s32 $0x1, s23  }
0x16: {  	p0 =	sne.s32 s23, s7  }
.Ltmp1:
0x17: {  	_ = 	snop;
	(pc) =	sbr.rel @!p0 .LBB2_5-.Ltmp1, $4  }
0x18: {  	_ = 	snop  }
0x19: {  	_ =	swait.ge [sflag:s22], $0x4000  }
0x1a: {  	[sflag:s22] =	ssyncset.done $0x0  }
0x1b: {  	[sflag:s22] =	ssyncadd.s32 $0xFFFFC000  }
.LBB2_1:
0x1c: {  	[tilespmem:s3], [sflag:$0x5] =	stream.linear.gather [hbm4b:s4+s3], $0xC00, $0x38;
	[tilespmem:$0x1D800] =	vst v63  }
0x1d: {  	_ =	swait.ge [sflag:s12], $0xC00  }
0x1e: {  	[sflag:s12] =	ssyncset.done $0x0  }
0x1f: {  	[sflag:s12] =	ssyncadd.s32 $0xFFFFF400  }
0x20: {  	[tilespmem:s13], [sflag:$0x5] =	stream.linear.gather [hbm4b:s5+s3], $0xC00, $0x38;
	[tilespmem:$0x1D800] =	vst v63  }
0x21: {  	_ =	swait.ge [sflag:s12], $0xC00  }
0x22: {  	[sflag:s12] =	ssyncset.done $0x0  }
0x23: {  	[sflag:s12] =	ssyncadd.s32 $0xFFFFF400  }
0x24: {  	[spmem:s15], [sflag:s14] =	dma.local [hbm:s6], $0x2800  }
0x25: {  	_ =	swait.ge [sflag:s12], $0x2800  }
0x26: {  	[sflag:s12] =	ssyncset.done $0x0  }
0x27: {  	[sflag:s12] =	ssyncadd.s32 $0xFFFFD800  }
0x28: {  	[bflag:$0x0] =	sbarrier.arrive $0xFFFF  }
0x29: {  	[tilespmem:s17], [sflag:$0x1] =	stream.indirect.gather [spmem:s2], $0x80, s3, s16, $0xb8;
	[tilespmem:$0x1D800] =	vst v63  }
0x2a: {  	_ =	swait.ge [sflag:s18], $0x4000  }
0x2b: {  	[sflag:s18] =	ssyncset.done $0x0  }
0x2c: {  	[sflag:s18] =	ssyncadd.s32 $0xFFFFC000  }
0x2d: {  	[hbm4b:s8+s3] =	stream.linear.scatter [tilespmem:s17], [sflag:$0x3], $0x4000, $0x38;
	[tilespmem:$0x1D800] =	vst v63  }
0x2e: {  	_ = 	snop  }
0x2f: {  	[tilespmem:s19], [sflag:$0x2] =	stream.indirect.gather [spmem:s2], $0x80, s13, s16, $0xb8;
	[tilespmem:$0x1D800] =	vst v63  }
0x30: {  	_ =	swait.ge [sflag:s20], $0x4000  }
0x31: {  	[sflag:s20] =	ssyncset.done $0x0  }
0x32: {  	[sflag:s20] =	ssyncadd.s32 $0xFFFFC000  }
0x33: {  	[hbm4b:s9+s3] =	stream.linear.scatter [tilespmem:s19], [sflag:$0x4], $0x4000, $0x38;
	[tilespmem:$0x1D800] =	vst v63  }
0x34: {  	_ =	swait.ge [sflag:s21], $0x4000  }
0x35: {  	s24 =	smov.u32 s11;
	[sflag:s21] =	ssyncset.done $0x0  }
0x36: {  	s25 =	smov.u32 s10;
	s26 =	simm.s32 $0x0;
	[sflag:s21] =	ssyncadd.s32 $0xFFFFC000  }
0x37: {  	[tilespmem:s17], [sflag:$0x1] =	stream.indirect.gather [spmem:s2], $0x80, s16, s16, $0xb8;
	[tilespmem:$0x1D800] =	vst v63  }
.LBB2_2:
0x38: {  	_ =	swait.ge [sflag:s18], $0x4000  }
0x39: {  	[sflag:s18] =	ssyncset.done $0x0  }
0x3a: {  	[sflag:s18] =	ssyncadd.s32 $0xFFFFC000  }
0x3b: {  	[hbm4b:s24+s3] =	stream.linear.scatter [tilespmem:s17], [sflag:$0x3], $0x4000, $0x38;
	[tilespmem:$0x1D800] =	vst v63  }
0x3c: {  	_ =	swait.ge [sflag:s22], $0x4000  }
0x3d: {  	s28 =	sshra.s32 s26, $0x2;
	[sflag:s22] =	ssyncset.done $0x0  }
0x3e: {  	s29 =	sadd.s32 $0xC80, s28;
	[sflag:s22] =	ssyncadd.s32 $0xFFFFC000  }
0x3f: {  	[tilespmem:s19], [sflag:$0x2] =	stream.indirect.gather [spmem:s2], $0x80, s29, s16, $0xb8;
	[tilespmem:$0x1D800] =	vst v63  }
0x40: {  	_ =	swait.ge [sflag:s20], $0x4000  }
0x41: {  	p0 =	seq.s32 s26, $0x2400;
	[sflag:s20] =	ssyncset.done $0x0  }
.Ltmp2:
0x42: {  	[sflag:s20] =	ssyncadd.s32 $0xFFFFC000;
	(pc) =	sbr.rel @p0 .LBB2_4-.Ltmp2, $4  }
0x43: {  	[hbm4b:s25+s3] =	stream.linear.scatter [tilespmem:s19], [sflag:$0x4], $0x4000, $0x38;
	[tilespmem:$0x1D800] =	vst v63  }
0x44: {  	_ =	swait.ge [sflag:s21], $0x4000  }
0x45: {  	[sflag:s21] =	ssyncset.done $0x0  }
0x46: {  	[sflag:s21] =	ssyncadd.s32 $0xFFFFC000  }
.Ltmp3:
0x47: {  	(pc) =	sbr.rel .LBB2_2-.Ltmp3, $4  }
0x48: {  	_ = 	snop  }
0x49: {  	s28 =	sadd.s32 $0x100, s28  }
0x4a: {  	s26 =	sadd.s32 $0x200, s26;
	s25 =	sadd.s32 $0x800, s25;
	s24 =	sadd.s32 $0x800, s24  }
0x4b: {  	[tilespmem:s17], [sflag:$0x1] =	stream.indirect.gather [spmem:s2], $0x80, s28, s16, $0xb8;
	[tilespmem:$0x1D800] =	vst v63  }
.LBB2_5:
0x4c: {  	_ =	sfence.sel $0x180000  }
0x4d: {  	[bflag:$0x0] =	sbarrier.arrive $0xFFFF  }
0x4e: {  	p0 =	sne.s32 s1, $0x0;
	_ =	strace $0x90000050  }
0x4f: {  	s0 =	sadd.s32 @!p0 $0x100000, s0;
	[bflag:$0x2] =	sbarrier.arrive $0xFFFF  }
0x50: {  	[sflag:s0] =	ssyncadd.tile.s32 @!p0 $0x1;
	_ =	shalt  }
.Lfunc_end2:
_tile_overlayer_lowered:
.L_overlay_start_2:
0x51: {  	(tag) =	ssettag $0x2  }
0x52: {  	s0 =	rddreg [dreg:$0x0];
	s2 =	stileid.u32  }
0x53: {  	s1 =	rddreg [dreg:$0x1];
	p0 =	sne.s32 s2, $0x0  }
0x54: {  	s3 =	rddreg [dreg:$0x2];
	[bflag:$0x3] =	sbarrier.arrive $0xFFFF;
	s2 =	simm.s32 @!p0 $0x1C05  }
0x55: {  	[timem:s3], [sflag:s2] =	dma.local @!p0 [hbm:s0], s1  }
0x56: {  	s0 =	simm.s32 @!p0 $0x5  }
0x57: {  	_ =	swait.ge @!p0 [sflag:s0], s1  }
0x58: {  	s1 =	ssub.s32 @!p0 $0x0, s1;
	[sflag:s0] =	ssyncset.done @!p0 $0x0  }
0x59: {  	[sflag:s0] =	ssyncadd.s32 @!p0 s1  }
0x5a: {  	[bflag:$0x3] =	sbarrier.arrive $0xFFFF  }
0x5b: {  	_ =	shalt  }

// kernel: kernel.18.cloned.1.call-start
scs
__scs_entry_jumppad:
0x0: {  	(pc) =	sbr.rel $0x88, $3  }
0x1: {  	(tag) =	ssettag $0x0;
	lr =	simm.s32 $0x1  }
0x2: {  	[smem:$0x3F86] =	sst lr;
	_ =	strace $0xD0000000  }
0x3: {  	_ = 	snop  }
0x4: {  	_ = 	snop  }
0x5: {  	_ = 	snop  }
0x6: {  	_ = 	snop  }
0x7: {  	_ = 	snop  }
__scs_overlays_trampoline_lowered:
0x8: {  	[smem:$0x3F95] =	sst s0  }
0x9: {  	[smem:$0x3F96] =	sst s1  }
0xa: {  	[smem:$0x3F97] =	sst s2  }
0xb: {  	[smem:$0x3F98] =	sst s3  }
0xc: {  	[smem:$0x3F99] =	sst s4  }
0xd: {  	[smem:$0x3F9A] =	sst s5  }
0xe: {  	[smem:$0x3F9B] =	sst s6  }
0xf: {  	[smem:$0x3F9C] =	sst s7  }
0x10: {  	[smem:$0x3F9D] =	sst s8  }
0x11: {  	[smem:$0x3F9E] =	sst s9;
	s0 =	simm.s32 @!p0 $0x0  }
0x12: {  	s1 =	sld [smem:$0x3F84];
	s0 =	simm.s32 @p0 $0x1  }
0x13: {  	[smem:$0x3F9F] =	sst s0;
	s0 =	simm.s32 @!p1 $0x0  }
0x14: {  	s2 =	sld [smem:$0x3F83];
	s0 =	simm.s32 @p1 $0x1  }
0x15: {  	[smem:$0x3FA0] =	sst s0;
	s0 =	simm.s32 @!p2 $0x0  }
0x16: {  	s3 =	sld [smem:$0x3FDB];
	s0 =	simm.s32 @p2 $0x1  }
0x17: {  	s4 =	simm.s32 $0x1BF5;
	[smem:$0x3FA2] =	sst s0  }
0x18: {  	s0 =	sld [smem:$0x3F85];
	_ =	swait.ge [sflag:s4], $0x0  }
0x19: {  	s7 =	sld [smem:$0x3F86]  }
0x1a: {  	s8 =	sadd.s32 $0xFFFFE003, lr  }
0x1b: {  	s9 =	sadd.s32 $0xFFFFFEF7, lr;
	s5 =	simm.s32 $0xFFFFFFFF;
	p2 =	slt.u32 s8, $0xFFFFF086  }
0x1c: {  	p1 =	slt.u32 s9, $0xF7A;
	s5 =	simm.s32 @!p2 $0x0  }
0x1d: {  	s5 =	simm.s32 @p1 $0x1;
	p0 =	seq.s32 s7, s2  }
0x1e: {  	s7 =	smul.u32 @!p0 $0xF7A, s2;
	p2 =	seq.s32 @!p0 s5, $0x0  }
0x1f: {  	s9 =	smul.u32 $0xF7A, s1;
	s8 =	simm.s32 @!p0 $0x1BF5;
	p2 =	por !p2, p0  }
0x20: {  	[sflag:s8] =	ssyncset.s32 @!p0 $0xFFFFF086;
	s6 =	sadd.s32 @!p0 s3, s7;
	s7 =	simm.s32 @!p0 $0x108  }
0x21: {  	s3 =	sadd.s32 s3, s9;
	s6 =	sadd.s32 @!p0 $0x88, s6;
	s7 =	simm.s32 @p2 $0x1082  }
0x22: {  	[simem:s7], [sflag:s8] =	dma.local @!p0 [hbm:s6], $0xF7A  }
0x23: {  	s9 =	sor.u32 $0xD0000000, s2;
	s6 =	simm.s32 $0x108;
	_ =	swait.ge @!p0 [sflag:s8], $0x0  }
0x24: {  	s3 =	sadd.s32 $0x88, s3;
	s6 =	simm.s32 @!p1 $0x1082;
	[sflag:s4] =	ssyncset.s32 $0xFFFFF086  }
0x25: {  	[simem:s6], [sflag:s4] =	dma.local [hbm:s3], $0xF7A  }
0x26: {  	[smem:$0x3F86] =	sst s1;
	(tag) =	ssettag s2;
	_ =	strace s9  }
0x27: {  	s1 =	sld [smem:$0x3F96]  }
0x28: {  	s2 =	sld [smem:$0x3F97]  }
0x29: {  	s4 =	sld [smem:$0x3F99]  }
0x2a: {  	p0 =	seq.s32 s5, $0x0;
	s5 =	sld [smem:$0x3F9A]  }
0x2b: {  	s6 =	sld [smem:$0x3F9B]  }
0x2c: {  	s7 =	sld [smem:$0x3F9C]  }
0x2d: {  	s3 =	simm.s32 $0x108;
	s8 =	sld [smem:$0x3F9D]  }
0x2e: {  	s3 =	simm.s32 @!p0 $0x1082;
	s9 =	sld [smem:$0x3F9E]  }
0x2f: {  	lr =	sadd.s32 s0, s3;
	s0 =	sld [smem:$0x3F95]  }
0x30: {  	s3 =	sld [smem:$0x3F98]  }
0x31: {  	[smem:$0x3FA1] =	sst s10  }
0x32: {  	s10 =	sld [smem:$0x3F9F];
	_ =	sdelay $0x3  }
0x33: {  	p0 =	seq.s32 s10, $0x1;
	s10 =	sld [smem:$0x3FA1];
	_ =	sdelay $0x3  }
0x34: {  	[smem:$0x3FA1] =	sst s10  }
0x35: {  	s10 =	sld [smem:$0x3FA0];
	_ =	sdelay $0x3  }
0x36: {  	p1 =	seq.s32 s10, $0x1;
	s10 =	sld [smem:$0x3FA1];
	_ =	sdelay $0x3  }
0x37: {  	[smem:$0x3FA1] =	sst s10  }
0x38: {  	s10 =	sld [smem:$0x3FA2]  }
0x39: {  	_ = 	snop;
	(pc) =	sbr.ind lr, $3  }
0x3a: {  	_ = 	snop  }
0x3b: {  	_ = 	snop  }
0x3c: {  	p2 =	seq.s32 s10, $0x1;
	s10 =	sld [smem:$0x3FA1]  }
0x3d: {  	_ =	shalt  }
0x3e: {  	_ =	shalt  }
0x3f: {  	_ =	shalt  }
0x40: {  	_ =	shalt  }
0x41: {  	_ =	shalt  }
0x42: {  	_ =	shalt  }
0x43: {  	_ =	shalt  }
0x44: {  	_ =	shalt  }
0x45: {  	_ =	shalt  }
0x46: {  	_ =	shalt  }
0x47: {  	_ =	shalt  }
0x48: {  	_ =	shalt  }
0x49: {  	_ =	shalt  }
0x4a: {  	_ =	shalt  }
0x4b: {  	_ =	shalt  }
0x4c: {  	_ =	shalt  }
0x4d: {  	_ =	shalt  }
0x4e: {  	_ =	shalt  }
0x4f: {  	_ =	shalt  }
0x50: {  	_ =	shalt  }
0x51: {  	_ =	shalt  }
0x52: {  	_ =	shalt  }
0x53: {  	_ =	shalt  }
0x54: {  	_ =	shalt  }
0x55: {  	_ =	shalt  }
0x56: {  	_ =	shalt  }
0x57: {  	_ =	shalt  }
0x58: {  	_ =	shalt  }
0x59: {  	_ =	shalt  }
0x5a: {  	_ =	shalt  }
0x5b: {  	_ =	shalt  }
0x5c: {  	_ =	shalt  }
0x5d: {  	_ =	shalt  }
0x5e: {  	_ =	shalt  }
0x5f: {  	_ =	shalt  }
0x60: {  	_ =	shalt  }
0x61: {  	_ =	shalt  }
0x62: {  	_ =	shalt  }
0x63: {  	_ =	shalt  }
0x64: {  	_ =	shalt  }
0x65: {  	_ =	shalt  }
0x66: {  	_ =	shalt  }
0x67: {  	_ =	shalt  }
0x68: {  	_ =	shalt  }
0x69: {  	_ =	shalt  }
0x6a: {  	_ =	shalt  }
0x6b: {  	_ =	shalt  }
0x6c: {  	_ =	shalt  }
0x6d: {  	_ =	shalt  }
0x6e: {  	_ =	shalt  }
0x6f: {  	_ =	shalt  }
0x70: {  	_ =	shalt  }
0x71: {  	_ =	shalt  }
0x72: {  	_ =	shalt  }
0x73: {  	_ =	shalt  }
0x74: {  	_ =	shalt  }
0x75: {  	_ =	shalt  }
0x76: {  	_ =	shalt  }
0x77: {  	_ =	shalt  }
0x78: {  	_ =	shalt  }
0x79: {  	_ =	shalt  }
0x7a: {  	_ =	shalt  }
0x7b: {  	_ =	shalt  }
0x7c: {  	_ =	shalt  }
0x7d: {  	_ =	shalt  }
0x7e: {  	_ =	shalt  }
0x7f: {  	_ =	shalt  }
0x80: {  	_ =	shalt  }
0x81: {  	_ =	shalt  }
0x82: {  	_ =	shalt  }
0x83: {  	_ =	shalt  }
0x84: {  	_ =	shalt  }
0x85: {  	_ =	shalt  }
0x86: {  	_ =	shalt  }
0x87: {  	_ =	shalt  }
.Lfunc_end0:
.L_simem_size_0:
called_computation.1_lowered:
.L_overlay_start_0:
0x88: {  	s2 =	sld [smem:$0x3FD9]  }
0x89: {  	s3 =	sld [smem:$0x3FFE];
	_ =	sdelay $0x1  }
0x8a: {  	s1 =	srdreg.scid  }
0x8b: {  	s0 =	sand.u32 $0x1, s1  }
0x8c: {  	s15 =	sshll.u32 s0, $0xA;
	s2 =	sadd.s32 s3, s2  }
0x8d: {  	s2 =	sadd.s32 s2, s15  }
0x8e: {  	[smem:$0x3FAD] =	sst s2  }
0x8f: {  	_ = 	snop  }
0x90: {  	s2 =	sld [smem:$0x3FD0];
	_ =	sdelay $0x2  }
0x91: {  	s4 =	simm.s32 $0xD;
	s16 =	simm.s32 $0x10  }
0x92: {  	[smem:s16], [sflag:s4] =	dma.local [hbm:s2], $0x1  }
0x93: {  	_ =	swait.eq [sflag:s4], $0x1  }
0x94: {  	[sflag:s4] =	ssyncset.done $0x0  }
0x95: {  	s17 =	sld [smem:$0x10];
	[sflag:s4] =	ssyncadd.s32 $0xFFFFFFFF  }
0x96: {  	s18 =	sld [smem:$0x11];
	(tm) =	ssettm $0x1  }
0x97: {  	s19 =	sld [smem:$0x3FFB];
	_ =	sdelay $0x3  }
0x98: {  	_ =	strace s19  }
0x99: {  	s2 =	sld [smem:$0x3FFC];
	_ =	sdelay $0x3  }
0x9a: {  	_ =	strace s2  }
0x9b: {  	s2 =	sld [smem:$0x3FFD];
	_ =	sdelay $0x3  }
0x9c: {  	_ =	strace s2  }
0x9d: {  	_ =	strace $0x8FFFFFFF  }
0x9e: {  	s20 =	sld [smem:$0x3FDB];
	_ =	sdelay $0x1  }
0x9f: {  	s5 =	simm.s32 $_scs_section_size  }
0xa0: {  	s6 =	simm.s32 $_size__tile_overlayer_lowered;
	s7 =	simm.s32 $_tile_overlayer_lowered  }
0xa1: {  	s8 =	simm.s32 $0x1BFF;
	s21 =	sshll.u32 s7, $0x1;
	s5 =	sadd.s32 s5, s20  }
0xa2: {  	s22 =	simm.s32 $0x0;
	s6 =	sshll.u32 s6, $0x1;
	s7 =	sadd.s32 s21, s5  }
0xa3: {  	[timem:s22], [sflag:s8] =	dma.local [hbm:s7], s6  }
0xa4: {  	_ =	swait.ge [sflag:s8], s6  }
0xa5: {  	s6 =	ssub.s32 $0x0, s6;
	[sflag:s8] =	ssyncset.done $0x0  }
0xa6: {  	[sflag:s8] =	ssyncadd.s32 s6;
	_ =	sdelay $0x1  }
0xa7: {  	s23 =	simm.s32 $0x1B8B  }
0xa8: {  	_ =	swait.ge [sflag:s23], $0x1  }
0xa9: {  	[sflag:s23] =	ssyncset.done $0x0  }
0xaa: {  	[sflag:s23] =	ssyncadd.s32 $0xFFFFFFFF  }
0xab: {  	s6 =	sld [smem:$0x0]  }
0xac: {  	s7 =	sand.u32 $0xFFFFFFFE, s1  }
0xad: {  	p0 =	sne.s32 s1, s7  }
0xae: {  	s7 =	sshll.u32 @p0 s7, $0xE  }
0xaf: {  	s7 =	sadd.s32 @p0 $0x11B8D, s7;
	s8 =	sshll.u32 @p0 s6, $0x11  }
0xb0: {  	s7 =	sor.u32 @p0 s8, s7  }
0xb1: {  	[sflag:s7] =	ssyncadd.remote.s32 @p0 $0x1;
	_ =	sdelay $0x1  }
0xb2: {  	s7 =	simm.s32 @p0 $0x1B8D  }
0xb3: {  	_ =	swait.eq @p0 [sflag:s7], $0x1  }
0xb4: {  	[sflag:s7] =	ssyncadd.s32 @p0 $0xFFFFFFFF  }
0xb5: {  	s8 =	sshll.u32 @!p0 s1, $0xE  }
0xb6: {  	s8 =	sor.u32 @!p0 $0x4000, s8;
	s7 =	simm.s32 @!p0 $0x1B8D  }
0xb7: {  	s6 =	sshll.u32 @!p0 s6, $0x11;
	s8 =	sadd.s32 @!p0 $0x11B8D, s8;
	_ =	swait.eq @!p0 [sflag:s7], $0x1  }
0xb8: {  	s6 =	sor.u32 @!p0 s6, s8;
	[sflag:s7] =	ssyncadd.s32 @!p0 $0xFFFFFFFF  }
0xb9: {  	s25 =	simm.s32 $0x1B8E;
	s24 =	sld [smem:$0x3FFE];
	[sflag:s6] =	ssyncadd.remote.s32 @!p0 $0x1  }
0xba: {  	s26 =	simm.s32 $execute0_lowered;
	[smem:$0x3FD2] =	sst s25  }
0xbb: {  	s7 =	sshll.u32 s26, $0x1;
	_ =	strace $0x80000049;
	[dreg:$0x1] =	wrdreg $0xFFFFFFFF  }
0xbc: {  	s28 =	simm.s32 $_size_execute0_lowered;
	s5 =	sadd.s32 s5, s7;
	[dreg:$0x0] =	wrdreg $0x0  }
0xbd: {  	s7 =	sshll.u32 s28, $0x1;
	[dreg:$0x2] =	wrdreg s5  }
0xbe: {  	[dreg:$0x3] =	wrdreg s7  }
0xbf: {  	[dreg:$0x4] =	wrdreg $0xC0  }
0xc0: {  	_ =	task [dreg:s22], $0x5FFFF  }
0xc1: {  	[dreg:$0x1] =	wrdreg $0xFFFFFFFF  }
0xc2: {  	[dreg:$0x0] =	wrdreg $0x60  }
0xc3: {  	[dreg:$0x2] =	wrdreg s17  }
0xc4: {  	[dreg:$0x3] =	wrdreg s18  }
0xc5: {  	[dreg:$0x4] =	wrdreg s24  }
0xc6: {  	[dreg:$0x5] =	wrdreg $0x58000  }
0xc7: {  	[dreg:$0x6] =	wrdreg $0xA  }
0xc8: {  	_ =	task.clear_ibuf [dreg:s22], $0x7FFFF;
	_ =	strace $0x90000049  }
0xc9: {  	s29 =	simm.s32 $0xA;
	_ =	strace $0x8000004B  }
0xca: {  	_ =	swait.ge [sflag:s29], $0x1  }
0xcb: {  	[sflag:s29] =	ssyncadd.s32 $0xFFFFFFFF  }
0xcc: {  	_ =	strace $0x9000004B  }
0xcd: {  	_ =	sfence  }
0xce: {  	s30 =	sld [smem:$0x0];
	_ =	sdelay $0x2  }
0xcf: {  	s31 =	sshll.u32 s1, $0xD;
	s1 =	sshrl.u32 s1, $0x2  }
0xd0: {  	s4 =	sand.u32 $0x4000, s31;
	s1 =	sadd.s32 s1, s30  }
0xd1: {  	s0 =	sor.u32 s4, s0;
	s1 =	sshll.u32 s1, $0x11  }
0xd2: {  	s0 =	sor.u32 s1, s0  }
0xd3: {  	s0 =	sadd.s32 $0x8F2B, s0  }
0xd4: {  	[sflag:s0] =	ssyncadd.remote.s32 $0x1  }
0xd5: {  	_ =	sfence.sel $0xFFFF  }
0xd6: {  	[dreg:$0x0] =	wrdreg $0xFFFFFFFF;
	(pc) =	sbr.abs _section_cstart, $3  }
0xd7: {  	[dreg:$0x1] =	wrdreg $0xFFFFFFFF  }
0xd8: {  	_ =	task.clear_ibuf [dreg:s22], $0x2FFFF;
	_ =	strace $0x9FFFFFFF  }
0xd9: {  	(tm) =	ssettm $0x7FFFFFFF  }
tec
execute0_lowered:
.L_overlay_start_1:
0x0: {  	(tag) =	ssettag $0x1  }
0x1: {  	s0 =	rddreg [dreg:$0x0]  }
0x2: {  	s1 =	rddreg [dreg:$0x1];
	s2 =	srdreg.scid  }
0x3: {  	s13 =	stileid.u32;
	s4 =	rddreg [dreg:$0x2];
	s12 =	simm.s32 $0x9  }
0x4: {  	s16 =	simm.s32 $0x80;
	s17 =	simm.s32 $0x1800;
	s19 =	simm.s32 $0x2000  }
0x5: {  	s28 =	simm.s32 $0x3000;
	s29 =	simm.s32 $0x5000;
	s30 =	simm.s32 $0x2  }
0x6: {  	s31 =	simm.s32 $0x5;
	s18 =	simm.s32 $0x4;
	s20 =	simm.s32 $0x7  }
0x7: {  	s21 =	simm.s32 $0x8;
	s5 =	sand.u32 $0x1, s2;
	s3 =	sshll.u32 s13, $0x1  }
0x8: {  	s2 =	rddreg [dreg:$0x3];
	s10 =	smul.u32 $0x2800, s13;
	s26 =	sshll.u32 s13, $0x6  }
0x9: {  	s6 =	sor.u32 s5, s3;
	s3 =	simm.s32 $0x0;
	s5 =	ssub.s32 $0x2, s5  }
0xa: {  	s7 =	smul.u32 $0x180, s6;
	[smem:$0x7FF] =	sst s3;
	s9 =	sshrl.u32 s5, $0x1  }
0xb: {  	s23 =	sadd.s32 s10, s2;
	s24 =	sshrl.u32 s10, $0x3;
	_ =	strace $0x8000004A  }
0xc: {  	s11 =	ssub.s32 s5, s9;
	s5 =	smul.u32 $0x14, s6;
	s0 =	sadd.s32 s0, s24  }
0xd: {  	s15 =	sshrl.u32 s23, $0x3;
	s23 =	simm.s32 $0x2800;
	s8 =	sadd.s32 s7, s4  }
0xe: {  	s4 =	sadd.s32 $0x60800, s4;
	s1 =	sadd.s32 s1, s7;
	[dreg:$0x7] =	wrdreg s0  }
.Ltmp0:
0xf: {  	s25 =	smax.u32 s11, $0x1;
	s0 =	sor.u32 $0x1C09, s26;
	(pc) =	sbr.rel .LBB2_1-.Ltmp0, $4  }
0x10: {  	s26 =	simm.s32 $0x1;
	[dreg:$0x5] =	wrdreg s1;
	s22 =	sadd.s32 $0x5D800, s8  }
0x11: {  	s9 =	sor.u32 $0x1, s5;
	s10 =	sor.u32 $0x2, s5;
	[dreg:$0x8] =	wrdreg s25  }
0x12: {  	[dreg:$0x9] =	wrdreg s0;
	s25 =	simm.s32 $0x4800;
	s1 =	simm.s32 $0x3  }
0x13: {  	s0 =	simm.s32 $0x6;
	[dreg:$0x6] =	wrdreg s22;
	s22 =	simm.s32 $0x0  }
.LBB2_12:
0x14: {  	_ =	swait.ge [sflag:s21], $0x800  }
0x15: {  	s22 =	sadd.s32 $0x1, s22;
	s6 =	rddreg [dreg:$0x8]  }
0x16: {  	p0 =	sne.s32 s22, s6  }
.Ltmp1:
0x17: {  	_ = 	snop;
	(pc) =	sbr.rel @!p0 .LBB2_13-.Ltmp1, $3  }
0x18: {  	_ =	sdelay $0x1  }
0x19: {  	[sflag:s21] =	ssyncset.done $0x0  }
0x1a: {  	[sflag:s21] =	ssyncadd.s32 $0xFFFFF800  }
.LBB2_1:
0x1b: {  	s6 =	rddreg [dreg:$0x5]  }
0x1c: {  	[tilespmem:s3], [sflag:$0x9] =	stream.linear.gather [hbm4b:s6+s3], $0xC00, $0x38;
	[tilespmem:$0x8000] =	vst v63  }
0x1d: {  	_ =	swait.ge [sflag:s12], $0xC00  }
0x1e: {  	[sflag:s12] =	ssyncset.done $0x0  }
0x1f: {  	s7 =	simm.s32 $0xC00;
	s14 =	rddreg [dreg:$0x6];
	[sflag:s12] =	ssyncadd.s32 $0xFFFFF400  }
0x20: {  	[tilespmem:s7], [sflag:$0x9] =	stream.linear.gather [hbm4b:s14+s3], $0xC00, $0x38;
	[tilespmem:$0x8000] =	vst v63  }
0x21: {  	_ =	swait.ge [sflag:s12], $0xC00  }
0x22: {  	[sflag:s12] =	ssyncset.done $0x0;
	s24 =	rddreg [dreg:$0x7]  }
0x23: {  	s8 =	rddreg [dreg:$0x9];
	[sflag:s12] =	ssyncadd.s32 $0xFFFFF400  }
0x24: {  	[spmem:s15], [sflag:s8] =	dma.local [hbm:s24], $0x500  }
0x25: {  	_ =	swait.ge [sflag:s12], $0x500  }
0x26: {  	[sflag:s12] =	ssyncset.done $0x0  }
0x27: {  	[sflag:s12] =	ssyncadd.s32 $0xFFFFFB00  }
0x28: {  	[bflag:$0x0] =	sbarrier.arrive $0xFFFF  }
0x29: {  	[tilespmem:s17], [sflag:$0x1] =	stream.indirect.gather [spmem:s2], $0x10, s3, s16, $0xb8;
	[tilespmem:$0x8000] =	vst v63  }
0x2a: {  	s8 =	simm.s32 $0x3800  }
0x2b: {  	[tilespmem:s8], [sflag:$0x1] =	stream.indirect.gather [spmem:s2], $0x10, s7, s16, $0xb8;
	[tilespmem:$0x8000] =	vst v63  }
0x2c: {  	_ = 	snop  }
0x2d: {  	[tilespmem:s19], [sflag:$0x2] =	stream.indirect.gather [spmem:s2], $0x10, s16, s16, $0xb8;
	[tilespmem:$0x8000] =	vst v63  }
0x2e: {  	s11 =	simm.s32 $0xC80;
	s13 =	simm.s32 $0x4000  }
0x2f: {  	[tilespmem:s13], [sflag:$0x2] =	stream.indirect.gather [spmem:s2], $0x10, s11, s16, $0xb8;
	[tilespmem:$0x8000] =	vst v63  }
0x30: {  	s14 =	simm.s32 $0x100  }
0x31: {  	[tilespmem:s23], [sflag:$0x3] =	stream.indirect.gather [spmem:s2], $0x10, s14, s16, $0xb8;
	[tilespmem:$0x8000] =	vst v63  }
0x32: {  	s24 =	simm.s32 $0xD00  }
0x33: {  	[tilespmem:s25], [sflag:$0x3] =	stream.indirect.gather [spmem:s2], $0x10, s24, s16, $0xb8;
	[tilespmem:$0x8000] =	vst v63  }
0x34: {  	s24 =	simm.s32 $0x0  }
.LBB2_2:
0x35: {  	_ =	swait.ge [sflag:s26], $0x800  }
0x36: {  	[sflag:s26] =	ssyncset.done $0x0  }
0x37: {  	[sflag:s26] =	ssyncadd.s32 $0xFFFFF800  }
0x38: {  	_ =	swait.ge [sflag:s26], $0x800  }
0x39: {  	[sflag:s26] =	ssyncset.done $0x0  }
0x3a: {  	s6 =	simm.s32 $0x0;
	[sflag:s26] =	ssyncadd.s32 $0xFFFFF800  }
0x3b: {  	s7 =	simm.s32 $0x40;
	v0 =	vld [tilespmem:s6+$0x3800]  }
.LBB2_3:
0x3c: {  	p0 =	sne.s32 s7, $0x1FC0;
	v1 =	vld [tilespmem:s6+$0x1800];
	_ =	sdelay $0x2  }
.Ltmp2:
0x3d: {  	(pc) =	sbr.rel @p0 .LBB2_3-.Ltmp2, $4  }
0x3e: {  	_ = 	snop  }
0x3f: {  	v1 =	vsub.f32 v1, v0  }
0x40: {  	s8 =	sshra.s32 s7, $0x2  }
0x41: {  	s7 =	sadd.s32 $0x40, s7;
	v0 =	vld [tilespmem:s8+$0x3800];
	[tilespmem:s6+$0x1800] =	vst v1;
	s6 =	smov.u32 s8  }
0x42: {  	v1 =	vld [tilespmem:s6+$0x1800];
	_ =	sdelay $0x3  }
0x43: {  	s7 =	sshll.u32 s24, $0x2  }
0x44: {  	s8 =	sadd.s32 s5, s7;
	v0 =	vsub.f32 v1, v0  }
0x45: {  	p0 =	seq.s32 s24, $0x0;
	s8 =	sshll.u32 s8, $0x8  }
0x46: {  	s13 =	sadd.s32 s4, s8;
	s8 =	simm.s32 @!p0 $0x8;
	[tilespmem:s6+$0x1800] =	vst v0  }
0x47: {  	[hbm4b:s13+s3] =	stream.linear.scatter [tilespmem:s17], [sflag:$0x5], $0x800, $0x38;
	[tilespmem:$0x8000] =	vst v63  }
0x48: {  	_ =	swait.ge @!p0 [sflag:s8], $0x800  }
0x49: {  	s6 =	sor.u32 $0x3, s7;
	[sflag:s8] =	ssyncset.done @!p0 $0x0  }
0x4a: {  	s14 =	sshll.u32 s6, $0x7;
	[sflag:s8] =	ssyncadd.s32 @!p0 $0xFFFFF800  }
0x4b: {  	[tilespmem:s28], [sflag:$0x4] =	stream.indirect.gather [spmem:s2], $0x10, s14, s16, $0xb8;
	[tilespmem:$0x8000] =	vst v63  }
0x4c: {  	s8 =	sadd.s32 $0xC00, s14  }
0x4d: {  	[tilespmem:s29], [sflag:$0x4] =	stream.indirect.gather [spmem:s2], $0x10, s8, s16, $0xb8;
	[tilespmem:$0x8000] =	vst v63  }
0x4e: {  	_ =	swait.ge [sflag:s30], $0x800  }
0x4f: {  	[sflag:s30] =	ssyncset.done $0x0  }
0x50: {  	[sflag:s30] =	ssyncadd.s32 $0xFFFFF800  }
0x51: {  	_ =	swait.ge [sflag:s30], $0x800  }
0x52: {  	[sflag:s30] =	ssyncset.done $0x0  }
0x53: {  	s8 =	simm.s32 $0x0;
	[sflag:s30] =	ssyncadd.s32 $0xFFFFF800  }
0x54: {  	s13 =	simm.s32 $0x40;
	v0 =	vld [tilespmem:s8+$0x4000]  }
.LBB2_5:
0x55: {  	p0 =	sne.s32 s13, $0x1FC0;
	v1 =	vld [tilespmem:s8+$0x2000];
	_ =	sdelay $0x2  }
.Ltmp3:
0x56: {  	(pc) =	sbr.rel @p0 .LBB2_5-.Ltmp3, $4  }
0x57: {  	_ = 	snop  }
0x58: {  	v1 =	vsub.f32 v1, v0  }
0x59: {  	s11 =	sshra.s32 s13, $0x2  }
0x5a: {  	s13 =	sadd.s32 $0x40, s13;
	v0 =	vld [tilespmem:s11+$0x4000];
	[tilespmem:s8+$0x2000] =	vst v1;
	s8 =	smov.u32 s11  }
0x5b: {  	v1 =	vld [tilespmem:s8+$0x2000];
	_ =	sdelay $0x3  }
0x5c: {  	s11 =	sadd.s32 s7, s9  }
0x5d: {  	s11 =	sshll.u32 s11, $0x8;
	v0 =	vsub.f32 v1, v0  }
0x5e: {  	s11 =	sand.u32 $0x1FFFFD00, s11  }
0x5f: {  	s14 =	sadd.s32 s4, s11;
	[tilespmem:s8+$0x2000] =	vst v0  }
0x60: {  	[hbm4b:s14+s3] =	stream.linear.scatter [tilespmem:s19], [sflag:$0x6], $0x800, $0x38;
	[tilespmem:$0x8000] =	vst v63  }
0x61: {  	p0 =	seq.s32 s24, $0x4;
	_ =	swait.ge [sflag:s31], $0x800  }
0x62: {  	s13 =	simm.s32 @!p0 $0x80;
	s8 =	sshll.u32 @!p0 s24, $0x9;
	[sflag:s31] =	ssyncset.done $0x0  }
0x63: {  	s11 =	sadd.s32 @!p0 $0x200, s8;
	s14 =	simm.s32 @!p0 $0x1800;
	[sflag:s31] =	ssyncadd.s32 $0xFFFFF800  }
0x64: {  	[tilespmem:s14], [sflag:$0x1] =	stream.indirect.gather @!p0 [spmem:s2], $0x10, s11, s13, $0xb8;
	[tilespmem:$0x8000] =	vst v63  }
0x65: {  	s11 =	sadd.s32 @!p0 $0xE00, s8;
	s14 =	simm.s32 @!p0 $0x3800  }
0x66: {  	[tilespmem:s14], [sflag:$0x1] =	stream.indirect.gather @!p0 [spmem:s2], $0x10, s11, s13, $0xb8;
	[tilespmem:$0x8000] =	vst v63  }
0x67: {  	_ =	swait.ge [sflag:s1], $0x800  }
0x68: {  	[sflag:s1] =	ssyncset.done $0x0  }
0x69: {  	[sflag:s1] =	ssyncadd.s32 $0xFFFFF800  }
0x6a: {  	_ =	swait.ge [sflag:s1], $0x800  }
0x6b: {  	[sflag:s1] =	ssyncset.done $0x0  }
0x6c: {  	s13 =	simm.s32 $0x0;
	[sflag:s1] =	ssyncadd.s32 $0xFFFFF800  }
0x6d: {  	s11 =	simm.s32 $0x40;
	v0 =	vld [tilespmem:s13+$0x4800]  }
.LBB2_7:
0x6e: {  	p1 =	sne.s32 s11, $0x1FC0;
	v1 =	vld [tilespmem:s13+$0x2800];
	_ =	sdelay $0x2  }
.Ltmp4:
0x6f: {  	(pc) =	sbr.rel @p1 .LBB2_7-.Ltmp4, $4  }
0x70: {  	_ = 	snop  }
0x71: {  	v1 =	vsub.f32 v1, v0  }
0x72: {  	s14 =	sshra.s32 s11, $0x2  }
0x73: {  	s11 =	sadd.s32 $0x40, s11;
	v0 =	vld [tilespmem:s14+$0x4800];
	[tilespmem:s13+$0x2800] =	vst v1;
	s13 =	smov.u32 s14  }
0x74: {  	v1 =	vld [tilespmem:s13+$0x2800];
	_ =	sdelay $0x3  }
0x75: {  	s7 =	sadd.s32 s7, s10  }
0x76: {  	s7 =	sshll.u32 s7, $0x8;
	v0 =	vsub.f32 v1, v0  }
0x77: {  	s7 =	sand.u32 $0x1FFFFE00, s7  }
0x78: {  	s7 =	sadd.s32 s4, s7;
	[tilespmem:s13+$0x2800] =	vst v0  }
0x79: {  	[hbm4b:s7+s3] =	stream.linear.scatter [tilespmem:s23], [sflag:$0x7], $0x800, $0x38;
	[tilespmem:$0x8000] =	vst v63  }
0x7a: {  	_ =	swait.ge [sflag:s0], $0x800  }
0x7b: {  	s11 =	simm.s32 @!p0 $0x80;
	[sflag:s0] =	ssyncset.done $0x0  }
0x7c: {  	s13 =	simm.s32 @!p0 $0x2000;
	s7 =	sadd.s32 @!p0 $0x280, s8;
	[sflag:s0] =	ssyncadd.s32 $0xFFFFF800  }
0x7d: {  	[tilespmem:s13], [sflag:$0x2] =	stream.indirect.gather @!p0 [spmem:s2], $0x10, s7, s11, $0xb8;
	[tilespmem:$0x8000] =	vst v63  }
0x7e: {  	s7 =	sadd.s32 @!p0 $0xE80, s8;
	s8 =	simm.s32 @!p0 $0x4000  }
0x7f: {  	[tilespmem:s8], [sflag:$0x2] =	stream.indirect.gather @!p0 [spmem:s2], $0x10, s7, s11, $0xb8;
	[tilespmem:$0x8000] =	vst v63  }
0x80: {  	_ =	swait.ge [sflag:s18], $0x800  }
0x81: {  	[sflag:s18] =	ssyncset.done $0x0  }
0x82: {  	[sflag:s18] =	ssyncadd.s32 $0xFFFFF800  }
0x83: {  	_ =	swait.ge [sflag:s18], $0x800  }
0x84: {  	[sflag:s18] =	ssyncset.done $0x0  }
0x85: {  	s7 =	simm.s32 $0x0;
	[sflag:s18] =	ssyncadd.s32 $0xFFFFF800  }
0x86: {  	s8 =	simm.s32 $0x40;
	v0 =	vld [tilespmem:s7+$0x5000]  }
.LBB2_9:
0x87: {  	p1 =	sne.s32 s8, $0x1FC0;
	v1 =	vld [tilespmem:s7+$0x3000];
	_ =	sdelay $0x2  }
.Ltmp5:
0x88: {  	(pc) =	sbr.rel @p1 .LBB2_9-.Ltmp5, $4  }
0x89: {  	_ = 	snop  }
0x8a: {  	v1 =	vsub.f32 v1, v0  }
0x8b: {  	s11 =	sshra.s32 s8, $0x2  }
0x8c: {  	s8 =	sadd.s32 $0x40, s8;
	v0 =	vld [tilespmem:s11+$0x5000];
	[tilespmem:s7+$0x3000] =	vst v1;
	s7 =	smov.u32 s11  }
0x8d: {  	v1 =	vld [tilespmem:s7+$0x3000];
	_ =	sdelay $0x3  }
0x8e: {  	s6 =	sadd.s32 s5, s6  }
0x8f: {  	s6 =	sshll.u32 s6, $0x8;
	v0 =	vsub.f32 v1, v0  }
0x90: {  	s6 =	sand.u32 $0x1FFFFF00, s6  }
.Ltmp6:
0x91: {  	s6 =	sadd.s32 s4, s6;
	[tilespmem:s7+$0x3000] =	vst v0;
	(pc) =	sbr.rel @p0 .LBB2_12-.Ltmp6, $4  }
0x92: {  	[hbm4b:s6+s3] =	stream.linear.scatter [tilespmem:s28], [sflag:$0x8], $0x800, $0x38;
	[tilespmem:$0x8000] =	vst v63  }
0x93: {  	_ =	swait.ge [sflag:s20], $0x800  }
0x94: {  	[sflag:s20] =	ssyncset.done $0x0  }
0x95: {  	[sflag:s20] =	ssyncadd.s32 $0xFFFFF800  }
.Ltmp7:
0x96: {  	s6 =	sshll.u32 s24, $0x9;
	(pc) =	sbr.rel .LBB2_2-.Ltmp7, $4  }
0x97: {  	s7 =	sadd.s32 $0x300, s6  }
0x98: {  	[tilespmem:s23], [sflag:$0x3] =	stream.indirect.gather [spmem:s2], $0x10, s7, s16, $0xb8;
	[tilespmem:$0x8000] =	vst v63  }
0x99: {  	s24 =	sadd.s32 $0x1, s24;
	s6 =	sadd.s32 $0xF00, s6  }
0x9a: {  	[tilespmem:s25], [sflag:$0x3] =	stream.indirect.gather [spmem:s2], $0x10, s6, s16, $0xb8;
	[tilespmem:$0x8000] =	vst v63  }
.LBB2_13:
0x9b: {  	_ =	sfence.sel $0x180000  }
0x9c: {  	[bflag:$0x0] =	sbarrier.arrive $0xFFFF  }
0x9d: {  	_ =	strace $0x9000004A  }
0x9e: {  	s0 =	stileid.u32;
	[bflag:$0x2] =	sbarrier.arrive $0xFFFF  }
0x9f: {  	p0 =	sne.s32 s0, $0x0;
	s0 =	rddreg [dreg:$0x4]  }
0xa0: {  	s0 =	sadd.s32 @!p0 $0x100000, s0  }
0xa1: {  	[sflag:s0] =	ssyncadd.tile.s32 @!p0 $0x1;
	_ =	shalt  }
.Lfunc_end2:
_tile_overlayer_lowered:
.L_overlay_start_2:
0xa2: {  	(tag) =	ssettag $0x2  }
0xa3: {  	s0 =	rddreg [dreg:$0x0];
	s2 =	stileid.u32  }
0xa4: {  	s1 =	rddreg [dreg:$0x1];
	p0 =	sne.s32 s2, $0x0  }
0xa5: {  	s3 =	rddreg [dreg:$0x2];
	[bflag:$0x3] =	sbarrier.arrive $0xFFFF;
	s2 =	simm.s32 @!p0 $0x1C09  }
0xa6: {  	[timem:s3], [sflag:s2] =	dma.local @!p0 [hbm:s0], s1  }
0xa7: {  	s0 =	simm.s32 @!p0 $0x9  }
0xa8: {  	_ =	swait.ge @!p0 [sflag:s0], s1  }
0xa9: {  	s1 =	ssub.s32 @!p0 $0x0, s1;
	[sflag:s0] =	ssyncset.done @!p0 $0x0  }
0xaa: {  	[sflag:s0] =	ssyncadd.s32 @!p0 s1  }
0xab: {  	[bflag:$0x3] =	sbarrier.arrive $0xFFFF  }
0xac: {  	_ =	shalt  }

// kernel: kernel.21.cloned.1.call-start
scs
__scs_entry_jumppad:
0x0: {  	(pc) =	sbr.rel $0x88, $3  }
0x1: {  	(tag) =	ssettag $0x0;
	lr =	simm.s32 $0x1  }
0x2: {  	[smem:$0x3F86] =	sst lr;
	_ =	strace $0xD0000000  }
0x3: {  	_ = 	snop  }
0x4: {  	_ = 	snop  }
0x5: {  	_ = 	snop  }
0x6: {  	_ = 	snop  }
0x7: {  	_ = 	snop  }
__scs_overlays_trampoline_lowered:
0x8: {  	[smem:$0x3F95] =	sst s0  }
0x9: {  	[smem:$0x3F96] =	sst s1  }
0xa: {  	[smem:$0x3F97] =	sst s2  }
0xb: {  	[smem:$0x3F98] =	sst s3  }
0xc: {  	[smem:$0x3F99] =	sst s4  }
0xd: {  	[smem:$0x3F9A] =	sst s5  }
0xe: {  	[smem:$0x3F9B] =	sst s6  }
0xf: {  	[smem:$0x3F9C] =	sst s7  }
0x10: {  	[smem:$0x3F9D] =	sst s8  }
0x11: {  	[smem:$0x3F9E] =	sst s9;
	s0 =	simm.s32 @!p0 $0x0  }
0x12: {  	s1 =	sld [smem:$0x3F84];
	s0 =	simm.s32 @p0 $0x1  }
0x13: {  	[smem:$0x3F9F] =	sst s0;
	s0 =	simm.s32 @!p1 $0x0  }
0x14: {  	s2 =	sld [smem:$0x3F83];
	s0 =	simm.s32 @p1 $0x1  }
0x15: {  	[smem:$0x3FA0] =	sst s0;
	s0 =	simm.s32 @!p2 $0x0  }
0x16: {  	s3 =	sld [smem:$0x3FDB];
	s0 =	simm.s32 @p2 $0x1  }
0x17: {  	s4 =	simm.s32 $0x1BF5;
	[smem:$0x3FA2] =	sst s0  }
0x18: {  	s0 =	sld [smem:$0x3F85];
	_ =	swait.ge [sflag:s4], $0x0  }
0x19: {  	s7 =	sld [smem:$0x3F86]  }
0x1a: {  	s8 =	sadd.s32 $0xFFFFE003, lr  }
0x1b: {  	s9 =	sadd.s32 $0xFFFFFEF7, lr;
	s5 =	simm.s32 $0xFFFFFFFF;
	p2 =	slt.u32 s8, $0xFFFFF086  }
0x1c: {  	p1 =	slt.u32 s9, $0xF7A;
	s5 =	simm.s32 @!p2 $0x0  }
0x1d: {  	s5 =	simm.s32 @p1 $0x1;
	p0 =	seq.s32 s7, s2  }
0x1e: {  	s7 =	smul.u32 @!p0 $0xF7A, s2;
	p2 =	seq.s32 @!p0 s5, $0x0  }
0x1f: {  	s9 =	smul.u32 $0xF7A, s1;
	s8 =	simm.s32 @!p0 $0x1BF5;
	p2 =	por !p2, p0  }
0x20: {  	[sflag:s8] =	ssyncset.s32 @!p0 $0xFFFFF086;
	s6 =	sadd.s32 @!p0 s3, s7;
	s7 =	simm.s32 @!p0 $0x108  }
0x21: {  	s3 =	sadd.s32 s3, s9;
	s6 =	sadd.s32 @!p0 $0x88, s6;
	s7 =	simm.s32 @p2 $0x1082  }
0x22: {  	[simem:s7], [sflag:s8] =	dma.local @!p0 [hbm:s6], $0xF7A  }
0x23: {  	s9 =	sor.u32 $0xD0000000, s2;
	s6 =	simm.s32 $0x108;
	_ =	swait.ge @!p0 [sflag:s8], $0x0  }
0x24: {  	s3 =	sadd.s32 $0x88, s3;
	s6 =	simm.s32 @!p1 $0x1082;
	[sflag:s4] =	ssyncset.s32 $0xFFFFF086  }
0x25: {  	[simem:s6], [sflag:s4] =	dma.local [hbm:s3], $0xF7A  }
0x26: {  	[smem:$0x3F86] =	sst s1;
	(tag) =	ssettag s2;
	_ =	strace s9  }
0x27: {  	s1 =	sld [smem:$0x3F96]  }
0x28: {  	s2 =	sld [smem:$0x3F97]  }
0x29: {  	s4 =	sld [smem:$0x3F99]  }
0x2a: {  	p0 =	seq.s32 s5, $0x0;
	s5 =	sld [smem:$0x3F9A]  }
0x2b: {  	s6 =	sld [smem:$0x3F9B]  }
0x2c: {  	s7 =	sld [smem:$0x3F9C]  }
0x2d: {  	s3 =	simm.s32 $0x108;
	s8 =	sld [smem:$0x3F9D]  }
0x2e: {  	s3 =	simm.s32 @!p0 $0x1082;
	s9 =	sld [smem:$0x3F9E]  }
0x2f: {  	lr =	sadd.s32 s0, s3;
	s0 =	sld [smem:$0x3F95]  }
0x30: {  	s3 =	sld [smem:$0x3F98]  }
0x31: {  	[smem:$0x3FA1] =	sst s10  }
0x32: {  	s10 =	sld [smem:$0x3F9F];
	_ =	sdelay $0x3  }
0x33: {  	p0 =	seq.s32 s10, $0x1;
	s10 =	sld [smem:$0x3FA1];
	_ =	sdelay $0x3  }
0x34: {  	[smem:$0x3FA1] =	sst s10  }
0x35: {  	s10 =	sld [smem:$0x3FA0];
	_ =	sdelay $0x3  }
0x36: {  	p1 =	seq.s32 s10, $0x1;
	s10 =	sld [smem:$0x3FA1];
	_ =	sdelay $0x3  }
0x37: {  	[smem:$0x3FA1] =	sst s10  }
0x38: {  	s10 =	sld [smem:$0x3FA2]  }
0x39: {  	_ = 	snop;
	(pc) =	sbr.ind lr, $3  }
0x3a: {  	_ = 	snop  }
0x3b: {  	_ = 	snop  }
0x3c: {  	p2 =	seq.s32 s10, $0x1;
	s10 =	sld [smem:$0x3FA1]  }
0x3d: {  	_ =	shalt  }
0x3e: {  	_ =	shalt  }
0x3f: {  	_ =	shalt  }
0x40: {  	_ =	shalt  }
0x41: {  	_ =	shalt  }
0x42: {  	_ =	shalt  }
0x43: {  	_ =	shalt  }
0x44: {  	_ =	shalt  }
0x45: {  	_ =	shalt  }
0x46: {  	_ =	shalt  }
0x47: {  	_ =	shalt  }
0x48: {  	_ =	shalt  }
0x49: {  	_ =	shalt  }
0x4a: {  	_ =	shalt  }
0x4b: {  	_ =	shalt  }
0x4c: {  	_ =	shalt  }
0x4d: {  	_ =	shalt  }
0x4e: {  	_ =	shalt  }
0x4f: {  	_ =	shalt  }
0x50: {  	_ =	shalt  }
0x51: {  	_ =	shalt  }
0x52: {  	_ =	shalt  }
0x53: {  	_ =	shalt  }
0x54: {  	_ =	shalt  }
0x55: {  	_ =	shalt  }
0x56: {  	_ =	shalt  }
0x57: {  	_ =	shalt  }
0x58: {  	_ =	shalt  }
0x59: {  	_ =	shalt  }
0x5a: {  	_ =	shalt  }
0x5b: {  	_ =	shalt  }
0x5c: {  	_ =	shalt  }
0x5d: {  	_ =	shalt  }
0x5e: {  	_ =	shalt  }
0x5f: {  	_ =	shalt  }
0x60: {  	_ =	shalt  }
0x61: {  	_ =	shalt  }
0x62: {  	_ =	shalt  }
0x63: {  	_ =	shalt  }
0x64: {  	_ =	shalt  }
0x65: {  	_ =	shalt  }
0x66: {  	_ =	shalt  }
0x67: {  	_ =	shalt  }
0x68: {  	_ =	shalt  }
0x69: {  	_ =	shalt  }
0x6a: {  	_ =	shalt  }
0x6b: {  	_ =	shalt  }
0x6c: {  	_ =	shalt  }
0x6d: {  	_ =	shalt  }
0x6e: {  	_ =	shalt  }
0x6f: {  	_ =	shalt  }
0x70: {  	_ =	shalt  }
0x71: {  	_ =	shalt  }
0x72: {  	_ =	shalt  }
0x73: {  	_ =	shalt  }
0x74: {  	_ =	shalt  }
0x75: {  	_ =	shalt  }
0x76: {  	_ =	shalt  }
0x77: {  	_ =	shalt  }
0x78: {  	_ =	shalt  }
0x79: {  	_ =	shalt  }
0x7a: {  	_ =	shalt  }
0x7b: {  	_ =	shalt  }
0x7c: {  	_ =	shalt  }
0x7d: {  	_ =	shalt  }
0x7e: {  	_ =	shalt  }
0x7f: {  	_ =	shalt  }
0x80: {  	_ =	shalt  }
0x81: {  	_ =	shalt  }
0x82: {  	_ =	shalt  }
0x83: {  	_ =	shalt  }
0x84: {  	_ =	shalt  }
0x85: {  	_ =	shalt  }
0x86: {  	_ =	shalt  }
0x87: {  	_ =	shalt  }
.Lfunc_end0:
.L_simem_size_0:
called_computation.2_lowered:
.L_overlay_start_0:
0x88: {  	s2 =	sld [smem:$0x3FD9]  }
0x89: {  	s3 =	sld [smem:$0x3FFE];
	_ =	sdelay $0x1  }
0x8a: {  	s1 =	srdreg.scid  }
0x8b: {  	s0 =	sand.u32 $0x1, s1  }
0x8c: {  	s17 =	sshll.u32 s0, $0xA;
	s2 =	sadd.s32 s3, s2  }
0x8d: {  	s2 =	sadd.s32 s2, s17  }
0x8e: {  	[smem:$0x3FAD] =	sst s2  }
0x8f: {  	_ = 	snop  }
0x90: {  	(tm) =	ssettm $0x1  }
0x91: {  	s18 =	sld [smem:$0x3FFB];
	_ =	sdelay $0x3  }
0x92: {  	_ =	strace s18  }
0x93: {  	s2 =	sld [smem:$0x3FFC];
	_ =	sdelay $0x3  }
0x94: {  	_ =	strace s2  }
0x95: {  	s2 =	sld [smem:$0x3FFD];
	_ =	sdelay $0x3  }
0x96: {  	_ =	strace s2  }
0x97: {  	_ =	strace $0x8FFFFFFF  }
0x98: {  	s19 =	sld [smem:$0x3FDB];
	_ =	sdelay $0x1  }
0x99: {  	s20 =	simm.s32 $_scs_section_size  }
0x9a: {  	s4 =	simm.s32 $_size__tile_overlayer_lowered;
	s5 =	simm.s32 $_tile_overlayer_lowered  }
0x9b: {  	s6 =	simm.s32 $0x1BFF;
	s21 =	sshll.u32 s5, $0x1;
	s3 =	sadd.s32 s20, s19  }
0x9c: {  	s22 =	simm.s32 $0x0;
	s4 =	sshll.u32 s4, $0x1;
	s5 =	sadd.s32 s21, s3  }
0x9d: {  	[timem:s22], [sflag:s6] =	dma.local [hbm:s5], s4  }
0x9e: {  	_ =	swait.ge [sflag:s6], s4  }
0x9f: {  	s4 =	ssub.s32 $0x0, s4;
	[sflag:s6] =	ssyncset.done $0x0  }
0xa0: {  	[sflag:s6] =	ssyncadd.s32 s4;
	_ =	sdelay $0x1  }
0xa1: {  	s23 =	simm.s32 $0x1B8B  }
0xa2: {  	_ =	swait.ge [sflag:s23], $0x1  }
0xa3: {  	[sflag:s23] =	ssyncset.done $0x0  }
0xa4: {  	[sflag:s23] =	ssyncadd.s32 $0xFFFFFFFF  }
0xa5: {  	s4 =	sld [smem:$0x0]  }
0xa6: {  	s5 =	sand.u32 $0xFFFFFFFE, s1  }
0xa7: {  	p0 =	sne.s32 s1, s5  }
0xa8: {  	s5 =	sshll.u32 @p0 s5, $0xE  }
0xa9: {  	s5 =	sadd.s32 @p0 $0x11B8D, s5;
	s6 =	sshll.u32 @p0 s4, $0x11  }
0xaa: {  	s5 =	sor.u32 @p0 s6, s5  }
0xab: {  	[sflag:s5] =	ssyncadd.remote.s32 @p0 $0x1;
	_ =	sdelay $0x1  }
0xac: {  	s5 =	simm.s32 @p0 $0x1B8D  }
0xad: {  	_ =	swait.eq @p0 [sflag:s5], $0x1  }
0xae: {  	[sflag:s5] =	ssyncadd.s32 @p0 $0xFFFFFFFF  }
0xaf: {  	s6 =	sshll.u32 @!p0 s1, $0xE  }
0xb0: {  	s6 =	sor.u32 @!p0 $0x4000, s6;
	s5 =	simm.s32 @!p0 $0x1B8D  }
0xb1: {  	s4 =	sshll.u32 @!p0 s4, $0x11;
	s6 =	sadd.s32 @!p0 $0x11B8D, s6;
	_ =	swait.eq @!p0 [sflag:s5], $0x1  }
0xb2: {  	s4 =	sor.u32 @!p0 s4, s6;
	[sflag:s5] =	ssyncadd.s32 @!p0 $0xFFFFFFFF  }
0xb3: {  	s25 =	simm.s32 $0x1B8E;
	s24 =	sld [smem:$0x3FFE];
	[sflag:s4] =	ssyncadd.remote.s32 @!p0 $0x1  }
0xb4: {  	s26 =	simm.s32 $execute0_lowered;
	[smem:$0x3FD2] =	sst s25  }
0xb5: {  	s5 =	sshll.u32 s26, $0x1;
	_ =	strace $0x8000004C;
	[dreg:$0x1] =	wrdreg $0xFFFFFFFF  }
0xb6: {  	s28 =	simm.s32 $_size_execute0_lowered;
	s3 =	sadd.s32 s3, s5;
	[dreg:$0x0] =	wrdreg $0x0  }
0xb7: {  	s5 =	sshll.u32 s28, $0x1;
	[dreg:$0x2] =	wrdreg s3  }
0xb8: {  	[dreg:$0x3] =	wrdreg s5  }
0xb9: {  	[dreg:$0x4] =	wrdreg $0xC0  }
0xba: {  	_ =	task [dreg:s22], $0x5FFFF  }
0xbb: {  	[dreg:$0x1] =	wrdreg $0xFFFFFFFF  }
0xbc: {  	[dreg:$0x0] =	wrdreg $0x60  }
0xbd: {  	[dreg:$0x2] =	wrdreg s24  }
0xbe: {  	[dreg:$0x3] =	wrdreg $0x98000  }
0xbf: {  	[dreg:$0x4] =	wrdreg $0xB  }
0xc0: {  	_ =	task.clear_ibuf [dreg:s22], $0x5FFFF;
	_ =	strace $0x9000004C  }
0xc1: {  	s29 =	simm.s32 $0xB;
	_ =	strace $0x8000004E  }
0xc2: {  	_ =	swait.ge [sflag:s29], $0x1  }
0xc3: {  	[sflag:s29] =	ssyncadd.s32 $0xFFFFFFFF  }
0xc4: {  	_ =	strace $0x9000004E  }
0xc5: {  	_ =	sfence  }
0xc6: {  	s30 =	sld [smem:$0x0];
	_ =	sdelay $0x2  }
0xc7: {  	s31 =	sshll.u32 s1, $0xD;
	s1 =	sshrl.u32 s1, $0x2  }
0xc8: {  	s4 =	sand.u32 $0x4000, s31;
	s1 =	sadd.s32 s1, s30  }
0xc9: {  	s0 =	sor.u32 s4, s0;
	s1 =	sshll.u32 s1, $0x11  }
0xca: {  	s0 =	sor.u32 s1, s0  }
0xcb: {  	s0 =	sadd.s32 $0x8F2B, s0  }
0xcc: {  	[sflag:s0] =	ssyncadd.remote.s32 $0x1  }
0xcd: {  	_ =	sfence.sel $0xFFFF  }
0xce: {  	[dreg:$0x0] =	wrdreg $0xFFFFFFFF;
	(pc) =	sbr.abs _section_cstart, $3  }
0xcf: {  	[dreg:$0x1] =	wrdreg $0xFFFFFFFF  }
0xd0: {  	_ =	task.clear_ibuf [dreg:s22], $0x2FFFF;
	_ =	strace $0x9FFFFFFF  }
0xd1: {  	(tm) =	ssettm $0x7FFFFFFF  }
tec
execute0_lowered:
.L_overlay_start_1:
0x0: {  	(tag) =	ssettag $0x1  }
0x1: {  	s4 =	rddreg [dreg:$0x0]  }
0x2: {  	s2 =	rddreg [dreg:$0x1]  }
0x3: {  	s1 =	stileid.u32;
	s3 =	srdreg.scid  }
0x4: {  	s0 =	rddreg [dreg:$0x2];
	s17 =	simm.s32 $0x1800;
	s18 =	simm.s32 $0x1  }
0x5: {  	s19 =	simm.s32 $0x5800;
	s20 =	simm.s32 $0x2;
	s21 =	simm.s32 $0x3  }
0x6: {  	s22 =	simm.s32 $0x4;
	s23 =	simm.s32 $0x0;
	s8 =	sand.u32 $0x1, s3  }
0x7: {  	s5 =	sshll.u32 s1, $0x1;
	s3 =	simm.s32 $0x0;
	s6 =	smul.u32 $0x2800, s1  }
0x8: {  	s11 =	smul.u32 $0x50000, s1;
	s12 =	sadd.s32 $0xB0800, s4;
	s13 =	sadd.s32 $0x1F0800, s4  }
0x9: {  	s29 =	smul.u32 $0x14000, s1;
	s31 =	sshll.u32 s1, $0x6;
	s5 =	sor.u32 s8, s5  }
0xa: {  	[smem:$0x7FF] =	sst s3;
	s9 =	ssub.s32 $0x2, s8;
	s14 =	smul.u32 $0xA000, s8  }
0xb: {  	s7 =	smul.u32 $0x180, s5;
	_ =	strace $0x8000004D;
	s6 =	sadd.s32 s6, s4  }
0xc: {  	s10 =	sshrl.u32 s9, $0x1;
	s26 =	sshrl.u32 s11, $0x2;
	s28 =	smul.u32 $0xA000, s5  }
0xd: {  	s16 =	sadd.s32 s29, s13;
	s9 =	ssub.s32 s9, s10;
	s15 =	sadd.s32 s26, s2  }
0xe: {  	s6 =	sadd.s32 $0x88800, s6;
	s10 =	sadd.s32 s29, s12;
	s30 =	sadd.s32 s14, s16  }
.Ltmp0:
0xf: {  	s16 =	simm.s32 $0x80;
	s7 =	sadd.s32 s7, s4;
	(pc) =	sbr.rel .LBB2_1-.Ltmp0, $4  }
0x10: {  	s8 =	sadd.s32 s12, s28;
	s12 =	sadd.s32 s14, s10;
	s10 =	sadd.s32 $0x800, s30  }
0x11: {  	s14 =	sor.u32 $0x1C05, s31;
	s15 =	sshrl.u32 s15, $0x3;
	s4 =	sadd.s32 $0x7800, s7  }
0x12: {  	s5 =	sadd.s32 $0x32800, s7;
	s7 =	smax.u32 s9, $0x1;
	s9 =	sadd.s32 s13, s28  }
0x13: {  	s11 =	sadd.s32 $0x800, s12;
	s12 =	simm.s32 $0x5;
	s13 =	simm.s32 $0xC00  }
.LBB2_4:
0x14: {  	s23 =	sadd.s32 $0x1, s23  }
0x15: {  	p0 =	sne.s32 s23, s7  }
.Ltmp1:
0x16: {  	_ = 	snop;
	(pc) =	sbr.rel @!p0 .LBB2_5-.Ltmp1, $4  }
0x17: {  	_ = 	snop  }
0x18: {  	_ =	swait.ge [sflag:s22], $0x4000  }
0x19: {  	[sflag:s22] =	ssyncset.done $0x0  }
0x1a: {  	[sflag:s22] =	ssyncadd.s32 $0xFFFFC000  }
.LBB2_1:
0x1b: {  	[tilespmem:s3], [sflag:$0x5] =	stream.linear.gather [hbm4b:s4+s3], $0xC00, $0x38;
	[tilespmem:$0x1D800] =	vst v63  }
0x1c: {  	_ =	swait.ge [sflag:s12], $0xC00  }
0x1d: {  	[sflag:s12] =	ssyncset.done $0x0  }
0x1e: {  	[sflag:s12] =	ssyncadd.s32 $0xFFFFF400  }
0x1f: {  	[tilespmem:s13], [sflag:$0x5] =	stream.linear.gather [hbm4b:s5+s3], $0xC00, $0x38;
	[tilespmem:$0x1D800] =	vst v63  }
0x20: {  	_ =	swait.ge [sflag:s12], $0xC00  }
0x21: {  	[sflag:s12] =	ssyncset.done $0x0  }
0x22: {  	[sflag:s12] =	ssyncadd.s32 $0xFFFFF400  }
0x23: {  	[spmem:s15], [sflag:s14] =	dma.local [hbm:s6], $0x2800  }
0x24: {  	_ =	swait.ge [sflag:s12], $0x2800  }
0x25: {  	[sflag:s12] =	ssyncset.done $0x0  }
0x26: {  	[sflag:s12] =	ssyncadd.s32 $0xFFFFD800  }
0x27: {  	[bflag:$0x0] =	sbarrier.arrive $0xFFFF  }
0x28: {  	[tilespmem:s17], [sflag:$0x1] =	stream.indirect.gather [spmem:s2], $0x80, s3, s16, $0xb8;
	[tilespmem:$0x1D800] =	vst v63  }
0x29: {  	_ =	swait.ge [sflag:s18], $0x4000  }
0x2a: {  	[sflag:s18] =	ssyncset.done $0x0  }
0x2b: {  	[sflag:s18] =	ssyncadd.s32 $0xFFFFC000  }
0x2c: {  	[hbm4b:s8+s3] =	stream.linear.scatter [tilespmem:s17], [sflag:$0x3], $0x4000, $0x38;
	[tilespmem:$0x1D800] =	vst v63  }
0x2d: {  	_ = 	snop  }
0x2e: {  	[tilespmem:s19], [sflag:$0x2] =	stream.indirect.gather [spmem:s2], $0x80, s13, s16, $0xb8;
	[tilespmem:$0x1D800] =	vst v63  }
0x2f: {  	_ =	swait.ge [sflag:s20], $0x4000  }
0x30: {  	[sflag:s20] =	ssyncset.done $0x0  }
0x31: {  	[sflag:s20] =	ssyncadd.s32 $0xFFFFC000  }
0x32: {  	[hbm4b:s9+s3] =	stream.linear.scatter [tilespmem:s19], [sflag:$0x4], $0x4000, $0x38;
	[tilespmem:$0x1D800] =	vst v63  }
0x33: {  	_ =	swait.ge [sflag:s21], $0x4000  }
0x34: {  	s24 =	smov.u32 s11;
	[sflag:s21] =	ssyncset.done $0x0  }
0x35: {  	s25 =	smov.u32 s10;
	s26 =	simm.s32 $0x0;
	[sflag:s21] =	ssyncadd.s32 $0xFFFFC000  }
0x36: {  	[tilespmem:s17], [sflag:$0x1] =	stream.indirect.gather [spmem:s2], $0x80, s16, s16, $0xb8;
	[tilespmem:$0x1D800] =	vst v63  }
.LBB2_2:
0x37: {  	_ =	swait.ge [sflag:s18], $0x4000  }
0x38: {  	[sflag:s18] =	ssyncset.done $0x0  }
0x39: {  	[sflag:s18] =	ssyncadd.s32 $0xFFFFC000  }
0x3a: {  	[hbm4b:s24+s3] =	stream.linear.scatter [tilespmem:s17], [sflag:$0x3], $0x4000, $0x38;
	[tilespmem:$0x1D800] =	vst v63  }
0x3b: {  	_ =	swait.ge [sflag:s22], $0x4000  }
0x3c: {  	s28 =	sshra.s32 s26, $0x2;
	[sflag:s22] =	ssyncset.done $0x0  }
0x3d: {  	s29 =	sadd.s32 $0xC80, s28;
	[sflag:s22] =	ssyncadd.s32 $0xFFFFC000  }
0x3e: {  	[tilespmem:s19], [sflag:$0x2] =	stream.indirect.gather [spmem:s2], $0x80, s29, s16, $0xb8;
	[tilespmem:$0x1D800] =	vst v63  }
0x3f: {  	_ =	swait.ge [sflag:s20], $0x4000  }
0x40: {  	p0 =	seq.s32 s26, $0x2400;
	[sflag:s20] =	ssyncset.done $0x0  }
.Ltmp2:
0x41: {  	[sflag:s20] =	ssyncadd.s32 $0xFFFFC000;
	(pc) =	sbr.rel @p0 .LBB2_4-.Ltmp2, $4  }
0x42: {  	[hbm4b:s25+s3] =	stream.linear.scatter [tilespmem:s19], [sflag:$0x4], $0x4000, $0x38;
	[tilespmem:$0x1D800] =	vst v63  }
0x43: {  	_ =	swait.ge [sflag:s21], $0x4000  }
0x44: {  	[sflag:s21] =	ssyncset.done $0x0  }
0x45: {  	[sflag:s21] =	ssyncadd.s32 $0xFFFFC000  }
.Ltmp3:
0x46: {  	(pc) =	sbr.rel .LBB2_2-.Ltmp3, $4  }
0x47: {  	_ = 	snop  }
0x48: {  	s28 =	sadd.s32 $0x100, s28  }
0x49: {  	s26 =	sadd.s32 $0x200, s26;
	s25 =	sadd.s32 $0x800, s25;
	s24 =	sadd.s32 $0x800, s24  }
0x4a: {  	[tilespmem:s17], [sflag:$0x1] =	stream.indirect.gather [spmem:s2], $0x80, s28, s16, $0xb8;
	[tilespmem:$0x1D800] =	vst v63  }
.LBB2_5:
0x4b: {  	_ =	sfence.sel $0x180000  }
0x4c: {  	[bflag:$0x0] =	sbarrier.arrive $0xFFFF  }
0x4d: {  	p0 =	sne.s32 s1, $0x0;
	_ =	strace $0x9000004D  }
0x4e: {  	s0 =	sadd.s32 @!p0 $0x100000, s0;
	[bflag:$0x2] =	sbarrier.arrive $0xFFFF  }
0x4f: {  	[sflag:s0] =	ssyncadd.tile.s32 @!p0 $0x1;
	_ =	shalt  }
.Lfunc_end2:
_tile_overlayer_lowered:
.L_overlay_start_2:
0x50: {  	(tag) =	ssettag $0x2  }
0x51: {  	s0 =	rddreg [dreg:$0x0];
	s2 =	stileid.u32  }
0x52: {  	s1 =	rddreg [dreg:$0x1];
	p0 =	sne.s32 s2, $0x0  }
0x53: {  	s3 =	rddreg [dreg:$0x2];
	[bflag:$0x3] =	sbarrier.arrive $0xFFFF;
	s2 =	simm.s32 @!p0 $0x1C05  }
0x54: {  	[timem:s3], [sflag:s2] =	dma.local @!p0 [hbm:s0], s1  }
0x55: {  	s0 =	simm.s32 @!p0 $0x5  }
0x56: {  	_ =	swait.ge @!p0 [sflag:s0], s1  }
0x57: {  	s1 =	ssub.s32 @!p0 $0x0, s1;
	[sflag:s0] =	ssyncset.done @!p0 $0x0  }
0x58: {  	[sflag:s0] =	ssyncadd.s32 @!p0 s1  }
0x59: {  	[bflag:$0x3] =	sbarrier.arrive $0xFFFF  }
0x5a: {  	_ =	shalt  }

// kernel: kernel.24.cloned.1.call-start
scs
__scs_entry_jumppad:
0x0: {  	(pc) =	sbr.rel $0x88, $3  }
0x1: {  	(tag) =	ssettag $0x0;
	lr =	simm.s32 $0x1  }
0x2: {  	[smem:$0x3F86] =	sst lr;
	_ =	strace $0xD0000000  }
0x3: {  	_ = 	snop  }
0x4: {  	_ = 	snop  }
0x5: {  	_ = 	snop  }
0x6: {  	_ = 	snop  }
0x7: {  	_ = 	snop  }
__scs_overlays_trampoline_lowered:
0x8: {  	[smem:$0x3F95] =	sst s0  }
0x9: {  	[smem:$0x3F96] =	sst s1  }
0xa: {  	[smem:$0x3F97] =	sst s2  }
0xb: {  	[smem:$0x3F98] =	sst s3  }
0xc: {  	[smem:$0x3F99] =	sst s4  }
0xd: {  	[smem:$0x3F9A] =	sst s5  }
0xe: {  	[smem:$0x3F9B] =	sst s6  }
0xf: {  	[smem:$0x3F9C] =	sst s7  }
0x10: {  	[smem:$0x3F9D] =	sst s8  }
0x11: {  	[smem:$0x3F9E] =	sst s9;
	s0 =	simm.s32 @!p0 $0x0  }
0x12: {  	s1 =	sld [smem:$0x3F84];
	s0 =	simm.s32 @p0 $0x1  }
0x13: {  	[smem:$0x3F9F] =	sst s0;
	s0 =	simm.s32 @!p1 $0x0  }
0x14: {  	s2 =	sld [smem:$0x3F83];
	s0 =	simm.s32 @p1 $0x1  }
0x15: {  	[smem:$0x3FA0] =	sst s0;
	s0 =	simm.s32 @!p2 $0x0  }
0x16: {  	s3 =	sld [smem:$0x3FDB];
	s0 =	simm.s32 @p2 $0x1  }
0x17: {  	s4 =	simm.s32 $0x1BF5;
	[smem:$0x3FA2] =	sst s0  }
0x18: {  	s0 =	sld [smem:$0x3F85];
	_ =	swait.ge [sflag:s4], $0x0  }
0x19: {  	s7 =	sld [smem:$0x3F86]  }
0x1a: {  	s8 =	sadd.s32 $0xFFFFE003, lr  }
0x1b: {  	s9 =	sadd.s32 $0xFFFFFEF7, lr;
	s5 =	simm.s32 $0xFFFFFFFF;
	p2 =	slt.u32 s8, $0xFFFFF086  }
0x1c: {  	p1 =	slt.u32 s9, $0xF7A;
	s5 =	simm.s32 @!p2 $0x0  }
0x1d: {  	s5 =	simm.s32 @p1 $0x1;
	p0 =	seq.s32 s7, s2  }
0x1e: {  	s7 =	smul.u32 @!p0 $0xF7A, s2;
	p2 =	seq.s32 @!p0 s5, $0x0  }
0x1f: {  	s9 =	smul.u32 $0xF7A, s1;
	s8 =	simm.s32 @!p0 $0x1BF5;
	p2 =	por !p2, p0  }
0x20: {  	[sflag:s8] =	ssyncset.s32 @!p0 $0xFFFFF086;
	s6 =	sadd.s32 @!p0 s3, s7;
	s7 =	simm.s32 @!p0 $0x108  }
0x21: {  	s3 =	sadd.s32 s3, s9;
	s6 =	sadd.s32 @!p0 $0x88, s6;
	s7 =	simm.s32 @p2 $0x1082  }
0x22: {  	[simem:s7], [sflag:s8] =	dma.local @!p0 [hbm:s6], $0xF7A  }
0x23: {  	s9 =	sor.u32 $0xD0000000, s2;
	s6 =	simm.s32 $0x108;
	_ =	swait.ge @!p0 [sflag:s8], $0x0  }
0x24: {  	s3 =	sadd.s32 $0x88, s3;
	s6 =	simm.s32 @!p1 $0x1082;
	[sflag:s4] =	ssyncset.s32 $0xFFFFF086  }
0x25: {  	[simem:s6], [sflag:s4] =	dma.local [hbm:s3], $0xF7A  }
0x26: {  	[smem:$0x3F86] =	sst s1;
	(tag) =	ssettag s2;
	_ =	strace s9  }
0x27: {  	s1 =	sld [smem:$0x3F96]  }
0x28: {  	s2 =	sld [smem:$0x3F97]  }
0x29: {  	s4 =	sld [smem:$0x3F99]  }
0x2a: {  	p0 =	seq.s32 s5, $0x0;
	s5 =	sld [smem:$0x3F9A]  }
0x2b: {  	s6 =	sld [smem:$0x3F9B]  }
0x2c: {  	s7 =	sld [smem:$0x3F9C]  }
0x2d: {  	s3 =	simm.s32 $0x108;
	s8 =	sld [smem:$0x3F9D]  }
0x2e: {  	s3 =	simm.s32 @!p0 $0x1082;
	s9 =	sld [smem:$0x3F9E]  }
0x2f: {  	lr =	sadd.s32 s0, s3;
	s0 =	sld [smem:$0x3F95]  }
0x30: {  	s3 =	sld [smem:$0x3F98]  }
0x31: {  	[smem:$0x3FA1] =	sst s10  }
0x32: {  	s10 =	sld [smem:$0x3F9F];
	_ =	sdelay $0x3  }
0x33: {  	p0 =	seq.s32 s10, $0x1;
	s10 =	sld [smem:$0x3FA1];
	_ =	sdelay $0x3  }
0x34: {  	[smem:$0x3FA1] =	sst s10  }
0x35: {  	s10 =	sld [smem:$0x3FA0];
	_ =	sdelay $0x3  }
0x36: {  	p1 =	seq.s32 s10, $0x1;
	s10 =	sld [smem:$0x3FA1];
	_ =	sdelay $0x3  }
0x37: {  	[smem:$0x3FA1] =	sst s10  }
0x38: {  	s10 =	sld [smem:$0x3FA2]  }
0x39: {  	_ = 	snop;
	(pc) =	sbr.ind lr, $3  }
0x3a: {  	_ = 	snop  }
0x3b: {  	_ = 	snop  }
0x3c: {  	p2 =	seq.s32 s10, $0x1;
	s10 =	sld [smem:$0x3FA1]  }
0x3d: {  	_ =	shalt  }
0x3e: {  	_ =	shalt  }
0x3f: {  	_ =	shalt  }
0x40: {  	_ =	shalt  }
0x41: {  	_ =	shalt  }
0x42: {  	_ =	shalt  }
0x43: {  	_ =	shalt  }
0x44: {  	_ =	shalt  }
0x45: {  	_ =	shalt  }
0x46: {  	_ =	shalt  }
0x47: {  	_ =	shalt  }
0x48: {  	_ =	shalt  }
0x49: {  	_ =	shalt  }
0x4a: {  	_ =	shalt  }
0x4b: {  	_ =	shalt  }
0x4c: {  	_ =	shalt  }
0x4d: {  	_ =	shalt  }
0x4e: {  	_ =	shalt  }
0x4f: {  	_ =	shalt  }
0x50: {  	_ =	shalt  }
0x51: {  	_ =	shalt  }
0x52: {  	_ =	shalt  }
0x53: {  	_ =	shalt  }
0x54: {  	_ =	shalt  }
0x55: {  	_ =	shalt  }
0x56: {  	_ =	shalt  }
0x57: {  	_ =	shalt  }
0x58: {  	_ =	shalt  }
0x59: {  	_ =	shalt  }
0x5a: {  	_ =	shalt  }
0x5b: {  	_ =	shalt  }
0x5c: {  	_ =	shalt  }
0x5d: {  	_ =	shalt  }
0x5e: {  	_ =	shalt  }
0x5f: {  	_ =	shalt  }
0x60: {  	_ =	shalt  }
0x61: {  	_ =	shalt  }
0x62: {  	_ =	shalt  }
0x63: {  	_ =	shalt  }
0x64: {  	_ =	shalt  }
0x65: {  	_ =	shalt  }
0x66: {  	_ =	shalt  }
0x67: {  	_ =	shalt  }
0x68: {  	_ =	shalt  }
0x69: {  	_ =	shalt  }
0x6a: {  	_ =	shalt  }
0x6b: {  	_ =	shalt  }
0x6c: {  	_ =	shalt  }
0x6d: {  	_ =	shalt  }
0x6e: {  	_ =	shalt  }
0x6f: {  	_ =	shalt  }
0x70: {  	_ =	shalt  }
0x71: {  	_ =	shalt  }
0x72: {  	_ =	shalt  }
0x73: {  	_ =	shalt  }
0x74: {  	_ =	shalt  }
0x75: {  	_ =	shalt  }
0x76: {  	_ =	shalt  }
0x77: {  	_ =	shalt  }
0x78: {  	_ =	shalt  }
0x79: {  	_ =	shalt  }
0x7a: {  	_ =	shalt  }
0x7b: {  	_ =	shalt  }
0x7c: {  	_ =	shalt  }
0x7d: {  	_ =	shalt  }
0x7e: {  	_ =	shalt  }
0x7f: {  	_ =	shalt  }
0x80: {  	_ =	shalt  }
0x81: {  	_ =	shalt  }
0x82: {  	_ =	shalt  }
0x83: {  	_ =	shalt  }
0x84: {  	_ =	shalt  }
0x85: {  	_ =	shalt  }
0x86: {  	_ =	shalt  }
0x87: {  	_ =	shalt  }
.Lfunc_end0:
.L_simem_size_0:
called_computation.3_lowered:
.L_overlay_start_0:
0x88: {  	s2 =	sld [smem:$0x3FD9]  }
0x89: {  	s3 =	sld [smem:$0x3FFE];
	_ =	sdelay $0x1  }
0x8a: {  	s1 =	srdreg.scid  }
0x8b: {  	s0 =	sand.u32 $0x1, s1  }
0x8c: {  	s14 =	sshll.u32 s0, $0xA;
	s2 =	sadd.s32 s3, s2  }
0x8d: {  	s2 =	sadd.s32 s2, s14  }
0x8e: {  	[smem:$0x3FAD] =	sst s2  }
0x8f: {  	_ = 	snop  }
0x90: {  	s2 =	sld [smem:$0x3FD0];
	_ =	sdelay $0x2  }
0x91: {  	s15 =	simm.s32 $0xD;
	s4 =	simm.s32 $0x10  }
0x92: {  	[smem:s4], [sflag:s15] =	dma.local [hbm:s2], $0x1  }
0x93: {  	_ =	swait.eq [sflag:s15], $0x1  }
0x94: {  	[sflag:s15] =	ssyncset.done $0x0  }
0x95: {  	[sflag:s15] =	ssyncadd.s32 $0xFFFFFFFF  }
0x96: {  	s16 =	sld [smem:$0x10];
	(tm) =	ssettm $0x1  }
0x97: {  	s17 =	sld [smem:$0x3FFB];
	_ =	sdelay $0x3  }
0x98: {  	_ =	strace s17  }
0x99: {  	s3 =	sld [smem:$0x3FFC];
	_ =	sdelay $0x3  }
0x9a: {  	_ =	strace s3  }
0x9b: {  	s3 =	sld [smem:$0x3FFD];
	_ =	sdelay $0x3  }
0x9c: {  	_ =	strace s3  }
0x9d: {  	_ =	strace $0x8FFFFFFF  }
0x9e: {  	s18 =	sld [smem:$0x3FDB];
	_ =	sdelay $0x1  }
0x9f: {  	s19 =	simm.s32 $_scs_section_size  }
0xa0: {  	s5 =	simm.s32 $_size__tile_overlayer_lowered;
	s6 =	simm.s32 $_tile_overlayer_lowered  }
0xa1: {  	s22 =	simm.s32 $0x1BFF;
	s21 =	sshll.u32 s6, $0x1;
	s3 =	sadd.s32 s19, s18  }
0xa2: {  	s7 =	simm.s32 $0x0;
	s20 =	sshll.u32 s5, $0x1;
	s5 =	sadd.s32 s21, s3  }
0xa3: {  	[timem:s7], [sflag:s22] =	dma.local [hbm:s5], s20  }
0xa4: {  	_ =	swait.ge [sflag:s22], s20  }
0xa5: {  	s4 =	ssub.s32 $0x0, s20;
	[sflag:s22] =	ssyncset.done $0x0  }
0xa6: {  	[sflag:s22] =	ssyncadd.s32 s4;
	_ =	sdelay $0x1  }
0xa7: {  	s23 =	simm.s32 $0x1B8B  }
0xa8: {  	_ =	swait.ge [sflag:s23], $0x1  }
0xa9: {  	[sflag:s23] =	ssyncset.done $0x0  }
0xaa: {  	s25 =	simm.s32 $0x1B8E;
	s24 =	sld [smem:$0x3FFE];
	[sflag:s23] =	ssyncadd.s32 $0xFFFFFFFF  }
0xab: {  	s26 =	simm.s32 $execute0_lowered;
	[smem:$0x3FD2] =	sst s25  }
0xac: {  	s5 =	sshll.u32 s26, $0x1;
	_ =	strace $0x80000046;
	[dreg:$0x1] =	wrdreg $0xFFFFFFFF  }
0xad: {  	s28 =	simm.s32 $_size_execute0_lowered;
	s3 =	sadd.s32 s3, s5;
	[dreg:$0x0] =	wrdreg $0x0  }
0xae: {  	s5 =	sshll.u32 s28, $0x1;
	[dreg:$0x2] =	wrdreg s3  }
0xaf: {  	[dreg:$0x3] =	wrdreg s5  }
0xb0: {  	[dreg:$0x4] =	wrdreg $0xC0  }
0xb1: {  	_ =	task [dreg:s7], $0x5FFFF  }
0xb2: {  	[dreg:$0x1] =	wrdreg $0xFFFFFFFF  }
0xb3: {  	[dreg:$0x0] =	wrdreg $0x60  }
0xb4: {  	[dreg:$0x2] =	wrdreg s16  }
0xb5: {  	[dreg:$0x3] =	wrdreg s24  }
0xb6: {  	[dreg:$0x4] =	wrdreg $0x58000  }
0xb7: {  	[dreg:$0x5] =	wrdreg $0xC  }
0xb8: {  	_ =	task.clear_ibuf [dreg:s7], $0x6FFFF;
	_ =	strace $0x90000046  }
0xb9: {  	s29 =	simm.s32 $0xC;
	_ =	strace $0x80000048  }
0xba: {  	_ =	swait.ge [sflag:s29], $0x1  }
0xbb: {  	[sflag:s29] =	ssyncadd.s32 $0xFFFFFFFF  }
0xbc: {  	_ =	strace $0x90000048  }
0xbd: {  	_ =	sfence  }
0xbe: {  	s30 =	sld [smem:$0x0];
	_ =	sdelay $0x2  }
0xbf: {  	s31 =	sshll.u32 s1, $0xD;
	s1 =	sshrl.u32 s1, $0x2  }
0xc0: {  	s3 =	sand.u32 $0x4000, s31;
	s1 =	sadd.s32 s1, s30  }
0xc1: {  	s0 =	sor.u32 s3, s0;
	s1 =	sshll.u32 s1, $0x11  }
0xc2: {  	s0 =	sor.u32 s1, s0  }
0xc3: {  	s0 =	sadd.s32 $0x8F2B, s0  }
0xc4: {  	[sflag:s0] =	ssyncadd.remote.s32 $0x1  }
0xc5: {  	_ =	sfence.sel $0xFFFF  }
0xc6: {  	[dreg:$0x0] =	wrdreg $0xFFFFFFFF;
	(pc) =	sbr.abs _section_cstart, $3  }
0xc7: {  	[dreg:$0x1] =	wrdreg $0xFFFFFFFF  }
0xc8: {  	_ =	task.clear_ibuf [dreg:s7], $0x2FFFF;
	_ =	strace $0x9FFFFFFF  }
0xc9: {  	(tm) =	ssettm $0x7FFFFFFF  }
tec
execute0_lowered:
.L_overlay_start_1:
0x0: {  	(tag) =	ssettag $0x1  }
0x1: {  	s0 =	rddreg [dreg:$0x0]  }
0x2: {  	s1 =	srdreg.scid;
	s4 =	rddreg [dreg:$0x1]  }
0x3: {  	s11 =	stileid.u32;
	s2 =	rddreg [dreg:$0x2]  }
0x4: {  	s12 =	simm.s32 $0x9;
	s16 =	simm.s32 $0x80;
	s17 =	simm.s32 $0x1800  }
0x5: {  	s19 =	simm.s32 $0x2000;
	s28 =	simm.s32 $0x3000;
	s29 =	simm.s32 $0x5000  }
0x6: {  	s30 =	simm.s32 $0x2;
	s31 =	simm.s32 $0x5;
	s18 =	simm.s32 $0x4  }
0x7: {  	s20 =	simm.s32 $0x7;
	s21 =	simm.s32 $0x8;
	s1 =	sand.u32 $0x1, s1  }
0x8: {  	s3 =	sshll.u32 s11, $0x1;
	s8 =	smul.u32 $0x2800, s11;
	s26 =	sshll.u32 s11, $0x6  }
0x9: {  	s5 =	sor.u32 s1, s3;
	s3 =	simm.s32 $0x0;
	s1 =	ssub.s32 $0x2, s1  }
0xa: {  	s6 =	smul.u32 $0x180, s5;
	[smem:$0x7FF] =	sst s3;
	s7 =	sshrl.u32 s1, $0x1  }
0xb: {  	s5 =	smul.u32 $0x14, s5;
	s23 =	sadd.s32 s8, s2;
	s24 =	sshrl.u32 s8, $0x3  }
0xc: {  	_ =	strace $0x80000047;
	s1 =	ssub.s32 s1, s7;
	s0 =	sadd.s32 s0, s24  }
0xd: {  	s15 =	sshrl.u32 s23, $0x3;
	s23 =	simm.s32 $0x2800;
	s6 =	sadd.s32 s6, s4  }
0xe: {  	s4 =	sadd.s32 $0x35800, s4;
	[dreg:$0x6] =	wrdreg s0;
	s9 =	sor.u32 $0x1, s5  }
.Ltmp0:
0xf: {  	s10 =	sor.u32 $0x2, s5;
	s25 =	smax.u32 s1, $0x1;
	(pc) =	sbr.rel .LBB2_1-.Ltmp0, $4  }
0x10: {  	s0 =	sor.u32 $0x1C09, s26;
	s26 =	simm.s32 $0x1;
	[dreg:$0x7] =	wrdreg s25  }
0x11: {  	s1 =	simm.s32 $0x3;
	s22 =	sadd.s32 $0x7800, s6;
	[dreg:$0x8] =	wrdreg s0  }
0x12: {  	s6 =	sadd.s32 $0x32800, s6;
	s25 =	simm.s32 $0x4800;
	[dreg:$0x4] =	wrdreg s22  }
0x13: {  	s0 =	simm.s32 $0x6;
	[dreg:$0x5] =	wrdreg s6;
	s22 =	simm.s32 $0x0  }
.LBB2_12:
0x14: {  	_ =	swait.ge [sflag:s21], $0x800  }
0x15: {  	s22 =	sadd.s32 $0x1, s22;
	s6 =	rddreg [dreg:$0x7]  }
0x16: {  	p0 =	sne.s32 s22, s6  }
.Ltmp1:
0x17: {  	_ = 	snop;
	(pc) =	sbr.rel @!p0 .LBB2_13-.Ltmp1, $3  }
0x18: {  	_ =	sdelay $0x1  }
0x19: {  	[sflag:s21] =	ssyncset.done $0x0  }
0x1a: {  	[sflag:s21] =	ssyncadd.s32 $0xFFFFF800  }
.LBB2_1:
0x1b: {  	s6 =	rddreg [dreg:$0x4]  }
0x1c: {  	[tilespmem:s3], [sflag:$0x9] =	stream.linear.gather [hbm4b:s6+s3], $0xC00, $0x38;
	[tilespmem:$0x8000] =	vst v63  }
0x1d: {  	_ =	swait.ge [sflag:s12], $0xC00  }
0x1e: {  	[sflag:s12] =	ssyncset.done $0x0  }
0x1f: {  	s7 =	simm.s32 $0xC00;
	s14 =	rddreg [dreg:$0x5];
	[sflag:s12] =	ssyncadd.s32 $0xFFFFF400  }
0x20: {  	[tilespmem:s7], [sflag:$0x9] =	stream.linear.gather [hbm4b:s14+s3], $0xC00, $0x38;
	[tilespmem:$0x8000] =	vst v63  }
0x21: {  	_ =	swait.ge [sflag:s12], $0xC00  }
0x22: {  	[sflag:s12] =	ssyncset.done $0x0;
	s24 =	rddreg [dreg:$0x6]  }
0x23: {  	s8 =	rddreg [dreg:$0x8];
	[sflag:s12] =	ssyncadd.s32 $0xFFFFF400  }
0x24: {  	[spmem:s15], [sflag:s8] =	dma.local [hbm:s24], $0x500  }
0x25: {  	_ =	swait.ge [sflag:s12], $0x500  }
0x26: {  	[sflag:s12] =	ssyncset.done $0x0  }
0x27: {  	[sflag:s12] =	ssyncadd.s32 $0xFFFFFB00  }
0x28: {  	[bflag:$0x0] =	sbarrier.arrive $0xFFFF  }
0x29: {  	[tilespmem:s17], [sflag:$0x1] =	stream.indirect.gather [spmem:s2], $0x10, s3, s16, $0xb8;
	[tilespmem:$0x8000] =	vst v63  }
0x2a: {  	s8 =	simm.s32 $0x3800  }
0x2b: {  	[tilespmem:s8], [sflag:$0x1] =	stream.indirect.gather [spmem:s2], $0x10, s7, s16, $0xb8;
	[tilespmem:$0x8000] =	vst v63  }
0x2c: {  	_ = 	snop  }
0x2d: {  	[tilespmem:s19], [sflag:$0x2] =	stream.indirect.gather [spmem:s2], $0x10, s16, s16, $0xb8;
	[tilespmem:$0x8000] =	vst v63  }
0x2e: {  	s11 =	simm.s32 $0xC80;
	s13 =	simm.s32 $0x4000  }
0x2f: {  	[tilespmem:s13], [sflag:$0x2] =	stream.indirect.gather [spmem:s2], $0x10, s11, s16, $0xb8;
	[tilespmem:$0x8000] =	vst v63  }
0x30: {  	s14 =	simm.s32 $0x100  }
0x31: {  	[tilespmem:s23], [sflag:$0x3] =	stream.indirect.gather [spmem:s2], $0x10, s14, s16, $0xb8;
	[tilespmem:$0x8000] =	vst v63  }
0x32: {  	s24 =	simm.s32 $0xD00  }
0x33: {  	[tilespmem:s25], [sflag:$0x3] =	stream.indirect.gather [spmem:s2], $0x10, s24, s16, $0xb8;
	[tilespmem:$0x8000] =	vst v63  }
0x34: {  	s24 =	simm.s32 $0x0  }
.LBB2_2:
0x35: {  	_ =	swait.ge [sflag:s26], $0x800  }
0x36: {  	[sflag:s26] =	ssyncset.done $0x0  }
0x37: {  	[sflag:s26] =	ssyncadd.s32 $0xFFFFF800  }
0x38: {  	_ =	swait.ge [sflag:s26], $0x800  }
0x39: {  	[sflag:s26] =	ssyncset.done $0x0  }
0x3a: {  	s6 =	simm.s32 $0x0;
	[sflag:s26] =	ssyncadd.s32 $0xFFFFF800  }
0x3b: {  	s7 =	simm.s32 $0x40;
	v0 =	vld [tilespmem:s6+$0x3800]  }
.LBB2_3:
0x3c: {  	p0 =	sne.s32 s7, $0x1FC0;
	v1 =	vld [tilespmem:s6+$0x1800];
	_ =	sdelay $0x2  }
.Ltmp2:
0x3d: {  	(pc) =	sbr.rel @p0 .LBB2_3-.Ltmp2, $4  }
0x3e: {  	_ = 	snop  }
0x3f: {  	v1 =	vsub.f32 v1, v0  }
0x40: {  	s8 =	sshra.s32 s7, $0x2  }
0x41: {  	s7 =	sadd.s32 $0x40, s7;
	v0 =	vld [tilespmem:s8+$0x3800];
	[tilespmem:s6+$0x1800] =	vst v1;
	s6 =	smov.u32 s8  }
0x42: {  	v1 =	vld [tilespmem:s6+$0x1800];
	_ =	sdelay $0x3  }
0x43: {  	s7 =	sshll.u32 s24, $0x2  }
0x44: {  	s8 =	sadd.s32 s5, s7;
	v0 =	vsub.f32 v1, v0  }
0x45: {  	p0 =	seq.s32 s24, $0x0;
	s8 =	sshll.u32 s8, $0x8  }
0x46: {  	s13 =	sadd.s32 s4, s8;
	s8 =	simm.s32 @!p0 $0x8;
	[tilespmem:s6+$0x1800] =	vst v0  }
0x47: {  	[hbm4b:s13+s3] =	stream.linear.scatter [tilespmem:s17], [sflag:$0x5], $0x800, $0x38;
	[tilespmem:$0x8000] =	vst v63  }
0x48: {  	_ =	swait.ge @!p0 [sflag:s8], $0x800  }
0x49: {  	s6 =	sor.u32 $0x3, s7;
	[sflag:s8] =	ssyncset.done @!p0 $0x0  }
0x4a: {  	s14 =	sshll.u32 s6, $0x7;
	[sflag:s8] =	ssyncadd.s32 @!p0 $0xFFFFF800  }
0x4b: {  	[tilespmem:s28], [sflag:$0x4] =	stream.indirect.gather [spmem:s2], $0x10, s14, s16, $0xb8;
	[tilespmem:$0x8000] =	vst v63  }
0x4c: {  	s8 =	sadd.s32 $0xC00, s14  }
0x4d: {  	[tilespmem:s29], [sflag:$0x4] =	stream.indirect.gather [spmem:s2], $0x10, s8, s16, $0xb8;
	[tilespmem:$0x8000] =	vst v63  }
0x4e: {  	_ =	swait.ge [sflag:s30], $0x800  }
0x4f: {  	[sflag:s30] =	ssyncset.done $0x0  }
0x50: {  	[sflag:s30] =	ssyncadd.s32 $0xFFFFF800  }
0x51: {  	_ =	swait.ge [sflag:s30], $0x800  }
0x52: {  	[sflag:s30] =	ssyncset.done $0x0  }
0x53: {  	s8 =	simm.s32 $0x0;
	[sflag:s30] =	ssyncadd.s32 $0xFFFFF800  }
0x54: {  	s13 =	simm.s32 $0x40;
	v0 =	vld [tilespmem:s8+$0x4000]  }
.LBB2_5:
0x55: {  	p0 =	sne.s32 s13, $0x1FC0;
	v1 =	vld [tilespmem:s8+$0x2000];
	_ =	sdelay $0x2  }
.Ltmp3:
0x56: {  	(pc) =	sbr.rel @p0 .LBB2_5-.Ltmp3, $4  }
0x57: {  	_ = 	snop  }
0x58: {  	v1 =	vsub.f32 v1, v0  }
0x59: {  	s11 =	sshra.s32 s13, $0x2  }
0x5a: {  	s13 =	sadd.s32 $0x40, s13;
	v0 =	vld [tilespmem:s11+$0x4000];
	[tilespmem:s8+$0x2000] =	vst v1;
	s8 =	smov.u32 s11  }
0x5b: {  	v1 =	vld [tilespmem:s8+$0x2000];
	_ =	sdelay $0x3  }
0x5c: {  	s11 =	sadd.s32 s7, s9  }
0x5d: {  	s11 =	sshll.u32 s11, $0x8;
	v0 =	vsub.f32 v1, v0  }
0x5e: {  	s11 =	sand.u32 $0x1FFFFD00, s11  }
0x5f: {  	s14 =	sadd.s32 s4, s11;
	[tilespmem:s8+$0x2000] =	vst v0  }
0x60: {  	[hbm4b:s14+s3] =	stream.linear.scatter [tilespmem:s19], [sflag:$0x6], $0x800, $0x38;
	[tilespmem:$0x8000] =	vst v63  }
0x61: {  	p0 =	seq.s32 s24, $0x4;
	_ =	swait.ge [sflag:s31], $0x800  }
0x62: {  	s13 =	simm.s32 @!p0 $0x80;
	s8 =	sshll.u32 @!p0 s24, $0x9;
	[sflag:s31] =	ssyncset.done $0x0  }
0x63: {  	s11 =	sadd.s32 @!p0 $0x200, s8;
	s14 =	simm.s32 @!p0 $0x1800;
	[sflag:s31] =	ssyncadd.s32 $0xFFFFF800  }
0x64: {  	[tilespmem:s14], [sflag:$0x1] =	stream.indirect.gather @!p0 [spmem:s2], $0x10, s11, s13, $0xb8;
	[tilespmem:$0x8000] =	vst v63  }
0x65: {  	s11 =	sadd.s32 @!p0 $0xE00, s8;
	s14 =	simm.s32 @!p0 $0x3800  }
0x66: {  	[tilespmem:s14], [sflag:$0x1] =	stream.indirect.gather @!p0 [spmem:s2], $0x10, s11, s13, $0xb8;
	[tilespmem:$0x8000] =	vst v63  }
0x67: {  	_ =	swait.ge [sflag:s1], $0x800  }
0x68: {  	[sflag:s1] =	ssyncset.done $0x0  }
0x69: {  	[sflag:s1] =	ssyncadd.s32 $0xFFFFF800  }
0x6a: {  	_ =	swait.ge [sflag:s1], $0x800  }
0x6b: {  	[sflag:s1] =	ssyncset.done $0x0  }
0x6c: {  	s13 =	simm.s32 $0x0;
	[sflag:s1] =	ssyncadd.s32 $0xFFFFF800  }
0x6d: {  	s11 =	simm.s32 $0x40;
	v0 =	vld [tilespmem:s13+$0x4800]  }
.LBB2_7:
0x6e: {  	p1 =	sne.s32 s11, $0x1FC0;
	v1 =	vld [tilespmem:s13+$0x2800];
	_ =	sdelay $0x2  }
.Ltmp4:
0x6f: {  	(pc) =	sbr.rel @p1 .LBB2_7-.Ltmp4, $4  }
0x70: {  	_ = 	snop  }
0x71: {  	v1 =	vsub.f32 v1, v0  }
0x72: {  	s14 =	sshra.s32 s11, $0x2  }
0x73: {  	s11 =	sadd.s32 $0x40, s11;
	v0 =	vld [tilespmem:s14+$0x4800];
	[tilespmem:s13+$0x2800] =	vst v1;
	s13 =	smov.u32 s14  }
0x74: {  	v1 =	vld [tilespmem:s13+$0x2800];
	_ =	sdelay $0x3  }
0x75: {  	s7 =	sadd.s32 s7, s10  }
0x76: {  	s7 =	sshll.u32 s7, $0x8;
	v0 =	vsub.f32 v1, v0  }
0x77: {  	s7 =	sand.u32 $0x1FFFFE00, s7  }
0x78: {  	s7 =	sadd.s32 s4, s7;
	[tilespmem:s13+$0x2800] =	vst v0  }
0x79: {  	[hbm4b:s7+s3] =	stream.linear.scatter [tilespmem:s23], [sflag:$0x7], $0x800, $0x38;
	[tilespmem:$0x8000] =	vst v63  }
0x7a: {  	_ =	swait.ge [sflag:s0], $0x800  }
0x7b: {  	s11 =	simm.s32 @!p0 $0x80;
	[sflag:s0] =	ssyncset.done $0x0  }
0x7c: {  	s13 =	simm.s32 @!p0 $0x2000;
	s7 =	sadd.s32 @!p0 $0x280, s8;
	[sflag:s0] =	ssyncadd.s32 $0xFFFFF800  }
0x7d: {  	[tilespmem:s13], [sflag:$0x2] =	stream.indirect.gather @!p0 [spmem:s2], $0x10, s7, s11, $0xb8;
	[tilespmem:$0x8000] =	vst v63  }
0x7e: {  	s7 =	sadd.s32 @!p0 $0xE80, s8;
	s8 =	simm.s32 @!p0 $0x4000  }
0x7f: {  	[tilespmem:s8], [sflag:$0x2] =	stream.indirect.gather @!p0 [spmem:s2], $0x10, s7, s11, $0xb8;
	[tilespmem:$0x8000] =	vst v63  }
0x80: {  	_ =	swait.ge [sflag:s18], $0x800  }
0x81: {  	[sflag:s18] =	ssyncset.done $0x0  }
0x82: {  	[sflag:s18] =	ssyncadd.s32 $0xFFFFF800  }
0x83: {  	_ =	swait.ge [sflag:s18], $0x800  }
0x84: {  	[sflag:s18] =	ssyncset.done $0x0  }
0x85: {  	s7 =	simm.s32 $0x0;
	[sflag:s18] =	ssyncadd.s32 $0xFFFFF800  }
0x86: {  	s8 =	simm.s32 $0x40;
	v0 =	vld [tilespmem:s7+$0x5000]  }
.LBB2_9:
0x87: {  	p1 =	sne.s32 s8, $0x1FC0;
	v1 =	vld [tilespmem:s7+$0x3000];
	_ =	sdelay $0x2  }
.Ltmp5:
0x88: {  	(pc) =	sbr.rel @p1 .LBB2_9-.Ltmp5, $4  }
0x89: {  	_ = 	snop  }
0x8a: {  	v1 =	vsub.f32 v1, v0  }
0x8b: {  	s11 =	sshra.s32 s8, $0x2  }
0x8c: {  	s8 =	sadd.s32 $0x40, s8;
	v0 =	vld [tilespmem:s11+$0x5000];
	[tilespmem:s7+$0x3000] =	vst v1;
	s7 =	smov.u32 s11  }
0x8d: {  	v1 =	vld [tilespmem:s7+$0x3000];
	_ =	sdelay $0x3  }
0x8e: {  	s6 =	sadd.s32 s5, s6  }
0x8f: {  	s6 =	sshll.u32 s6, $0x8;
	v0 =	vsub.f32 v1, v0  }
0x90: {  	s6 =	sand.u32 $0x1FFFFF00, s6  }
.Ltmp6:
0x91: {  	s6 =	sadd.s32 s4, s6;
	[tilespmem:s7+$0x3000] =	vst v0;
	(pc) =	sbr.rel @p0 .LBB2_12-.Ltmp6, $4  }
0x92: {  	[hbm4b:s6+s3] =	stream.linear.scatter [tilespmem:s28], [sflag:$0x8], $0x800, $0x38;
	[tilespmem:$0x8000] =	vst v63  }
0x93: {  	_ =	swait.ge [sflag:s20], $0x800  }
0x94: {  	[sflag:s20] =	ssyncset.done $0x0  }
0x95: {  	[sflag:s20] =	ssyncadd.s32 $0xFFFFF800  }
.Ltmp7:
0x96: {  	s6 =	sshll.u32 s24, $0x9;
	(pc) =	sbr.rel .LBB2_2-.Ltmp7, $4  }
0x97: {  	s7 =	sadd.s32 $0x300, s6  }
0x98: {  	[tilespmem:s23], [sflag:$0x3] =	stream.indirect.gather [spmem:s2], $0x10, s7, s16, $0xb8;
	[tilespmem:$0x8000] =	vst v63  }
0x99: {  	s24 =	sadd.s32 $0x1, s24;
	s6 =	sadd.s32 $0xF00, s6  }
0x9a: {  	[tilespmem:s25], [sflag:$0x3] =	stream.indirect.gather [spmem:s2], $0x10, s6, s16, $0xb8;
	[tilespmem:$0x8000] =	vst v63  }
.LBB2_13:
0x9b: {  	_ =	sfence.sel $0x180000  }
0x9c: {  	[bflag:$0x0] =	sbarrier.arrive $0xFFFF  }
0x9d: {  	_ =	strace $0x90000047  }
0x9e: {  	s0 =	stileid.u32;
	[bflag:$0x2] =	sbarrier.arrive $0xFFFF  }
0x9f: {  	p0 =	sne.s32 s0, $0x0;
	s0 =	rddreg [dreg:$0x3]  }
0xa0: {  	s0 =	sadd.s32 @!p0 $0x100000, s0  }
0xa1: {  	[sflag:s0] =	ssyncadd.tile.s32 @!p0 $0x1;
	_ =	shalt  }
.Lfunc_end2:
_tile_overlayer_lowered:
.L_overlay_start_2:
0xa2: {  	(tag) =	ssettag $0x2  }
0xa3: {  	s0 =	rddreg [dreg:$0x0];
	s2 =	stileid.u32  }
0xa4: {  	s1 =	rddreg [dreg:$0x1];
	p0 =	sne.s32 s2, $0x0  }
0xa5: {  	s3 =	rddreg [dreg:$0x2];
	[bflag:$0x3] =	sbarrier.arrive $0xFFFF;
	s2 =	simm.s32 @!p0 $0x1C09  }
0xa6: {  	[timem:s3], [sflag:s2] =	dma.local @!p0 [hbm:s0], s1  }
0xa7: {  	s0 =	simm.s32 @!p0 $0x9  }
0xa8: {  	_ =	swait.ge @!p0 [sflag:s0], s1  }
0xa9: {  	s1 =	ssub.s32 @!p0 $0x0, s1;
	[sflag:s0] =	ssyncset.done @!p0 $0x0  }
0xaa: {  	[sflag:s0] =	ssyncadd.s32 @!p0 s1  }
0xab: {  	[bflag:$0x3] =	sbarrier.arrive $0xFFFF  }
0xac: {  	_ =	shalt  }

// kernel: kernel.27.cloned.1.call-start
scs
__scs_entry_jumppad:
0x0: {  	(pc) =	sbr.rel $0x88, $3  }
0x1: {  	(tag) =	ssettag $0x0;
	lr =	simm.s32 $0x1  }
0x2: {  	[smem:$0x3F86] =	sst lr;
	_ =	strace $0xD0000000  }
0x3: {  	_ = 	snop  }
0x4: {  	_ = 	snop  }
0x5: {  	_ = 	snop  }
0x6: {  	_ = 	snop  }
0x7: {  	_ = 	snop  }
__scs_overlays_trampoline_lowered:
0x8: {  	[smem:$0x3F95] =	sst s0  }
0x9: {  	[smem:$0x3F96] =	sst s1  }
0xa: {  	[smem:$0x3F97] =	sst s2  }
0xb: {  	[smem:$0x3F98] =	sst s3  }
0xc: {  	[smem:$0x3F99] =	sst s4  }
0xd: {  	[smem:$0x3F9A] =	sst s5  }
0xe: {  	[smem:$0x3F9B] =	sst s6  }
0xf: {  	[smem:$0x3F9C] =	sst s7  }
0x10: {  	[smem:$0x3F9D] =	sst s8  }
0x11: {  	[smem:$0x3F9E] =	sst s9;
	s0 =	simm.s32 @!p0 $0x0  }
0x12: {  	s1 =	sld [smem:$0x3F84];
	s0 =	simm.s32 @p0 $0x1  }
0x13: {  	[smem:$0x3F9F] =	sst s0;
	s0 =	simm.s32 @!p1 $0x0  }
0x14: {  	s2 =	sld [smem:$0x3F83];
	s0 =	simm.s32 @p1 $0x1  }
0x15: {  	[smem:$0x3FA0] =	sst s0;
	s0 =	simm.s32 @!p2 $0x0  }
0x16: {  	s3 =	sld [smem:$0x3FDB];
	s0 =	simm.s32 @p2 $0x1  }
0x17: {  	s4 =	simm.s32 $0x1BF5;
	[smem:$0x3FA2] =	sst s0  }
0x18: {  	s0 =	sld [smem:$0x3F85];
	_ =	swait.ge [sflag:s4], $0x0  }
0x19: {  	s7 =	sld [smem:$0x3F86]  }
0x1a: {  	s8 =	sadd.s32 $0xFFFFE003, lr  }
0x1b: {  	s9 =	sadd.s32 $0xFFFFFEF7, lr;
	s5 =	simm.s32 $0xFFFFFFFF;
	p2 =	slt.u32 s8, $0xFFFFF086  }
0x1c: {  	p1 =	slt.u32 s9, $0xF7A;
	s5 =	simm.s32 @!p2 $0x0  }
0x1d: {  	s5 =	simm.s32 @p1 $0x1;
	p0 =	seq.s32 s7, s2  }
0x1e: {  	s7 =	smul.u32 @!p0 $0xF7A, s2;
	p2 =	seq.s32 @!p0 s5, $0x0  }
0x1f: {  	s9 =	smul.u32 $0xF7A, s1;
	s8 =	simm.s32 @!p0 $0x1BF5;
	p2 =	por !p2, p0  }
0x20: {  	[sflag:s8] =	ssyncset.s32 @!p0 $0xFFFFF086;
	s6 =	sadd.s32 @!p0 s3, s7;
	s7 =	simm.s32 @!p0 $0x108  }
0x21: {  	s3 =	sadd.s32 s3, s9;
	s6 =	sadd.s32 @!p0 $0x88, s6;
	s7 =	simm.s32 @p2 $0x1082  }
0x22: {  	[simem:s7], [sflag:s8] =	dma.local @!p0 [hbm:s6], $0xF7A  }
0x23: {  	s9 =	sor.u32 $0xD0000000, s2;
	s6 =	simm.s32 $0x108;
	_ =	swait.ge @!p0 [sflag:s8], $0x0  }
0x24: {  	s3 =	sadd.s32 $0x88, s3;
	s6 =	simm.s32 @!p1 $0x1082;
	[sflag:s4] =	ssyncset.s32 $0xFFFFF086  }
0x25: {  	[simem:s6], [sflag:s4] =	dma.local [hbm:s3], $0xF7A  }
0x26: {  	[smem:$0x3F86] =	sst s1;
	(tag) =	ssettag s2;
	_ =	strace s9  }
0x27: {  	s1 =	sld [smem:$0x3F96]  }
0x28: {  	s2 =	sld [smem:$0x3F97]  }
0x29: {  	s4 =	sld [smem:$0x3F99]  }
0x2a: {  	p0 =	seq.s32 s5, $0x0;
	s5 =	sld [smem:$0x3F9A]  }
0x2b: {  	s6 =	sld [smem:$0x3F9B]  }
0x2c: {  	s7 =	sld [smem:$0x3F9C]  }
0x2d: {  	s3 =	simm.s32 $0x108;
	s8 =	sld [smem:$0x3F9D]  }
0x2e: {  	s3 =	simm.s32 @!p0 $0x1082;
	s9 =	sld [smem:$0x3F9E]  }
0x2f: {  	lr =	sadd.s32 s0, s3;
	s0 =	sld [smem:$0x3F95]  }
0x30: {  	s3 =	sld [smem:$0x3F98]  }
0x31: {  	[smem:$0x3FA1] =	sst s10  }
0x32: {  	s10 =	sld [smem:$0x3F9F];
	_ =	sdelay $0x3  }
0x33: {  	p0 =	seq.s32 s10, $0x1;
	s10 =	sld [smem:$0x3FA1];
	_ =	sdelay $0x3  }
0x34: {  	[smem:$0x3FA1] =	sst s10  }
0x35: {  	s10 =	sld [smem:$0x3FA0];
	_ =	sdelay $0x3  }
0x36: {  	p1 =	seq.s32 s10, $0x1;
	s10 =	sld [smem:$0x3FA1];
	_ =	sdelay $0x3  }
0x37: {  	[smem:$0x3FA1] =	sst s10  }
0x38: {  	s10 =	sld [smem:$0x3FA2]  }
0x39: {  	_ = 	snop;
	(pc) =	sbr.ind lr, $3  }
0x3a: {  	_ = 	snop  }
0x3b: {  	_ = 	snop  }
0x3c: {  	p2 =	seq.s32 s10, $0x1;
	s10 =	sld [smem:$0x3FA1]  }
0x3d: {  	_ =	shalt  }
0x3e: {  	_ =	shalt  }
0x3f: {  	_ =	shalt  }
0x40: {  	_ =	shalt  }
0x41: {  	_ =	shalt  }
0x42: {  	_ =	shalt  }
0x43: {  	_ =	shalt  }
0x44: {  	_ =	shalt  }
0x45: {  	_ =	shalt  }
0x46: {  	_ =	shalt  }
0x47: {  	_ =	shalt  }
0x48: {  	_ =	shalt  }
0x49: {  	_ =	shalt  }
0x4a: {  	_ =	shalt  }
0x4b: {  	_ =	shalt  }
0x4c: {  	_ =	shalt  }
0x4d: {  	_ =	shalt  }
0x4e: {  	_ =	shalt  }
0x4f: {  	_ =	shalt  }
0x50: {  	_ =	shalt  }
0x51: {  	_ =	shalt  }
0x52: {  	_ =	shalt  }
0x53: {  	_ =	shalt  }
0x54: {  	_ =	shalt  }
0x55: {  	_ =	shalt  }
0x56: {  	_ =	shalt  }
0x57: {  	_ =	shalt  }
0x58: {  	_ =	shalt  }
0x59: {  	_ =	shalt  }
0x5a: {  	_ =	shalt  }
0x5b: {  	_ =	shalt  }
0x5c: {  	_ =	shalt  }
0x5d: {  	_ =	shalt  }
0x5e: {  	_ =	shalt  }
0x5f: {  	_ =	shalt  }
0x60: {  	_ =	shalt  }
0x61: {  	_ =	shalt  }
0x62: {  	_ =	shalt  }
0x63: {  	_ =	shalt  }
0x64: {  	_ =	shalt  }
0x65: {  	_ =	shalt  }
0x66: {  	_ =	shalt  }
0x67: {  	_ =	shalt  }
0x68: {  	_ =	shalt  }
0x69: {  	_ =	shalt  }
0x6a: {  	_ =	shalt  }
0x6b: {  	_ =	shalt  }
0x6c: {  	_ =	shalt  }
0x6d: {  	_ =	shalt  }
0x6e: {  	_ =	shalt  }
0x6f: {  	_ =	shalt  }
0x70: {  	_ =	shalt  }
0x71: {  	_ =	shalt  }
0x72: {  	_ =	shalt  }
0x73: {  	_ =	shalt  }
0x74: {  	_ =	shalt  }
0x75: {  	_ =	shalt  }
0x76: {  	_ =	shalt  }
0x77: {  	_ =	shalt  }
0x78: {  	_ =	shalt  }
0x79: {  	_ =	shalt  }
0x7a: {  	_ =	shalt  }
0x7b: {  	_ =	shalt  }
0x7c: {  	_ =	shalt  }
0x7d: {  	_ =	shalt  }
0x7e: {  	_ =	shalt  }
0x7f: {  	_ =	shalt  }
0x80: {  	_ =	shalt  }
0x81: {  	_ =	shalt  }
0x82: {  	_ =	shalt  }
0x83: {  	_ =	shalt  }
0x84: {  	_ =	shalt  }
0x85: {  	_ =	shalt  }
0x86: {  	_ =	shalt  }
0x87: {  	_ =	shalt  }
.Lfunc_end0:
.L_simem_size_0:
called_computation.4_lowered:
.L_overlay_start_0:
0x88: {  	s2 =	sld [smem:$0x3FD9]  }
0x89: {  	s3 =	sld [smem:$0x3FFE];
	_ =	sdelay $0x1  }
0x8a: {  	s1 =	srdreg.scid  }
0x8b: {  	s0 =	sand.u32 $0x1, s1  }
0x8c: {  	s15 =	sshll.u32 s0, $0xA;
	s2 =	sadd.s32 s3, s2  }
0x8d: {  	s2 =	sadd.s32 s2, s15  }
0x8e: {  	[smem:$0x3FAD] =	sst s2  }
0x8f: {  	_ = 	snop  }
0x90: {  	s2 =	sld [smem:$0x3FD0];
	_ =	sdelay $0x2  }
0x91: {  	s16 =	simm.s32 $0xD;
	s4 =	simm.s32 $0x10  }
0x92: {  	[smem:s4], [sflag:s16] =	dma.local [hbm:s2], $0x1  }
0x93: {  	_ =	swait.eq [sflag:s16], $0x1  }
0x94: {  	[sflag:s16] =	ssyncset.done $0x0  }
0x95: {  	[sflag:s16] =	ssyncadd.s32 $0xFFFFFFFF  }
0x96: {  	s17 =	sld [smem:$0x11];
	(tm) =	ssettm $0x1  }
0x97: {  	s18 =	sld [smem:$0x3FFB];
	_ =	sdelay $0x3  }
0x98: {  	_ =	strace s18  }
0x99: {  	s2 =	sld [smem:$0x3FFC];
	_ =	sdelay $0x3  }
0x9a: {  	_ =	strace s2  }
0x9b: {  	s2 =	sld [smem:$0x3FFD];
	_ =	sdelay $0x3  }
0x9c: {  	_ =	strace s2  }
0x9d: {  	_ =	strace $0x8FFFFFFF  }
0x9e: {  	s19 =	sld [smem:$0x3FDB];
	_ =	sdelay $0x1  }
0x9f: {  	s20 =	simm.s32 $_scs_section_size  }
0xa0: {  	s5 =	simm.s32 $_size__tile_overlayer_lowered;
	s6 =	simm.s32 $_tile_overlayer_lowered  }
0xa1: {  	s7 =	simm.s32 $0x1BFF;
	s21 =	sshll.u32 s6, $0x1;
	s4 =	sadd.s32 s20, s19  }
0xa2: {  	s22 =	simm.s32 $0x0;
	s5 =	sshll.u32 s5, $0x1;
	s6 =	sadd.s32 s21, s4  }
0xa3: {  	[timem:s22], [sflag:s7] =	dma.local [hbm:s6], s5  }
0xa4: {  	_ =	swait.ge [sflag:s7], s5  }
0xa5: {  	s5 =	ssub.s32 $0x0, s5;
	[sflag:s7] =	ssyncset.done $0x0  }
0xa6: {  	[sflag:s7] =	ssyncadd.s32 s5;
	_ =	sdelay $0x1  }
0xa7: {  	s23 =	simm.s32 $0x1B8B  }
0xa8: {  	_ =	swait.ge [sflag:s23], $0x1  }
0xa9: {  	[sflag:s23] =	ssyncset.done $0x0  }
0xaa: {  	[sflag:s23] =	ssyncadd.s32 $0xFFFFFFFF  }
0xab: {  	s5 =	sld [smem:$0x0]  }
0xac: {  	s6 =	sand.u32 $0xFFFFFFFE, s1  }
0xad: {  	p0 =	sne.s32 s1, s6  }
0xae: {  	s6 =	sshll.u32 @p0 s6, $0xE  }
0xaf: {  	s6 =	sadd.s32 @p0 $0x11B8D, s6;
	s7 =	sshll.u32 @p0 s5, $0x11  }
0xb0: {  	s6 =	sor.u32 @p0 s7, s6  }
0xb1: {  	[sflag:s6] =	ssyncadd.remote.s32 @p0 $0x1;
	_ =	sdelay $0x1  }
0xb2: {  	s6 =	simm.s32 @p0 $0x1B8D  }
0xb3: {  	_ =	swait.eq @p0 [sflag:s6], $0x1  }
0xb4: {  	[sflag:s6] =	ssyncadd.s32 @p0 $0xFFFFFFFF  }
0xb5: {  	s7 =	sshll.u32 @!p0 s1, $0xE  }
0xb6: {  	s7 =	sor.u32 @!p0 $0x4000, s7;
	s6 =	simm.s32 @!p0 $0x1B8D  }
0xb7: {  	s5 =	sshll.u32 @!p0 s5, $0x11;
	s7 =	sadd.s32 @!p0 $0x11B8D, s7;
	_ =	swait.eq @!p0 [sflag:s6], $0x1  }
0xb8: {  	s5 =	sor.u32 @!p0 s5, s7;
	[sflag:s6] =	ssyncadd.s32 @!p0 $0xFFFFFFFF  }
0xb9: {  	s25 =	simm.s32 $0x1B8E;
	s24 =	sld [smem:$0x3FFE];
	[sflag:s5] =	ssyncadd.remote.s32 @!p0 $0x1  }
0xba: {  	s26 =	simm.s32 $execute0_lowered;
	[smem:$0x3FD2] =	sst s25  }
0xbb: {  	s6 =	sshll.u32 s26, $0x1;
	_ =	strace $0x8000005B;
	[dreg:$0x1] =	wrdreg $0xFFFFFFFF  }
0xbc: {  	s28 =	simm.s32 $_size_execute0_lowered;
	s4 =	sadd.s32 s4, s6;
	[dreg:$0x0] =	wrdreg $0x0  }
0xbd: {  	s6 =	sshll.u32 s28, $0x1;
	[dreg:$0x2] =	wrdreg s4  }
0xbe: {  	[dreg:$0x3] =	wrdreg s6  }
0xbf: {  	[dreg:$0x4] =	wrdreg $0xC0  }
0xc0: {  	_ =	task [dreg:s22], $0x5FFFF  }
0xc1: {  	[dreg:$0x1] =	wrdreg $0xFFFFFFFF  }
0xc2: {  	[dreg:$0x0] =	wrdreg $0x60  }
0xc3: {  	[dreg:$0x2] =	wrdreg s24  }
0xc4: {  	[dreg:$0x3] =	wrdreg s17  }
0xc5: {  	[dreg:$0x4] =	wrdreg $0x8C000  }
0xc6: {  	[dreg:$0x5] =	wrdreg $0x9  }
0xc7: {  	_ =	task.clear_ibuf [dreg:s22], $0x6FFFF;
	_ =	strace $0x9000005B  }
0xc8: {  	s29 =	simm.s32 $0x9;
	_ =	strace $0x8000005D  }
0xc9: {  	_ =	swait.ge [sflag:s29], $0x1  }
0xca: {  	[sflag:s29] =	ssyncadd.s32 $0xFFFFFFFF  }
0xcb: {  	_ =	strace $0x9000005D  }
0xcc: {  	_ =	sfence  }
0xcd: {  	s30 =	sld [smem:$0x0];
	_ =	sdelay $0x2  }
0xce: {  	s31 =	sshll.u32 s1, $0xD;
	s1 =	sshrl.u32 s1, $0x2  }
0xcf: {  	s4 =	sand.u32 $0x4000, s31;
	s1 =	sadd.s32 s1, s30  }
0xd0: {  	s0 =	sor.u32 s4, s0;
	s1 =	sshll.u32 s1, $0x11  }
0xd1: {  	s0 =	sor.u32 s1, s0  }
0xd2: {  	s0 =	sadd.s32 $0x8F2B, s0  }
0xd3: {  	[sflag:s0] =	ssyncadd.remote.s32 $0x1  }
0xd4: {  	_ =	sfence.sel $0xFFFF  }
0xd5: {  	[dreg:$0x0] =	wrdreg $0xFFFFFFFF;
	(pc) =	sbr.abs _section_cstart, $3  }
0xd6: {  	[dreg:$0x1] =	wrdreg $0xFFFFFFFF  }
0xd7: {  	_ =	task.clear_ibuf [dreg:s22], $0x2FFFF;
	_ =	strace $0x9FFFFFFF  }
0xd8: {  	(tm) =	ssettm $0x7FFFFFFF  }
0xd9: {  	_ =	shalt  }
tec
execute0_lowered:
.L_overlay_start_1:
0x0: {  	(tag) =	ssettag $0x1  }
0x1: {  	s14 =	rddreg [dreg:$0x0]  }
0x2: {  	s4 =	rddreg [dreg:$0x1];
	s1 =	srdreg.scid  }
0x3: {  	s0 =	stileid.u32;
	s2 =	rddreg [dreg:$0x2]  }
0x4: {  	s3 =	simm.s32 $0x0;
	s17 =	simm.s32 $0x290800;
	s19 =	simm.s32 $0x1  }
0x5: {  	s20 =	simm.s32 $0x80;
	s21 =	simm.s32 $0x4C00;
	s22 =	simm.s32 $0x2  }
0x6: {  	s23 =	simm.s32 $0x3;
	s24 =	simm.s32 $0x4;
	s25 =	simm.s32 $0x0  }
0x7: {  	s8 =	sand.u32 $0x1, s1;
	s1 =	rddreg [dreg:$0x3];
	s10 =	smul.u32 $0x50000, s0  }
0x8: {  	s5 =	sshll.u32 s0, $0x1;
	[smem:$0x7FF] =	sst s3;
	s16 =	smul.u32 $0x2800, s0  }
0x9: {  	s15 =	sadd.s32 $0xB0800, s14;
	s12 =	smul.u32 $0x28, s0;
	s5 =	sor.u32 s8, s5  }
0xa: {  	s6 =	ssub.s32 $0x2, s8;
	_ =	strace $0x8000005C;
	s13 =	smul.u32 $0x14, s8  }
0xb: {  	p0 =	seq.s32 s8, $0x1;
	s7 =	smul.u32 $0x180, s5;
	s9 =	sshrl.u32 s6, $0x1  }
0xc: {  	s29 =	smul.u32 $0xA000, s5;
	s30 =	sshrl.u32 s10, $0x2;
	s17 =	simm.s32 @!p0 $0x268800  }
0xd: {  	s9 =	ssub.s32 s6, s9;
	s5 =	sadd.s32 s30, s2;
	s13 =	sadd.s32 s13, s12  }
0xe: {  	s14 =	sadd.s32 s17, s14;
	s17 =	simm.s32 $0x5;
	s4 =	sadd.s32 s4, s7  }
.Ltmp0:
0xf: {  	s6 =	sadd.s32 s15, s29;
	s7 =	smax.u32 s9, $0x1;
	(pc) =	sbr.rel .LBB2_1-.Ltmp0, $4  }
0x10: {  	s8 =	sadd.s32 $0x4000, s5;
	s9 =	sadd.s32 $0x8000, s5;
	s10 =	sadd.s32 $0xC000, s5  }
0x11: {  	s11 =	sadd.s32 $0x10000, s5;
	s18 =	sshll.u32 s13, $0xB;
	s14 =	sadd.s32 s14, s16  }
0x12: {  	s12 =	sadd.s32 $0x800, s6;
	s13 =	sadd.s32 $0x1000, s6;
	s31 =	sadd.s32 s18, s15  }
0x13: {  	v0 =	vimm.f32 $0.0e+00;
	s18 =	simm.s32 $0xC00;
	s15 =	sadd.s32 $0x2000, s31;
	s16 =	sadd.s32 $0x1800, s31  }
.LBB2_6:
0x14: {  	_ =	swait.ge [sflag:s24], $0x4000  }
0x15: {  	s26 =	sshll.u32 s0, $0x6;
	s25 =	sadd.s32 $0x1, s25;
	[sflag:s24] =	ssyncset.done $0x0  }
0x16: {  	s28 =	sshrl.u32 s5, $0x3;
	p0 =	sne.s32 s25, s7;
	[sflag:s24] =	ssyncadd.s32 $0xFFFFC000  }
.Ltmp1:
0x17: {  	s26 =	sor.u32 $0x1C05, s26;
	[bflag:$0x0] =	sbarrier.arrive $0xFFFF;
	(pc) =	sbr.rel @!p0 .LBB2_7-.Ltmp1, $4  }
0x18: {  	[hbm:s14], [sflag:s26] =	dma.local [spmem:s28], $0x2800  }
0x19: {  	_ =	swait.ge [sflag:s17], $0x2800  }
0x1a: {  	[sflag:s17] =	ssyncset.done $0x0  }
0x1b: {  	[sflag:s17] =	ssyncadd.s32 $0xFFFFD800  }
.LBB2_1:
0x1c: {  	[tilespmem:s3], [sflag:$0x5] =	stream.linear.gather [hbm4b:s4+s3], $0xC00, $0x38;
	[tilespmem:$0x1CC00] =	vst v63  }
0x1d: {  	_ =	swait.ge [sflag:s17], $0xC00  }
0x1e: {  	[sflag:s17] =	ssyncset.done $0x0  }
0x1f: {  	s26 =	simm.s32 $0x0;
	s28 =	simm.s32 $0x200;
	[sflag:s17] =	ssyncadd.s32 $0xFFFFF400  }
.LBB2_2:
0x20: {  	p0 =	sne.s32 s28, $0xFE00;
	[tilespmem:s26+$0xC70] =	vst v0  }
0x21: {  	[tilespmem:s26+$0xC00] =	vst v0  }
0x22: {  	[tilespmem:s26+$0xC10] =	vst v0  }
.Ltmp2:
0x23: {  	[tilespmem:s26+$0xC20] =	vst v0;
	(pc) =	sbr.rel @p0 .LBB2_2-.Ltmp2, $4  }
0x24: {  	[tilespmem:s26+$0xC30] =	vst v0  }
0x25: {  	[tilespmem:s26+$0xC40] =	vst v0  }
0x26: {  	[tilespmem:s26+$0xC50] =	vst v0  }
0x27: {  	[tilespmem:s26+$0xC60] =	vst v0;
	s26 =	sshra.s32 s28, $0x2;
	s28 =	sadd.s32 $0x200, s28  }
0x28: {  	[tilespmem:s26+$0xC70] =	vst v0  }
0x29: {  	[tilespmem:s26+$0xC00] =	vst v0  }
0x2a: {  	[tilespmem:s26+$0xC10] =	vst v0  }
0x2b: {  	[tilespmem:s26+$0xC20] =	vst v0  }
0x2c: {  	[tilespmem:s26+$0xC30] =	vst v0  }
0x2d: {  	[tilespmem:s26+$0xC40] =	vst v0  }
0x2e: {  	[tilespmem:s26+$0xC50] =	vst v0  }
0x2f: {  	[tilespmem:s26+$0xC60] =	vst v0  }
0x30: {  	[spmem:s5] =	stream.linear.scatter [tilespmem:s18], [sflag:$0x5], $0x4000, $0x38;
	[tilespmem:$0x1CC00] =	vst v63  }
0x31: {  	_ =	swait.ge [sflag:s17], $0x4000  }
0x32: {  	[sflag:s17] =	ssyncset.done $0x0  }
0x33: {  	[sflag:s17] =	ssyncadd.s32 $0xFFFFC000  }
0x34: {  	[spmem:s8] =	stream.linear.scatter [tilespmem:s18], [sflag:$0x5], $0x4000, $0x38;
	[tilespmem:$0x1CC00] =	vst v63  }
0x35: {  	_ =	swait.ge [sflag:s17], $0x4000  }
0x36: {  	[sflag:s17] =	ssyncset.done $0x0  }
0x37: {  	[sflag:s17] =	ssyncadd.s32 $0xFFFFC000  }
0x38: {  	[spmem:s9] =	stream.linear.scatter [tilespmem:s18], [sflag:$0x5], $0x4000, $0x38;
	[tilespmem:$0x1CC00] =	vst v63  }
0x39: {  	_ =	swait.ge [sflag:s17], $0x4000  }
0x3a: {  	[sflag:s17] =	ssyncset.done $0x0  }
0x3b: {  	[sflag:s17] =	ssyncadd.s32 $0xFFFFC000  }
0x3c: {  	[spmem:s10] =	stream.linear.scatter [tilespmem:s18], [sflag:$0x5], $0x4000, $0x38;
	[tilespmem:$0x1CC00] =	vst v63  }
0x3d: {  	_ =	swait.ge [sflag:s17], $0x4000  }
0x3e: {  	[sflag:s17] =	ssyncset.done $0x0  }
0x3f: {  	[sflag:s17] =	ssyncadd.s32 $0xFFFFC000  }
0x40: {  	[spmem:s11] =	stream.linear.scatter [tilespmem:s18], [sflag:$0x5], $0x4000, $0x38;
	[tilespmem:$0x1CC00] =	vst v63  }
0x41: {  	_ =	swait.ge [sflag:s17], $0x4000  }
0x42: {  	[sflag:s17] =	ssyncset.done $0x0  }
0x43: {  	[sflag:s17] =	ssyncadd.s32 $0xFFFFC000  }
0x44: {  	s26 =	simm.s32 $0x0;
	[bflag:$0x0] =	sbarrier.arrive $0xFFFF  }
0x45: {  	[tilespmem:s18], [sflag:$0x1] =	stream.linear.gather [hbm4b:s6+s26], $0x4000, $0x38;
	[tilespmem:$0x1CC00] =	vst v63  }
0x46: {  	_ =	swait.ge [sflag:s19], $0x4000  }
0x47: {  	[sflag:s19] =	ssyncset.done $0x0  }
0x48: {  	[sflag:s19] =	ssyncadd.s32 $0xFFFFC000  }
0x49: {  	[spmem:s2] =	stream.indirect.scatter.add.f32 [tilespmem:s18], [sflag:$0x3], $0x80, s26, s20, $0xb8;
	[tilespmem:$0x1CC00] =	vst v63  }
0x4a: {  	_ = 	snop  }
0x4b: {  	[tilespmem:s21], [sflag:$0x2] =	stream.linear.gather [hbm4b:s12+s26], $0x4000, $0x38;
	[tilespmem:$0x1CC00] =	vst v63  }
0x4c: {  	_ =	swait.ge [sflag:s22], $0x4000  }
0x4d: {  	[sflag:s22] =	ssyncset.done $0x0  }
0x4e: {  	[sflag:s22] =	ssyncadd.s32 $0xFFFFC000  }
0x4f: {  	[spmem:s2] =	stream.indirect.scatter.add.f32 [tilespmem:s21], [sflag:$0x4], $0x80, s20, s20, $0xb8;
	[tilespmem:$0x1CC00] =	vst v63  }
0x50: {  	_ =	swait.ge [sflag:s23], $0x4000  }
0x51: {  	[sflag:s23] =	ssyncset.done $0x0  }
0x52: {  	s28 =	simm.s32 $0x100;
	[sflag:s23] =	ssyncadd.s32 $0xFFFFC000  }
0x53: {  	[tilespmem:s18], [sflag:$0x1] =	stream.linear.gather [hbm4b:s13+s26], $0x4000, $0x38;
	[tilespmem:$0x1CC00] =	vst v63  }
.LBB2_4:
0x54: {  	_ =	swait.ge [sflag:s19], $0x4000  }
0x55: {  	[sflag:s19] =	ssyncset.done $0x0  }
0x56: {  	[sflag:s19] =	ssyncadd.s32 $0xFFFFC000  }
0x57: {  	[spmem:s2] =	stream.indirect.scatter.add.f32 [tilespmem:s18], [sflag:$0x3], $0x80, s28, s20, $0xb8;
	[tilespmem:$0x1CC00] =	vst v63  }
0x58: {  	_ =	swait.ge [sflag:s24], $0x4000  }
0x59: {  	[sflag:s24] =	ssyncset.done $0x0  }
0x5a: {  	s29 =	sadd.s32 s26, s16;
	[sflag:s24] =	ssyncadd.s32 $0xFFFFC000  }
0x5b: {  	[tilespmem:s21], [sflag:$0x2] =	stream.linear.gather [hbm4b:s29+s3], $0x4000, $0x38;
	[tilespmem:$0x1CC00] =	vst v63  }
0x5c: {  	_ =	swait.ge [sflag:s22], $0x4000  }
0x5d: {  	p0 =	seq.s32 s26, $0x8000;
	[sflag:s22] =	ssyncset.done $0x0  }
.Ltmp3:
0x5e: {  	s31 =	sadd.s32 $0x80, s28;
	[sflag:s22] =	ssyncadd.s32 $0xFFFFC000;
	(pc) =	sbr.rel @p0 .LBB2_6-.Ltmp3, $4  }
0x5f: {  	[spmem:s2] =	stream.indirect.scatter.add.f32 [tilespmem:s21], [sflag:$0x4], $0x80, s31, s20, $0xb8;
	[tilespmem:$0x1CC00] =	vst v63  }
0x60: {  	_ =	swait.ge [sflag:s23], $0x4000  }
0x61: {  	[sflag:s23] =	ssyncset.done $0x0  }
0x62: {  	[sflag:s23] =	ssyncadd.s32 $0xFFFFC000  }
.Ltmp4:
0x63: {  	(pc) =	sbr.rel .LBB2_4-.Ltmp4, $3  }
0x64: {  	_ =	sdelay $0x1  }
0x65: {  	s29 =	sadd.s32 s26, s15;
	s28 =	sadd.s32 $0x100, s28;
	s26 =	sadd.s32 $0x1000, s26  }
0x66: {  	[tilespmem:s18], [sflag:$0x1] =	stream.linear.gather [hbm4b:s29+s3], $0x4000, $0x38;
	[tilespmem:$0x1CC00] =	vst v63  }
.LBB2_7:
0x67: {  	_ =	sfence.sel $0x180000  }
0x68: {  	[bflag:$0x0] =	sbarrier.arrive $0xFFFF  }
0x69: {  	p0 =	sne.s32 s0, $0x0;
	_ =	strace $0x9000005C  }
0x6a: {  	s0 =	sadd.s32 @!p0 $0x100000, s1;
	[bflag:$0x2] =	sbarrier.arrive $0xFFFF  }
0x6b: {  	[sflag:s0] =	ssyncadd.tile.s32 @!p0 $0x1;
	_ =	shalt  }
.Lfunc_end2:
_tile_overlayer_lowered:
.L_overlay_start_2:
0x6c: {  	(tag) =	ssettag $0x2  }
0x6d: {  	s0 =	rddreg [dreg:$0x0];
	s2 =	stileid.u32  }
0x6e: {  	s1 =	rddreg [dreg:$0x1];
	p0 =	sne.s32 s2, $0x0  }
0x6f: {  	s3 =	rddreg [dreg:$0x2];
	[bflag:$0x3] =	sbarrier.arrive $0xFFFF;
	s2 =	simm.s32 @!p0 $0x1C05  }
0x70: {  	[timem:s3], [sflag:s2] =	dma.local @!p0 [hbm:s0], s1  }
0x71: {  	s0 =	simm.s32 @!p0 $0x5  }
0x72: {  	_ =	swait.ge @!p0 [sflag:s0], s1  }
0x73: {  	s1 =	ssub.s32 @!p0 $0x0, s1;
	[sflag:s0] =	ssyncset.done @!p0 $0x0  }
0x74: {  	[sflag:s0] =	ssyncadd.s32 @!p0 s1  }
0x75: {  	[bflag:$0x3] =	sbarrier.arrive $0xFFFF  }
0x76: {  	_ =	shalt  }

// kernel: kernel.30.cloned.1.call-start
scs
__scs_entry_jumppad:
0x0: {  	(pc) =	sbr.rel $0x88, $3  }
0x1: {  	(tag) =	ssettag $0x0;
	lr =	simm.s32 $0x1  }
0x2: {  	[smem:$0x3F86] =	sst lr;
	_ =	strace $0xD0000000  }
0x3: {  	_ = 	snop  }
0x4: {  	_ = 	snop  }
0x5: {  	_ = 	snop  }
0x6: {  	_ = 	snop  }
0x7: {  	_ = 	snop  }
__scs_overlays_trampoline_lowered:
0x8: {  	[smem:$0x3F95] =	sst s0  }
0x9: {  	[smem:$0x3F96] =	sst s1  }
0xa: {  	[smem:$0x3F97] =	sst s2  }
0xb: {  	[smem:$0x3F98] =	sst s3  }
0xc: {  	[smem:$0x3F99] =	sst s4  }
0xd: {  	[smem:$0x3F9A] =	sst s5  }
0xe: {  	[smem:$0x3F9B] =	sst s6  }
0xf: {  	[smem:$0x3F9C] =	sst s7  }
0x10: {  	[smem:$0x3F9D] =	sst s8  }
0x11: {  	[smem:$0x3F9E] =	sst s9;
	s0 =	simm.s32 @!p0 $0x0  }
0x12: {  	s1 =	sld [smem:$0x3F84];
	s0 =	simm.s32 @p0 $0x1  }
0x13: {  	[smem:$0x3F9F] =	sst s0;
	s0 =	simm.s32 @!p1 $0x0  }
0x14: {  	s2 =	sld [smem:$0x3F83];
	s0 =	simm.s32 @p1 $0x1  }
0x15: {  	[smem:$0x3FA0] =	sst s0;
	s0 =	simm.s32 @!p2 $0x0  }
0x16: {  	s3 =	sld [smem:$0x3FDB];
	s0 =	simm.s32 @p2 $0x1  }
0x17: {  	s4 =	simm.s32 $0x1BF5;
	[smem:$0x3FA2] =	sst s0  }
0x18: {  	s0 =	sld [smem:$0x3F85];
	_ =	swait.ge [sflag:s4], $0x0  }
0x19: {  	s7 =	sld [smem:$0x3F86]  }
0x1a: {  	s8 =	sadd.s32 $0xFFFFE003, lr  }
0x1b: {  	s9 =	sadd.s32 $0xFFFFFEF7, lr;
	s5 =	simm.s32 $0xFFFFFFFF;
	p2 =	slt.u32 s8, $0xFFFFF086  }
0x1c: {  	p1 =	slt.u32 s9, $0xF7A;
	s5 =	simm.s32 @!p2 $0x0  }
0x1d: {  	s5 =	simm.s32 @p1 $0x1;
	p0 =	seq.s32 s7, s2  }
0x1e: {  	s7 =	smul.u32 @!p0 $0xF7A, s2;
	p2 =	seq.s32 @!p0 s5, $0x0  }
0x1f: {  	s9 =	smul.u32 $0xF7A, s1;
	s8 =	simm.s32 @!p0 $0x1BF5;
	p2 =	por !p2, p0  }
0x20: {  	[sflag:s8] =	ssyncset.s32 @!p0 $0xFFFFF086;
	s6 =	sadd.s32 @!p0 s3, s7;
	s7 =	simm.s32 @!p0 $0x108  }
0x21: {  	s3 =	sadd.s32 s3, s9;
	s6 =	sadd.s32 @!p0 $0x88, s6;
	s7 =	simm.s32 @p2 $0x1082  }
0x22: {  	[simem:s7], [sflag:s8] =	dma.local @!p0 [hbm:s6], $0xF7A  }
0x23: {  	s9 =	sor.u32 $0xD0000000, s2;
	s6 =	simm.s32 $0x108;
	_ =	swait.ge @!p0 [sflag:s8], $0x0  }
0x24: {  	s3 =	sadd.s32 $0x88, s3;
	s6 =	simm.s32 @!p1 $0x1082;
	[sflag:s4] =	ssyncset.s32 $0xFFFFF086  }
0x25: {  	[simem:s6], [sflag:s4] =	dma.local [hbm:s3], $0xF7A  }
0x26: {  	[smem:$0x3F86] =	sst s1;
	(tag) =	ssettag s2;
	_ =	strace s9  }
0x27: {  	s1 =	sld [smem:$0x3F96]  }
0x28: {  	s2 =	sld [smem:$0x3F97]  }
0x29: {  	s4 =	sld [smem:$0x3F99]  }
0x2a: {  	p0 =	seq.s32 s5, $0x0;
	s5 =	sld [smem:$0x3F9A]  }
0x2b: {  	s6 =	sld [smem:$0x3F9B]  }
0x2c: {  	s7 =	sld [smem:$0x3F9C]  }
0x2d: {  	s3 =	simm.s32 $0x108;
	s8 =	sld [smem:$0x3F9D]  }
0x2e: {  	s3 =	simm.s32 @!p0 $0x1082;
	s9 =	sld [smem:$0x3F9E]  }
0x2f: {  	lr =	sadd.s32 s0, s3;
	s0 =	sld [smem:$0x3F95]  }
0x30: {  	s3 =	sld [smem:$0x3F98]  }
0x31: {  	[smem:$0x3FA1] =	sst s10  }
0x32: {  	s10 =	sld [smem:$0x3F9F];
	_ =	sdelay $0x3  }
0x33: {  	p0 =	seq.s32 s10, $0x1;
	s10 =	sld [smem:$0x3FA1];
	_ =	sdelay $0x3  }
0x34: {  	[smem:$0x3FA1] =	sst s10  }
0x35: {  	s10 =	sld [smem:$0x3FA0];
	_ =	sdelay $0x3  }
0x36: {  	p1 =	seq.s32 s10, $0x1;
	s10 =	sld [smem:$0x3FA1];
	_ =	sdelay $0x3  }
0x37: {  	[smem:$0x3FA1] =	sst s10  }
0x38: {  	s10 =	sld [smem:$0x3FA2]  }
0x39: {  	_ = 	snop;
	(pc) =	sbr.ind lr, $3  }
0x3a: {  	_ = 	snop  }
0x3b: {  	_ = 	snop  }
0x3c: {  	p2 =	seq.s32 s10, $0x1;
	s10 =	sld [smem:$0x3FA1]  }
0x3d: {  	_ =	shalt  }
0x3e: {  	_ =	shalt  }
0x3f: {  	_ =	shalt  }
0x40: {  	_ =	shalt  }
0x41: {  	_ =	shalt  }
0x42: {  	_ =	shalt  }
0x43: {  	_ =	shalt  }
0x44: {  	_ =	shalt  }
0x45: {  	_ =	shalt  }
0x46: {  	_ =	shalt  }
0x47: {  	_ =	shalt  }
0x48: {  	_ =	shalt  }
0x49: {  	_ =	shalt  }
0x4a: {  	_ =	shalt  }
0x4b: {  	_ =	shalt  }
0x4c: {  	_ =	shalt  }
0x4d: {  	_ =	shalt  }
0x4e: {  	_ =	shalt  }
0x4f: {  	_ =	shalt  }
0x50: {  	_ =	shalt  }
0x51: {  	_ =	shalt  }
0x52: {  	_ =	shalt  }
0x53: {  	_ =	shalt  }
0x54: {  	_ =	shalt  }
0x55: {  	_ =	shalt  }
0x56: {  	_ =	shalt  }
0x57: {  	_ =	shalt  }
0x58: {  	_ =	shalt  }
0x59: {  	_ =	shalt  }
0x5a: {  	_ =	shalt  }
0x5b: {  	_ =	shalt  }
0x5c: {  	_ =	shalt  }
0x5d: {  	_ =	shalt  }
0x5e: {  	_ =	shalt  }
0x5f: {  	_ =	shalt  }
0x60: {  	_ =	shalt  }
0x61: {  	_ =	shalt  }
0x62: {  	_ =	shalt  }
0x63: {  	_ =	shalt  }
0x64: {  	_ =	shalt  }
0x65: {  	_ =	shalt  }
0x66: {  	_ =	shalt  }
0x67: {  	_ =	shalt  }
0x68: {  	_ =	shalt  }
0x69: {  	_ =	shalt  }
0x6a: {  	_ =	shalt  }
0x6b: {  	_ =	shalt  }
0x6c: {  	_ =	shalt  }
0x6d: {  	_ =	shalt  }
0x6e: {  	_ =	shalt  }
0x6f: {  	_ =	shalt  }
0x70: {  	_ =	shalt  }
0x71: {  	_ =	shalt  }
0x72: {  	_ =	shalt  }
0x73: {  	_ =	shalt  }
0x74: {  	_ =	shalt  }
0x75: {  	_ =	shalt  }
0x76: {  	_ =	shalt  }
0x77: {  	_ =	shalt  }
0x78: {  	_ =	shalt  }
0x79: {  	_ =	shalt  }
0x7a: {  	_ =	shalt  }
0x7b: {  	_ =	shalt  }
0x7c: {  	_ =	shalt  }
0x7d: {  	_ =	shalt  }
0x7e: {  	_ =	shalt  }
0x7f: {  	_ =	shalt  }
0x80: {  	_ =	shalt  }
0x81: {  	_ =	shalt  }
0x82: {  	_ =	shalt  }
0x83: {  	_ =	shalt  }
0x84: {  	_ =	shalt  }
0x85: {  	_ =	shalt  }
0x86: {  	_ =	shalt  }
0x87: {  	_ =	shalt  }
.Lfunc_end0:
.L_simem_size_0:
called_computation.5_lowered:
.L_overlay_start_0:
0x88: {  	s2 =	sld [smem:$0x3FD9]  }
0x89: {  	s3 =	sld [smem:$0x3FFE];
	_ =	sdelay $0x1  }
0x8a: {  	s1 =	srdreg.scid  }
0x8b: {  	s0 =	sand.u32 $0x1, s1  }
0x8c: {  	s15 =	sshll.u32 s0, $0xA;
	s2 =	sadd.s32 s3, s2  }
0x8d: {  	s2 =	sadd.s32 s2, s15  }
0x8e: {  	[smem:$0x3FAD] =	sst s2  }
0x8f: {  	_ = 	snop  }
0x90: {  	s2 =	sld [smem:$0x3FD0];
	_ =	sdelay $0x2  }
0x91: {  	s4 =	simm.s32 $0xD;
	s16 =	simm.s32 $0x10  }
0x92: {  	[smem:s16], [sflag:s4] =	dma.local [hbm:s2], $0x1  }
0x93: {  	_ =	swait.eq [sflag:s4], $0x1  }
0x94: {  	[sflag:s4] =	ssyncset.done $0x0  }
0x95: {  	s17 =	sld [smem:$0x10];
	[sflag:s4] =	ssyncadd.s32 $0xFFFFFFFF  }
0x96: {  	s18 =	sld [smem:$0x11];
	(tm) =	ssettm $0x1  }
0x97: {  	s19 =	sld [smem:$0x3FFB];
	_ =	sdelay $0x3  }
0x98: {  	_ =	strace s19  }
0x99: {  	s2 =	sld [smem:$0x3FFC];
	_ =	sdelay $0x3  }
0x9a: {  	_ =	strace s2  }
0x9b: {  	s2 =	sld [smem:$0x3FFD];
	_ =	sdelay $0x3  }
0x9c: {  	_ =	strace s2  }
0x9d: {  	_ =	strace $0x8FFFFFFF  }
0x9e: {  	s20 =	sld [smem:$0x3FDB];
	_ =	sdelay $0x1  }
0x9f: {  	s5 =	simm.s32 $_scs_section_size  }
0xa0: {  	s6 =	simm.s32 $_size__tile_overlayer_lowered;
	s7 =	simm.s32 $_tile_overlayer_lowered  }
0xa1: {  	s8 =	simm.s32 $0x1BFF;
	s21 =	sshll.u32 s7, $0x1;
	s5 =	sadd.s32 s5, s20  }
0xa2: {  	s22 =	simm.s32 $0x0;
	s6 =	sshll.u32 s6, $0x1;
	s7 =	sadd.s32 s21, s5  }
0xa3: {  	[timem:s22], [sflag:s8] =	dma.local [hbm:s7], s6  }
0xa4: {  	_ =	swait.ge [sflag:s8], s6  }
0xa5: {  	s6 =	ssub.s32 $0x0, s6;
	[sflag:s8] =	ssyncset.done $0x0  }
0xa6: {  	[sflag:s8] =	ssyncadd.s32 s6;
	_ =	sdelay $0x1  }
0xa7: {  	s23 =	simm.s32 $0x1B8B  }
0xa8: {  	_ =	swait.ge [sflag:s23], $0x1  }
0xa9: {  	[sflag:s23] =	ssyncset.done $0x0  }
0xaa: {  	[sflag:s23] =	ssyncadd.s32 $0xFFFFFFFF  }
0xab: {  	s6 =	sld [smem:$0x0]  }
0xac: {  	s7 =	sand.u32 $0xFFFFFFFE, s1  }
0xad: {  	p0 =	sne.s32 s1, s7  }
0xae: {  	s7 =	sshll.u32 @p0 s7, $0xE  }
0xaf: {  	s7 =	sadd.s32 @p0 $0x11B8D, s7;
	s8 =	sshll.u32 @p0 s6, $0x11  }
0xb0: {  	s7 =	sor.u32 @p0 s8, s7  }
0xb1: {  	[sflag:s7] =	ssyncadd.remote.s32 @p0 $0x1;
	_ =	sdelay $0x1  }
0xb2: {  	s7 =	simm.s32 @p0 $0x1B8D  }
0xb3: {  	_ =	swait.eq @p0 [sflag:s7], $0x1  }
0xb4: {  	[sflag:s7] =	ssyncadd.s32 @p0 $0xFFFFFFFF  }
0xb5: {  	s8 =	sshll.u32 @!p0 s1, $0xE  }
0xb6: {  	s8 =	sor.u32 @!p0 $0x4000, s8;
	s7 =	simm.s32 @!p0 $0x1B8D  }
0xb7: {  	s6 =	sshll.u32 @!p0 s6, $0x11;
	s8 =	sadd.s32 @!p0 $0x11B8D, s8;
	_ =	swait.eq @!p0 [sflag:s7], $0x1  }
0xb8: {  	s6 =	sor.u32 @!p0 s6, s8;
	[sflag:s7] =	ssyncadd.s32 @!p0 $0xFFFFFFFF  }
0xb9: {  	s25 =	simm.s32 $0x1B8E;
	s24 =	sld [smem:$0x3FFE];
	[sflag:s6] =	ssyncadd.remote.s32 @!p0 $0x1  }
0xba: {  	s26 =	simm.s32 $execute0_lowered;
	[smem:$0x3FD2] =	sst s25  }
0xbb: {  	s7 =	sshll.u32 s26, $0x1;
	_ =	strace $0x80000055;
	[dreg:$0x1] =	wrdreg $0xFFFFFFFF  }
0xbc: {  	s28 =	simm.s32 $_size_execute0_lowered;
	s5 =	sadd.s32 s5, s7;
	[dreg:$0x0] =	wrdreg $0x0  }
0xbd: {  	s7 =	sshll.u32 s28, $0x1;
	[dreg:$0x2] =	wrdreg s5  }
0xbe: {  	[dreg:$0x3] =	wrdreg s7  }
0xbf: {  	[dreg:$0x4] =	wrdreg $0xC0  }
0xc0: {  	_ =	task [dreg:s22], $0x5FFFF  }
0xc1: {  	[dreg:$0x1] =	wrdreg $0xFFFFFFFF  }
0xc2: {  	[dreg:$0x0] =	wrdreg $0x60  }
0xc3: {  	[dreg:$0x2] =	wrdreg s24  }
0xc4: {  	[dreg:$0x3] =	wrdreg s18  }
0xc5: {  	[dreg:$0x4] =	wrdreg s17  }
0xc6: {  	[dreg:$0x5] =	wrdreg $0x2C000  }
0xc7: {  	[dreg:$0x6] =	wrdreg $0xB  }
0xc8: {  	_ =	task.clear_ibuf [dreg:s22], $0x7FFFF;
	_ =	strace $0x90000055  }
0xc9: {  	s29 =	simm.s32 $0xB;
	_ =	strace $0x80000057  }
0xca: {  	_ =	swait.ge [sflag:s29], $0x1  }
0xcb: {  	[sflag:s29] =	ssyncadd.s32 $0xFFFFFFFF  }
0xcc: {  	_ =	strace $0x90000057  }
0xcd: {  	_ =	sfence  }
0xce: {  	s30 =	sld [smem:$0x0];
	_ =	sdelay $0x2  }
0xcf: {  	s31 =	sshll.u32 s1, $0xD;
	s1 =	sshrl.u32 s1, $0x2  }
0xd0: {  	s4 =	sand.u32 $0x4000, s31;
	s1 =	sadd.s32 s1, s30  }
0xd1: {  	s0 =	sor.u32 s4, s0;
	s1 =	sshll.u32 s1, $0x11  }
0xd2: {  	s0 =	sor.u32 s1, s0  }
0xd3: {  	s0 =	sadd.s32 $0x8F2B, s0  }
0xd4: {  	[sflag:s0] =	ssyncadd.remote.s32 $0x1  }
0xd5: {  	_ =	sfence.sel $0xFFFF  }
0xd6: {  	[dreg:$0x0] =	wrdreg $0xFFFFFFFF;
	(pc) =	sbr.abs _section_cstart, $3  }
0xd7: {  	[dreg:$0x1] =	wrdreg $0xFFFFFFFF  }
0xd8: {  	_ =	task.clear_ibuf [dreg:s22], $0x2FFFF;
	_ =	strace $0x9FFFFFFF  }
0xd9: {  	(tm) =	ssettm $0x7FFFFFFF  }
tec
execute0_lowered:
.L_overlay_start_1:
0x0: {  	(tag) =	ssettag $0x1  }
0x1: {  	s0 =	rddreg [dreg:$0x0]  }
0x2: {  	s2 =	rddreg [dreg:$0x1]  }
0x3: {  	s4 =	rddreg [dreg:$0x2]  }
0x4: {  	s1 =	rddreg [dreg:$0x3]  }
0x5: {  	s3 =	simm.s32 $0x0;
	s5 =	srdreg.scid;
	s14 =	stileid.u32  }
0x6: {  	s28 =	simm.s32 $0x2;
	s29 =	simm.s32 $0x5;
	s30 =	simm.s32 $0x4  }
0x7: {  	s31 =	simm.s32 $0x7;
	[smem:$0x7FF] =	sst s3;
	s6 =	sand.u32 $0x1, s5  }
0x8: {  	s16 =	sshll.u32 s14, $0x1;
	s7 =	sadd.s32 $0x1F0800, s0;
	s8 =	smul.u32 $0xA000, s14  }
0x9: {  	s9 =	sadd.s32 $0x3C800, s0;
	s0 =	sadd.s32 $0x1F0900, s0;
	s18 =	smul.u32 $0x2800, s14  }
0xa: {  	s20 =	smul.u32 $0x28, s14;
	_ =	strace $0x80000056;
	s5 =	sor.u32 s6, s16  }
0xb: {  	s10 =	ssub.s32 $0x2, s6;
	p0 =	seq.s32 s6, $0x1;
	s6 =	smul.u32 $0x14, s6  }
0xc: {  	s11 =	smul.u32 $0x180, s5;
	s21 =	sshrl.u32 s18, $0x3;
	s4 =	smov.u32 @p0 s9  }
0xd: {  	s12 =	sshrl.u32 s10, $0x1;
	s13 =	smul.u32 $0x1400, s5;
	s4 =	sadd.s32 s4, s21  }
0xe: {  	s8 =	sshrl.u32 s8, $0x2;
	s2 =	sadd.s32 s2, s11;
	[dreg:$0xe] =	wrdreg s4  }
0xf: {  	s10 =	ssub.s32 s10, s12;
	s19 =	sadd.s32 s13, s0;
	[dreg:$0x5] =	wrdreg s2  }
0x10: {  	s5 =	sadd.s32 s8, s1;
	s17 =	sadd.s32 s7, s13;
	[dreg:$0x7] =	wrdreg s19  }
0x11: {  	s6 =	sadd.s32 s6, s20;
	s10 =	smax.u32 s10, $0x1;
	[dreg:$0x6] =	wrdreg s17  }
0x12: {  	s20 =	simm.s32 $0xC00;
	s22 =	sadd.s32 $0x800, s5;
	[dreg:$0x9] =	wrdreg s10  }
0x13: {  	s21 =	simm.s32 $0x1400;
	s23 =	sadd.s32 $0x1000, s5;
	[dreg:$0xa] =	wrdreg s22  }
0x14: {  	s24 =	sadd.s32 $0x1800, s5;
	s25 =	sadd.s32 $0x2000, s5;
	[dreg:$0xb] =	wrdreg s23  }
0x15: {  	s6 =	sshll.u32 s6, $0x8;
	s8 =	sadd.s32 $0x200, s17;
	[dreg:$0xc] =	wrdreg s24  }
0x16: {  	s2 =	sadd.s32 s18, s1;
	[dreg:$0xd] =	wrdreg s25;
	s26 =	sadd.s32 s6, s7  }
.Ltmp0:
0x17: {  	s0 =	sadd.s32 s0, s6;
	s19 =	simm.s32 $0x9;
	(pc) =	sbr.rel .LBB2_1-.Ltmp0, $4  }
0x18: {  	s22 =	simm.s32 $0x1C00;
	s23 =	simm.s32 $0x1;
	s24 =	simm.s32 $0x80  }
0x19: {  	[dreg:$0x8] =	wrdreg s8;
	s9 =	sadd.s32 $0x600, s26;
	s6 =	sadd.s32 $0x400, s0  }
0x1a: {  	s8 =	sadd.s32 $0x400, s26;
	s7 =	sadd.s32 $0x300, s26;
	s25 =	sshrl.u32 s2, $0x3  }
0x1b: {  	v0 =	vimm.f32 $0.0e+00;
	s26 =	simm.s32 $0x2400;
	s0 =	simm.s32 $0x8;
	s2 =	simm.s32 $0x0  }
.LBB2_6:
0x1c: {  	_ =	swait.ge [sflag:s0], $0x800  }
0x1d: {  	[sflag:s0] =	ssyncset.done $0x0  }
0x1e: {  	s4 =	stileid.u32;
	[sflag:s0] =	ssyncadd.s32 $0xFFFFF800  }
0x1f: {  	s4 =	sshll.u32 s4, $0x6;
	[bflag:$0x0] =	sbarrier.arrive $0xFFFF  }
0x20: {  	s4 =	sor.u32 $0x1C09, s4;
	s10 =	rddreg [dreg:$0xe]  }
0x21: {  	[hbm:s10], [sflag:s4] =	dma.local [spmem:s25], $0x500  }
0x22: {  	_ =	swait.ge [sflag:s19], $0x500  }
0x23: {  	s2 =	sadd.s32 $0x1, s2;
	s18 =	rddreg [dreg:$0x9]  }
0x24: {  	p0 =	sne.s32 s2, s18  }
.Ltmp1:
0x25: {  	_ = 	snop;
	(pc) =	sbr.rel @!p0 .LBB2_7-.Ltmp1, $3  }
0x26: {  	_ =	sdelay $0x1  }
0x27: {  	[sflag:s19] =	ssyncset.done $0x0  }
0x28: {  	[sflag:s19] =	ssyncadd.s32 $0xFFFFFB00  }
.LBB2_1:
0x29: {  	s4 =	rddreg [dreg:$0x5]  }
0x2a: {  	[tilespmem:s3], [sflag:$0x9] =	stream.linear.gather [hbm4b:s4+s3], $0xC00, $0x38;
	[tilespmem:$0x5400] =	vst v63  }
0x2b: {  	_ =	swait.ge [sflag:s19], $0xC00  }
0x2c: {  	[sflag:s19] =	ssyncset.done $0x0  }
0x2d: {  	s15 =	simm.s32 $0x0;
	s4 =	simm.s32 $0x40;
	[sflag:s19] =	ssyncadd.s32 $0xFFFFF400  }
.LBB2_2:
0x2e: {  	p0 =	sne.s32 s4, $0x1FC0;
	[tilespmem:s15+$0xC00] =	vst v0;
	s15 =	smov.u32 s4;
	s4 =	sadd.s32 $0x40, s4  }
.Ltmp2:
0x2f: {  	(pc) =	sbr.rel @p0 .LBB2_2-.Ltmp2, $2  }
0x30: {  	_ =	sdelay $0x2  }
0x31: {  	s15 =	sshra.s32 s15, $0x2  }
0x32: {  	[tilespmem:s15+$0xC00] =	vst v0  }
0x33: {  	[spmem:s5] =	stream.linear.scatter [tilespmem:s20], [sflag:$0x9], $0x800, $0x38;
	[tilespmem:$0x5400] =	vst v63  }
0x34: {  	_ =	swait.ge [sflag:s19], $0x800  }
0x35: {  	[sflag:s19] =	ssyncset.done $0x0  }
0x36: {  	s4 =	rddreg [dreg:$0xa];
	[sflag:s19] =	ssyncadd.s32 $0xFFFFF800  }
0x37: {  	[spmem:s4] =	stream.linear.scatter [tilespmem:s20], [sflag:$0x9], $0x800, $0x38;
	[tilespmem:$0x5400] =	vst v63  }
0x38: {  	_ =	swait.ge [sflag:s19], $0x800  }
0x39: {  	[sflag:s19] =	ssyncset.done $0x0  }
0x3a: {  	s14 =	rddreg [dreg:$0xb];
	[sflag:s19] =	ssyncadd.s32 $0xFFFFF800  }
0x3b: {  	[spmem:s14] =	stream.linear.scatter [tilespmem:s20], [sflag:$0x9], $0x800, $0x38;
	[tilespmem:$0x5400] =	vst v63  }
0x3c: {  	_ =	swait.ge [sflag:s19], $0x800  }
0x3d: {  	[sflag:s19] =	ssyncset.done $0x0  }
0x3e: {  	s15 =	rddreg [dreg:$0xc];
	[sflag:s19] =	ssyncadd.s32 $0xFFFFF800  }
0x3f: {  	[spmem:s15] =	stream.linear.scatter [tilespmem:s20], [sflag:$0x9], $0x800, $0x38;
	[tilespmem:$0x5400] =	vst v63  }
0x40: {  	_ =	swait.ge [sflag:s19], $0x800  }
0x41: {  	[sflag:s19] =	ssyncset.done $0x0  }
0x42: {  	s16 =	rddreg [dreg:$0xd];
	[sflag:s19] =	ssyncadd.s32 $0xFFFFF800  }
0x43: {  	[spmem:s16] =	stream.linear.scatter [tilespmem:s20], [sflag:$0x9], $0x800, $0x38;
	[tilespmem:$0x5400] =	vst v63  }
0x44: {  	_ =	swait.ge [sflag:s19], $0x800  }
0x45: {  	[sflag:s19] =	ssyncset.done $0x0  }
0x46: {  	[sflag:s19] =	ssyncadd.s32 $0xFFFFF800  }
0x47: {  	[bflag:$0x0] =	sbarrier.arrive $0xFFFF  }
0x48: {  	s4 =	simm.s32 $0x0;
	s10 =	rddreg [dreg:$0x6]  }
0x49: {  	[tilespmem:s20], [sflag:$0x1] =	stream.linear.gather [hbm4b:s10+s4], $0x800, $0x38;
	[tilespmem:$0x5400] =	vst v63  }
0x4a: {  	s17 =	rddreg [dreg:$0x7]  }
0x4b: {  	[tilespmem:s21], [sflag:$0x2] =	stream.linear.gather [hbm4b:s17+s4], $0x800, $0x38;
	[tilespmem:$0x5400] =	vst v63  }
0x4c: {  	s15 =	smov.u32 s9;
	s18 =	rddreg [dreg:$0x8]  }
0x4d: {  	[tilespmem:s22], [sflag:$0x3] =	stream.linear.gather [hbm4b:s18+s4], $0x800, $0x38;
	[tilespmem:$0x5400] =	vst v63  }
0x4e: {  	s16 =	smov.u32 s6;
	s17 =	smov.u32 s8;
	s18 =	smov.u32 s7  }
.LBB2_4:
0x4f: {  	_ =	swait.ge [sflag:s23], $0x800  }
0x50: {  	p0 =	seq.s32 s4, $0x0;
	[sflag:s23] =	ssyncset.done $0x0  }
0x51: {  	s10 =	sshra.s32 s4, $0x2;
	s11 =	simm.s32 @!p0 $0x8;
	[sflag:s23] =	ssyncadd.s32 $0xFFFFF800  }
0x52: {  	[spmem:s1] =	stream.indirect.scatter.add.f32 [tilespmem:s20], [sflag:$0x5], $0x10, s10, s24, $0xb8;
	[tilespmem:$0x5400] =	vst v63  }
0x53: {  	_ =	swait.ge @!p0 [sflag:s11], $0x800  }
0x54: {  	[sflag:s11] =	ssyncset.done @!p0 $0x0  }
0x55: {  	[sflag:s11] =	ssyncadd.s32 @!p0 $0xFFFFF800  }
0x56: {  	[tilespmem:s26], [sflag:$0x4] =	stream.linear.gather [hbm4b:s18+s3], $0x800, $0x38;
	[tilespmem:$0x5400] =	vst v63  }
0x57: {  	_ =	swait.ge [sflag:s28], $0x800  }
0x58: {  	[sflag:s28] =	ssyncset.done $0x0  }
0x59: {  	s14 =	sadd.s32 $0x80, s10;
	[sflag:s28] =	ssyncadd.s32 $0xFFFFF800  }
0x5a: {  	[spmem:s1] =	stream.indirect.scatter.add.f32 [tilespmem:s21], [sflag:$0x6], $0x10, s14, s24, $0xb8;
	[tilespmem:$0x5400] =	vst v63  }
0x5b: {  	_ =	swait.ge [sflag:s29], $0x800  }
0x5c: {  	p0 =	seq.s32 s4, $0x2000;
	[sflag:s29] =	ssyncset.done $0x0  }
0x5d: {  	s11 =	simm.s32 @p0 $0x3;
	[sflag:s29] =	ssyncadd.s32 $0xFFFFF800  }
0x5e: {  	_ =	swait.ge @p0 [sflag:s11], $0x800  }
0x5f: {  	[sflag:s11] =	ssyncset.done @p0 $0x0  }
0x60: {  	[sflag:s11] =	ssyncadd.s32 @p0 $0xFFFFF800;
	s11 =	sshra.s32 @p0 s4, $0x2  }
0x61: {  	s12 =	simm.s32 @p0 $0x80;
	s13 =	simm.s32 @p0 $0x1C00;
	s11 =	sadd.s32 @p0 $0x100, s11  }
0x62: {  	[spmem:s1] =	stream.indirect.scatter.add.f32 @p0 [tilespmem:s13], [sflag:$0x7], $0x10, s11, s12, $0xb8;
	[tilespmem:$0x5400] =	vst v63  }
0x63: {  	s11 =	simm.s32 @p0 $0x6  }
0x64: {  	_ =	swait.ge @p0 [sflag:s11], $0x800  }
0x65: {  	[sflag:s11] =	ssyncset.done @p0 $0x0  }
0x66: {  	s12 =	simm.s32 @!p0 $0xC00;
	[sflag:s11] =	ssyncadd.s32 @p0 $0xFFFFF800;
	s11 =	simm.s32 @!p0 $0x0  }
0x67: {  	[tilespmem:s12], [sflag:$0x1] =	stream.linear.gather @!p0 [hbm4b:s17+s11], $0x800, $0x38;
	[tilespmem:$0x5400] =	vst v63  }
0x68: {  	s12 =	simm.s32 @!p0 $0x3  }
0x69: {  	_ =	swait.ge @!p0 [sflag:s12], $0x800  }
0x6a: {  	[sflag:s12] =	ssyncset.done @!p0 $0x0  }
0x6b: {  	[sflag:s12] =	ssyncadd.s32 @!p0 $0xFFFFF800;
	s12 =	sshra.s32 @!p0 s4, $0x2  }
0x6c: {  	s14 =	simm.s32 @!p0 $0x1C00;
	s13 =	simm.s32 @!p0 $0x80;
	s12 =	sadd.s32 @!p0 $0x100, s12  }
0x6d: {  	[spmem:s1] =	stream.indirect.scatter.add.f32 @!p0 [tilespmem:s14], [sflag:$0x7], $0x10, s12, s13, $0xb8;
	[tilespmem:$0x5400] =	vst v63  }
0x6e: {  	s12 =	simm.s32 @!p0 $0x6  }
0x6f: {  	_ =	swait.ge @!p0 [sflag:s12], $0x800  }
0x70: {  	[sflag:s12] =	ssyncset.done @!p0 $0x0  }
0x71: {  	[sflag:s12] =	ssyncadd.s32 @!p0 $0xFFFFF800;
	s12 =	simm.s32 @!p0 $0x1400  }
0x72: {  	[tilespmem:s12], [sflag:$0x2] =	stream.linear.gather @!p0 [hbm4b:s16+s11], $0x800, $0x38;
	[tilespmem:$0x5400] =	vst v63  }
0x73: {  	_ =	swait.ge [sflag:s30], $0x800  }
0x74: {  	[sflag:s30] =	ssyncset.done $0x0  }
.Ltmp3:
0x75: {  	s10 =	sadd.s32 $0x180, s10;
	[sflag:s30] =	ssyncadd.s32 $0xFFFFF800;
	(pc) =	sbr.rel @p0 .LBB2_6-.Ltmp3, $4  }
0x76: {  	[spmem:s1] =	stream.indirect.scatter.add.f32 [tilespmem:s26], [sflag:$0x8], $0x10, s10, s24, $0xb8;
	[tilespmem:$0x5400] =	vst v63  }
0x77: {  	_ =	swait.ge [sflag:s31], $0x800  }
0x78: {  	[sflag:s31] =	ssyncset.done $0x0  }
0x79: {  	[sflag:s31] =	ssyncadd.s32 $0xFFFFF800  }
.Ltmp4:
0x7a: {  	(pc) =	sbr.rel .LBB2_4-.Ltmp4, $4  }
0x7b: {  	_ = 	snop  }
0x7c: {  	[tilespmem:s22], [sflag:$0x3] =	stream.linear.gather [hbm4b:s15+s3], $0x800, $0x38;
	[tilespmem:$0x5400] =	vst v63  }
0x7d: {  	s4 =	sadd.s32 $0x800, s4;
	s15 =	sadd.s32 $0x400, s15  }
0x7e: {  	s16 =	sadd.s32 $0x400, s16;
	s17 =	sadd.s32 $0x400, s17;
	s18 =	sadd.s32 $0x400, s18  }
.LBB2_7:
0x7f: {  	_ =	sfence.sel $0x180000  }
0x80: {  	[bflag:$0x0] =	sbarrier.arrive $0xFFFF  }
0x81: {  	_ =	strace $0x90000056  }
0x82: {  	s0 =	stileid.u32;
	[bflag:$0x2] =	sbarrier.arrive $0xFFFF  }
0x83: {  	p0 =	sne.s32 s0, $0x0;
	s0 =	rddreg [dreg:$0x4]  }
0x84: {  	s0 =	sadd.s32 @!p0 $0x100000, s0  }
0x85: {  	[sflag:s0] =	ssyncadd.tile.s32 @!p0 $0x1;
	_ =	shalt  }
.Lfunc_end2:
_tile_overlayer_lowered:
.L_overlay_start_2:
0x86: {  	(tag) =	ssettag $0x2  }
0x87: {  	s0 =	rddreg [dreg:$0x0];
	s2 =	stileid.u32  }
0x88: {  	s1 =	rddreg [dreg:$0x1];
	p0 =	sne.s32 s2, $0x0  }
0x89: {  	s3 =	rddreg [dreg:$0x2];
	[bflag:$0x3] =	sbarrier.arrive $0xFFFF;
	s2 =	simm.s32 @!p0 $0x1C09  }
0x8a: {  	[timem:s3], [sflag:s2] =	dma.local @!p0 [hbm:s0], s1  }
0x8b: {  	s0 =	simm.s32 @!p0 $0x9  }
0x8c: {  	_ =	swait.ge @!p0 [sflag:s0], s1  }
0x8d: {  	s1 =	ssub.s32 @!p0 $0x0, s1;
	[sflag:s0] =	ssyncset.done @!p0 $0x0  }
0x8e: {  	[sflag:s0] =	ssyncadd.s32 @!p0 s1  }
0x8f: {  	[bflag:$0x3] =	sbarrier.arrive $0xFFFF  }
0x90: {  	_ =	shalt  }

// kernel: kernel.33.cloned.1.call-start
scs
__scs_entry_jumppad:
0x0: {  	(pc) =	sbr.rel $0x88, $3  }
0x1: {  	(tag) =	ssettag $0x0;
	lr =	simm.s32 $0x1  }
0x2: {  	[smem:$0x3F86] =	sst lr;
	_ =	strace $0xD0000000  }
0x3: {  	_ = 	snop  }
0x4: {  	_ = 	snop  }
0x5: {  	_ = 	snop  }
0x6: {  	_ = 	snop  }
0x7: {  	_ = 	snop  }
__scs_overlays_trampoline_lowered:
0x8: {  	[smem:$0x3F95] =	sst s0  }
0x9: {  	[smem:$0x3F96] =	sst s1  }
0xa: {  	[smem:$0x3F97] =	sst s2  }
0xb: {  	[smem:$0x3F98] =	sst s3  }
0xc: {  	[smem:$0x3F99] =	sst s4  }
0xd: {  	[smem:$0x3F9A] =	sst s5  }
0xe: {  	[smem:$0x3F9B] =	sst s6  }
0xf: {  	[smem:$0x3F9C] =	sst s7  }
0x10: {  	[smem:$0x3F9D] =	sst s8  }
0x11: {  	[smem:$0x3F9E] =	sst s9;
	s0 =	simm.s32 @!p0 $0x0  }
0x12: {  	s1 =	sld [smem:$0x3F84];
	s0 =	simm.s32 @p0 $0x1  }
0x13: {  	[smem:$0x3F9F] =	sst s0;
	s0 =	simm.s32 @!p1 $0x0  }
0x14: {  	s2 =	sld [smem:$0x3F83];
	s0 =	simm.s32 @p1 $0x1  }
0x15: {  	[smem:$0x3FA0] =	sst s0;
	s0 =	simm.s32 @!p2 $0x0  }
0x16: {  	s3 =	sld [smem:$0x3FDB];
	s0 =	simm.s32 @p2 $0x1  }
0x17: {  	s4 =	simm.s32 $0x1BF5;
	[smem:$0x3FA2] =	sst s0  }
0x18: {  	s0 =	sld [smem:$0x3F85];
	_ =	swait.ge [sflag:s4], $0x0  }
0x19: {  	s7 =	sld [smem:$0x3F86]  }
0x1a: {  	s8 =	sadd.s32 $0xFFFFE003, lr  }
0x1b: {  	s9 =	sadd.s32 $0xFFFFFEF7, lr;
	s5 =	simm.s32 $0xFFFFFFFF;
	p2 =	slt.u32 s8, $0xFFFFF086  }
0x1c: {  	p1 =	slt.u32 s9, $0xF7A;
	s5 =	simm.s32 @!p2 $0x0  }
0x1d: {  	s5 =	simm.s32 @p1 $0x1;
	p0 =	seq.s32 s7, s2  }
0x1e: {  	s7 =	smul.u32 @!p0 $0xF7A, s2;
	p2 =	seq.s32 @!p0 s5, $0x0  }
0x1f: {  	s9 =	smul.u32 $0xF7A, s1;
	s8 =	simm.s32 @!p0 $0x1BF5;
	p2 =	por !p2, p0  }
0x20: {  	[sflag:s8] =	ssyncset.s32 @!p0 $0xFFFFF086;
	s6 =	sadd.s32 @!p0 s3, s7;
	s7 =	simm.s32 @!p0 $0x108  }
0x21: {  	s3 =	sadd.s32 s3, s9;
	s6 =	sadd.s32 @!p0 $0x88, s6;
	s7 =	simm.s32 @p2 $0x1082  }
0x22: {  	[simem:s7], [sflag:s8] =	dma.local @!p0 [hbm:s6], $0xF7A  }
0x23: {  	s9 =	sor.u32 $0xD0000000, s2;
	s6 =	simm.s32 $0x108;
	_ =	swait.ge @!p0 [sflag:s8], $0x0  }
0x24: {  	s3 =	sadd.s32 $0x88, s3;
	s6 =	simm.s32 @!p1 $0x1082;
	[sflag:s4] =	ssyncset.s32 $0xFFFFF086  }
0x25: {  	[simem:s6], [sflag:s4] =	dma.local [hbm:s3], $0xF7A  }
0x26: {  	[smem:$0x3F86] =	sst s1;
	(tag) =	ssettag s2;
	_ =	strace s9  }
0x27: {  	s1 =	sld [smem:$0x3F96]  }
0x28: {  	s2 =	sld [smem:$0x3F97]  }
0x29: {  	s4 =	sld [smem:$0x3F99]  }
0x2a: {  	p0 =	seq.s32 s5, $0x0;
	s5 =	sld [smem:$0x3F9A]  }
0x2b: {  	s6 =	sld [smem:$0x3F9B]  }
0x2c: {  	s7 =	sld [smem:$0x3F9C]  }
0x2d: {  	s3 =	simm.s32 $0x108;
	s8 =	sld [smem:$0x3F9D]  }
0x2e: {  	s3 =	simm.s32 @!p0 $0x1082;
	s9 =	sld [smem:$0x3F9E]  }
0x2f: {  	lr =	sadd.s32 s0, s3;
	s0 =	sld [smem:$0x3F95]  }
0x30: {  	s3 =	sld [smem:$0x3F98]  }
0x31: {  	[smem:$0x3FA1] =	sst s10  }
0x32: {  	s10 =	sld [smem:$0x3F9F];
	_ =	sdelay $0x3  }
0x33: {  	p0 =	seq.s32 s10, $0x1;
	s10 =	sld [smem:$0x3FA1];
	_ =	sdelay $0x3  }
0x34: {  	[smem:$0x3FA1] =	sst s10  }
0x35: {  	s10 =	sld [smem:$0x3FA0];
	_ =	sdelay $0x3  }
0x36: {  	p1 =	seq.s32 s10, $0x1;
	s10 =	sld [smem:$0x3FA1];
	_ =	sdelay $0x3  }
0x37: {  	[smem:$0x3FA1] =	sst s10  }
0x38: {  	s10 =	sld [smem:$0x3FA2]  }
0x39: {  	_ = 	snop;
	(pc) =	sbr.ind lr, $3  }
0x3a: {  	_ = 	snop  }
0x3b: {  	_ = 	snop  }
0x3c: {  	p2 =	seq.s32 s10, $0x1;
	s10 =	sld [smem:$0x3FA1]  }
0x3d: {  	_ =	shalt  }
0x3e: {  	_ =	shalt  }
0x3f: {  	_ =	shalt  }
0x40: {  	_ =	shalt  }
0x41: {  	_ =	shalt  }
0x42: {  	_ =	shalt  }
0x43: {  	_ =	shalt  }
0x44: {  	_ =	shalt  }
0x45: {  	_ =	shalt  }
0x46: {  	_ =	shalt  }
0x47: {  	_ =	shalt  }
0x48: {  	_ =	shalt  }
0x49: {  	_ =	shalt  }
0x4a: {  	_ =	shalt  }
0x4b: {  	_ =	shalt  }
0x4c: {  	_ =	shalt  }
0x4d: {  	_ =	shalt  }
0x4e: {  	_ =	shalt  }
0x4f: {  	_ =	shalt  }
0x50: {  	_ =	shalt  }
0x51: {  	_ =	shalt  }
0x52: {  	_ =	shalt  }
0x53: {  	_ =	shalt  }
0x54: {  	_ =	shalt  }
0x55: {  	_ =	shalt  }
0x56: {  	_ =	shalt  }
0x57: {  	_ =	shalt  }
0x58: {  	_ =	shalt  }
0x59: {  	_ =	shalt  }
0x5a: {  	_ =	shalt  }
0x5b: {  	_ =	shalt  }
0x5c: {  	_ =	shalt  }
0x5d: {  	_ =	shalt  }
0x5e: {  	_ =	shalt  }
0x5f: {  	_ =	shalt  }
0x60: {  	_ =	shalt  }
0x61: {  	_ =	shalt  }
0x62: {  	_ =	shalt  }
0x63: {  	_ =	shalt  }
0x64: {  	_ =	shalt  }
0x65: {  	_ =	shalt  }
0x66: {  	_ =	shalt  }
0x67: {  	_ =	shalt  }
0x68: {  	_ =	shalt  }
0x69: {  	_ =	shalt  }
0x6a: {  	_ =	shalt  }
0x6b: {  	_ =	shalt  }
0x6c: {  	_ =	shalt  }
0x6d: {  	_ =	shalt  }
0x6e: {  	_ =	shalt  }
0x6f: {  	_ =	shalt  }
0x70: {  	_ =	shalt  }
0x71: {  	_ =	shalt  }
0x72: {  	_ =	shalt  }
0x73: {  	_ =	shalt  }
0x74: {  	_ =	shalt  }
0x75: {  	_ =	shalt  }
0x76: {  	_ =	shalt  }
0x77: {  	_ =	shalt  }
0x78: {  	_ =	shalt  }
0x79: {  	_ =	shalt  }
0x7a: {  	_ =	shalt  }
0x7b: {  	_ =	shalt  }
0x7c: {  	_ =	shalt  }
0x7d: {  	_ =	shalt  }
0x7e: {  	_ =	shalt  }
0x7f: {  	_ =	shalt  }
0x80: {  	_ =	shalt  }
0x81: {  	_ =	shalt  }
0x82: {  	_ =	shalt  }
0x83: {  	_ =	shalt  }
0x84: {  	_ =	shalt  }
0x85: {  	_ =	shalt  }
0x86: {  	_ =	shalt  }
0x87: {  	_ =	shalt  }
.Lfunc_end0:
.L_simem_size_0:
called_computation.6_lowered:
.L_overlay_start_0:
0x88: {  	s2 =	sld [smem:$0x3FD9]  }
0x89: {  	s3 =	sld [smem:$0x3FFE];
	_ =	sdelay $0x1  }
0x8a: {  	s1 =	srdreg.scid  }
0x8b: {  	s0 =	sand.u32 $0x1, s1  }
0x8c: {  	s17 =	sshll.u32 s0, $0xA;
	s2 =	sadd.s32 s3, s2  }
0x8d: {  	s2 =	sadd.s32 s2, s17  }
0x8e: {  	[smem:$0x3FAD] =	sst s2  }
0x8f: {  	_ = 	snop  }
0x90: {  	(tm) =	ssettm $0x1  }
0x91: {  	s18 =	sld [smem:$0x3FFB];
	_ =	sdelay $0x3  }
0x92: {  	_ =	strace s18  }
0x93: {  	s2 =	sld [smem:$0x3FFC];
	_ =	sdelay $0x3  }
0x94: {  	_ =	strace s2  }
0x95: {  	s2 =	sld [smem:$0x3FFD];
	_ =	sdelay $0x3  }
0x96: {  	_ =	strace s2  }
0x97: {  	_ =	strace $0x8FFFFFFF  }
0x98: {  	s19 =	sld [smem:$0x3FDB];
	_ =	sdelay $0x1  }
0x99: {  	s20 =	simm.s32 $_scs_section_size  }
0x9a: {  	s4 =	simm.s32 $_size__tile_overlayer_lowered;
	s5 =	simm.s32 $_tile_overlayer_lowered  }
0x9b: {  	s6 =	simm.s32 $0x1BFF;
	s21 =	sshll.u32 s5, $0x1;
	s3 =	sadd.s32 s20, s19  }
0x9c: {  	s22 =	simm.s32 $0x0;
	s4 =	sshll.u32 s4, $0x1;
	s5 =	sadd.s32 s21, s3  }
0x9d: {  	[timem:s22], [sflag:s6] =	dma.local [hbm:s5], s4  }
0x9e: {  	_ =	swait.ge [sflag:s6], s4  }
0x9f: {  	s4 =	ssub.s32 $0x0, s4;
	[sflag:s6] =	ssyncset.done $0x0  }
0xa0: {  	[sflag:s6] =	ssyncadd.s32 s4;
	_ =	sdelay $0x1  }
0xa1: {  	s23 =	simm.s32 $0x1B8B  }
0xa2: {  	_ =	swait.ge [sflag:s23], $0x1  }
0xa3: {  	[sflag:s23] =	ssyncset.done $0x0  }
0xa4: {  	[sflag:s23] =	ssyncadd.s32 $0xFFFFFFFF  }
0xa5: {  	s4 =	sld [smem:$0x0]  }
0xa6: {  	s5 =	sand.u32 $0xFFFFFFFE, s1  }
0xa7: {  	p0 =	sne.s32 s1, s5  }
0xa8: {  	s5 =	sshll.u32 @p0 s5, $0xE  }
0xa9: {  	s5 =	sadd.s32 @p0 $0x11B8D, s5;
	s6 =	sshll.u32 @p0 s4, $0x11  }
0xaa: {  	s5 =	sor.u32 @p0 s6, s5  }
0xab: {  	[sflag:s5] =	ssyncadd.remote.s32 @p0 $0x1;
	_ =	sdelay $0x1  }
0xac: {  	s5 =	simm.s32 @p0 $0x1B8D  }
0xad: {  	_ =	swait.eq @p0 [sflag:s5], $0x1  }
0xae: {  	[sflag:s5] =	ssyncadd.s32 @p0 $0xFFFFFFFF  }
0xaf: {  	s6 =	sshll.u32 @!p0 s1, $0xE  }
0xb0: {  	s6 =	sor.u32 @!p0 $0x4000, s6;
	s5 =	simm.s32 @!p0 $0x1B8D  }
0xb1: {  	s4 =	sshll.u32 @!p0 s4, $0x11;
	s6 =	sadd.s32 @!p0 $0x11B8D, s6;
	_ =	swait.eq @!p0 [sflag:s5], $0x1  }
0xb2: {  	s4 =	sor.u32 @!p0 s4, s6;
	[sflag:s5] =	ssyncadd.s32 @!p0 $0xFFFFFFFF  }
0xb3: {  	s25 =	simm.s32 $0x1B8E;
	s24 =	sld [smem:$0x3FFE];
	[sflag:s4] =	ssyncadd.remote.s32 @!p0 $0x1  }
0xb4: {  	s26 =	simm.s32 $execute0_lowered;
	[smem:$0x3FD2] =	sst s25  }
0xb5: {  	s5 =	sshll.u32 s26, $0x1;
	_ =	strace $0x80000058;
	[dreg:$0x1] =	wrdreg $0xFFFFFFFF  }
0xb6: {  	s28 =	simm.s32 $_size_execute0_lowered;
	s3 =	sadd.s32 s3, s5;
	[dreg:$0x0] =	wrdreg $0x0  }
0xb7: {  	s5 =	sshll.u32 s28, $0x1;
	[dreg:$0x2] =	wrdreg s3  }
0xb8: {  	[dreg:$0x3] =	wrdreg s5  }
0xb9: {  	[dreg:$0x4] =	wrdreg $0xC0  }
0xba: {  	_ =	task [dreg:s22], $0x5FFFF  }
0xbb: {  	[dreg:$0x1] =	wrdreg $0xFFFFFFFF  }
0xbc: {  	[dreg:$0x0] =	wrdreg $0x60  }
0xbd: {  	[dreg:$0x2] =	wrdreg s24  }
0xbe: {  	[dreg:$0x3] =	wrdreg $0x8C000  }
0xbf: {  	[dreg:$0x4] =	wrdreg $0xC  }
0xc0: {  	_ =	task.clear_ibuf [dreg:s22], $0x5FFFF;
	_ =	strace $0x90000058  }
0xc1: {  	s29 =	simm.s32 $0xC;
	_ =	strace $0x8000005A  }
0xc2: {  	_ =	swait.ge [sflag:s29], $0x1  }
0xc3: {  	[sflag:s29] =	ssyncadd.s32 $0xFFFFFFFF  }
0xc4: {  	_ =	strace $0x9000005A  }
0xc5: {  	_ =	sfence  }
0xc6: {  	s30 =	sld [smem:$0x0];
	_ =	sdelay $0x2  }
0xc7: {  	s31 =	sshll.u32 s1, $0xD;
	s1 =	sshrl.u32 s1, $0x2  }
0xc8: {  	s4 =	sand.u32 $0x4000, s31;
	s1 =	sadd.s32 s1, s30  }
0xc9: {  	s0 =	sor.u32 s4, s0;
	s1 =	sshll.u32 s1, $0x11  }
0xca: {  	s0 =	sor.u32 s1, s0  }
0xcb: {  	s0 =	sadd.s32 $0x8F2B, s0  }
0xcc: {  	[sflag:s0] =	ssyncadd.remote.s32 $0x1  }
0xcd: {  	_ =	sfence.sel $0xFFFF  }
0xce: {  	[dreg:$0x0] =	wrdreg $0xFFFFFFFF;
	(pc) =	sbr.abs _section_cstart, $3  }
0xcf: {  	[dreg:$0x1] =	wrdreg $0xFFFFFFFF  }
0xd0: {  	_ =	task.clear_ibuf [dreg:s22], $0x2FFFF;
	_ =	strace $0x9FFFFFFF  }
0xd1: {  	(tm) =	ssettm $0x7FFFFFFF  }
tec
execute0_lowered:
.L_overlay_start_1:
0x0: {  	(tag) =	ssettag $0x1  }
0x1: {  	s14 =	rddreg [dreg:$0x0]  }
0x2: {  	s2 =	rddreg [dreg:$0x1]  }
0x3: {  	s0 =	rddreg [dreg:$0x2]  }
0x4: {  	s4 =	srdreg.scid;
	s1 =	stileid.u32  }
0x5: {  	s3 =	simm.s32 $0x0;
	s17 =	simm.s32 $0x240800;
	s19 =	simm.s32 $0x1  }
0x6: {  	s20 =	simm.s32 $0x80;
	s21 =	simm.s32 $0x4C00;
	s22 =	simm.s32 $0x2  }
0x7: {  	s23 =	simm.s32 $0x3;
	s24 =	simm.s32 $0x4;
	s9 =	smul.u32 $0x50000, s1  }
0x8: {  	s25 =	simm.s32 $0x0;
	s8 =	sand.u32 $0x1, s4;
	s16 =	smul.u32 $0x2800, s1  }
0x9: {  	s28 =	sshll.u32 s1, $0x1;
	[smem:$0x7FF] =	sst s3;
	s12 =	smul.u32 $0x28, s1  }
0xa: {  	s15 =	sadd.s32 $0xD21800, s14;
	s4 =	sor.u32 s8, s28;
	s13 =	smul.u32 $0x14, s8  }
0xb: {  	_ =	strace $0x80000059;
	s6 =	ssub.s32 $0x2, s8;
	s5 =	smul.u32 $0x180, s4  }
0xc: {  	p0 =	seq.s32 s8, $0x1;
	s7 =	sshrl.u32 s6, $0x1;
	s29 =	smul.u32 $0xA000, s4  }
0xd: {  	s30 =	sshrl.u32 s9, $0x2;
	s17 =	simm.s32 @!p0 $0x218800;
	s7 =	ssub.s32 s6, s7  }
0xe: {  	s13 =	sadd.s32 s13, s12;
	s5 =	sadd.s32 s5, s14;
	s6 =	sadd.s32 s15, s29  }
0xf: {  	s7 =	smax.u32 s7, $0x1;
	s18 =	sshll.u32 s13, $0xB;
	s14 =	sadd.s32 s17, s14  }
.Ltmp0:
0x10: {  	s17 =	simm.s32 $0x5;
	s4 =	sadd.s32 $0x7800, s5;
	(pc) =	sbr.rel .LBB2_1-.Ltmp0, $4  }
0x11: {  	s5 =	sadd.s32 s30, s2;
	s12 =	sadd.s32 $0x800, s6;
	s13 =	sadd.s32 $0x1000, s6  }
0x12: {  	s31 =	sadd.s32 s18, s15;
	s14 =	sadd.s32 s14, s16;
	s18 =	simm.s32 $0xC00  }
0x13: {  	s8 =	sadd.s32 $0x4000, s5;
	s9 =	sadd.s32 $0x8000, s5;
	s10 =	sadd.s32 $0xC000, s5  }
0x14: {  	v0 =	vimm.f32 $0.0e+00;
	s11 =	sadd.s32 $0x10000, s5;
	s15 =	sadd.s32 $0x2000, s31;
	s16 =	sadd.s32 $0x1800, s31  }
.LBB2_6:
0x15: {  	_ =	swait.ge [sflag:s24], $0x4000  }
0x16: {  	s26 =	sshll.u32 s1, $0x6;
	s25 =	sadd.s32 $0x1, s25;
	[sflag:s24] =	ssyncset.done $0x0  }
0x17: {  	s28 =	sshrl.u32 s5, $0x3;
	p0 =	sne.s32 s25, s7;
	[sflag:s24] =	ssyncadd.s32 $0xFFFFC000  }
.Ltmp1:
0x18: {  	s26 =	sor.u32 $0x1C05, s26;
	[bflag:$0x0] =	sbarrier.arrive $0xFFFF;
	(pc) =	sbr.rel @!p0 .LBB2_7-.Ltmp1, $4  }
0x19: {  	[hbm:s14], [sflag:s26] =	dma.local [spmem:s28], $0x2800  }
0x1a: {  	_ =	swait.ge [sflag:s17], $0x2800  }
0x1b: {  	[sflag:s17] =	ssyncset.done $0x0  }
0x1c: {  	[sflag:s17] =	ssyncadd.s32 $0xFFFFD800  }
.LBB2_1:
0x1d: {  	[tilespmem:s3], [sflag:$0x5] =	stream.linear.gather [hbm4b:s4+s3], $0xC00, $0x38;
	[tilespmem:$0x1CC00] =	vst v63  }
0x1e: {  	_ =	swait.ge [sflag:s17], $0xC00  }
0x1f: {  	[sflag:s17] =	ssyncset.done $0x0  }
0x20: {  	s26 =	simm.s32 $0x0;
	s28 =	simm.s32 $0x200;
	[sflag:s17] =	ssyncadd.s32 $0xFFFFF400  }
.LBB2_2:
0x21: {  	p0 =	sne.s32 s28, $0xFE00;
	[tilespmem:s26+$0xC70] =	vst v0  }
0x22: {  	[tilespmem:s26+$0xC00] =	vst v0  }
0x23: {  	[tilespmem:s26+$0xC10] =	vst v0  }
.Ltmp2:
0x24: {  	[tilespmem:s26+$0xC20] =	vst v0;
	(pc) =	sbr.rel @p0 .LBB2_2-.Ltmp2, $4  }
0x25: {  	[tilespmem:s26+$0xC30] =	vst v0  }
0x26: {  	[tilespmem:s26+$0xC40] =	vst v0  }
0x27: {  	[tilespmem:s26+$0xC50] =	vst v0  }
0x28: {  	[tilespmem:s26+$0xC60] =	vst v0;
	s26 =	sshra.s32 s28, $0x2;
	s28 =	sadd.s32 $0x200, s28  }
0x29: {  	[tilespmem:s26+$0xC70] =	vst v0  }
0x2a: {  	[tilespmem:s26+$0xC00] =	vst v0  }
0x2b: {  	[tilespmem:s26+$0xC10] =	vst v0  }
0x2c: {  	[tilespmem:s26+$0xC20] =	vst v0  }
0x2d: {  	[tilespmem:s26+$0xC30] =	vst v0  }
0x2e: {  	[tilespmem:s26+$0xC40] =	vst v0  }
0x2f: {  	[tilespmem:s26+$0xC50] =	vst v0  }
0x30: {  	[tilespmem:s26+$0xC60] =	vst v0  }
0x31: {  	[spmem:s5] =	stream.linear.scatter [tilespmem:s18], [sflag:$0x5], $0x4000, $0x38;
	[tilespmem:$0x1CC00] =	vst v63  }
0x32: {  	_ =	swait.ge [sflag:s17], $0x4000  }
0x33: {  	[sflag:s17] =	ssyncset.done $0x0  }
0x34: {  	[sflag:s17] =	ssyncadd.s32 $0xFFFFC000  }
0x35: {  	[spmem:s8] =	stream.linear.scatter [tilespmem:s18], [sflag:$0x5], $0x4000, $0x38;
	[tilespmem:$0x1CC00] =	vst v63  }
0x36: {  	_ =	swait.ge [sflag:s17], $0x4000  }
0x37: {  	[sflag:s17] =	ssyncset.done $0x0  }
0x38: {  	[sflag:s17] =	ssyncadd.s32 $0xFFFFC000  }
0x39: {  	[spmem:s9] =	stream.linear.scatter [tilespmem:s18], [sflag:$0x5], $0x4000, $0x38;
	[tilespmem:$0x1CC00] =	vst v63  }
0x3a: {  	_ =	swait.ge [sflag:s17], $0x4000  }
0x3b: {  	[sflag:s17] =	ssyncset.done $0x0  }
0x3c: {  	[sflag:s17] =	ssyncadd.s32 $0xFFFFC000  }
0x3d: {  	[spmem:s10] =	stream.linear.scatter [tilespmem:s18], [sflag:$0x5], $0x4000, $0x38;
	[tilespmem:$0x1CC00] =	vst v63  }
0x3e: {  	_ =	swait.ge [sflag:s17], $0x4000  }
0x3f: {  	[sflag:s17] =	ssyncset.done $0x0  }
0x40: {  	[sflag:s17] =	ssyncadd.s32 $0xFFFFC000  }
0x41: {  	[spmem:s11] =	stream.linear.scatter [tilespmem:s18], [sflag:$0x5], $0x4000, $0x38;
	[tilespmem:$0x1CC00] =	vst v63  }
0x42: {  	_ =	swait.ge [sflag:s17], $0x4000  }
0x43: {  	[sflag:s17] =	ssyncset.done $0x0  }
0x44: {  	[sflag:s17] =	ssyncadd.s32 $0xFFFFC000  }
0x45: {  	s26 =	simm.s32 $0x0;
	[bflag:$0x0] =	sbarrier.arrive $0xFFFF  }
0x46: {  	[tilespmem:s18], [sflag:$0x1] =	stream.linear.gather [hbm4b:s6+s26], $0x4000, $0x38;
	[tilespmem:$0x1CC00] =	vst v63  }
0x47: {  	_ =	swait.ge [sflag:s19], $0x4000  }
0x48: {  	[sflag:s19] =	ssyncset.done $0x0  }
0x49: {  	[sflag:s19] =	ssyncadd.s32 $0xFFFFC000  }
0x4a: {  	[spmem:s2] =	stream.indirect.scatter.add.f32 [tilespmem:s18], [sflag:$0x3], $0x80, s26, s20, $0xb8;
	[tilespmem:$0x1CC00] =	vst v63  }
0x4b: {  	_ = 	snop  }
0x4c: {  	[tilespmem:s21], [sflag:$0x2] =	stream.linear.gather [hbm4b:s12+s26], $0x4000, $0x38;
	[tilespmem:$0x1CC00] =	vst v63  }
0x4d: {  	_ =	swait.ge [sflag:s22], $0x4000  }
0x4e: {  	[sflag:s22] =	ssyncset.done $0x0  }
0x4f: {  	[sflag:s22] =	ssyncadd.s32 $0xFFFFC000  }
0x50: {  	[spmem:s2] =	stream.indirect.scatter.add.f32 [tilespmem:s21], [sflag:$0x4], $0x80, s20, s20, $0xb8;
	[tilespmem:$0x1CC00] =	vst v63  }
0x51: {  	_ =	swait.ge [sflag:s23], $0x4000  }
0x52: {  	[sflag:s23] =	ssyncset.done $0x0  }
0x53: {  	s28 =	simm.s32 $0x100;
	[sflag:s23] =	ssyncadd.s32 $0xFFFFC000  }
0x54: {  	[tilespmem:s18], [sflag:$0x1] =	stream.linear.gather [hbm4b:s13+s26], $0x4000, $0x38;
	[tilespmem:$0x1CC00] =	vst v63  }
.LBB2_4:
0x55: {  	_ =	swait.ge [sflag:s19], $0x4000  }
0x56: {  	[sflag:s19] =	ssyncset.done $0x0  }
0x57: {  	[sflag:s19] =	ssyncadd.s32 $0xFFFFC000  }
0x58: {  	[spmem:s2] =	stream.indirect.scatter.add.f32 [tilespmem:s18], [sflag:$0x3], $0x80, s28, s20, $0xb8;
	[tilespmem:$0x1CC00] =	vst v63  }
0x59: {  	_ =	swait.ge [sflag:s24], $0x4000  }
0x5a: {  	[sflag:s24] =	ssyncset.done $0x0  }
0x5b: {  	s29 =	sadd.s32 s26, s16;
	[sflag:s24] =	ssyncadd.s32 $0xFFFFC000  }
0x5c: {  	[tilespmem:s21], [sflag:$0x2] =	stream.linear.gather [hbm4b:s29+s3], $0x4000, $0x38;
	[tilespmem:$0x1CC00] =	vst v63  }
0x5d: {  	_ =	swait.ge [sflag:s22], $0x4000  }
0x5e: {  	p0 =	seq.s32 s26, $0x8000;
	[sflag:s22] =	ssyncset.done $0x0  }
.Ltmp3:
0x5f: {  	s31 =	sadd.s32 $0x80, s28;
	[sflag:s22] =	ssyncadd.s32 $0xFFFFC000;
	(pc) =	sbr.rel @p0 .LBB2_6-.Ltmp3, $4  }
0x60: {  	[spmem:s2] =	stream.indirect.scatter.add.f32 [tilespmem:s21], [sflag:$0x4], $0x80, s31, s20, $0xb8;
	[tilespmem:$0x1CC00] =	vst v63  }
0x61: {  	_ =	swait.ge [sflag:s23], $0x4000  }
0x62: {  	[sflag:s23] =	ssyncset.done $0x0  }
0x63: {  	[sflag:s23] =	ssyncadd.s32 $0xFFFFC000  }
.Ltmp4:
0x64: {  	(pc) =	sbr.rel .LBB2_4-.Ltmp4, $3  }
0x65: {  	_ =	sdelay $0x1  }
0x66: {  	s29 =	sadd.s32 s26, s15;
	s28 =	sadd.s32 $0x100, s28;
	s26 =	sadd.s32 $0x1000, s26  }
0x67: {  	[tilespmem:s18], [sflag:$0x1] =	stream.linear.gather [hbm4b:s29+s3], $0x4000, $0x38;
	[tilespmem:$0x1CC00] =	vst v63  }
.LBB2_7:
0x68: {  	_ =	sfence.sel $0x180000  }
0x69: {  	[bflag:$0x0] =	sbarrier.arrive $0xFFFF  }
0x6a: {  	p0 =	sne.s32 s1, $0x0;
	_ =	strace $0x90000059  }
0x6b: {  	s0 =	sadd.s32 @!p0 $0x100000, s0;
	[bflag:$0x2] =	sbarrier.arrive $0xFFFF  }
0x6c: {  	[sflag:s0] =	ssyncadd.tile.s32 @!p0 $0x1;
	_ =	shalt  }
.Lfunc_end2:
_tile_overlayer_lowered:
.L_overlay_start_2:
0x6d: {  	(tag) =	ssettag $0x2  }
0x6e: {  	s0 =	rddreg [dreg:$0x0];
	s2 =	stileid.u32  }
0x6f: {  	s1 =	rddreg [dreg:$0x1];
	p0 =	sne.s32 s2, $0x0  }
0x70: {  	s3 =	rddreg [dreg:$0x2];
	[bflag:$0x3] =	sbarrier.arrive $0xFFFF;
	s2 =	simm.s32 @!p0 $0x1C05  }
0x71: {  	[timem:s3], [sflag:s2] =	dma.local @!p0 [hbm:s0], s1  }
0x72: {  	s0 =	simm.s32 @!p0 $0x5  }
0x73: {  	_ =	swait.ge @!p0 [sflag:s0], s1  }
0x74: {  	s1 =	ssub.s32 @!p0 $0x0, s1;
	[sflag:s0] =	ssyncset.done @!p0 $0x0  }
0x75: {  	[sflag:s0] =	ssyncadd.s32 @!p0 s1  }
0x76: {  	[bflag:$0x3] =	sbarrier.arrive $0xFFFF  }
0x77: {  	_ =	shalt  }

// kernel: kernel.36.cloned.1.call-start
scs
__scs_entry_jumppad:
0x0: {  	(pc) =	sbr.rel $0x88, $3  }
0x1: {  	(tag) =	ssettag $0x0;
	lr =	simm.s32 $0x1  }
0x2: {  	[smem:$0x3F86] =	sst lr;
	_ =	strace $0xD0000000  }
0x3: {  	_ = 	snop  }
0x4: {  	_ = 	snop  }
0x5: {  	_ = 	snop  }
0x6: {  	_ = 	snop  }
0x7: {  	_ = 	snop  }
__scs_overlays_trampoline_lowered:
0x8: {  	[smem:$0x3F95] =	sst s0  }
0x9: {  	[smem:$0x3F96] =	sst s1  }
0xa: {  	[smem:$0x3F97] =	sst s2  }
0xb: {  	[smem:$0x3F98] =	sst s3  }
0xc: {  	[smem:$0x3F99] =	sst s4  }
0xd: {  	[smem:$0x3F9A] =	sst s5  }
0xe: {  	[smem:$0x3F9B] =	sst s6  }
0xf: {  	[smem:$0x3F9C] =	sst s7  }
0x10: {  	[smem:$0x3F9D] =	sst s8  }
0x11: {  	[smem:$0x3F9E] =	sst s9;
	s0 =	simm.s32 @!p0 $0x0  }
0x12: {  	s1 =	sld [smem:$0x3F84];
	s0 =	simm.s32 @p0 $0x1  }
0x13: {  	[smem:$0x3F9F] =	sst s0;
	s0 =	simm.s32 @!p1 $0x0  }
0x14: {  	s2 =	sld [smem:$0x3F83];
	s0 =	simm.s32 @p1 $0x1  }
0x15: {  	[smem:$0x3FA0] =	sst s0;
	s0 =	simm.s32 @!p2 $0x0  }
0x16: {  	s3 =	sld [smem:$0x3FDB];
	s0 =	simm.s32 @p2 $0x1  }
0x17: {  	s4 =	simm.s32 $0x1BF5;
	[smem:$0x3FA2] =	sst s0  }
0x18: {  	s0 =	sld [smem:$0x3F85];
	_ =	swait.ge [sflag:s4], $0x0  }
0x19: {  	s7 =	sld [smem:$0x3F86]  }
0x1a: {  	s8 =	sadd.s32 $0xFFFFE003, lr  }
0x1b: {  	s9 =	sadd.s32 $0xFFFFFEF7, lr;
	s5 =	simm.s32 $0xFFFFFFFF;
	p2 =	slt.u32 s8, $0xFFFFF086  }
0x1c: {  	p1 =	slt.u32 s9, $0xF7A;
	s5 =	simm.s32 @!p2 $0x0  }
0x1d: {  	s5 =	simm.s32 @p1 $0x1;
	p0 =	seq.s32 s7, s2  }
0x1e: {  	s7 =	smul.u32 @!p0 $0xF7A, s2;
	p2 =	seq.s32 @!p0 s5, $0x0  }
0x1f: {  	s9 =	smul.u32 $0xF7A, s1;
	s8 =	simm.s32 @!p0 $0x1BF5;
	p2 =	por !p2, p0  }
0x20: {  	[sflag:s8] =	ssyncset.s32 @!p0 $0xFFFFF086;
	s6 =	sadd.s32 @!p0 s3, s7;
	s7 =	simm.s32 @!p0 $0x108  }
0x21: {  	s3 =	sadd.s32 s3, s9;
	s6 =	sadd.s32 @!p0 $0x88, s6;
	s7 =	simm.s32 @p2 $0x1082  }
0x22: {  	[simem:s7], [sflag:s8] =	dma.local @!p0 [hbm:s6], $0xF7A  }
0x23: {  	s9 =	sor.u32 $0xD0000000, s2;
	s6 =	simm.s32 $0x108;
	_ =	swait.ge @!p0 [sflag:s8], $0x0  }
0x24: {  	s3 =	sadd.s32 $0x88, s3;
	s6 =	simm.s32 @!p1 $0x1082;
	[sflag:s4] =	ssyncset.s32 $0xFFFFF086  }
0x25: {  	[simem:s6], [sflag:s4] =	dma.local [hbm:s3], $0xF7A  }
0x26: {  	[smem:$0x3F86] =	sst s1;
	(tag) =	ssettag s2;
	_ =	strace s9  }
0x27: {  	s1 =	sld [smem:$0x3F96]  }
0x28: {  	s2 =	sld [smem:$0x3F97]  }
0x29: {  	s4 =	sld [smem:$0x3F99]  }
0x2a: {  	p0 =	seq.s32 s5, $0x0;
	s5 =	sld [smem:$0x3F9A]  }
0x2b: {  	s6 =	sld [smem:$0x3F9B]  }
0x2c: {  	s7 =	sld [smem:$0x3F9C]  }
0x2d: {  	s3 =	simm.s32 $0x108;
	s8 =	sld [smem:$0x3F9D]  }
0x2e: {  	s3 =	simm.s32 @!p0 $0x1082;
	s9 =	sld [smem:$0x3F9E]  }
0x2f: {  	lr =	sadd.s32 s0, s3;
	s0 =	sld [smem:$0x3F95]  }
0x30: {  	s3 =	sld [smem:$0x3F98]  }
0x31: {  	[smem:$0x3FA1] =	sst s10  }
0x32: {  	s10 =	sld [smem:$0x3F9F];
	_ =	sdelay $0x3  }
0x33: {  	p0 =	seq.s32 s10, $0x1;
	s10 =	sld [smem:$0x3FA1];
	_ =	sdelay $0x3  }
0x34: {  	[smem:$0x3FA1] =	sst s10  }
0x35: {  	s10 =	sld [smem:$0x3FA0];
	_ =	sdelay $0x3  }
0x36: {  	p1 =	seq.s32 s10, $0x1;
	s10 =	sld [smem:$0x3FA1];
	_ =	sdelay $0x3  }
0x37: {  	[smem:$0x3FA1] =	sst s10  }
0x38: {  	s10 =	sld [smem:$0x3FA2]  }
0x39: {  	_ = 	snop;
	(pc) =	sbr.ind lr, $3  }
0x3a: {  	_ = 	snop  }
0x3b: {  	_ = 	snop  }
0x3c: {  	p2 =	seq.s32 s10, $0x1;
	s10 =	sld [smem:$0x3FA1]  }
0x3d: {  	_ =	shalt  }
0x3e: {  	_ =	shalt  }
0x3f: {  	_ =	shalt  }
0x40: {  	_ =	shalt  }
0x41: {  	_ =	shalt  }
0x42: {  	_ =	shalt  }
0x43: {  	_ =	shalt  }
0x44: {  	_ =	shalt  }
0x45: {  	_ =	shalt  }
0x46: {  	_ =	shalt  }
0x47: {  	_ =	shalt  }
0x48: {  	_ =	shalt  }
0x49: {  	_ =	shalt  }
0x4a: {  	_ =	shalt  }
0x4b: {  	_ =	shalt  }
0x4c: {  	_ =	shalt  }
0x4d: {  	_ =	shalt  }
0x4e: {  	_ =	shalt  }
0x4f: {  	_ =	shalt  }
0x50: {  	_ =	shalt  }
0x51: {  	_ =	shalt  }
0x52: {  	_ =	shalt  }
0x53: {  	_ =	shalt  }
0x54: {  	_ =	shalt  }
0x55: {  	_ =	shalt  }
0x56: {  	_ =	shalt  }
0x57: {  	_ =	shalt  }
0x58: {  	_ =	shalt  }
0x59: {  	_ =	shalt  }
0x5a: {  	_ =	shalt  }
0x5b: {  	_ =	shalt  }
0x5c: {  	_ =	shalt  }
0x5d: {  	_ =	shalt  }
0x5e: {  	_ =	shalt  }
0x5f: {  	_ =	shalt  }
0x60: {  	_ =	shalt  }
0x61: {  	_ =	shalt  }
0x62: {  	_ =	shalt  }
0x63: {  	_ =	shalt  }
0x64: {  	_ =	shalt  }
0x65: {  	_ =	shalt  }
0x66: {  	_ =	shalt  }
0x67: {  	_ =	shalt  }
0x68: {  	_ =	shalt  }
0x69: {  	_ =	shalt  }
0x6a: {  	_ =	shalt  }
0x6b: {  	_ =	shalt  }
0x6c: {  	_ =	shalt  }
0x6d: {  	_ =	shalt  }
0x6e: {  	_ =	shalt  }
0x6f: {  	_ =	shalt  }
0x70: {  	_ =	shalt  }
0x71: {  	_ =	shalt  }
0x72: {  	_ =	shalt  }
0x73: {  	_ =	shalt  }
0x74: {  	_ =	shalt  }
0x75: {  	_ =	shalt  }
0x76: {  	_ =	shalt  }
0x77: {  	_ =	shalt  }
0x78: {  	_ =	shalt  }
0x79: {  	_ =	shalt  }
0x7a: {  	_ =	shalt  }
0x7b: {  	_ =	shalt  }
0x7c: {  	_ =	shalt  }
0x7d: {  	_ =	shalt  }
0x7e: {  	_ =	shalt  }
0x7f: {  	_ =	shalt  }
0x80: {  	_ =	shalt  }
0x81: {  	_ =	shalt  }
0x82: {  	_ =	shalt  }
0x83: {  	_ =	shalt  }
0x84: {  	_ =	shalt  }
0x85: {  	_ =	shalt  }
0x86: {  	_ =	shalt  }
0x87: {  	_ =	shalt  }
.Lfunc_end0:
.L_simem_size_0:
called_computation.7_lowered:
.L_overlay_start_0:
0x88: {  	s2 =	sld [smem:$0x3FD9]  }
0x89: {  	s3 =	sld [smem:$0x3FFE];
	_ =	sdelay $0x1  }
0x8a: {  	s1 =	srdreg.scid  }
0x8b: {  	s0 =	sand.u32 $0x1, s1  }
0x8c: {  	s17 =	sshll.u32 s0, $0xA;
	s2 =	sadd.s32 s3, s2  }
0x8d: {  	s2 =	sadd.s32 s2, s17  }
0x8e: {  	[smem:$0x3FAD] =	sst s2  }
0x8f: {  	_ = 	snop  }
0x90: {  	(tm) =	ssettm $0x1  }
0x91: {  	s18 =	sld [smem:$0x3FFB];
	_ =	sdelay $0x3  }
0x92: {  	_ =	strace s18  }
0x93: {  	s2 =	sld [smem:$0x3FFC];
	_ =	sdelay $0x3  }
0x94: {  	_ =	strace s2  }
0x95: {  	s2 =	sld [smem:$0x3FFD];
	_ =	sdelay $0x3  }
0x96: {  	_ =	strace s2  }
0x97: {  	_ =	strace $0x8FFFFFFF  }
0x98: {  	s19 =	sld [smem:$0x3FDB];
	_ =	sdelay $0x1  }
0x99: {  	s20 =	simm.s32 $_scs_section_size  }
0x9a: {  	s4 =	simm.s32 $_size__tile_overlayer_lowered;
	s5 =	simm.s32 $_tile_overlayer_lowered  }
0x9b: {  	s6 =	simm.s32 $0x1BFF;
	s21 =	sshll.u32 s5, $0x1;
	s3 =	sadd.s32 s20, s19  }
0x9c: {  	s22 =	simm.s32 $0x0;
	s4 =	sshll.u32 s4, $0x1;
	s5 =	sadd.s32 s21, s3  }
0x9d: {  	[timem:s22], [sflag:s6] =	dma.local [hbm:s5], s4  }
0x9e: {  	_ =	swait.ge [sflag:s6], s4  }
0x9f: {  	s4 =	ssub.s32 $0x0, s4;
	[sflag:s6] =	ssyncset.done $0x0  }
0xa0: {  	[sflag:s6] =	ssyncadd.s32 s4;
	_ =	sdelay $0x1  }
0xa1: {  	s23 =	simm.s32 $0x1B8B  }
0xa2: {  	_ =	swait.ge [sflag:s23], $0x1  }
0xa3: {  	[sflag:s23] =	ssyncset.done $0x0  }
0xa4: {  	[sflag:s23] =	ssyncadd.s32 $0xFFFFFFFF  }
0xa5: {  	s4 =	sld [smem:$0x0]  }
0xa6: {  	s5 =	sand.u32 $0xFFFFFFFE, s1  }
0xa7: {  	p0 =	sne.s32 s1, s5  }
0xa8: {  	s5 =	sshll.u32 @p0 s5, $0xE  }
0xa9: {  	s5 =	sadd.s32 @p0 $0x11B8D, s5;
	s6 =	sshll.u32 @p0 s4, $0x11  }
0xaa: {  	s5 =	sor.u32 @p0 s6, s5  }
0xab: {  	[sflag:s5] =	ssyncadd.remote.s32 @p0 $0x1;
	_ =	sdelay $0x1  }
0xac: {  	s5 =	simm.s32 @p0 $0x1B8D  }
0xad: {  	_ =	swait.eq @p0 [sflag:s5], $0x1  }
0xae: {  	[sflag:s5] =	ssyncadd.s32 @p0 $0xFFFFFFFF  }
0xaf: {  	s6 =	sshll.u32 @!p0 s1, $0xE  }
0xb0: {  	s6 =	sor.u32 @!p0 $0x4000, s6;
	s5 =	simm.s32 @!p0 $0x1B8D  }
0xb1: {  	s4 =	sshll.u32 @!p0 s4, $0x11;
	s6 =	sadd.s32 @!p0 $0x11B8D, s6;
	_ =	swait.eq @!p0 [sflag:s5], $0x1  }
0xb2: {  	s4 =	sor.u32 @!p0 s4, s6;
	[sflag:s5] =	ssyncadd.s32 @!p0 $0xFFFFFFFF  }
0xb3: {  	s25 =	simm.s32 $0x1B8E;
	s24 =	sld [smem:$0x3FFE];
	[sflag:s4] =	ssyncadd.remote.s32 @!p0 $0x1  }
0xb4: {  	s26 =	simm.s32 $execute0_lowered;
	[smem:$0x3FD2] =	sst s25  }
0xb5: {  	s5 =	sshll.u32 s26, $0x1;
	_ =	strace $0x80000052;
	[dreg:$0x1] =	wrdreg $0xFFFFFFFF  }
0xb6: {  	s28 =	simm.s32 $_size_execute0_lowered;
	s3 =	sadd.s32 s3, s5;
	[dreg:$0x0] =	wrdreg $0x0  }
0xb7: {  	s5 =	sshll.u32 s28, $0x1;
	[dreg:$0x2] =	wrdreg s3  }
0xb8: {  	[dreg:$0x3] =	wrdreg s5  }
0xb9: {  	[dreg:$0x4] =	wrdreg $0xC0  }
0xba: {  	_ =	task [dreg:s22], $0x5FFFF  }
0xbb: {  	[dreg:$0x1] =	wrdreg $0xFFFFFFFF  }
0xbc: {  	[dreg:$0x0] =	wrdreg $0x60  }
0xbd: {  	[dreg:$0x2] =	wrdreg s24  }
0xbe: {  	[dreg:$0x3] =	wrdreg $0x2C000  }
0xbf: {  	[dreg:$0x4] =	wrdreg $0xA  }
0xc0: {  	_ =	task.clear_ibuf [dreg:s22], $0x5FFFF;
	_ =	strace $0x90000052  }
0xc1: {  	s29 =	simm.s32 $0xA;
	_ =	strace $0x80000054  }
0xc2: {  	_ =	swait.ge [sflag:s29], $0x1  }
0xc3: {  	[sflag:s29] =	ssyncadd.s32 $0xFFFFFFFF  }
0xc4: {  	_ =	strace $0x90000054  }
0xc5: {  	_ =	sfence  }
0xc6: {  	s30 =	sld [smem:$0x0];
	_ =	sdelay $0x2  }
0xc7: {  	s31 =	sshll.u32 s1, $0xD;
	s1 =	sshrl.u32 s1, $0x2  }
0xc8: {  	s4 =	sand.u32 $0x4000, s31;
	s1 =	sadd.s32 s1, s30  }
0xc9: {  	s0 =	sor.u32 s4, s0;
	s1 =	sshll.u32 s1, $0x11  }
0xca: {  	s0 =	sor.u32 s1, s0  }
0xcb: {  	s0 =	sadd.s32 $0x8F2B, s0  }
0xcc: {  	[sflag:s0] =	ssyncadd.remote.s32 $0x1  }
0xcd: {  	_ =	sfence.sel $0xFFFF  }
0xce: {  	[dreg:$0x0] =	wrdreg $0xFFFFFFFF;
	(pc) =	sbr.abs _section_cstart, $3  }
0xcf: {  	[dreg:$0x1] =	wrdreg $0xFFFFFFFF  }
0xd0: {  	_ =	task.clear_ibuf [dreg:s22], $0x2FFFF;
	_ =	strace $0x9FFFFFFF  }
0xd1: {  	(tm) =	ssettm $0x7FFFFFFF  }
tec
execute0_lowered:
.L_overlay_start_1:
0x0: {  	(tag) =	ssettag $0x1  }
0x1: {  	s0 =	rddreg [dreg:$0x0]  }
0x2: {  	s2 =	rddreg [dreg:$0x1]  }
0x3: {  	s1 =	srdreg.scid;
	s11 =	stileid.u32  }
0x4: {  	s3 =	simm.s32 $0x0;
	s28 =	simm.s32 $0x2;
	s29 =	simm.s32 $0x5  }
0x5: {  	s30 =	simm.s32 $0x4;
	s31 =	simm.s32 $0x7;
	s8 =	smul.u32 $0xA000, s11  }
0x6: {  	s1 =	sand.u32 $0x1, s1;
	s4 =	sshll.u32 s11, $0x1;
	s10 =	smul.u32 $0x2800, s11  }
0x7: {  	[smem:$0x7FF] =	sst s3;
	s21 =	smul.u32 $0x28, s11;
	s4 =	sor.u32 s1, s4  }
0x8: {  	s6 =	ssub.s32 $0x2, s1;
	p0 =	seq.s32 s1, $0x1;
	s1 =	smul.u32 $0x14, s1  }
0x9: {  	s7 =	sadd.s32 $0x60800, s0;
	s18 =	sadd.s32 $0x60900, s0;
	s5 =	smul.u32 $0x180, s4  }
0xa: {  	_ =	strace $0x80000053;
	s9 =	sshrl.u32 s6, $0x1;
	s4 =	smul.u32 $0x1400, s4  }
0xb: {  	s17 =	sshrl.u32 s8, $0x2;
	s20 =	sshrl.u32 s10, $0x3;
	s15 =	sadd.s32 s10, s2  }
0xc: {  	s9 =	ssub.s32 s6, s9;
	s12 =	sadd.s32 s7, s4;
	s4 =	sadd.s32 s4, s18  }
0xd: {  	s6 =	sadd.s32 s17, s2;
	s1 =	sadd.s32 s1, s21;
	[dreg:$0x5] =	wrdreg s4  }
0xe: {  	s21 =	simm.s32 $0x1400;
	s9 =	smax.u32 s9, $0x1;
	[dreg:$0x4] =	wrdreg s12  }
0xf: {  	s5 =	sadd.s32 s5, s0;
	s22 =	sadd.s32 $0x800, s6;
	[dreg:$0x7] =	wrdreg s9  }
0x10: {  	s23 =	sadd.s32 $0x1000, s6;
	s24 =	sadd.s32 $0x1800, s6;
	[dreg:$0x8] =	wrdreg s22  }
0x11: {  	s25 =	sadd.s32 $0x2000, s6;
	s1 =	sshll.u32 s1, $0x8;
	[dreg:$0x9] =	wrdreg s23  }
0x12: {  	s5 =	sadd.s32 $0x7800, s5;
	s19 =	sadd.s32 $0x200, s12;
	[dreg:$0xa] =	wrdreg s24  }
0x13: {  	s9 =	simm.s32 $0x32800;
	[dreg:$0xb] =	wrdreg s25;
	s26 =	sadd.s32 s1, s7  }
0x14: {  	s1 =	sadd.s32 s18, s1;
	s22 =	simm.s32 $0x1C00;
	s23 =	simm.s32 $0x1  }
0x15: {  	s24 =	simm.s32 $0x80;
	s25 =	sshrl.u32 s15, $0x3;
	[dreg:$0x3] =	wrdreg s5  }
.Ltmp0:
0x16: {  	[dreg:$0x6] =	wrdreg s19;
	s9 =	simm.s32 @!p0 $0x37800;
	(pc) =	sbr.rel .LBB2_1-.Ltmp0, $4  }
0x17: {  	s5 =	sadd.s32 $0x400, s1;
	s8 =	sadd.s32 $0x400, s26;
	s7 =	sadd.s32 $0x300, s26  }
0x18: {  	s19 =	simm.s32 $0x9;
	s1 =	simm.s32 $0x0;
	s0 =	sadd.s32 s9, s0  }
0x19: {  	s9 =	sadd.s32 $0x600, s26;
	s26 =	simm.s32 $0x2400;
	s0 =	sadd.s32 s0, s20  }
0x1a: {  	v0 =	vimm.f32 $0.0e+00;
	s20 =	simm.s32 $0xC00;
	[dreg:$0xc] =	wrdreg s0;
	s0 =	simm.s32 $0x8  }
.LBB2_6:
0x1b: {  	_ =	swait.ge [sflag:s0], $0x800  }
0x1c: {  	[sflag:s0] =	ssyncset.done $0x0  }
0x1d: {  	s4 =	stileid.u32;
	[sflag:s0] =	ssyncadd.s32 $0xFFFFF800  }
0x1e: {  	s4 =	sshll.u32 s4, $0x6;
	[bflag:$0x0] =	sbarrier.arrive $0xFFFF  }
0x1f: {  	s4 =	sor.u32 $0x1C09, s4;
	s10 =	rddreg [dreg:$0xc]  }
0x20: {  	[hbm:s10], [sflag:s4] =	dma.local [spmem:s25], $0x500  }
0x21: {  	_ =	swait.ge [sflag:s19], $0x500  }
0x22: {  	s1 =	sadd.s32 $0x1, s1;
	s18 =	rddreg [dreg:$0x7]  }
0x23: {  	p0 =	sne.s32 s1, s18  }
.Ltmp1:
0x24: {  	_ = 	snop;
	(pc) =	sbr.rel @!p0 .LBB2_7-.Ltmp1, $3  }
0x25: {  	_ =	sdelay $0x1  }
0x26: {  	[sflag:s19] =	ssyncset.done $0x0  }
0x27: {  	[sflag:s19] =	ssyncadd.s32 $0xFFFFFB00  }
.LBB2_1:
0x28: {  	s4 =	rddreg [dreg:$0x3]  }
0x29: {  	[tilespmem:s3], [sflag:$0x9] =	stream.linear.gather [hbm4b:s4+s3], $0xC00, $0x38;
	[tilespmem:$0x5400] =	vst v63  }
0x2a: {  	_ =	swait.ge [sflag:s19], $0xC00  }
0x2b: {  	[sflag:s19] =	ssyncset.done $0x0  }
0x2c: {  	s15 =	simm.s32 $0x0;
	s4 =	simm.s32 $0x40;
	[sflag:s19] =	ssyncadd.s32 $0xFFFFF400  }
.LBB2_2:
0x2d: {  	p0 =	sne.s32 s4, $0x1FC0;
	[tilespmem:s15+$0xC00] =	vst v0;
	s15 =	smov.u32 s4;
	s4 =	sadd.s32 $0x40, s4  }
.Ltmp2:
0x2e: {  	(pc) =	sbr.rel @p0 .LBB2_2-.Ltmp2, $2  }
0x2f: {  	_ =	sdelay $0x2  }
0x30: {  	s15 =	sshra.s32 s15, $0x2  }
0x31: {  	[tilespmem:s15+$0xC00] =	vst v0  }
0x32: {  	[spmem:s6] =	stream.linear.scatter [tilespmem:s20], [sflag:$0x9], $0x800, $0x38;
	[tilespmem:$0x5400] =	vst v63  }
0x33: {  	_ =	swait.ge [sflag:s19], $0x800  }
0x34: {  	[sflag:s19] =	ssyncset.done $0x0  }
0x35: {  	s4 =	rddreg [dreg:$0x8];
	[sflag:s19] =	ssyncadd.s32 $0xFFFFF800  }
0x36: {  	[spmem:s4] =	stream.linear.scatter [tilespmem:s20], [sflag:$0x9], $0x800, $0x38;
	[tilespmem:$0x5400] =	vst v63  }
0x37: {  	_ =	swait.ge [sflag:s19], $0x800  }
0x38: {  	[sflag:s19] =	ssyncset.done $0x0  }
0x39: {  	s14 =	rddreg [dreg:$0x9];
	[sflag:s19] =	ssyncadd.s32 $0xFFFFF800  }
0x3a: {  	[spmem:s14] =	stream.linear.scatter [tilespmem:s20], [sflag:$0x9], $0x800, $0x38;
	[tilespmem:$0x5400] =	vst v63  }
0x3b: {  	_ =	swait.ge [sflag:s19], $0x800  }
0x3c: {  	[sflag:s19] =	ssyncset.done $0x0  }
0x3d: {  	s15 =	rddreg [dreg:$0xa];
	[sflag:s19] =	ssyncadd.s32 $0xFFFFF800  }
0x3e: {  	[spmem:s15] =	stream.linear.scatter [tilespmem:s20], [sflag:$0x9], $0x800, $0x38;
	[tilespmem:$0x5400] =	vst v63  }
0x3f: {  	_ =	swait.ge [sflag:s19], $0x800  }
0x40: {  	[sflag:s19] =	ssyncset.done $0x0  }
0x41: {  	s16 =	rddreg [dreg:$0xb];
	[sflag:s19] =	ssyncadd.s32 $0xFFFFF800  }
0x42: {  	[spmem:s16] =	stream.linear.scatter [tilespmem:s20], [sflag:$0x9], $0x800, $0x38;
	[tilespmem:$0x5400] =	vst v63  }
0x43: {  	_ =	swait.ge [sflag:s19], $0x800  }
0x44: {  	[sflag:s19] =	ssyncset.done $0x0  }
0x45: {  	[sflag:s19] =	ssyncadd.s32 $0xFFFFF800  }
0x46: {  	[bflag:$0x0] =	sbarrier.arrive $0xFFFF  }
0x47: {  	s4 =	simm.s32 $0x0;
	s10 =	rddreg [dreg:$0x4]  }
0x48: {  	[tilespmem:s20], [sflag:$0x1] =	stream.linear.gather [hbm4b:s10+s4], $0x800, $0x38;
	[tilespmem:$0x5400] =	vst v63  }
0x49: {  	s17 =	rddreg [dreg:$0x5]  }
0x4a: {  	[tilespmem:s21], [sflag:$0x2] =	stream.linear.gather [hbm4b:s17+s4], $0x800, $0x38;
	[tilespmem:$0x5400] =	vst v63  }
0x4b: {  	s15 =	smov.u32 s9;
	s18 =	rddreg [dreg:$0x6]  }
0x4c: {  	[tilespmem:s22], [sflag:$0x3] =	stream.linear.gather [hbm4b:s18+s4], $0x800, $0x38;
	[tilespmem:$0x5400] =	vst v63  }
0x4d: {  	s16 =	smov.u32 s5;
	s17 =	smov.u32 s8;
	s18 =	smov.u32 s7  }
.LBB2_4:
0x4e: {  	_ =	swait.ge [sflag:s23], $0x800  }
0x4f: {  	p0 =	seq.s32 s4, $0x0;
	[sflag:s23] =	ssyncset.done $0x0  }
0x50: {  	s10 =	sshra.s32 s4, $0x2;
	s11 =	simm.s32 @!p0 $0x8;
	[sflag:s23] =	ssyncadd.s32 $0xFFFFF800  }
0x51: {  	[spmem:s2] =	stream.indirect.scatter.add.f32 [tilespmem:s20], [sflag:$0x5], $0x10, s10, s24, $0xb8;
	[tilespmem:$0x5400] =	vst v63  }
0x52: {  	_ =	swait.ge @!p0 [sflag:s11], $0x800  }
0x53: {  	[sflag:s11] =	ssyncset.done @!p0 $0x0  }
0x54: {  	[sflag:s11] =	ssyncadd.s32 @!p0 $0xFFFFF800  }
0x55: {  	[tilespmem:s26], [sflag:$0x4] =	stream.linear.gather [hbm4b:s18+s3], $0x800, $0x38;
	[tilespmem:$0x5400] =	vst v63  }
0x56: {  	_ =	swait.ge [sflag:s28], $0x800  }
0x57: {  	[sflag:s28] =	ssyncset.done $0x0  }
0x58: {  	s14 =	sadd.s32 $0x80, s10;
	[sflag:s28] =	ssyncadd.s32 $0xFFFFF800  }
0x59: {  	[spmem:s2] =	stream.indirect.scatter.add.f32 [tilespmem:s21], [sflag:$0x6], $0x10, s14, s24, $0xb8;
	[tilespmem:$0x5400] =	vst v63  }
0x5a: {  	_ =	swait.ge [sflag:s29], $0x800  }
0x5b: {  	p0 =	seq.s32 s4, $0x2000;
	[sflag:s29] =	ssyncset.done $0x0  }
0x5c: {  	s11 =	simm.s32 @p0 $0x3;
	[sflag:s29] =	ssyncadd.s32 $0xFFFFF800  }
0x5d: {  	_ =	swait.ge @p0 [sflag:s11], $0x800  }
0x5e: {  	[sflag:s11] =	ssyncset.done @p0 $0x0  }
0x5f: {  	[sflag:s11] =	ssyncadd.s32 @p0 $0xFFFFF800;
	s11 =	sshra.s32 @p0 s4, $0x2  }
0x60: {  	s12 =	simm.s32 @p0 $0x80;
	s13 =	simm.s32 @p0 $0x1C00;
	s11 =	sadd.s32 @p0 $0x100, s11  }
0x61: {  	[spmem:s2] =	stream.indirect.scatter.add.f32 @p0 [tilespmem:s13], [sflag:$0x7], $0x10, s11, s12, $0xb8;
	[tilespmem:$0x5400] =	vst v63  }
0x62: {  	s11 =	simm.s32 @p0 $0x6  }
0x63: {  	_ =	swait.ge @p0 [sflag:s11], $0x800  }
0x64: {  	[sflag:s11] =	ssyncset.done @p0 $0x0  }
0x65: {  	s12 =	simm.s32 @!p0 $0xC00;
	[sflag:s11] =	ssyncadd.s32 @p0 $0xFFFFF800;
	s11 =	simm.s32 @!p0 $0x0  }
0x66: {  	[tilespmem:s12], [sflag:$0x1] =	stream.linear.gather @!p0 [hbm4b:s17+s11], $0x800, $0x38;
	[tilespmem:$0x5400] =	vst v63  }
0x67: {  	s12 =	simm.s32 @!p0 $0x3  }
0x68: {  	_ =	swait.ge @!p0 [sflag:s12], $0x800  }
0x69: {  	[sflag:s12] =	ssyncset.done @!p0 $0x0  }
0x6a: {  	[sflag:s12] =	ssyncadd.s32 @!p0 $0xFFFFF800;
	s12 =	sshra.s32 @!p0 s4, $0x2  }
0x6b: {  	s14 =	simm.s32 @!p0 $0x1C00;
	s13 =	simm.s32 @!p0 $0x80;
	s12 =	sadd.s32 @!p0 $0x100, s12  }
0x6c: {  	[spmem:s2] =	stream.indirect.scatter.add.f32 @!p0 [tilespmem:s14], [sflag:$0x7], $0x10, s12, s13, $0xb8;
	[tilespmem:$0x5400] =	vst v63  }
0x6d: {  	s12 =	simm.s32 @!p0 $0x6  }
0x6e: {  	_ =	swait.ge @!p0 [sflag:s12], $0x800  }
0x6f: {  	[sflag:s12] =	ssyncset.done @!p0 $0x0  }
0x70: {  	[sflag:s12] =	ssyncadd.s32 @!p0 $0xFFFFF800;
	s12 =	simm.s32 @!p0 $0x1400  }
0x71: {  	[tilespmem:s12], [sflag:$0x2] =	stream.linear.gather @!p0 [hbm4b:s16+s11], $0x800, $0x38;
	[tilespmem:$0x5400] =	vst v63  }
0x72: {  	_ =	swait.ge [sflag:s30], $0x800  }
0x73: {  	[sflag:s30] =	ssyncset.done $0x0  }
.Ltmp3:
0x74: {  	s10 =	sadd.s32 $0x180, s10;
	[sflag:s30] =	ssyncadd.s32 $0xFFFFF800;
	(pc) =	sbr.rel @p0 .LBB2_6-.Ltmp3, $4  }
0x75: {  	[spmem:s2] =	stream.indirect.scatter.add.f32 [tilespmem:s26], [sflag:$0x8], $0x10, s10, s24, $0xb8;
	[tilespmem:$0x5400] =	vst v63  }
0x76: {  	_ =	swait.ge [sflag:s31], $0x800  }
0x77: {  	[sflag:s31] =	ssyncset.done $0x0  }
0x78: {  	[sflag:s31] =	ssyncadd.s32 $0xFFFFF800  }
.Ltmp4:
0x79: {  	(pc) =	sbr.rel .LBB2_4-.Ltmp4, $4  }
0x7a: {  	_ = 	snop  }
0x7b: {  	[tilespmem:s22], [sflag:$0x3] =	stream.linear.gather [hbm4b:s15+s3], $0x800, $0x38;
	[tilespmem:$0x5400] =	vst v63  }
0x7c: {  	s4 =	sadd.s32 $0x800, s4;
	s15 =	sadd.s32 $0x400, s15  }
0x7d: {  	s16 =	sadd.s32 $0x400, s16;
	s17 =	sadd.s32 $0x400, s17;
	s18 =	sadd.s32 $0x400, s18  }
.LBB2_7:
0x7e: {  	_ =	sfence.sel $0x180000  }
0x7f: {  	[bflag:$0x0] =	sbarrier.arrive $0xFFFF  }
0x80: {  	_ =	strace $0x90000053  }
0x81: {  	s0 =	stileid.u32;
	[bflag:$0x2] =	sbarrier.arrive $0xFFFF  }
0x82: {  	p0 =	sne.s32 s0, $0x0;
	s0 =	rddreg [dreg:$0x2]  }
0x83: {  	s0 =	sadd.s32 @!p0 $0x100000, s0  }
0x84: {  	[sflag:s0] =	ssyncadd.tile.s32 @!p0 $0x1;
	_ =	shalt  }
.Lfunc_end2:
_tile_overlayer_lowered:
.L_overlay_start_2:
0x85: {  	(tag) =	ssettag $0x2  }
0x86: {  	s0 =	rddreg [dreg:$0x0];
	s2 =	stileid.u32  }
0x87: {  	s1 =	rddreg [dreg:$0x1];
	p0 =	sne.s32 s2, $0x0  }
0x88: {  	s3 =	rddreg [dreg:$0x2];
	[bflag:$0x3] =	sbarrier.arrive $0xFFFF;
	s2 =	simm.s32 @!p0 $0x1C09  }
0x89: {  	[timem:s3], [sflag:s2] =	dma.local @!p0 [hbm:s0], s1  }
0x8a: {  	s0 =	simm.s32 @!p0 $0x9  }
0x8b: {  	_ =	swait.ge @!p0 [sflag:s0], s1  }
0x8c: {  	s1 =	ssub.s32 @!p0 $0x0, s1;
	[sflag:s0] =	ssyncset.done @!p0 $0x0  }
0x8d: {  	[sflag:s0] =	ssyncadd.s32 @!p0 s1  }
0x8e: {  	[bflag:$0x3] =	sbarrier.arrive $0xFFFF  }
0x8f: {  	_ =	shalt  }

</sc_bundles>
